<compile_context>
chip_gen: v7x
topology: tpu7x:2x2x1
jax: 0.10.2.dev20260603
libtpu: 0.0.44.dev20260713+nightly
codegen_flags: <defaults>
</compile_context>

<pallas_src>
import jax
import jax.numpy as jnp
from jax import lax
from jax.experimental import pallas as pl
from jax.experimental.pallas import tpu as pltpu
from jax.experimental.pallas import tpu_sc as plsc

EMB = 64
T = 4
B = 4096
S = 50
ROW = (T + 1) * EMB
ROWP = 384

NC = 2
NSC = 16
NW = NC * NSC
CHUNK = 128


def _make_sc_body(nch):
    rpw = nch * CHUNK

    def _sc_body(table, idsr, xtr, out, idx_v, rows_v, xt_v, z0_v, z1_v,
                 gsem0, gsem1, xsem0, xsem1):
        wid = lax.axis_index("s") * NC + lax.axis_index("c")
        pltpu.sync_copy(idsr.at[wid], idx_v)
        pltpu.async_copy(table.at[idx_v.at[0]], rows_v.at[0], gsem0)
        pltpu.async_copy(xtr.at[wid * nch], xt_v.at[pl.ds(0, CHUNK * T)], xsem0)

        def process(k, b_):
            sem = gsem0 if b_ == 0 else gsem1
            osem = gsem1 if b_ == 0 else gsem0
            xsem = xsem0 if b_ == 0 else xsem1
            oxsem = xsem1 if b_ == 0 else xsem0

            @pl.when(k + 1 < nch)
            def _start_next():
                pltpu.async_copy(table.at[idx_v.at[k + 1]], rows_v.at[1 - b_], osem)
                pltpu.async_copy(xtr.at[wid * nch + k + 1],
                                 xt_v.at[pl.ds((1 - b_) * CHUNK * T, CHUNK * T)], oxsem)

            pltpu.make_async_copy(table.at[idx_v.at[k]], rows_v.at[b_], sem).wait()
            pltpu.make_async_copy(xtr.at[wid * nch + k],
                                  xt_v.at[pl.ds(b_ * CHUNK * T, CHUNK * T)], xsem).wait()

            z_v = z0_v if b_ == 0 else z1_v

            def row_body(i, c2, b_=b_, z_v=z_v):
                gi = jnp.broadcast_to((i * T).astype(jnp.int32), (16,))
                xb = [plsc.load_gather(xt_v, [gi + (b_ * CHUNK * T + t)])
                      for t in range(T)]
                for j in range(EMB // 16):
                    acc = rows_v[b_, i, pl.ds(T * EMB + 16 * j, 16)]
                    for t in range(T):
                        acc = acc + xb[t] * rows_v[b_, i, pl.ds(t * EMB + 16 * j, 16)]
                    z_v[pl.ds(i * EMB + 16 * j, 16)] = acc
                return c2

            lax.fori_loop(0, CHUNK, row_body, 0)
            pltpu.sync_copy(
                z_v, out.at[pl.ds((wid * rpw + k * CHUNK) * EMB, CHUNK * EMB)])

        def chunk_pair(k2, carry):
            for b_ in range(2):
                process(k2 * 2 + b_, b_)
            return carry

        lax.fori_loop(0, nch // 2, chunk_pair, 0)
        if nch % 2 == 1:
            process(jnp.int32(nch - 1), (nch - 1) % 2)

    return _sc_body


def _sc_reduce(table, idsr, xtr, nch):
    mesh = plsc.VectorSubcoreMesh(core_axis_name="c", subcore_axis_name="s")
    return pl.kernel(
        _make_sc_body(nch),
        out_type=jax.ShapeDtypeStruct((NW * nch * CHUNK * EMB,), jnp.float32),
        mesh=mesh,
        compiler_params=pltpu.CompilerParams(needs_layout_passes=False),
        scratch_types=[
            pltpu.VMEM((nch, CHUNK), jnp.int32),
            pltpu.VMEM((2, CHUNK, ROWP), jnp.float32),
            pltpu.VMEM((2 * CHUNK * T,), jnp.float32),
            pltpu.VMEM((CHUNK * EMB,), jnp.float32),
            pltpu.VMEM((CHUNK * EMB,), jnp.float32),
            pltpu.SemaphoreType.DMA,
            pltpu.SemaphoreType.DMA,
            pltpu.SemaphoreType.DMA,
            pltpu.SemaphoreType.DMA,
        ],
    )(table, idsr, xtr)


def _pad_body(t_ref, out_ref):
    out_ref[:, :ROW] = t_ref[...]
    if ROWP > ROW:
        out_ref[:, ROW:] = jnp.zeros((t_ref.shape[0], ROWP - ROW), jnp.float32)


def _pad_table(table):
    R = 1000
    return pl.pallas_call(
        _pad_body,
        grid=(table.shape[0] // R,),
        in_specs=[pl.BlockSpec((R, ROW), lambda i: (i, 0))],
        out_specs=pl.BlockSpec((R, ROWP), lambda i: (i, 0)),
        out_shape=jax.ShapeDtypeStruct((table.shape[0], ROWP), jnp.float32),
    )(table)


_INV_PI = 0.3183098861837907
_PI_HI = 3.140625
_PI_LO = 9.67653589793e-4


def _fast_sin(x):
    n = jnp.floor(x * _INV_PI + 0.5)
    y = (x - n * _PI_HI) - n * _PI_LO
    y2 = y * y
    p = y * (1.0 + y2 * (-0.16666667 + y2 * (8.3333310e-3
             + y2 * (-1.98409e-4 + y2 * 2.7526e-6))))
    m = n - 2.0 * jnp.floor(n * 0.5)
    return p * (1.0 - 2.0 * m)


BB = 128


def _tc_body(z_ref, xt_ref, w0_ref, p0_ref, out_ref):
    xtb = xt_ref[...]
    k0 = (xtb[:, :, 0:1] * w0_ref[0] + xtb[:, :, 1:2] * w0_ref[1]
          + xtb[:, :, 2:3] * w0_ref[2] + xtb[:, :, 3:4] * w0_ref[3]
          + p0_ref[0])
    out_ref[:, :, 0:1] = k0
    out_ref[:, :, 1:] = _fast_sin(z_ref[...])


def _tc_body_alias(z_ref, xt_ref, w0_ref, p0_ref, prev_ref, out_ref):
    del prev_ref
    _tc_body(z_ref, xt_ref, w0_ref, p0_ref, out_ref)


def _tc_finish_half(z2, x_time, w0f, p0, off, prev=None):
    nb = z2.shape[0]
    in_specs = [
        pl.BlockSpec((BB, S, EMB), lambda i: (i, 0, 0)),
        pl.BlockSpec((BB, S, T), lambda i, off=off: (i + off, 0, 0)),
        pl.BlockSpec(memory_space=pltpu.SMEM),
        pl.BlockSpec(memory_space=pltpu.SMEM),
    ]
    args = [z2, x_time, w0f, p0]
    body = _tc_body
    kwargs = {}
    if prev is not None:
        in_specs.append(pl.BlockSpec(memory_space=pl.ANY))
        args.append(prev)
        body = _tc_body_alias
        kwargs["input_output_aliases"] = {4: 0}
    return pl.pallas_call(
        body,
        grid=(nb // BB,),
        in_specs=in_specs,
        out_specs=pl.BlockSpec((BB, S, 1 + EMB), lambda i, off=off: (i + off, 0, 0)),
        out_shape=jax.ShapeDtypeStruct((B, S, 1 + EMB), jnp.float32),
        **kwargs,
    )(*args)


HB = B // 2
NCHH = HB * S // NW // CHUNK


def kernel(x_ser, x_time, table, W_omega0, W_phi0):
    table_p = _pad_table(table)
    w0f = W_omega0.reshape(T)
    ids0 = x_ser[:HB].reshape(NW, NCHH, CHUNK).astype(jnp.int32)
    ids1 = x_ser[HB:].reshape(NW, NCHH, CHUNK).astype(jnp.int32)
    xt0 = x_time[:HB].reshape(NW * NCHH, CHUNK * T)
    xt1 = x_time[HB:].reshape(NW * NCHH, CHUNK * T)
    z0 = _sc_reduce(table_p, ids0, xt0, NCHH).reshape(HB, S, EMB)
    z1 = _sc_reduce(table_p, ids1, xt1, NCHH).reshape(HB, S, EMB)
    out = _tc_finish_half(z0, x_time, w0f, W_phi0, 0)
    out = _tc_finish_half(z1, x_time, w0f, W_phi0, HB // BB, prev=out)
    return out

# --- scband reference (transcript-rebuilt; emitter-appended) ---
"""Pipeline reference for scband-time2-embedding-51453708206430 (READ-ONLY COPY).

The authoritative reference and input builder live on the scoring server;
editing this copy changes nothing except your own understanding.
"""

import jax, jax.numpy as jnp
import numpy as np

NR_SERIES = 100000
EMB_SIZE = 64
T_DIM = 4  # time variable dims: e.g. [month, week, day, weekday]
B = 4096
S = 50


def setup_inputs(seed: int = 0) -> dict:
    key = jax.random.key(seed)
    k1, k2, k3, k4 = jax.random.split(key, 4)
    x_ser = jax.random.randint(k1, (B, S, 1), 0, NR_SERIES)
    x_time = jax.random.uniform(k2, (B, S, T_DIM), dtype=jnp.float32)
    # learned params per build(): embedding table of shape [nr_series, (input_dim_time+1)*emb_size]
    table = jax.random.normal(k3, (NR_SERIES, (T_DIM + 1) * EMB_SIZE), dtype=jnp.float32) * 0.05
    # linear (k=0) Time2Vec component params
    W_omega0 = jax.random.normal(k4, (T_DIM, 1), dtype=jnp.float32) * 0.05
    W_phi0 = jnp.zeros((1,), dtype=jnp.float32)
    return {"x_ser": x_ser, "x_time": x_time, "table": table, "W_omega0": W_omega0, "W_phi0": W_phi0}


def reference(x_ser, x_time, table, W_omega0, W_phi0):
    # per-series embedding lookup: [B, S, (T_DIM+1)*EMB_SIZE]
    ids = x_ser[..., 0]
    x_ser_emb = jnp.take(table, ids, axis=0)
    offset = T_DIM * EMB_SIZE
    # omega: per-sample frequency matrix [B, S, T_DIM, EMB_SIZE]; phi: per-sample phase [B, S, EMB_SIZE]
    tf_omega = x_ser_emb[..., :offset].reshape(ids.shape[0], ids.shape[1], T_DIM, EMB_SIZE)
    tf_phi = x_ser_emb[..., offset:]
    # batched dot of time vector with per-series omega, plus phase, then sinusoidal activation
    tf_x_k1n = jnp.einsum('bst,bste->bse', x_time, tf_omega) + tf_phi
    tf_x_k1n = jnp.sin(tf_x_k1n)
    # linear (non-periodic) k=0 component
    tf_x_k0 = jnp.dot(x_time, W_omega0) + W_phi0
    # concat -> [B, S, 1 + EMB_SIZE]
    return jnp.concatenate([tf_x_k0, tf_x_k1n], axis=-1)

if __name__ == "__main__":
    import jax
    _d = setup_inputs()
    print(jax.jit(kernel)(*tuple(_d.values())))

</pallas_src>

<mosaic_0001>
#map = affine_map<(d0, d1) -> (0, 0)>
#map1 = affine_map<(d0, d1) -> (0, 0, 0)>
#map2 = affine_map<(d0, d1) -> (0)>
module attributes {stable_mosaic.version = 14 : i64} {
  func.func @_sc_body(%arg0: i32, %arg1: i32, %arg2: memref<100000x384xf32, #tpu.memory_space<hbm>>, %arg3: memref<32x25x128xi32, #tpu.memory_space<hbm>>, %arg4: memref<800x512xf32, #tpu.memory_space<hbm>>, %arg5: memref<6553600xf32, #tpu.memory_space<hbm>>, %arg6: memref<25x128xi32, #tpu.memory_space<vmem>>, %arg7: memref<2x128x384xf32, #tpu.memory_space<vmem>>, %arg8: memref<1024xf32, #tpu.memory_space<vmem>>, %arg9: memref<8192xf32, #tpu.memory_space<vmem>>, %arg10: memref<8192xf32, #tpu.memory_space<vmem>>, %arg11: memref<!tpu.dma_semaphore, #tpu.memory_space<semaphore_mem>>, %arg12: memref<!tpu.dma_semaphore, #tpu.memory_space<semaphore_mem>>, %arg13: memref<!tpu.dma_semaphore, #tpu.memory_space<semaphore_mem>>, %arg14: memref<!tpu.dma_semaphore, #tpu.memory_space<semaphore_mem>>) attributes {dimension_semantics = [#tpu.dimension_semantics<core_parallel>, #tpu.dimension_semantics<subcore_parallel>], iteration_bounds = array<i64: 2, 16>, scalar_prefetch = 0 : i64, scratch_operands = 9 : i64, tpu.core_type = #tpu.core_type<sc_vector_subcore>, window_params = [{transform_indices = #map}, {transform_indices = #map1}, {transform_indices = #map}, {transform_indices = #map2}]} {
    %mul3A = arith.constant 2 : i32
    %mul3A_0 = arith.muli %arg1, %mul3A : i32
    %add3A = arith.addi %mul3A_0, %arg0 : i32
    "tpu.region"() ({
      %run_scoped3A = tpu.sem_alloc : memref<!tpu.dma_semaphore, #tpu.memory_space<semaphore_mem>>
      %dma_start3A_74 = arith.constant 0 : i32
      %dma_start3A_75 = arith.constant 0 : i32
      %dma_start3A_76 = tpu.memref_slice %arg3[%add3A, %dma_start3A_74, %dma_start3A_75] : memref<32x25x128xi32, #tpu.memory_space<hbm>> -> memref<1x25x128xi32, #tpu.memory_space<hbm>>
      %dma_start3A_77 = tpu.memref_squeeze %dma_start3A_76 : memref<1x25x128xi32, #tpu.memory_space<hbm>> -> memref<25x128xi32, #tpu.memory_space<hbm>>
      %dma_start3A_78 = arith.constant 0 : i32
      %dma_start3A_79 = arith.constant 0 : i32
      %dma_start3A_80 = tpu.memref_slice %arg3[%add3A, %dma_start3A_78, %dma_start3A_79] : memref<32x25x128xi32, #tpu.memory_space<hbm>> -> memref<1x25x128xi32, #tpu.memory_space<hbm>>
      %dma_start3A_81 = tpu.memref_squeeze %dma_start3A_80 : memref<1x25x128xi32, #tpu.memory_space<hbm>> -> memref<25x128xi32, #tpu.memory_space<hbm>>
      tpu.enqueue_dma source(%dma_start3A_81 : memref<25x128xi32, #tpu.memory_space<hbm>>) target(%arg6 : memref<25x128xi32, #tpu.memory_space<vmem>>) target_semaphore(%run_scoped3A : memref<!tpu.dma_semaphore, #tpu.memory_space<semaphore_mem>>)
      %dma_wait3A_82 = arith.constant 0 : i32
      %dma_wait3A_83 = arith.constant 0 : i32
      %dma_wait3A_84 = tpu.memref_slice %arg3[%add3A, %dma_wait3A_82, %dma_wait3A_83] : memref<32x25x128xi32, #tpu.memory_space<hbm>> -> memref<1x25x128xi32, #tpu.memory_space<hbm>>
      %dma_wait3A_85 = tpu.memref_squeeze %dma_wait3A_84 : memref<1x25x128xi32, #tpu.memory_space<hbm>> -> memref<25x128xi32, #tpu.memory_space<hbm>>
      %dma_wait3A_86 = arith.constant 0 : i32
      %dma_wait3A_87 = arith.constant 0 : i32
      %dma_wait3A_88 = tpu.memref_slice %arg3[%add3A, %dma_wait3A_86, %dma_wait3A_87] : memref<32x25x128xi32, #tpu.memory_space<hbm>> -> memref<1x25x128xi32, #tpu.memory_space<hbm>>
      %dma_wait3A_89 = tpu.memref_squeeze %dma_wait3A_88 : memref<1x25x128xi32, #tpu.memory_space<hbm>> -> memref<25x128xi32, #tpu.memory_space<hbm>>
      tpu.wait_dma2 semaphore(%run_scoped3A : memref<!tpu.dma_semaphore, #tpu.memory_space<semaphore_mem>>) src(%dma_wait3A_89 : memref<25x128xi32, #tpu.memory_space<hbm>>) dst(%arg6 : memref<25x128xi32, #tpu.memory_space<vmem>>)
      tpu.yield
    }) : () -> ()
    %dma_start3A = arith.constant 0 : i32
    %dma_start3A_1 = arith.constant 0 : i32
    %dma_start3A_2 = arith.constant 0 : i32
    %dma_start3A_3 = arith.constant 0 : i32
    %dma_start3A_4 = tpu.memref_slice %arg7[%dma_start3A_1, %dma_start3A_2, %dma_start3A_3] : memref<2x128x384xf32, #tpu.memory_space<vmem>> -> memref<1x128x384xf32, #tpu.memory_space<vmem>>
    %dma_start3A_5 = tpu.memref_squeeze %dma_start3A_4 : memref<1x128x384xf32, #tpu.memory_space<vmem>> -> memref<128x384xf32, #tpu.memory_space<vmem>>
    %dma_start3A_6 = arith.constant 0 : i32
    %dma_start3A_7 = tpu.memref_slice %arg6[%dma_start3A, %dma_start3A_6] : memref<25x128xi32, #tpu.memory_space<vmem>> -> memref<1x128xi32, #tpu.memory_space<vmem>>
    %dma_start3A_8 = tpu.memref_squeeze %dma_start3A_7 : memref<1x128xi32, #tpu.memory_space<vmem>> -> memref<128xi32, #tpu.memory_space<vmem>>
    %dma_start3A_9 = arith.constant 0 : i32
    %dma_start3A_10 = arith.constant 0 : i32
    %dma_start3A_11 = tpu.memref_slice %arg2[%dma_start3A_9, %dma_start3A_10] : memref<100000x384xf32, #tpu.memory_space<hbm>> -> memref<100000x384xf32, #tpu.memory_space<hbm>>
    tpu.enqueue_indirect_dma source(%dma_start3A_11 : memref<100000x384xf32, #tpu.memory_space<hbm>>) target(%dma_start3A_5 : memref<128x384xf32, #tpu.memory_space<vmem>>) offsets(%dma_start3A_8 : memref<128xi32, #tpu.memory_space<vmem>>) semaphore(%arg11 : memref<!tpu.dma_semaphore, #tpu.memory_space<semaphore_mem>>)
    %mul3A_12 = arith.constant 25 : i32
    %mul3A_13 = arith.muli %add3A, %mul3A_12 : i32
    %dma_start3A_14 = arith.constant 0 : i32
    %dma_start3A_15 = tpu.memref_slice %arg8[%dma_start3A_14] : memref<1024xf32, #tpu.memory_space<vmem>> -> memref<512xf32, #tpu.memory_space<vmem>>
    %dma_start3A_16 = arith.constant 0 : i32
    %dma_start3A_17 = tpu.memref_slice %arg4[%mul3A_13, %dma_start3A_16] : memref<800x512xf32, #tpu.memory_space<hbm>> -> memref<1x512xf32, #tpu.memory_space<hbm>>
    %dma_start3A_18 = tpu.memref_squeeze %dma_start3A_17 : memref<1x512xf32, #tpu.memory_space<hbm>> -> memref<512xf32, #tpu.memory_space<hbm>>
    %dma_start3A_19 = arith.constant 0 : i32
    %dma_start3A_20 = tpu.memref_slice %arg8[%dma_start3A_19] : memref<1024xf32, #tpu.memory_space<vmem>> -> memref<512xf32, #tpu.memory_space<vmem>>
    %dma_start3A_21 = arith.constant 0 : i32
    %dma_start3A_22 = tpu.memref_slice %arg4[%mul3A_13, %dma_start3A_21] : memref<800x512xf32, #tpu.memory_space<hbm>> -> memref<1x512xf32, #tpu.memory_space<hbm>>
    %dma_start3A_23 = tpu.memref_squeeze %dma_start3A_22 : memref<1x512xf32, #tpu.memory_space<hbm>> -> memref<512xf32, #tpu.memory_space<hbm>>
    tpu.enqueue_dma source(%dma_start3A_23 : memref<512xf32, #tpu.memory_space<hbm>>) target(%dma_start3A_20 : memref<512xf32, #tpu.memory_space<vmem>>) target_semaphore(%arg13 : memref<!tpu.dma_semaphore, #tpu.memory_space<semaphore_mem>>)
    %scan3A = arith.constant 0 : i32
    %scan3A_24 = arith.constant 0 : i32
    %scan3A_25 = arith.constant 12 : i32
    %scan3A_26 = arith.addi %scan3A_24, %scan3A_25 : i32
    %scan3A_27 = arith.constant 1 : i32
    scf.for %scan3A_74 = %scan3A_24 to %scan3A_26 step %scan3A_27  : i32 {
      %mul3A_75 = arith.constant 2 : i32
      %mul3A_76 = arith.muli %scan3A_74, %mul3A_75 : i32
      %add3A_77 = arith.constant 0 : i32
      %add3A_78 = arith.addi %mul3A_76, %add3A_77 : i32
      %add3A_79 = arith.constant 1 : i32
      %add3A_80 = arith.addi %add3A_78, %add3A_79 : i32
      %lt3A_81 = arith.constant 25 : i32
      %lt3A_82 = arith.cmpi slt, %add3A_80, %lt3A_81 : i32
      %convert_element_type3A_83 = arith.extui %lt3A_82 : i1 to i32
      %cond3A_84 = arith.constant 0 : i32
      %cond3A_85 = arith.cmpi ne, %convert_element_type3A_83, %cond3A_84 : i32
      scf.if %cond3A_85 {
        %add3A_171 = arith.constant 1 : i32
        %add3A_172 = arith.addi %add3A_78, %add3A_171 : i32
        %dma_start3A_173 = arith.constant 1 : i32
        %dma_start3A_174 = arith.constant 0 : i32
        %dma_start3A_175 = arith.constant 0 : i32
        %dma_start3A_176 = tpu.memref_slice %arg7[%dma_start3A_173, %dma_start3A_174, %dma_start3A_175] : memref<2x128x384xf32, #tpu.memory_space<vmem>> -> memref<1x128x384xf32, #tpu.memory_space<vmem>>
        %dma_start3A_177 = tpu.memref_squeeze %dma_start3A_176 : memref<1x128x384xf32, #tpu.memory_space<vmem>> -> memref<128x384xf32, #tpu.memory_space<vmem>>
        %dma_start3A_178 = arith.constant 0 : i32
        %dma_start3A_179 = tpu.memref_slice %arg6[%add3A_172, %dma_start3A_178] : memref<25x128xi32, #tpu.memory_space<vmem>> -> memref<1x128xi32, #tpu.memory_space<vmem>>
        %dma_start3A_180 = tpu.memref_squeeze %dma_start3A_179 : memref<1x128xi32, #tpu.memory_space<vmem>> -> memref<128xi32, #tpu.memory_space<vmem>>
        %dma_start3A_181 = arith.constant 0 : i32
        %dma_start3A_182 = arith.constant 0 : i32
        %dma_start3A_183 = tpu.memref_slice %arg2[%dma_start3A_181, %dma_start3A_182] : memref<100000x384xf32, #tpu.memory_space<hbm>> -> memref<100000x384xf32, #tpu.memory_space<hbm>>
        tpu.enqueue_indirect_dma source(%dma_start3A_183 : memref<100000x384xf32, #tpu.memory_space<hbm>>) target(%dma_start3A_177 : memref<128x384xf32, #tpu.memory_space<vmem>>) offsets(%dma_start3A_180 : memref<128xi32, #tpu.memory_space<vmem>>) semaphore(%arg12 : memref<!tpu.dma_semaphore, #tpu.memory_space<semaphore_mem>>)
        %mul3A_184 = arith.constant 25 : i32
        %mul3A_185 = arith.muli %add3A, %mul3A_184 : i32
        %add3A_186 = arith.addi %mul3A_185, %add3A_78 : i32
        %add3A_187 = arith.constant 1 : i32
        %add3A_188 = arith.addi %add3A_186, %add3A_187 : i32
        %dma_start3A_189 = arith.constant 512 : i32
        %dma_start3A_190 = tpu.memref_slice %arg8[%dma_start3A_189] : memref<1024xf32, #tpu.memory_space<vmem>> -> memref<512xf32, #tpu.memory_space<vmem>>
        %dma_start3A_191 = arith.constant 0 : i32
        %dma_start3A_192 = tpu.memref_slice %arg4[%add3A_188, %dma_start3A_191] : memref<800x512xf32, #tpu.memory_space<hbm>> -> memref<1x512xf32, #tpu.memory_space<hbm>>
        %dma_start3A_193 = tpu.memref_squeeze %dma_start3A_192 : memref<1x512xf32, #tpu.memory_space<hbm>> -> memref<512xf32, #tpu.memory_space<hbm>>
        %dma_start3A_194 = arith.constant 512 : i32
        %dma_start3A_195 = tpu.memref_slice %arg8[%dma_start3A_194] : memref<1024xf32, #tpu.memory_space<vmem>> -> memref<512xf32, #tpu.memory_space<vmem>>
        %dma_start3A_196 = arith.constant 0 : i32
        %dma_start3A_197 = tpu.memref_slice %arg4[%add3A_188, %dma_start3A_196] : memref<800x512xf32, #tpu.memory_space<hbm>> -> memref<1x512xf32, #tpu.memory_space<hbm>>
        %dma_start3A_198 = tpu.memref_squeeze %dma_start3A_197 : memref<1x512xf32, #tpu.memory_space<hbm>> -> memref<512xf32, #tpu.memory_space<hbm>>
        tpu.enqueue_dma source(%dma_start3A_198 : memref<512xf32, #tpu.memory_space<hbm>>) target(%dma_start3A_195 : memref<512xf32, #tpu.memory_space<vmem>>) target_semaphore(%arg14 : memref<!tpu.dma_semaphore, #tpu.memory_space<semaphore_mem>>)
      } else {
      }
      %dma_wait3A_86 = arith.constant 0 : i32
      %dma_wait3A_87 = arith.constant 0 : i32
      %dma_wait3A_88 = arith.constant 0 : i32
      %dma_wait3A_89 = tpu.memref_slice %arg7[%dma_wait3A_86, %dma_wait3A_87, %dma_wait3A_88] : memref<2x128x384xf32, #tpu.memory_space<vmem>> -> memref<1x128x384xf32, #tpu.memory_space<vmem>>
      %dma_wait3A_90 = tpu.memref_squeeze %dma_wait3A_89 : memref<1x128x384xf32, #tpu.memory_space<vmem>> -> memref<128x384xf32, #tpu.memory_space<vmem>>
      %dma_wait3A_91 = arith.constant 0 : i32
      %dma_wait3A_92 = tpu.memref_slice %arg6[%add3A_78, %dma_wait3A_91] : memref<25x128xi32, #tpu.memory_space<vmem>> -> memref<1x128xi32, #tpu.memory_space<vmem>>
      %dma_wait3A_93 = tpu.memref_squeeze %dma_wait3A_92 : memref<1x128xi32, #tpu.memory_space<vmem>> -> memref<128xi32, #tpu.memory_space<vmem>>
      %dma_wait3A_94 = arith.constant 0 : i32
      %dma_wait3A_95 = arith.constant 0 : i32
      %dma_wait3A_96 = tpu.memref_slice %arg2[%dma_wait3A_94, %dma_wait3A_95] : memref<100000x384xf32, #tpu.memory_space<hbm>> -> memref<100000x384xf32, #tpu.memory_space<hbm>>
      tpu.wait_indirect_dma semaphore(%arg11 : memref<!tpu.dma_semaphore, #tpu.memory_space<semaphore_mem>>) src(%dma_wait3A_96 : memref<100000x384xf32, #tpu.memory_space<hbm>>) dst(%dma_wait3A_90 : memref<128x384xf32, #tpu.memory_space<vmem>>)
      %mul3A_97 = arith.constant 25 : i32
      %mul3A_98 = arith.muli %add3A, %mul3A_97 : i32
      %add3A_99 = arith.addi %mul3A_98, %add3A_78 : i32
      %dma_wait3A_100 = arith.constant 0 : i32
      %dma_wait3A_101 = tpu.memref_slice %arg8[%dma_wait3A_100] : memref<1024xf32, #tpu.memory_space<vmem>> -> memref<512xf32, #tpu.memory_space<vmem>>
      %dma_wait3A_102 = arith.constant 0 : i32
      %dma_wait3A_103 = tpu.memref_slice %arg4[%add3A_99, %dma_wait3A_102] : memref<800x512xf32, #tpu.memory_space<hbm>> -> memref<1x512xf32, #tpu.memory_space<hbm>>
      %dma_wait3A_104 = tpu.memref_squeeze %dma_wait3A_103 : memref<1x512xf32, #tpu.memory_space<hbm>> -> memref<512xf32, #tpu.memory_space<hbm>>
      %dma_wait3A_105 = arith.constant 0 : i32
      %dma_wait3A_106 = tpu.memref_slice %arg8[%dma_wait3A_105] : memref<1024xf32, #tpu.memory_space<vmem>> -> memref<512xf32, #tpu.memory_space<vmem>>
      %dma_wait3A_107 = arith.constant 0 : i32
      %dma_wait3A_108 = tpu.memref_slice %arg4[%add3A_99, %dma_wait3A_107] : memref<800x512xf32, #tpu.memory_space<hbm>> -> memref<1x512xf32, #tpu.memory_space<hbm>>
      %dma_wait3A_109 = tpu.memref_squeeze %dma_wait3A_108 : memref<1x512xf32, #tpu.memory_space<hbm>> -> memref<512xf32, #tpu.memory_space<hbm>>
      tpu.wait_dma2 semaphore(%arg13 : memref<!tpu.dma_semaphore, #tpu.memory_space<semaphore_mem>>) src(%dma_wait3A_109 : memref<512xf32, #tpu.memory_space<hbm>>) dst(%dma_wait3A_106 : memref<512xf32, #tpu.memory_space<vmem>>)
      %scan3A_110 = arith.constant 0 : i32
      %scan3A_111 = arith.constant 0 : i32
      %scan3A_112 = arith.constant 128 : i32
      %scan3A_113 = arith.addi %scan3A_111, %scan3A_112 : i32
      %scan3A_114 = arith.constant 1 : i32
      scf.for %scan3A_171 = %scan3A_111 to %scan3A_113 step %scan3A_114  : i32 {
        %mul3A_172 = arith.constant 4 : i32
        %mul3A_173 = arith.muli %scan3A_171, %mul3A_172 : i32
        %broadcast_in_dim3A = vector.broadcast %mul3A_173 : i32 to vector<16xi32>
        %add3A_174 = arith.constant 0 : i32
        %add3A_175 = vector.broadcast %add3A_174 : i32 to vector<16xi32>
        %add3A_176 = arith.addi %broadcast_in_dim3A, %add3A_175 : vector<16xi32>
        %gather3A = tpu.vector_load_idx %arg8[%add3A_176] : memref<1024xf32, #tpu.memory_space<vmem>>[vector<16xi32>], vector<16xf32>,
        %add3A_177 = arith.constant 1 : i32
        %add3A_178 = vector.broadcast %add3A_177 : i32 to vector<16xi32>
        %add3A_179 = arith.addi %broadcast_in_dim3A, %add3A_178 : vector<16xi32>
        %gather3A_180 = tpu.vector_load_idx %arg8[%add3A_179] : memref<1024xf32, #tpu.memory_space<vmem>>[vector<16xi32>], vector<16xf32>,
        %add3A_181 = arith.constant 2 : i32
        %add3A_182 = vector.broadcast %add3A_181 : i32 to vector<16xi32>
        %add3A_183 = arith.addi %broadcast_in_dim3A, %add3A_182 : vector<16xi32>
        %gather3A_184 = tpu.vector_load_idx %arg8[%add3A_183] : memref<1024xf32, #tpu.memory_space<vmem>>[vector<16xi32>], vector<16xf32>,
        %add3A_185 = arith.constant 3 : i32
        %add3A_186 = vector.broadcast %add3A_185 : i32 to vector<16xi32>
        %add3A_187 = arith.addi %broadcast_in_dim3A, %add3A_186 : vector<16xi32>
        %gather3A_188 = tpu.vector_load_idx %arg8[%add3A_187] : memref<1024xf32, #tpu.memory_space<vmem>>[vector<16xi32>], vector<16xf32>,
        %get3A = arith.constant 0 : i32
        %get3A_189 = arith.index_cast %get3A : i32 to index
        %get3A_190 = arith.index_cast %scan3A_171 : i32 to index
        %get3A_191 = arith.constant 256 : index
        %get3A_192 = tpu.vector_load %arg7[%get3A_189, %get3A_190, %get3A_191] {strides = array<i32>} : memref<2x128x384xf32, #tpu.memory_space<vmem>>, vector<16xf32>,
        %get3A_193 = arith.constant 0 : i32
        %get3A_194 = arith.index_cast %get3A_193 : i32 to index
        %get3A_195 = arith.index_cast %scan3A_171 : i32 to index
        %get3A_196 = arith.constant 0 : index
        %get3A_197 = tpu.vector_load %arg7[%get3A_194, %get3A_195, %get3A_196] {strides = array<i32>} : memref<2x128x384xf32, #tpu.memory_space<vmem>>, vector<16xf32>,
        %mul3A_198 = arith.mulf %gather3A, %get3A_197 : vector<16xf32>
        %add3A_199 = arith.addf %get3A_192, %mul3A_198 : vector<16xf32>
        %get3A_200 = arith.constant 0 : i32
        %get3A_201 = arith.index_cast %get3A_200 : i32 to index
        %get3A_202 = arith.index_cast %scan3A_171 : i32 to index
        %get3A_203 = arith.constant 64 : index
        %get3A_204 = tpu.vector_load %arg7[%get3A_201, %get3A_202, %get3A_203] {strides = array<i32>} : memref<2x128x384xf32, #tpu.memory_space<vmem>>, vector<16xf32>,
        %mul3A_205 = arith.mulf %gather3A_180, %get3A_204 : vector<16xf32>
        %add3A_206 = arith.addf %add3A_199, %mul3A_205 : vector<16xf32>
        %get3A_207 = arith.constant 0 : i32
        %get3A_208 = arith.index_cast %get3A_207 : i32 to index
        %get3A_209 = arith.index_cast %scan3A_171 : i32 to index
        %get3A_210 = arith.constant 128 : index
        %get3A_211 = tpu.vector_load %arg7[%get3A_208, %get3A_209, %get3A_210] {strides = array<i32>} : memref<2x128x384xf32, #tpu.memory_space<vmem>>, vector<16xf32>,
        %mul3A_212 = arith.mulf %gather3A_184, %get3A_211 : vector<16xf32>
        %add3A_213 = arith.addf %add3A_206, %mul3A_212 : vector<16xf32>
        %get3A_214 = arith.constant 0 : i32
        %get3A_215 = arith.index_cast %get3A_214 : i32 to index
        %get3A_216 = arith.index_cast %scan3A_171 : i32 to index
        %get3A_217 = arith.constant 192 : index
        %get3A_218 = tpu.vector_load %arg7[%get3A_215, %get3A_216, %get3A_217] {strides = array<i32>} : memref<2x128x384xf32, #tpu.memory_space<vmem>>, vector<16xf32>,
        %mul3A_219 = arith.mulf %gather3A_188, %get3A_218 : vector<16xf32>
        %add3A_220 = arith.addf %add3A_213, %mul3A_219 : vector<16xf32>
        %mul3A_221 = arith.constant 64 : i32
        %mul3A_222 = arith.muli %scan3A_171, %mul3A_221 : i32
        %add3A_223 = arith.constant 0 : i32
        %add3A_224 = arith.addi %mul3A_222, %add3A_223 : i32
        %swap3A = arith.index_cast %add3A_224 : i32 to index
        %swap3A_225 = tpu.vector_load %arg9[%swap3A] {strides = array<i32>} : memref<8192xf32, #tpu.memory_space<vmem>>, vector<16xf32>,
        tpu.vector_store %arg9[%swap3A], %add3A_220 {strides = array<i32>} : memref<8192xf32, #tpu.memory_space<vmem>>, vector<16xf32>,
        %get3A_226 = arith.constant 0 : i32
        %get3A_227 = arith.index_cast %get3A_226 : i32 to index
        %get3A_228 = arith.index_cast %scan3A_171 : i32 to index
        %get3A_229 = arith.constant 272 : index
        %get3A_230 = tpu.vector_load %arg7[%get3A_227, %get3A_228, %get3A_229] {strides = array<i32>} : memref<2x128x384xf32, #tpu.memory_space<vmem>>, vector<16xf32>,
        %get3A_231 = arith.constant 0 : i32
        %get3A_232 = arith.index_cast %get3A_231 : i32 to index
        %get3A_233 = arith.index_cast %scan3A_171 : i32 to index
        %get3A_234 = arith.constant 16 : index
        %get3A_235 = tpu.vector_load %arg7[%get3A_232, %get3A_233, %get3A_234] {strides = array<i32>} : memref<2x128x384xf32, #tpu.memory_space<vmem>>, vector<16xf32>,
        %mul3A_236 = arith.mulf %gather3A, %get3A_235 : vector<16xf32>
        %add3A_237 = arith.addf %get3A_230, %mul3A_236 : vector<16xf32>
        %get3A_238 = arith.constant 0 : i32
        %get3A_239 = arith.index_cast %get3A_238 : i32 to index
        %get3A_240 = arith.index_cast %scan3A_171 : i32 to index
        %get3A_241 = arith.constant 80 : index
        %get3A_242 = tpu.vector_load %arg7[%get3A_239, %get3A_240, %get3A_241] {strides = array<i32>} : memref<2x128x384xf32, #tpu.memory_space<vmem>>, vector<16xf32>,
        %mul3A_243 = arith.mulf %gather3A_180, %get3A_242 : vector<16xf32>
        %add3A_244 = arith.addf %add3A_237, %mul3A_243 : vector<16xf32>
        %get3A_245 = arith.constant 0 : i32
        %get3A_246 = arith.index_cast %get3A_245 : i32 to index
        %get3A_247 = arith.index_cast %scan3A_171 : i32 to index
        %get3A_248 = arith.constant 144 : index
        %get3A_249 = tpu.vector_load %arg7[%get3A_246, %get3A_247, %get3A_248] {strides = array<i32>} : memref<2x128x384xf32, #tpu.memory_space<vmem>>, vector<16xf32>,
        %mul3A_250 = arith.mulf %gather3A_184, %get3A_249 : vector<16xf32>
        %add3A_251 = arith.addf %add3A_244, %mul3A_250 : vector<16xf32>
        %get3A_252 = arith.constant 0 : i32
        %get3A_253 = arith.index_cast %get3A_252 : i32 to index
        %get3A_254 = arith.index_cast %scan3A_171 : i32 to index
        %get3A_255 = arith.constant 208 : index
        %get3A_256 = tpu.vector_load %arg7[%get3A_253, %get3A_254, %get3A_255] {strides = array<i32>} : memref<2x128x384xf32, #tpu.memory_space<vmem>>, vector<16xf32>,
        %mul3A_257 = arith.mulf %gather3A_188, %get3A_256 : vector<16xf32>
        %add3A_258 = arith.addf %add3A_251, %mul3A_257 : vector<16xf32>
        %mul3A_259 = arith.constant 64 : i32
        %mul3A_260 = arith.muli %scan3A_171, %mul3A_259 : i32
        %add3A_261 = arith.constant 16 : i32
        %add3A_262 = arith.addi %mul3A_260, %add3A_261 : i32
        %swap3A_263 = arith.index_cast %add3A_262 : i32 to index
        %swap3A_264 = tpu.vector_load %arg9[%swap3A_263] {strides = array<i32>} : memref<8192xf32, #tpu.memory_space<vmem>>, vector<16xf32>,
        tpu.vector_store %arg9[%swap3A_263], %add3A_258 {strides = array<i32>} : memref<8192xf32, #tpu.memory_space<vmem>>, vector<16xf32>,
        %get3A_265 = arith.constant 0 : i32
        %get3A_266 = arith.index_cast %get3A_265 : i32 to index
        %get3A_267 = arith.index_cast %scan3A_171 : i32 to index
        %get3A_268 = arith.constant 288 : index
        %get3A_269 = tpu.vector_load %arg7[%get3A_266, %get3A_267, %get3A_268] {strides = array<i32>} : memref<2x128x384xf32, #tpu.memory_space<vmem>>, vector<16xf32>,
        %get3A_270 = arith.constant 0 : i32
        %get3A_271 = arith.index_cast %get3A_270 : i32 to index
        %get3A_272 = arith.index_cast %scan3A_171 : i32 to index
        %get3A_273 = arith.constant 32 : index
        %get3A_274 = tpu.vector_load %arg7[%get3A_271, %get3A_272, %get3A_273] {strides = array<i32>} : memref<2x128x384xf32, #tpu.memory_space<vmem>>, vector<16xf32>,
        %mul3A_275 = arith.mulf %gather3A, %get3A_274 : vector<16xf32>
        %add3A_276 = arith.addf %get3A_269, %mul3A_275 : vector<16xf32>
        %get3A_277 = arith.constant 0 : i32
        %get3A_278 = arith.index_cast %get3A_277 : i32 to index
        %get3A_279 = arith.index_cast %scan3A_171 : i32 to index
        %get3A_280 = arith.constant 96 : index
        %get3A_281 = tpu.vector_load %arg7[%get3A_278, %get3A_279, %get3A_280] {strides = array<i32>} : memref<2x128x384xf32, #tpu.memory_space<vmem>>, vector<16xf32>,
        %mul3A_282 = arith.mulf %gather3A_180, %get3A_281 : vector<16xf32>
        %add3A_283 = arith.addf %add3A_276, %mul3A_282 : vector<16xf32>
        %get3A_284 = arith.constant 0 : i32
        %get3A_285 = arith.index_cast %get3A_284 : i32 to index
        %get3A_286 = arith.index_cast %scan3A_171 : i32 to index
        %get3A_287 = arith.constant 160 : index
        %get3A_288 = tpu.vector_load %arg7[%get3A_285, %get3A_286, %get3A_287] {strides = array<i32>} : memref<2x128x384xf32, #tpu.memory_space<vmem>>, vector<16xf32>,
        %mul3A_289 = arith.mulf %gather3A_184, %get3A_288 : vector<16xf32>
        %add3A_290 = arith.addf %add3A_283, %mul3A_289 : vector<16xf32>
        %get3A_291 = arith.constant 0 : i32
        %get3A_292 = arith.index_cast %get3A_291 : i32 to index
        %get3A_293 = arith.index_cast %scan3A_171 : i32 to index
        %get3A_294 = arith.constant 224 : index
        %get3A_295 = tpu.vector_load %arg7[%get3A_292, %get3A_293, %get3A_294] {strides = array<i32>} : memref<2x128x384xf32, #tpu.memory_space<vmem>>, vector<16xf32>,
        %mul3A_296 = arith.mulf %gather3A_188, %get3A_295 : vector<16xf32>
        %add3A_297 = arith.addf %add3A_290, %mul3A_296 : vector<16xf32>
        %mul3A_298 = arith.constant 64 : i32
        %mul3A_299 = arith.muli %scan3A_171, %mul3A_298 : i32
        %add3A_300 = arith.constant 32 : i32
        %add3A_301 = arith.addi %mul3A_299, %add3A_300 : i32
        %swap3A_302 = arith.index_cast %add3A_301 : i32 to index
        %swap3A_303 = tpu.vector_load %arg9[%swap3A_302] {strides = array<i32>} : memref<8192xf32, #tpu.memory_space<vmem>>, vector<16xf32>,
        tpu.vector_store %arg9[%swap3A_302], %add3A_297 {strides = array<i32>} : memref<8192xf32, #tpu.memory_space<vmem>>, vector<16xf32>,
        %get3A_304 = arith.constant 0 : i32
        %get3A_305 = arith.index_cast %get3A_304 : i32 to index
        %get3A_306 = arith.index_cast %scan3A_171 : i32 to index
        %get3A_307 = arith.constant 304 : index
        %get3A_308 = tpu.vector_load %arg7[%get3A_305, %get3A_306, %get3A_307] {strides = array<i32>} : memref<2x128x384xf32, #tpu.memory_space<vmem>>, vector<16xf32>,
        %get3A_309 = arith.constant 0 : i32
        %get3A_310 = arith.index_cast %get3A_309 : i32 to index
        %get3A_311 = arith.index_cast %scan3A_171 : i32 to index
        %get3A_312 = arith.constant 48 : index
        %get3A_313 = tpu.vector_load %arg7[%get3A_310, %get3A_311, %get3A_312] {strides = array<i32>} : memref<2x128x384xf32, #tpu.memory_space<vmem>>, vector<16xf32>,
        %mul3A_314 = arith.mulf %gather3A, %get3A_313 : vector<16xf32>
        %add3A_315 = arith.addf %get3A_308, %mul3A_314 : vector<16xf32>
        %get3A_316 = arith.constant 0 : i32
        %get3A_317 = arith.index_cast %get3A_316 : i32 to index
        %get3A_318 = arith.index_cast %scan3A_171 : i32 to index
        %get3A_319 = arith.constant 112 : index
        %get3A_320 = tpu.vector_load %arg7[%get3A_317, %get3A_318, %get3A_319] {strides = array<i32>} : memref<2x128x384xf32, #tpu.memory_space<vmem>>, vector<16xf32>,
        %mul3A_321 = arith.mulf %gather3A_180, %get3A_320 : vector<16xf32>
        %add3A_322 = arith.addf %add3A_315, %mul3A_321 : vector<16xf32>
        %get3A_323 = arith.constant 0 : i32
        %get3A_324 = arith.index_cast %get3A_323 : i32 to index
        %get3A_325 = arith.index_cast %scan3A_171 : i32 to index
        %get3A_326 = arith.constant 176 : index
        %get3A_327 = tpu.vector_load %arg7[%get3A_324, %get3A_325, %get3A_326] {strides = array<i32>} : memref<2x128x384xf32, #tpu.memory_space<vmem>>, vector<16xf32>,
        %mul3A_328 = arith.mulf %gather3A_184, %get3A_327 : vector<16xf32>
        %add3A_329 = arith.addf %add3A_322, %mul3A_328 : vector<16xf32>
        %get3A_330 = arith.constant 0 : i32
        %get3A_331 = arith.index_cast %get3A_330 : i32 to index
        %get3A_332 = arith.index_cast %scan3A_171 : i32 to index
        %get3A_333 = arith.constant 240 : index
        %get3A_334 = tpu.vector_load %arg7[%get3A_331, %get3A_332, %get3A_333] {strides = array<i32>} : memref<2x128x384xf32, #tpu.memory_space<vmem>>, vector<16xf32>,
        %mul3A_335 = arith.mulf %gather3A_188, %get3A_334 : vector<16xf32>
        %add3A_336 = arith.addf %add3A_329, %mul3A_335 : vector<16xf32>
        %mul3A_337 = arith.constant 64 : i32
        %mul3A_338 = arith.muli %scan3A_171, %mul3A_337 : i32
        %add3A_339 = arith.constant 48 : i32
        %add3A_340 = arith.addi %mul3A_338, %add3A_339 : i32
        %swap3A_341 = arith.index_cast %add3A_340 : i32 to index
        %swap3A_342 = tpu.vector_load %arg9[%swap3A_341] {strides = array<i32>} : memref<8192xf32, #tpu.memory_space<vmem>>, vector<16xf32>,
        tpu.vector_store %arg9[%swap3A_341], %add3A_336 {strides = array<i32>} : memref<8192xf32, #tpu.memory_space<vmem>>, vector<16xf32>,
      }
      %scan3A_115 = arith.constant 128 : i32
      %mul3A_116 = arith.constant 3200 : i32
      %mul3A_117 = arith.muli %add3A, %mul3A_116 : i32
      %mul3A_118 = arith.constant 128 : i32
      %mul3A_119 = arith.muli %add3A_78, %mul3A_118 : i32
      %add3A_120 = arith.addi %mul3A_117, %mul3A_119 : i32
      %mul3A_121 = arith.constant 64 : i32
      %mul3A_122 = arith.muli %add3A_120, %mul3A_121 : i32
      "tpu.region"() ({
        %run_scoped3A = tpu.sem_alloc : memref<!tpu.dma_semaphore, #tpu.memory_space<semaphore_mem>>
        %dma_start3A_171 = tpu.memref_slice %arg5[%mul3A_122] : memref<6553600xf32, #tpu.memory_space<hbm>> -> memref<8192xf32, #tpu.memory_space<hbm>>
        %dma_start3A_172 = tpu.memref_slice %arg5[%mul3A_122] : memref<6553600xf32, #tpu.memory_space<hbm>> -> memref<8192xf32, #tpu.memory_space<hbm>>
        tpu.enqueue_dma source(%arg9 : memref<8192xf32, #tpu.memory_space<vmem>>) target(%dma_start3A_172 : memref<8192xf32, #tpu.memory_space<hbm>>) target_semaphore(%run_scoped3A : memref<!tpu.dma_semaphore, #tpu.memory_space<semaphore_mem>>)
        %dma_wait3A_173 = tpu.memref_slice %arg5[%mul3A_122] : memref<6553600xf32, #tpu.memory_space<hbm>> -> memref<8192xf32, #tpu.memory_space<hbm>>
        %dma_wait3A_174 = tpu.memref_slice %arg5[%mul3A_122] : memref<6553600xf32, #tpu.memory_space<hbm>> -> memref<8192xf32, #tpu.memory_space<hbm>>
        tpu.wait_dma2 semaphore(%run_scoped3A : memref<!tpu.dma_semaphore, #tpu.memory_space<semaphore_mem>>) src(%arg9 : memref<8192xf32, #tpu.memory_space<vmem>>) dst(%dma_wait3A_174 : memref<8192xf32, #tpu.memory_space<hbm>>)
        tpu.yield
      }) : () -> ()
      %mul3A_123 = arith.constant 2 : i32
      %mul3A_124 = arith.muli %scan3A_74, %mul3A_123 : i32
      %add3A_125 = arith.constant 1 : i32
      %add3A_126 = arith.addi %mul3A_124, %add3A_125 : i32
      %add3A_127 = arith.constant 1 : i32
      %add3A_128 = arith.addi %add3A_126, %add3A_127 : i32
      %lt3A_129 = arith.constant 25 : i32
      %lt3A_130 = arith.cmpi slt, %add3A_128, %lt3A_129 : i32
      %convert_element_type3A_131 = arith.extui %lt3A_130 : i1 to i32
      %cond3A_132 = arith.constant 0 : i32
      %cond3A_133 = arith.cmpi ne, %convert_element_type3A_131, %cond3A_132 : i32
      scf.if %cond3A_133 {
        %add3A_171 = arith.constant 1 : i32
        %add3A_172 = arith.addi %add3A_126, %add3A_171 : i32
        %dma_start3A_173 = arith.constant 0 : i32
        %dma_start3A_174 = arith.constant 0 : i32
        %dma_start3A_175 = arith.constant 0 : i32
        %dma_start3A_176 = tpu.memref_slice %arg7[%dma_start3A_173, %dma_start3A_174, %dma_start3A_175] : memref<2x128x384xf32, #tpu.memory_space<vmem>> -> memref<1x128x384xf32, #tpu.memory_space<vmem>>
        %dma_start3A_177 = tpu.memref_squeeze %dma_start3A_176 : memref<1x128x384xf32, #tpu.memory_space<vmem>> -> memref<128x384xf32, #tpu.memory_space<vmem>>
        %dma_start3A_178 = arith.constant 0 : i32
        %dma_start3A_179 = tpu.memref_slice %arg6[%add3A_172, %dma_start3A_178] : memref<25x128xi32, #tpu.memory_space<vmem>> -> memref<1x128xi32, #tpu.memory_space<vmem>>
        %dma_start3A_180 = tpu.memref_squeeze %dma_start3A_179 : memref<1x128xi32, #tpu.memory_space<vmem>> -> memref<128xi32, #tpu.memory_space<vmem>>
        %dma_start3A_181 = arith.constant 0 : i32
        %dma_start3A_182 = arith.constant 0 : i32
        %dma_start3A_183 = tpu.memref_slice %arg2[%dma_start3A_181, %dma_start3A_182] : memref<100000x384xf32, #tpu.memory_space<hbm>> -> memref<100000x384xf32, #tpu.memory_space<hbm>>
        tpu.enqueue_indirect_dma source(%dma_start3A_183 : memref<100000x384xf32, #tpu.memory_space<hbm>>) target(%dma_start3A_177 : memref<128x384xf32, #tpu.memory_space<vmem>>) offsets(%dma_start3A_180 : memref<128xi32, #tpu.memory_space<vmem>>) semaphore(%arg11 : memref<!tpu.dma_semaphore, #tpu.memory_space<semaphore_mem>>)
        %mul3A_184 = arith.constant 25 : i32
        %mul3A_185 = arith.muli %add3A, %mul3A_184 : i32
        %add3A_186 = arith.addi %mul3A_185, %add3A_126 : i32
        %add3A_187 = arith.constant 1 : i32
        %add3A_188 = arith.addi %add3A_186, %add3A_187 : i32
        %dma_start3A_189 = arith.constant 0 : i32
        %dma_start3A_190 = tpu.memref_slice %arg8[%dma_start3A_189] : memref<1024xf32, #tpu.memory_space<vmem>> -> memref<512xf32, #tpu.memory_space<vmem>>
        %dma_start3A_191 = arith.constant 0 : i32
        %dma_start3A_192 = tpu.memref_slice %arg4[%add3A_188, %dma_start3A_191] : memref<800x512xf32, #tpu.memory_space<hbm>> -> memref<1x512xf32, #tpu.memory_space<hbm>>
        %dma_start3A_193 = tpu.memref_squeeze %dma_start3A_192 : memref<1x512xf32, #tpu.memory_space<hbm>> -> memref<512xf32, #tpu.memory_space<hbm>>
        %dma_start3A_194 = arith.constant 0 : i32
        %dma_start3A_195 = tpu.memref_slice %arg8[%dma_start3A_194] : memref<1024xf32, #tpu.memory_space<vmem>> -> memref<512xf32, #tpu.memory_space<vmem>>
        %dma_start3A_196 = arith.constant 0 : i32
        %dma_start3A_197 = tpu.memref_slice %arg4[%add3A_188, %dma_start3A_196] : memref<800x512xf32, #tpu.memory_space<hbm>> -> memref<1x512xf32, #tpu.memory_space<hbm>>
        %dma_start3A_198 = tpu.memref_squeeze %dma_start3A_197 : memref<1x512xf32, #tpu.memory_space<hbm>> -> memref<512xf32, #tpu.memory_space<hbm>>
        tpu.enqueue_dma source(%dma_start3A_198 : memref<512xf32, #tpu.memory_space<hbm>>) target(%dma_start3A_195 : memref<512xf32, #tpu.memory_space<vmem>>) target_semaphore(%arg13 : memref<!tpu.dma_semaphore, #tpu.memory_space<semaphore_mem>>)
      } else {
      }
      %dma_wait3A_134 = arith.constant 1 : i32
      %dma_wait3A_135 = arith.constant 0 : i32
      %dma_wait3A_136 = arith.constant 0 : i32
      %dma_wait3A_137 = tpu.memref_slice %arg7[%dma_wait3A_134, %dma_wait3A_135, %dma_wait3A_136] : memref<2x128x384xf32, #tpu.memory_space<vmem>> -> memref<1x128x384xf32, #tpu.memory_space<vmem>>
      %dma_wait3A_138 = tpu.memref_squeeze %dma_wait3A_137 : memref<1x128x384xf32, #tpu.memory_space<vmem>> -> memref<128x384xf32, #tpu.memory_space<vmem>>
      %dma_wait3A_139 = arith.constant 0 : i32
      %dma_wait3A_140 = tpu.memref_slice %arg6[%add3A_126, %dma_wait3A_139] : memref<25x128xi32, #tpu.memory_space<vmem>> -> memref<1x128xi32, #tpu.memory_space<vmem>>
      %dma_wait3A_141 = tpu.memref_squeeze %dma_wait3A_140 : memref<1x128xi32, #tpu.memory_space<vmem>> -> memref<128xi32, #tpu.memory_space<vmem>>
      %dma_wait3A_142 = arith.constant 0 : i32
      %dma_wait3A_143 = arith.constant 0 : i32
      %dma_wait3A_144 = tpu.memref_slice %arg2[%dma_wait3A_142, %dma_wait3A_143] : memref<100000x384xf32, #tpu.memory_space<hbm>> -> memref<100000x384xf32, #tpu.memory_space<hbm>>
      tpu.wait_indirect_dma semaphore(%arg12 : memref<!tpu.dma_semaphore, #tpu.memory_space<semaphore_mem>>) src(%dma_wait3A_144 : memref<100000x384xf32, #tpu.memory_space<hbm>>) dst(%dma_wait3A_138 : memref<128x384xf32, #tpu.memory_space<vmem>>)
      %mul3A_145 = arith.constant 25 : i32
      %mul3A_146 = arith.muli %add3A, %mul3A_145 : i32
      %add3A_147 = arith.addi %mul3A_146, %add3A_126 : i32
      %dma_wait3A_148 = arith.constant 512 : i32
      %dma_wait3A_149 = tpu.memref_slice %arg8[%dma_wait3A_148] : memref<1024xf32, #tpu.memory_space<vmem>> -> memref<512xf32, #tpu.memory_space<vmem>>
      %dma_wait3A_150 = arith.constant 0 : i32
      %dma_wait3A_151 = tpu.memref_slice %arg4[%add3A_147, %dma_wait3A_150] : memref<800x512xf32, #tpu.memory_space<hbm>> -> memref<1x512xf32, #tpu.memory_space<hbm>>
      %dma_wait3A_152 = tpu.memref_squeeze %dma_wait3A_151 : memref<1x512xf32, #tpu.memory_space<hbm>> -> memref<512xf32, #tpu.memory_space<hbm>>
      %dma_wait3A_153 = arith.constant 512 : i32
      %dma_wait3A_154 = tpu.memref_slice %arg8[%dma_wait3A_153] : memref<1024xf32, #tpu.memory_space<vmem>> -> memref<512xf32, #tpu.memory_space<vmem>>
      %dma_wait3A_155 = arith.constant 0 : i32
      %dma_wait3A_156 = tpu.memref_slice %arg4[%add3A_147, %dma_wait3A_155] : memref<800x512xf32, #tpu.memory_space<hbm>> -> memref<1x512xf32, #tpu.memory_space<hbm>>
      %dma_wait3A_157 = tpu.memref_squeeze %dma_wait3A_156 : memref<1x512xf32, #tpu.memory_space<hbm>> -> memref<512xf32, #tpu.memory_space<hbm>>
      tpu.wait_dma2 semaphore(%arg14 : memref<!tpu.dma_semaphore, #tpu.memory_space<semaphore_mem>>) src(%dma_wait3A_157 : memref<512xf32, #tpu.memory_space<hbm>>) dst(%dma_wait3A_154 : memref<512xf32, #tpu.memory_space<vmem>>)
      %scan3A_158 = arith.constant 0 : i32
      %scan3A_159 = arith.constant 0 : i32
      %scan3A_160 = arith.constant 128 : i32
      %scan3A_161 = arith.addi %scan3A_159, %scan3A_160 : i32
      %scan3A_162 = arith.constant 1 : i32
      scf.for %scan3A_171 = %scan3A_159 to %scan3A_161 step %scan3A_162  : i32 {
        %mul3A_172 = arith.constant 4 : i32
        %mul3A_173 = arith.muli %scan3A_171, %mul3A_172 : i32
        %broadcast_in_dim3A = vector.broadcast %mul3A_173 : i32 to vector<16xi32>
        %add3A_174 = arith.constant 512 : i32
        %add3A_175 = vector.broadcast %add3A_174 : i32 to vector<16xi32>
        %add3A_176 = arith.addi %broadcast_in_dim3A, %add3A_175 : vector<16xi32>
        %gather3A = tpu.vector_load_idx %arg8[%add3A_176] : memref<1024xf32, #tpu.memory_space<vmem>>[vector<16xi32>], vector<16xf32>,
        %add3A_177 = arith.constant 513 : i32
        %add3A_178 = vector.broadcast %add3A_177 : i32 to vector<16xi32>
        %add3A_179 = arith.addi %broadcast_in_dim3A, %add3A_178 : vector<16xi32>
        %gather3A_180 = tpu.vector_load_idx %arg8[%add3A_179] : memref<1024xf32, #tpu.memory_space<vmem>>[vector<16xi32>], vector<16xf32>,
        %add3A_181 = arith.constant 514 : i32
        %add3A_182 = vector.broadcast %add3A_181 : i32 to vector<16xi32>
        %add3A_183 = arith.addi %broadcast_in_dim3A, %add3A_182 : vector<16xi32>
        %gather3A_184 = tpu.vector_load_idx %arg8[%add3A_183] : memref<1024xf32, #tpu.memory_space<vmem>>[vector<16xi32>], vector<16xf32>,
        %add3A_185 = arith.constant 515 : i32
        %add3A_186 = vector.broadcast %add3A_185 : i32 to vector<16xi32>
        %add3A_187 = arith.addi %broadcast_in_dim3A, %add3A_186 : vector<16xi32>
        %gather3A_188 = tpu.vector_load_idx %arg8[%add3A_187] : memref<1024xf32, #tpu.memory_space<vmem>>[vector<16xi32>], vector<16xf32>,
        %get3A = arith.constant 1 : i32
        %get3A_189 = arith.index_cast %get3A : i32 to index
        %get3A_190 = arith.index_cast %scan3A_171 : i32 to index
        %get3A_191 = arith.constant 256 : index
        %get3A_192 = tpu.vector_load %arg7[%get3A_189, %get3A_190, %get3A_191] {strides = array<i32>} : memref<2x128x384xf32, #tpu.memory_space<vmem>>, vector<16xf32>,
        %get3A_193 = arith.constant 1 : i32
        %get3A_194 = arith.index_cast %get3A_193 : i32 to index
        %get3A_195 = arith.index_cast %scan3A_171 : i32 to index
        %get3A_196 = arith.constant 0 : index
        %get3A_197 = tpu.vector_load %arg7[%get3A_194, %get3A_195, %get3A_196] {strides = array<i32>} : memref<2x128x384xf32, #tpu.memory_space<vmem>>, vector<16xf32>,
        %mul3A_198 = arith.mulf %gather3A, %get3A_197 : vector<16xf32>
        %add3A_199 = arith.addf %get3A_192, %mul3A_198 : vector<16xf32>
        %get3A_200 = arith.constant 1 : i32
        %get3A_201 = arith.index_cast %get3A_200 : i32 to index
        %get3A_202 = arith.index_cast %scan3A_171 : i32 to index
        %get3A_203 = arith.constant 64 : index
        %get3A_204 = tpu.vector_load %arg7[%get3A_201, %get3A_202, %get3A_203] {strides = array<i32>} : memref<2x128x384xf32, #tpu.memory_space<vmem>>, vector<16xf32>,
        %mul3A_205 = arith.mulf %gather3A_180, %get3A_204 : vector<16xf32>
        %add3A_206 = arith.addf %add3A_199, %mul3A_205 : vector<16xf32>
        %get3A_207 = arith.constant 1 : i32
        %get3A_208 = arith.index_cast %get3A_207 : i32 to index
        %get3A_209 = arith.index_cast %scan3A_171 : i32 to index
        %get3A_210 = arith.constant 128 : index
        %get3A_211 = tpu.vector_load %arg7[%get3A_208, %get3A_209, %get3A_210] {strides = array<i32>} : memref<2x128x384xf32, #tpu.memory_space<vmem>>, vector<16xf32>,
        %mul3A_212 = arith.mulf %gather3A_184, %get3A_211 : vector<16xf32>
        %add3A_213 = arith.addf %add3A_206, %mul3A_212 : vector<16xf32>
        %get3A_214 = arith.constant 1 : i32
        %get3A_215 = arith.index_cast %get3A_214 : i32 to index
        %get3A_216 = arith.index_cast %scan3A_171 : i32 to index
        %get3A_217 = arith.constant 192 : index
        %get3A_218 = tpu.vector_load %arg7[%get3A_215, %get3A_216, %get3A_217] {strides = array<i32>} : memref<2x128x384xf32, #tpu.memory_space<vmem>>, vector<16xf32>,
        %mul3A_219 = arith.mulf %gather3A_188, %get3A_218 : vector<16xf32>
        %add3A_220 = arith.addf %add3A_213, %mul3A_219 : vector<16xf32>
        %mul3A_221 = arith.constant 64 : i32
        %mul3A_222 = arith.muli %scan3A_171, %mul3A_221 : i32
        %add3A_223 = arith.constant 0 : i32
        %add3A_224 = arith.addi %mul3A_222, %add3A_223 : i32
        %swap3A = arith.index_cast %add3A_224 : i32 to index
        %swap3A_225 = tpu.vector_load %arg10[%swap3A] {strides = array<i32>} : memref<8192xf32, #tpu.memory_space<vmem>>, vector<16xf32>,
        tpu.vector_store %arg10[%swap3A], %add3A_220 {strides = array<i32>} : memref<8192xf32, #tpu.memory_space<vmem>>, vector<16xf32>,
        %get3A_226 = arith.constant 1 : i32
        %get3A_227 = arith.index_cast %get3A_226 : i32 to index
        %get3A_228 = arith.index_cast %scan3A_171 : i32 to index
        %get3A_229 = arith.constant 272 : index
        %get3A_230 = tpu.vector_load %arg7[%get3A_227, %get3A_228, %get3A_229] {strides = array<i32>} : memref<2x128x384xf32, #tpu.memory_space<vmem>>, vector<16xf32>,
        %get3A_231 = arith.constant 1 : i32
        %get3A_232 = arith.index_cast %get3A_231 : i32 to index
        %get3A_233 = arith.index_cast %scan3A_171 : i32 to index
        %get3A_234 = arith.constant 16 : index
        %get3A_235 = tpu.vector_load %arg7[%get3A_232, %get3A_233, %get3A_234] {strides = array<i32>} : memref<2x128x384xf32, #tpu.memory_space<vmem>>, vector<16xf32>,
        %mul3A_236 = arith.mulf %gather3A, %get3A_235 : vector<16xf32>
        %add3A_237 = arith.addf %get3A_230, %mul3A_236 : vector<16xf32>
        %get3A_238 = arith.constant 1 : i32
        %get3A_239 = arith.index_cast %get3A_238 : i32 to index
        %get3A_240 = arith.index_cast %scan3A_171 : i32 to index
        %get3A_241 = arith.constant 80 : index
        %get3A_242 = tpu.vector_load %arg7[%get3A_239, %get3A_240, %get3A_241] {strides = array<i32>} : memref<2x128x384xf32, #tpu.memory_space<vmem>>, vector<16xf32>,
        %mul3A_243 = arith.mulf %gather3A_180, %get3A_242 : vector<16xf32>
        %add3A_244 = arith.addf %add3A_237, %mul3A_243 : vector<16xf32>
        %get3A_245 = arith.constant 1 : i32
        %get3A_246 = arith.index_cast %get3A_245 : i32 to index
        %get3A_247 = arith.index_cast %scan3A_171 : i32 to index
        %get3A_248 = arith.constant 144 : index
        %get3A_249 = tpu.vector_load %arg7[%get3A_246, %get3A_247, %get3A_248] {strides = array<i32>} : memref<2x128x384xf32, #tpu.memory_space<vmem>>, vector<16xf32>,
        %mul3A_250 = arith.mulf %gather3A_184, %get3A_249 : vector<16xf32>
        %add3A_251 = arith.addf %add3A_244, %mul3A_250 : vector<16xf32>
        %get3A_252 = arith.constant 1 : i32
        %get3A_253 = arith.index_cast %get3A_252 : i32 to index
        %get3A_254 = arith.index_cast %scan3A_171 : i32 to index
        %get3A_255 = arith.constant 208 : index
        %get3A_256 = tpu.vector_load %arg7[%get3A_253, %get3A_254, %get3A_255] {strides = array<i32>} : memref<2x128x384xf32, #tpu.memory_space<vmem>>, vector<16xf32>,
        %mul3A_257 = arith.mulf %gather3A_188, %get3A_256 : vector<16xf32>
        %add3A_258 = arith.addf %add3A_251, %mul3A_257 : vector<16xf32>
        %mul3A_259 = arith.constant 64 : i32
        %mul3A_260 = arith.muli %scan3A_171, %mul3A_259 : i32
        %add3A_261 = arith.constant 16 : i32
        %add3A_262 = arith.addi %mul3A_260, %add3A_261 : i32
        %swap3A_263 = arith.index_cast %add3A_262 : i32 to index
        %swap3A_264 = tpu.vector_load %arg10[%swap3A_263] {strides = array<i32>} : memref<8192xf32, #tpu.memory_space<vmem>>, vector<16xf32>,
        tpu.vector_store %arg10[%swap3A_263], %add3A_258 {strides = array<i32>} : memref<8192xf32, #tpu.memory_space<vmem>>, vector<16xf32>,
        %get3A_265 = arith.constant 1 : i32
        %get3A_266 = arith.index_cast %get3A_265 : i32 to index
        %get3A_267 = arith.index_cast %scan3A_171 : i32 to index
        %get3A_268 = arith.constant 288 : index
        %get3A_269 = tpu.vector_load %arg7[%get3A_266, %get3A_267, %get3A_268] {strides = array<i32>} : memref<2x128x384xf32, #tpu.memory_space<vmem>>, vector<16xf32>,
        %get3A_270 = arith.constant 1 : i32
        %get3A_271 = arith.index_cast %get3A_270 : i32 to index
        %get3A_272 = arith.index_cast %scan3A_171 : i32 to index
        %get3A_273 = arith.constant 32 : index
        %get3A_274 = tpu.vector_load %arg7[%get3A_271, %get3A_272, %get3A_273] {strides = array<i32>} : memref<2x128x384xf32, #tpu.memory_space<vmem>>, vector<16xf32>,
        %mul3A_275 = arith.mulf %gather3A, %get3A_274 : vector<16xf32>
        %add3A_276 = arith.addf %get3A_269, %mul3A_275 : vector<16xf32>
        %get3A_277 = arith.constant 1 : i32
        %get3A_278 = arith.index_cast %get3A_277 : i32 to index
        %get3A_279 = arith.index_cast %scan3A_171 : i32 to index
        %get3A_280 = arith.constant 96 : index
        %get3A_281 = tpu.vector_load %arg7[%get3A_278, %get3A_279, %get3A_280] {strides = array<i32>} : memref<2x128x384xf32, #tpu.memory_space<vmem>>, vector<16xf32>,
        %mul3A_282 = arith.mulf %gather3A_180, %get3A_281 : vector<16xf32>
        %add3A_283 = arith.addf %add3A_276, %mul3A_282 : vector<16xf32>
        %get3A_284 = arith.constant 1 : i32
        %get3A_285 = arith.index_cast %get3A_284 : i32 to index
        %get3A_286 = arith.index_cast %scan3A_171 : i32 to index
        %get3A_287 = arith.constant 160 : index
        %get3A_288 = tpu.vector_load %arg7[%get3A_285, %get3A_286, %get3A_287] {strides = array<i32>} : memref<2x128x384xf32, #tpu.memory_space<vmem>>, vector<16xf32>,
        %mul3A_289 = arith.mulf %gather3A_184, %get3A_288 : vector<16xf32>
        %add3A_290 = arith.addf %add3A_283, %mul3A_289 : vector<16xf32>
        %get3A_291 = arith.constant 1 : i32
        %get3A_292 = arith.index_cast %get3A_291 : i32 to index
        %get3A_293 = arith.index_cast %scan3A_171 : i32 to index
        %get3A_294 = arith.constant 224 : index
        %get3A_295 = tpu.vector_load %arg7[%get3A_292, %get3A_293, %get3A_294] {strides = array<i32>} : memref<2x128x384xf32, #tpu.memory_space<vmem>>, vector<16xf32>,
        %mul3A_296 = arith.mulf %gather3A_188, %get3A_295 : vector<16xf32>
        %add3A_297 = arith.addf %add3A_290, %mul3A_296 : vector<16xf32>
        %mul3A_298 = arith.constant 64 : i32
        %mul3A_299 = arith.muli %scan3A_171, %mul3A_298 : i32
        %add3A_300 = arith.constant 32 : i32
        %add3A_301 = arith.addi %mul3A_299, %add3A_300 : i32
        %swap3A_302 = arith.index_cast %add3A_301 : i32 to index
        %swap3A_303 = tpu.vector_load %arg10[%swap3A_302] {strides = array<i32>} : memref<8192xf32, #tpu.memory_space<vmem>>, vector<16xf32>,
        tpu.vector_store %arg10[%swap3A_302], %add3A_297 {strides = array<i32>} : memref<8192xf32, #tpu.memory_space<vmem>>, vector<16xf32>,
        %get3A_304 = arith.constant 1 : i32
        %get3A_305 = arith.index_cast %get3A_304 : i32 to index
        %get3A_306 = arith.index_cast %scan3A_171 : i32 to index
        %get3A_307 = arith.constant 304 : index
        %get3A_308 = tpu.vector_load %arg7[%get3A_305, %get3A_306, %get3A_307] {strides = array<i32>} : memref<2x128x384xf32, #tpu.memory_space<vmem>>, vector<16xf32>,
        %get3A_309 = arith.constant 1 : i32
        %get3A_310 = arith.index_cast %get3A_309 : i32 to index
        %get3A_311 = arith.index_cast %scan3A_171 : i32 to index
        %get3A_312 = arith.constant 48 : index
        %get3A_313 = tpu.vector_load %arg7[%get3A_310, %get3A_311, %get3A_312] {strides = array<i32>} : memref<2x128x384xf32, #tpu.memory_space<vmem>>, vector<16xf32>,
        %mul3A_314 = arith.mulf %gather3A, %get3A_313 : vector<16xf32>
        %add3A_315 = arith.addf %get3A_308, %mul3A_314 : vector<16xf32>
        %get3A_316 = arith.constant 1 : i32
        %get3A_317 = arith.index_cast %get3A_316 : i32 to index
        %get3A_318 = arith.index_cast %scan3A_171 : i32 to index
        %get3A_319 = arith.constant 112 : index
        %get3A_320 = tpu.vector_load %arg7[%get3A_317, %get3A_318, %get3A_319] {strides = array<i32>} : memref<2x128x384xf32, #tpu.memory_space<vmem>>, vector<16xf32>,
        %mul3A_321 = arith.mulf %gather3A_180, %get3A_320 : vector<16xf32>
        %add3A_322 = arith.addf %add3A_315, %mul3A_321 : vector<16xf32>
        %get3A_323 = arith.constant 1 : i32
        %get3A_324 = arith.index_cast %get3A_323 : i32 to index
        %get3A_325 = arith.index_cast %scan3A_171 : i32 to index
        %get3A_326 = arith.constant 176 : index
        %get3A_327 = tpu.vector_load %arg7[%get3A_324, %get3A_325, %get3A_326] {strides = array<i32>} : memref<2x128x384xf32, #tpu.memory_space<vmem>>, vector<16xf32>,
        %mul3A_328 = arith.mulf %gather3A_184, %get3A_327 : vector<16xf32>
        %add3A_329 = arith.addf %add3A_322, %mul3A_328 : vector<16xf32>
        %get3A_330 = arith.constant 1 : i32
        %get3A_331 = arith.index_cast %get3A_330 : i32 to index
        %get3A_332 = arith.index_cast %scan3A_171 : i32 to index
        %get3A_333 = arith.constant 240 : index
        %get3A_334 = tpu.vector_load %arg7[%get3A_331, %get3A_332, %get3A_333] {strides = array<i32>} : memref<2x128x384xf32, #tpu.memory_space<vmem>>, vector<16xf32>,
        %mul3A_335 = arith.mulf %gather3A_188, %get3A_334 : vector<16xf32>
        %add3A_336 = arith.addf %add3A_329, %mul3A_335 : vector<16xf32>
        %mul3A_337 = arith.constant 64 : i32
        %mul3A_338 = arith.muli %scan3A_171, %mul3A_337 : i32
        %add3A_339 = arith.constant 48 : i32
        %add3A_340 = arith.addi %mul3A_338, %add3A_339 : i32
        %swap3A_341 = arith.index_cast %add3A_340 : i32 to index
        %swap3A_342 = tpu.vector_load %arg10[%swap3A_341] {strides = array<i32>} : memref<8192xf32, #tpu.memory_space<vmem>>, vector<16xf32>,
        tpu.vector_store %arg10[%swap3A_341], %add3A_336 {strides = array<i32>} : memref<8192xf32, #tpu.memory_space<vmem>>, vector<16xf32>,
      }
      %scan3A_163 = arith.constant 128 : i32
      %mul3A_164 = arith.constant 3200 : i32
      %mul3A_165 = arith.muli %add3A, %mul3A_164 : i32
      %mul3A_166 = arith.constant 128 : i32
      %mul3A_167 = arith.muli %add3A_126, %mul3A_166 : i32
      %add3A_168 = arith.addi %mul3A_165, %mul3A_167 : i32
      %mul3A_169 = arith.constant 64 : i32
      %mul3A_170 = arith.muli %add3A_168, %mul3A_169 : i32
      "tpu.region"() ({
        %run_scoped3A = tpu.sem_alloc : memref<!tpu.dma_semaphore, #tpu.memory_space<semaphore_mem>>
        %dma_start3A_171 = tpu.memref_slice %arg5[%mul3A_170] : memref<6553600xf32, #tpu.memory_space<hbm>> -> memref<8192xf32, #tpu.memory_space<hbm>>
        %dma_start3A_172 = tpu.memref_slice %arg5[%mul3A_170] : memref<6553600xf32, #tpu.memory_space<hbm>> -> memref<8192xf32, #tpu.memory_space<hbm>>
        tpu.enqueue_dma source(%arg10 : memref<8192xf32, #tpu.memory_space<vmem>>) target(%dma_start3A_172 : memref<8192xf32, #tpu.memory_space<hbm>>) target_semaphore(%run_scoped3A : memref<!tpu.dma_semaphore, #tpu.memory_space<semaphore_mem>>)
        %dma_wait3A_173 = tpu.memref_slice %arg5[%mul3A_170] : memref<6553600xf32, #tpu.memory_space<hbm>> -> memref<8192xf32, #tpu.memory_space<hbm>>
        %dma_wait3A_174 = tpu.memref_slice %arg5[%mul3A_170] : memref<6553600xf32, #tpu.memory_space<hbm>> -> memref<8192xf32, #tpu.memory_space<hbm>>
        tpu.wait_dma2 semaphore(%run_scoped3A : memref<!tpu.dma_semaphore, #tpu.memory_space<semaphore_mem>>) src(%arg10 : memref<8192xf32, #tpu.memory_space<vmem>>) dst(%dma_wait3A_174 : memref<8192xf32, #tpu.memory_space<hbm>>)
        tpu.yield
      }) : () -> ()
    }
    %scan3A_28 = arith.constant 12 : i32
    %add3A_29 = arith.constant 24 : i32
    %add3A_30 = arith.constant 1 : i32
    %add3A_31 = arith.addi %add3A_29, %add3A_30 : i32
    %lt3A = arith.constant 25 : i32
    %lt3A_32 = arith.cmpi slt, %add3A_31, %lt3A : i32
    %convert_element_type3A = arith.extui %lt3A_32 : i1 to i32
    %cond3A = arith.constant 24 : i32
    %cond3A_33 = arith.constant 0 : i32
    %cond3A_34 = arith.cmpi ne, %convert_element_type3A, %cond3A_33 : i32
    scf.if %cond3A_34 {
      %add3A_74 = arith.constant 1 : i32
      %add3A_75 = arith.addi %cond3A, %add3A_74 : i32
      %dma_start3A_76 = arith.constant 1 : i32
      %dma_start3A_77 = arith.constant 0 : i32
      %dma_start3A_78 = arith.constant 0 : i32
      %dma_start3A_79 = tpu.memref_slice %arg7[%dma_start3A_76, %dma_start3A_77, %dma_start3A_78] : memref<2x128x384xf32, #tpu.memory_space<vmem>> -> memref<1x128x384xf32, #tpu.memory_space<vmem>>
      %dma_start3A_80 = tpu.memref_squeeze %dma_start3A_79 : memref<1x128x384xf32, #tpu.memory_space<vmem>> -> memref<128x384xf32, #tpu.memory_space<vmem>>
      %dma_start3A_81 = arith.constant 0 : i32
      %dma_start3A_82 = tpu.memref_slice %arg6[%add3A_75, %dma_start3A_81] : memref<25x128xi32, #tpu.memory_space<vmem>> -> memref<1x128xi32, #tpu.memory_space<vmem>>
      %dma_start3A_83 = tpu.memref_squeeze %dma_start3A_82 : memref<1x128xi32, #tpu.memory_space<vmem>> -> memref<128xi32, #tpu.memory_space<vmem>>
      %dma_start3A_84 = arith.constant 0 : i32
      %dma_start3A_85 = arith.constant 0 : i32
      %dma_start3A_86 = tpu.memref_slice %arg2[%dma_start3A_84, %dma_start3A_85] : memref<100000x384xf32, #tpu.memory_space<hbm>> -> memref<100000x384xf32, #tpu.memory_space<hbm>>
      tpu.enqueue_indirect_dma source(%dma_start3A_86 : memref<100000x384xf32, #tpu.memory_space<hbm>>) target(%dma_start3A_80 : memref<128x384xf32, #tpu.memory_space<vmem>>) offsets(%dma_start3A_83 : memref<128xi32, #tpu.memory_space<vmem>>) semaphore(%arg12 : memref<!tpu.dma_semaphore, #tpu.memory_space<semaphore_mem>>)
      %mul3A_87 = arith.constant 25 : i32
      %mul3A_88 = arith.muli %add3A, %mul3A_87 : i32
      %add3A_89 = arith.addi %mul3A_88, %cond3A : i32
      %add3A_90 = arith.constant 1 : i32
      %add3A_91 = arith.addi %add3A_89, %add3A_90 : i32
      %dma_start3A_92 = arith.constant 512 : i32
      %dma_start3A_93 = tpu.memref_slice %arg8[%dma_start3A_92] : memref<1024xf32, #tpu.memory_space<vmem>> -> memref<512xf32, #tpu.memory_space<vmem>>
      %dma_start3A_94 = arith.constant 0 : i32
      %dma_start3A_95 = tpu.memref_slice %arg4[%add3A_91, %dma_start3A_94] : memref<800x512xf32, #tpu.memory_space<hbm>> -> memref<1x512xf32, #tpu.memory_space<hbm>>
      %dma_start3A_96 = tpu.memref_squeeze %dma_start3A_95 : memref<1x512xf32, #tpu.memory_space<hbm>> -> memref<512xf32, #tpu.memory_space<hbm>>
      %dma_start3A_97 = arith.constant 512 : i32
      %dma_start3A_98 = tpu.memref_slice %arg8[%dma_start3A_97] : memref<1024xf32, #tpu.memory_space<vmem>> -> memref<512xf32, #tpu.memory_space<vmem>>
      %dma_start3A_99 = arith.constant 0 : i32
      %dma_start3A_100 = tpu.memref_slice %arg4[%add3A_91, %dma_start3A_99] : memref<800x512xf32, #tpu.memory_space<hbm>> -> memref<1x512xf32, #tpu.memory_space<hbm>>
      %dma_start3A_101 = tpu.memref_squeeze %dma_start3A_100 : memref<1x512xf32, #tpu.memory_space<hbm>> -> memref<512xf32, #tpu.memory_space<hbm>>
      tpu.enqueue_dma source(%dma_start3A_101 : memref<512xf32, #tpu.memory_space<hbm>>) target(%dma_start3A_98 : memref<512xf32, #tpu.memory_space<vmem>>) target_semaphore(%arg14 : memref<!tpu.dma_semaphore, #tpu.memory_space<semaphore_mem>>)
    } else {
    }
    %dma_wait3A = arith.constant 24 : i32
    %dma_wait3A_35 = arith.constant 0 : i32
    %dma_wait3A_36 = arith.constant 0 : i32
    %dma_wait3A_37 = arith.constant 0 : i32
    %dma_wait3A_38 = tpu.memref_slice %arg7[%dma_wait3A_35, %dma_wait3A_36, %dma_wait3A_37] : memref<2x128x384xf32, #tpu.memory_space<vmem>> -> memref<1x128x384xf32, #tpu.memory_space<vmem>>
    %dma_wait3A_39 = tpu.memref_squeeze %dma_wait3A_38 : memref<1x128x384xf32, #tpu.memory_space<vmem>> -> memref<128x384xf32, #tpu.memory_space<vmem>>
    %dma_wait3A_40 = arith.constant 0 : i32
    %dma_wait3A_41 = tpu.memref_slice %arg6[%dma_wait3A, %dma_wait3A_40] : memref<25x128xi32, #tpu.memory_space<vmem>> -> memref<1x128xi32, #tpu.memory_space<vmem>>
    %dma_wait3A_42 = tpu.memref_squeeze %dma_wait3A_41 : memref<1x128xi32, #tpu.memory_space<vmem>> -> memref<128xi32, #tpu.memory_space<vmem>>
    %dma_wait3A_43 = arith.constant 0 : i32
    %dma_wait3A_44 = arith.constant 0 : i32
    %dma_wait3A_45 = tpu.memref_slice %arg2[%dma_wait3A_43, %dma_wait3A_44] : memref<100000x384xf32, #tpu.memory_space<hbm>> -> memref<100000x384xf32, #tpu.memory_space<hbm>>
    tpu.wait_indirect_dma semaphore(%arg11 : memref<!tpu.dma_semaphore, #tpu.memory_space<semaphore_mem>>) src(%dma_wait3A_45 : memref<100000x384xf32, #tpu.memory_space<hbm>>) dst(%dma_wait3A_39 : memref<128x384xf32, #tpu.memory_space<vmem>>)
    %mul3A_46 = arith.constant 25 : i32
    %mul3A_47 = arith.muli %add3A, %mul3A_46 : i32
    %add3A_48 = arith.constant 24 : i32
    %add3A_49 = arith.addi %mul3A_47, %add3A_48 : i32
    %dma_wait3A_50 = arith.constant 0 : i32
    %dma_wait3A_51 = tpu.memref_slice %arg8[%dma_wait3A_50] : memref<1024xf32, #tpu.memory_space<vmem>> -> memref<512xf32, #tpu.memory_space<vmem>>
    %dma_wait3A_52 = arith.constant 0 : i32
    %dma_wait3A_53 = tpu.memref_slice %arg4[%add3A_49, %dma_wait3A_52] : memref<800x512xf32, #tpu.memory_space<hbm>> -> memref<1x512xf32, #tpu.memory_space<hbm>>
    %dma_wait3A_54 = tpu.memref_squeeze %dma_wait3A_53 : memref<1x512xf32, #tpu.memory_space<hbm>> -> memref<512xf32, #tpu.memory_space<hbm>>
    %dma_wait3A_55 = arith.constant 0 : i32
    %dma_wait3A_56 = tpu.memref_slice %arg8[%dma_wait3A_55] : memref<1024xf32, #tpu.memory_space<vmem>> -> memref<512xf32, #tpu.memory_space<vmem>>
    %dma_wait3A_57 = arith.constant 0 : i32
    %dma_wait3A_58 = tpu.memref_slice %arg4[%add3A_49, %dma_wait3A_57] : memref<800x512xf32, #tpu.memory_space<hbm>> -> memref<1x512xf32, #tpu.memory_space<hbm>>
    %dma_wait3A_59 = tpu.memref_squeeze %dma_wait3A_58 : memref<1x512xf32, #tpu.memory_space<hbm>> -> memref<512xf32, #tpu.memory_space<hbm>>
    tpu.wait_dma2 semaphore(%arg13 : memref<!tpu.dma_semaphore, #tpu.memory_space<semaphore_mem>>) src(%dma_wait3A_59 : memref<512xf32, #tpu.memory_space<hbm>>) dst(%dma_wait3A_56 : memref<512xf32, #tpu.memory_space<vmem>>)
    %scan3A_60 = arith.constant 0 : i32
    %scan3A_61 = arith.constant 0 : i32
    %scan3A_62 = arith.constant 128 : i32
    %scan3A_63 = arith.addi %scan3A_61, %scan3A_62 : i32
    %scan3A_64 = arith.constant 1 : i32
    scf.for %scan3A_74 = %scan3A_61 to %scan3A_63 step %scan3A_64  : i32 {
      %mul3A_75 = arith.constant 4 : i32
      %mul3A_76 = arith.muli %scan3A_74, %mul3A_75 : i32
      %broadcast_in_dim3A = vector.broadcast %mul3A_76 : i32 to vector<16xi32>
      %add3A_77 = arith.constant 0 : i32
      %add3A_78 = vector.broadcast %add3A_77 : i32 to vector<16xi32>
      %add3A_79 = arith.addi %broadcast_in_dim3A, %add3A_78 : vector<16xi32>
      %gather3A = tpu.vector_load_idx %arg8[%add3A_79] : memref<1024xf32, #tpu.memory_space<vmem>>[vector<16xi32>], vector<16xf32>,
      %add3A_80 = arith.constant 1 : i32
      %add3A_81 = vector.broadcast %add3A_80 : i32 to vector<16xi32>
      %add3A_82 = arith.addi %broadcast_in_dim3A, %add3A_81 : vector<16xi32>
      %gather3A_83 = tpu.vector_load_idx %arg8[%add3A_82] : memref<1024xf32, #tpu.memory_space<vmem>>[vector<16xi32>], vector<16xf32>,
      %add3A_84 = arith.constant 2 : i32
      %add3A_85 = vector.broadcast %add3A_84 : i32 to vector<16xi32>
      %add3A_86 = arith.addi %broadcast_in_dim3A, %add3A_85 : vector<16xi32>
      %gather3A_87 = tpu.vector_load_idx %arg8[%add3A_86] : memref<1024xf32, #tpu.memory_space<vmem>>[vector<16xi32>], vector<16xf32>,
      %add3A_88 = arith.constant 3 : i32
      %add3A_89 = vector.broadcast %add3A_88 : i32 to vector<16xi32>
      %add3A_90 = arith.addi %broadcast_in_dim3A, %add3A_89 : vector<16xi32>
      %gather3A_91 = tpu.vector_load_idx %arg8[%add3A_90] : memref<1024xf32, #tpu.memory_space<vmem>>[vector<16xi32>], vector<16xf32>,
      %get3A = arith.constant 0 : i32
      %get3A_92 = arith.index_cast %get3A : i32 to index
      %get3A_93 = arith.index_cast %scan3A_74 : i32 to index
      %get3A_94 = arith.constant 256 : index
      %get3A_95 = tpu.vector_load %arg7[%get3A_92, %get3A_93, %get3A_94] {strides = array<i32>} : memref<2x128x384xf32, #tpu.memory_space<vmem>>, vector<16xf32>,
      %get3A_96 = arith.constant 0 : i32
      %get3A_97 = arith.index_cast %get3A_96 : i32 to index
      %get3A_98 = arith.index_cast %scan3A_74 : i32 to index
      %get3A_99 = arith.constant 0 : index
      %get3A_100 = tpu.vector_load %arg7[%get3A_97, %get3A_98, %get3A_99] {strides = array<i32>} : memref<2x128x384xf32, #tpu.memory_space<vmem>>, vector<16xf32>,
      %mul3A_101 = arith.mulf %gather3A, %get3A_100 : vector<16xf32>
      %add3A_102 = arith.addf %get3A_95, %mul3A_101 : vector<16xf32>
      %get3A_103 = arith.constant 0 : i32
      %get3A_104 = arith.index_cast %get3A_103 : i32 to index
      %get3A_105 = arith.index_cast %scan3A_74 : i32 to index
      %get3A_106 = arith.constant 64 : index
      %get3A_107 = tpu.vector_load %arg7[%get3A_104, %get3A_105, %get3A_106] {strides = array<i32>} : memref<2x128x384xf32, #tpu.memory_space<vmem>>, vector<16xf32>,
      %mul3A_108 = arith.mulf %gather3A_83, %get3A_107 : vector<16xf32>
      %add3A_109 = arith.addf %add3A_102, %mul3A_108 : vector<16xf32>
      %get3A_110 = arith.constant 0 : i32
      %get3A_111 = arith.index_cast %get3A_110 : i32 to index
      %get3A_112 = arith.index_cast %scan3A_74 : i32 to index
      %get3A_113 = arith.constant 128 : index
      %get3A_114 = tpu.vector_load %arg7[%get3A_111, %get3A_112, %get3A_113] {strides = array<i32>} : memref<2x128x384xf32, #tpu.memory_space<vmem>>, vector<16xf32>,
      %mul3A_115 = arith.mulf %gather3A_87, %get3A_114 : vector<16xf32>
      %add3A_116 = arith.addf %add3A_109, %mul3A_115 : vector<16xf32>
      %get3A_117 = arith.constant 0 : i32
      %get3A_118 = arith.index_cast %get3A_117 : i32 to index
      %get3A_119 = arith.index_cast %scan3A_74 : i32 to index
      %get3A_120 = arith.constant 192 : index
      %get3A_121 = tpu.vector_load %arg7[%get3A_118, %get3A_119, %get3A_120] {strides = array<i32>} : memref<2x128x384xf32, #tpu.memory_space<vmem>>, vector<16xf32>,
      %mul3A_122 = arith.mulf %gather3A_91, %get3A_121 : vector<16xf32>
      %add3A_123 = arith.addf %add3A_116, %mul3A_122 : vector<16xf32>
      %mul3A_124 = arith.constant 64 : i32
      %mul3A_125 = arith.muli %scan3A_74, %mul3A_124 : i32
      %add3A_126 = arith.constant 0 : i32
      %add3A_127 = arith.addi %mul3A_125, %add3A_126 : i32
      %swap3A = arith.index_cast %add3A_127 : i32 to index
      %swap3A_128 = tpu.vector_load %arg9[%swap3A] {strides = array<i32>} : memref<8192xf32, #tpu.memory_space<vmem>>, vector<16xf32>,
      tpu.vector_store %arg9[%swap3A], %add3A_123 {strides = array<i32>} : memref<8192xf32, #tpu.memory_space<vmem>>, vector<16xf32>,
      %get3A_129 = arith.constant 0 : i32
      %get3A_130 = arith.index_cast %get3A_129 : i32 to index
      %get3A_131 = arith.index_cast %scan3A_74 : i32 to index
      %get3A_132 = arith.constant 272 : index
      %get3A_133 = tpu.vector_load %arg7[%get3A_130, %get3A_131, %get3A_132] {strides = array<i32>} : memref<2x128x384xf32, #tpu.memory_space<vmem>>, vector<16xf32>,
      %get3A_134 = arith.constant 0 : i32
      %get3A_135 = arith.index_cast %get3A_134 : i32 to index
      %get3A_136 = arith.index_cast %scan3A_74 : i32 to index
      %get3A_137 = arith.constant 16 : index
      %get3A_138 = tpu.vector_load %arg7[%get3A_135, %get3A_136, %get3A_137] {strides = array<i32>} : memref<2x128x384xf32, #tpu.memory_space<vmem>>, vector<16xf32>,
      %mul3A_139 = arith.mulf %gather3A, %get3A_138 : vector<16xf32>
      %add3A_140 = arith.addf %get3A_133, %mul3A_139 : vector<16xf32>
      %get3A_141 = arith.constant 0 : i32
      %get3A_142 = arith.index_cast %get3A_141 : i32 to index
      %get3A_143 = arith.index_cast %scan3A_74 : i32 to index
      %get3A_144 = arith.constant 80 : index
      %get3A_145 = tpu.vector_load %arg7[%get3A_142, %get3A_143, %get3A_144] {strides = array<i32>} : memref<2x128x384xf32, #tpu.memory_space<vmem>>, vector<16xf32>,
      %mul3A_146 = arith.mulf %gather3A_83, %get3A_145 : vector<16xf32>
      %add3A_147 = arith.addf %add3A_140, %mul3A_146 : vector<16xf32>
      %get3A_148 = arith.constant 0 : i32
      %get3A_149 = arith.index_cast %get3A_148 : i32 to index
      %get3A_150 = arith.index_cast %scan3A_74 : i32 to index
      %get3A_151 = arith.constant 144 : index
      %get3A_152 = tpu.vector_load %arg7[%get3A_149, %get3A_150, %get3A_151] {strides = array<i32>} : memref<2x128x384xf32, #tpu.memory_space<vmem>>, vector<16xf32>,
      %mul3A_153 = arith.mulf %gather3A_87, %get3A_152 : vector<16xf32>
      %add3A_154 = arith.addf %add3A_147, %mul3A_153 : vector<16xf32>
      %get3A_155 = arith.constant 0 : i32
      %get3A_156 = arith.index_cast %get3A_155 : i32 to index
      %get3A_157 = arith.index_cast %scan3A_74 : i32 to index
      %get3A_158 = arith.constant 208 : index
      %get3A_159 = tpu.vector_load %arg7[%get3A_156, %get3A_157, %get3A_158] {strides = array<i32>} : memref<2x128x384xf32, #tpu.memory_space<vmem>>, vector<16xf32>,
      %mul3A_160 = arith.mulf %gather3A_91, %get3A_159 : vector<16xf32>
      %add3A_161 = arith.addf %add3A_154, %mul3A_160 : vector<16xf32>
      %mul3A_162 = arith.constant 64 : i32
      %mul3A_163 = arith.muli %scan3A_74, %mul3A_162 : i32
      %add3A_164 = arith.constant 16 : i32
      %add3A_165 = arith.addi %mul3A_163, %add3A_164 : i32
      %swap3A_166 = arith.index_cast %add3A_165 : i32 to index
      %swap3A_167 = tpu.vector_load %arg9[%swap3A_166] {strides = array<i32>} : memref<8192xf32, #tpu.memory_space<vmem>>, vector<16xf32>,
      tpu.vector_store %arg9[%swap3A_166], %add3A_161 {strides = array<i32>} : memref<8192xf32, #tpu.memory_space<vmem>>, vector<16xf32>,
      %get3A_168 = arith.constant 0 : i32
      %get3A_169 = arith.index_cast %get3A_168 : i32 to index
      %get3A_170 = arith.index_cast %scan3A_74 : i32 to index
      %get3A_171 = arith.constant 288 : index
      %get3A_172 = tpu.vector_load %arg7[%get3A_169, %get3A_170, %get3A_171] {strides = array<i32>} : memref<2x128x384xf32, #tpu.memory_space<vmem>>, vector<16xf32>,
      %get3A_173 = arith.constant 0 : i32
      %get3A_174 = arith.index_cast %get3A_173 : i32 to index
      %get3A_175 = arith.index_cast %scan3A_74 : i32 to index
      %get3A_176 = arith.constant 32 : index
      %get3A_177 = tpu.vector_load %arg7[%get3A_174, %get3A_175, %get3A_176] {strides = array<i32>} : memref<2x128x384xf32, #tpu.memory_space<vmem>>, vector<16xf32>,
      %mul3A_178 = arith.mulf %gather3A, %get3A_177 : vector<16xf32>
      %add3A_179 = arith.addf %get3A_172, %mul3A_178 : vector<16xf32>
      %get3A_180 = arith.constant 0 : i32
      %get3A_181 = arith.index_cast %get3A_180 : i32 to index
      %get3A_182 = arith.index_cast %scan3A_74 : i32 to index
      %get3A_183 = arith.constant 96 : index
      %get3A_184 = tpu.vector_load %arg7[%get3A_181, %get3A_182, %get3A_183] {strides = array<i32>} : memref<2x128x384xf32, #tpu.memory_space<vmem>>, vector<16xf32>,
      %mul3A_185 = arith.mulf %gather3A_83, %get3A_184 : vector<16xf32>
      %add3A_186 = arith.addf %add3A_179, %mul3A_185 : vector<16xf32>
      %get3A_187 = arith.constant 0 : i32
      %get3A_188 = arith.index_cast %get3A_187 : i32 to index
      %get3A_189 = arith.index_cast %scan3A_74 : i32 to index
      %get3A_190 = arith.constant 160 : index
      %get3A_191 = tpu.vector_load %arg7[%get3A_188, %get3A_189, %get3A_190] {strides = array<i32>} : memref<2x128x384xf32, #tpu.memory_space<vmem>>, vector<16xf32>,
      %mul3A_192 = arith.mulf %gather3A_87, %get3A_191 : vector<16xf32>
      %add3A_193 = arith.addf %add3A_186, %mul3A_192 : vector<16xf32>
      %get3A_194 = arith.constant 0 : i32
      %get3A_195 = arith.index_cast %get3A_194 : i32 to index
      %get3A_196 = arith.index_cast %scan3A_74 : i32 to index
      %get3A_197 = arith.constant 224 : index
      %get3A_198 = tpu.vector_load %arg7[%get3A_195, %get3A_196, %get3A_197] {strides = array<i32>} : memref<2x128x384xf32, #tpu.memory_space<vmem>>, vector<16xf32>,
      %mul3A_199 = arith.mulf %gather3A_91, %get3A_198 : vector<16xf32>
      %add3A_200 = arith.addf %add3A_193, %mul3A_199 : vector<16xf32>
      %mul3A_201 = arith.constant 64 : i32
      %mul3A_202 = arith.muli %scan3A_74, %mul3A_201 : i32
      %add3A_203 = arith.constant 32 : i32
      %add3A_204 = arith.addi %mul3A_202, %add3A_203 : i32
      %swap3A_205 = arith.index_cast %add3A_204 : i32 to index
      %swap3A_206 = tpu.vector_load %arg9[%swap3A_205] {strides = array<i32>} : memref<8192xf32, #tpu.memory_space<vmem>>, vector<16xf32>,
      tpu.vector_store %arg9[%swap3A_205], %add3A_200 {strides = array<i32>} : memref<8192xf32, #tpu.memory_space<vmem>>, vector<16xf32>,
      %get3A_207 = arith.constant 0 : i32
      %get3A_208 = arith.index_cast %get3A_207 : i32 to index
      %get3A_209 = arith.index_cast %scan3A_74 : i32 to index
      %get3A_210 = arith.constant 304 : index
      %get3A_211 = tpu.vector_load %arg7[%get3A_208, %get3A_209, %get3A_210] {strides = array<i32>} : memref<2x128x384xf32, #tpu.memory_space<vmem>>, vector<16xf32>,
      %get3A_212 = arith.constant 0 : i32
      %get3A_213 = arith.index_cast %get3A_212 : i32 to index
      %get3A_214 = arith.index_cast %scan3A_74 : i32 to index
      %get3A_215 = arith.constant 48 : index
      %get3A_216 = tpu.vector_load %arg7[%get3A_213, %get3A_214, %get3A_215] {strides = array<i32>} : memref<2x128x384xf32, #tpu.memory_space<vmem>>, vector<16xf32>,
      %mul3A_217 = arith.mulf %gather3A, %get3A_216 : vector<16xf32>
      %add3A_218 = arith.addf %get3A_211, %mul3A_217 : vector<16xf32>
      %get3A_219 = arith.constant 0 : i32
      %get3A_220 = arith.index_cast %get3A_219 : i32 to index
      %get3A_221 = arith.index_cast %scan3A_74 : i32 to index
      %get3A_222 = arith.constant 112 : index
      %get3A_223 = tpu.vector_load %arg7[%get3A_220, %get3A_221, %get3A_222] {strides = array<i32>} : memref<2x128x384xf32, #tpu.memory_space<vmem>>, vector<16xf32>,
      %mul3A_224 = arith.mulf %gather3A_83, %get3A_223 : vector<16xf32>
      %add3A_225 = arith.addf %add3A_218, %mul3A_224 : vector<16xf32>
      %get3A_226 = arith.constant 0 : i32
      %get3A_227 = arith.index_cast %get3A_226 : i32 to index
      %get3A_228 = arith.index_cast %scan3A_74 : i32 to index
      %get3A_229 = arith.constant 176 : index
      %get3A_230 = tpu.vector_load %arg7[%get3A_227, %get3A_228, %get3A_229] {strides = array<i32>} : memref<2x128x384xf32, #tpu.memory_space<vmem>>, vector<16xf32>,
      %mul3A_231 = arith.mulf %gather3A_87, %get3A_230 : vector<16xf32>
      %add3A_232 = arith.addf %add3A_225, %mul3A_231 : vector<16xf32>
      %get3A_233 = arith.constant 0 : i32
      %get3A_234 = arith.index_cast %get3A_233 : i32 to index
      %get3A_235 = arith.index_cast %scan3A_74 : i32 to index
      %get3A_236 = arith.constant 240 : index
      %get3A_237 = tpu.vector_load %arg7[%get3A_234, %get3A_235, %get3A_236] {strides = array<i32>} : memref<2x128x384xf32, #tpu.memory_space<vmem>>, vector<16xf32>,
      %mul3A_238 = arith.mulf %gather3A_91, %get3A_237 : vector<16xf32>
      %add3A_239 = arith.addf %add3A_232, %mul3A_238 : vector<16xf32>
      %mul3A_240 = arith.constant 64 : i32
      %mul3A_241 = arith.muli %scan3A_74, %mul3A_240 : i32
      %add3A_242 = arith.constant 48 : i32
      %add3A_243 = arith.addi %mul3A_241, %add3A_242 : i32
      %swap3A_244 = arith.index_cast %add3A_243 : i32 to index
      %swap3A_245 = tpu.vector_load %arg9[%swap3A_244] {strides = array<i32>} : memref<8192xf32, #tpu.memory_space<vmem>>, vector<16xf32>,
      tpu.vector_store %arg9[%swap3A_244], %add3A_239 {strides = array<i32>} : memref<8192xf32, #tpu.memory_space<vmem>>, vector<16xf32>,
    }
    %scan3A_65 = arith.constant 128 : i32
    %mul3A_66 = arith.constant 3200 : i32
    %mul3A_67 = arith.muli %add3A, %mul3A_66 : i32
    %mul3A_68 = arith.constant 24 : i32
    %mul3A_69 = arith.constant 128 : i32
    %mul3A_70 = arith.muli %mul3A_68, %mul3A_69 : i32
    %add3A_71 = arith.addi %mul3A_67, %mul3A_70 : i32
    %mul3A_72 = arith.constant 64 : i32
    %mul3A_73 = arith.muli %add3A_71, %mul3A_72 : i32
    "tpu.region"() ({
      %run_scoped3A = tpu.sem_alloc : memref<!tpu.dma_semaphore, #tpu.memory_space<semaphore_mem>>
      %dma_start3A_74 = tpu.memref_slice %arg5[%mul3A_73] : memref<6553600xf32, #tpu.memory_space<hbm>> -> memref<8192xf32, #tpu.memory_space<hbm>>
      %dma_start3A_75 = tpu.memref_slice %arg5[%mul3A_73] : memref<6553600xf32, #tpu.memory_space<hbm>> -> memref<8192xf32, #tpu.memory_space<hbm>>
      tpu.enqueue_dma source(%arg9 : memref<8192xf32, #tpu.memory_space<vmem>>) target(%dma_start3A_75 : memref<8192xf32, #tpu.memory_space<hbm>>) target_semaphore(%run_scoped3A : memref<!tpu.dma_semaphore, #tpu.memory_space<semaphore_mem>>)
      %dma_wait3A_76 = tpu.memref_slice %arg5[%mul3A_73] : memref<6553600xf32, #tpu.memory_space<hbm>> -> memref<8192xf32, #tpu.memory_space<hbm>>
      %dma_wait3A_77 = tpu.memref_slice %arg5[%mul3A_73] : memref<6553600xf32, #tpu.memory_space<hbm>> -> memref<8192xf32, #tpu.memory_space<hbm>>
      tpu.wait_dma2 semaphore(%run_scoped3A : memref<!tpu.dma_semaphore, #tpu.memory_space<semaphore_mem>>) src(%arg9 : memref<8192xf32, #tpu.memory_space<vmem>>) dst(%dma_wait3A_77 : memref<8192xf32, #tpu.memory_space<hbm>>)
      tpu.yield
    }) : () -> ()
    return
  }
}

#map = affine_map<(d0, d1) -> (0, 0)>
#map1 = affine_map<(d0, d1) -> (0, 0, 0)>
#map2 = affine_map<(d0, d1) -> (0)>
module attributes {stable_mosaic.version = 14 : i64} {
  func.func @_sc_body(%arg0: i32, %arg1: i32, %arg2: memref<100000x384xf32, #tpu.memory_space<hbm>>, %arg3: memref<32x25x128xi32, #tpu.memory_space<hbm>>, %arg4: memref<800x512xf32, #tpu.memory_space<hbm>>, %arg5: memref<6553600xf32, #tpu.memory_space<hbm>>, %arg6: memref<25x128xi32, #tpu.memory_space<vmem>>, %arg7: memref<2x128x384xf32, #tpu.memory_space<vmem>>, %arg8: memref<1024xf32, #tpu.memory_space<vmem>>, %arg9: memref<8192xf32, #tpu.memory_space<vmem>>, %arg10: memref<8192xf32, #tpu.memory_space<vmem>>, %arg11: memref<!tpu.dma_semaphore, #tpu.memory_space<semaphore_mem>>, %arg12: memref<!tpu.dma_semaphore, #tpu.memory_space<semaphore_mem>>, %arg13: memref<!tpu.dma_semaphore, #tpu.memory_space<semaphore_mem>>, %arg14: memref<!tpu.dma_semaphore, #tpu.memory_space<semaphore_mem>>) attributes {dimension_semantics = [#tpu.dimension_semantics<core_parallel>, #tpu.dimension_semantics<subcore_parallel>], iteration_bounds = array<i64: 2, 16>, scalar_prefetch = 0 : i64, scratch_operands = 9 : i64, tpu.core_type = #tpu.core_type<sc_vector_subcore>, window_params = [{transform_indices = #map}, {transform_indices = #map1}, {transform_indices = #map}, {transform_indices = #map2}]} {
    %mul3A = arith.constant 2 : i32
    %mul3A_0 = arith.muli %arg1, %mul3A : i32
    %add3A = arith.addi %mul3A_0, %arg0 : i32
    "tpu.region"() ({
      %run_scoped3A = tpu.sem_alloc : memref<!tpu.dma_semaphore, #tpu.memory_space<semaphore_mem>>
      %dma_start3A_74 = arith.constant 0 : i32
      %dma_start3A_75 = arith.constant 0 : i32
      %dma_start3A_76 = tpu.memref_slice %arg3[%add3A, %dma_start3A_74, %dma_start3A_75] : memref<32x25x128xi32, #tpu.memory_space<hbm>> -> memref<1x25x128xi32, #tpu.memory_space<hbm>>
      %dma_start3A_77 = tpu.memref_squeeze %dma_start3A_76 : memref<1x25x128xi32, #tpu.memory_space<hbm>> -> memref<25x128xi32, #tpu.memory_space<hbm>>
      %dma_start3A_78 = arith.constant 0 : i32
      %dma_start3A_79 = arith.constant 0 : i32
      %dma_start3A_80 = tpu.memref_slice %arg3[%add3A, %dma_start3A_78, %dma_start3A_79] : memref<32x25x128xi32, #tpu.memory_space<hbm>> -> memref<1x25x128xi32, #tpu.memory_space<hbm>>
      %dma_start3A_81 = tpu.memref_squeeze %dma_start3A_80 : memref<1x25x128xi32, #tpu.memory_space<hbm>> -> memref<25x128xi32, #tpu.memory_space<hbm>>
      tpu.enqueue_dma source(%dma_start3A_81 : memref<25x128xi32, #tpu.memory_space<hbm>>) target(%arg6 : memref<25x128xi32, #tpu.memory_space<vmem>>) target_semaphore(%run_scoped3A : memref<!tpu.dma_semaphore, #tpu.memory_space<semaphore_mem>>)
      %dma_wait3A_82 = arith.constant 0 : i32
      %dma_wait3A_83 = arith.constant 0 : i32
      %dma_wait3A_84 = tpu.memref_slice %arg3[%add3A, %dma_wait3A_82, %dma_wait3A_83] : memref<32x25x128xi32, #tpu.memory_space<hbm>> -> memref<1x25x128xi32, #tpu.memory_space<hbm>>
      %dma_wait3A_85 = tpu.memref_squeeze %dma_wait3A_84 : memref<1x25x128xi32, #tpu.memory_space<hbm>> -> memref<25x128xi32, #tpu.memory_space<hbm>>
      %dma_wait3A_86 = arith.constant 0 : i32
      %dma_wait3A_87 = arith.constant 0 : i32
      %dma_wait3A_88 = tpu.memref_slice %arg3[%add3A, %dma_wait3A_86, %dma_wait3A_87] : memref<32x25x128xi32, #tpu.memory_space<hbm>> -> memref<1x25x128xi32, #tpu.memory_space<hbm>>
      %dma_wait3A_89 = tpu.memref_squeeze %dma_wait3A_88 : memref<1x25x128xi32, #tpu.memory_space<hbm>> -> memref<25x128xi32, #tpu.memory_space<hbm>>
      tpu.wait_dma2 semaphore(%run_scoped3A : memref<!tpu.dma_semaphore, #tpu.memory_space<semaphore_mem>>) src(%dma_wait3A_89 : memref<25x128xi32, #tpu.memory_space<hbm>>) dst(%arg6 : memref<25x128xi32, #tpu.memory_space<vmem>>)
      tpu.yield
    }) : () -> ()
    %dma_start3A = arith.constant 0 : i32
    %dma_start3A_1 = arith.constant 0 : i32
    %dma_start3A_2 = arith.constant 0 : i32
    %dma_start3A_3 = arith.constant 0 : i32
    %dma_start3A_4 = tpu.memref_slice %arg7[%dma_start3A_1, %dma_start3A_2, %dma_start3A_3] : memref<2x128x384xf32, #tpu.memory_space<vmem>> -> memref<1x128x384xf32, #tpu.memory_space<vmem>>
    %dma_start3A_5 = tpu.memref_squeeze %dma_start3A_4 : memref<1x128x384xf32, #tpu.memory_space<vmem>> -> memref<128x384xf32, #tpu.memory_space<vmem>>
    %dma_start3A_6 = arith.constant 0 : i32
    %dma_start3A_7 = tpu.memref_slice %arg6[%dma_start3A, %dma_start3A_6] : memref<25x128xi32, #tpu.memory_space<vmem>> -> memref<1x128xi32, #tpu.memory_space<vmem>>
    %dma_start3A_8 = tpu.memref_squeeze %dma_start3A_7 : memref<1x128xi32, #tpu.memory_space<vmem>> -> memref<128xi32, #tpu.memory_space<vmem>>
    %dma_start3A_9 = arith.constant 0 : i32
    %dma_start3A_10 = arith.constant 0 : i32
    %dma_start3A_11 = tpu.memref_slice %arg2[%dma_start3A_9, %dma_start3A_10] : memref<100000x384xf32, #tpu.memory_space<hbm>> -> memref<100000x384xf32, #tpu.memory_space<hbm>>
    tpu.enqueue_indirect_dma source(%dma_start3A_11 : memref<100000x384xf32, #tpu.memory_space<hbm>>) target(%dma_start3A_5 : memref<128x384xf32, #tpu.memory_space<vmem>>) offsets(%dma_start3A_8 : memref<128xi32, #tpu.memory_space<vmem>>) semaphore(%arg11 : memref<!tpu.dma_semaphore, #tpu.memory_space<semaphore_mem>>)
    %mul3A_12 = arith.constant 25 : i32
    %mul3A_13 = arith.muli %add3A, %mul3A_12 : i32
    %dma_start3A_14 = arith.constant 0 : i32
    %dma_start3A_15 = tpu.memref_slice %arg8[%dma_start3A_14] : memref<1024xf32, #tpu.memory_space<vmem>> -> memref<512xf32, #tpu.memory_space<vmem>>
    %dma_start3A_16 = arith.constant 0 : i32
    %dma_start3A_17 = tpu.memref_slice %arg4[%mul3A_13, %dma_start3A_16] : memref<800x512xf32, #tpu.memory_space<hbm>> -> memref<1x512xf32, #tpu.memory_space<hbm>>
    %dma_start3A_18 = tpu.memref_squeeze %dma_start3A_17 : memref<1x512xf32, #tpu.memory_space<hbm>> -> memref<512xf32, #tpu.memory_space<hbm>>
    %dma_start3A_19 = arith.constant 0 : i32
    %dma_start3A_20 = tpu.memref_slice %arg8[%dma_start3A_19] : memref<1024xf32, #tpu.memory_space<vmem>> -> memref<512xf32, #tpu.memory_space<vmem>>
    %dma_start3A_21 = arith.constant 0 : i32
    %dma_start3A_22 = tpu.memref_slice %arg4[%mul3A_13, %dma_start3A_21] : memref<800x512xf32, #tpu.memory_space<hbm>> -> memref<1x512xf32, #tpu.memory_space<hbm>>
    %dma_start3A_23 = tpu.memref_squeeze %dma_start3A_22 : memref<1x512xf32, #tpu.memory_space<hbm>> -> memref<512xf32, #tpu.memory_space<hbm>>
    tpu.enqueue_dma source(%dma_start3A_23 : memref<512xf32, #tpu.memory_space<hbm>>) target(%dma_start3A_20 : memref<512xf32, #tpu.memory_space<vmem>>) target_semaphore(%arg13 : memref<!tpu.dma_semaphore, #tpu.memory_space<semaphore_mem>>)
    %scan3A = arith.constant 0 : i32
    %scan3A_24 = arith.constant 0 : i32
    %scan3A_25 = arith.constant 12 : i32
    %scan3A_26 = arith.addi %scan3A_24, %scan3A_25 : i32
    %scan3A_27 = arith.constant 1 : i32
    scf.for %scan3A_74 = %scan3A_24 to %scan3A_26 step %scan3A_27  : i32 {
      %mul3A_75 = arith.constant 2 : i32
      %mul3A_76 = arith.muli %scan3A_74, %mul3A_75 : i32
      %add3A_77 = arith.constant 0 : i32
      %add3A_78 = arith.addi %mul3A_76, %add3A_77 : i32
      %add3A_79 = arith.constant 1 : i32
      %add3A_80 = arith.addi %add3A_78, %add3A_79 : i32
      %lt3A_81 = arith.constant 25 : i32
      %lt3A_82 = arith.cmpi slt, %add3A_80, %lt3A_81 : i32
      %convert_element_type3A_83 = arith.extui %lt3A_82 : i1 to i32
      %cond3A_84 = arith.constant 0 : i32
      %cond3A_85 = arith.cmpi ne, %convert_element_type3A_83, %cond3A_84 : i32
      scf.if %cond3A_85 {
        %add3A_171 = arith.constant 1 : i32
        %add3A_172 = arith.addi %add3A_78, %add3A_171 : i32
        %dma_start3A_173 = arith.constant 1 : i32
        %dma_start3A_174 = arith.constant 0 : i32
        %dma_start3A_175 = arith.constant 0 : i32
        %dma_start3A_176 = tpu.memref_slice %arg7[%dma_start3A_173, %dma_start3A_174, %dma_start3A_175] : memref<2x128x384xf32, #tpu.memory_space<vmem>> -> memref<1x128x384xf32, #tpu.memory_space<vmem>>
        %dma_start3A_177 = tpu.memref_squeeze %dma_start3A_176 : memref<1x128x384xf32, #tpu.memory_space<vmem>> -> memref<128x384xf32, #tpu.memory_space<vmem>>
        %dma_start3A_178 = arith.constant 0 : i32
        %dma_start3A_179 = tpu.memref_slice %arg6[%add3A_172, %dma_start3A_178] : memref<25x128xi32, #tpu.memory_space<vmem>> -> memref<1x128xi32, #tpu.memory_space<vmem>>
        %dma_start3A_180 = tpu.memref_squeeze %dma_start3A_179 : memref<1x128xi32, #tpu.memory_space<vmem>> -> memref<128xi32, #tpu.memory_space<vmem>>
        %dma_start3A_181 = arith.constant 0 : i32
        %dma_start3A_182 = arith.constant 0 : i32
        %dma_start3A_183 = tpu.memref_slice %arg2[%dma_start3A_181, %dma_start3A_182] : memref<100000x384xf32, #tpu.memory_space<hbm>> -> memref<100000x384xf32, #tpu.memory_space<hbm>>
        tpu.enqueue_indirect_dma source(%dma_start3A_183 : memref<100000x384xf32, #tpu.memory_space<hbm>>) target(%dma_start3A_177 : memref<128x384xf32, #tpu.memory_space<vmem>>) offsets(%dma_start3A_180 : memref<128xi32, #tpu.memory_space<vmem>>) semaphore(%arg12 : memref<!tpu.dma_semaphore, #tpu.memory_space<semaphore_mem>>)
        %mul3A_184 = arith.constant 25 : i32
        %mul3A_185 = arith.muli %add3A, %mul3A_184 : i32
        %add3A_186 = arith.addi %mul3A_185, %add3A_78 : i32
        %add3A_187 = arith.constant 1 : i32
        %add3A_188 = arith.addi %add3A_186, %add3A_187 : i32
        %dma_start3A_189 = arith.constant 512 : i32
        %dma_start3A_190 = tpu.memref_slice %arg8[%dma_start3A_189] : memref<1024xf32, #tpu.memory_space<vmem>> -> memref<512xf32, #tpu.memory_space<vmem>>
        %dma_start3A_191 = arith.constant 0 : i32
        %dma_start3A_192 = tpu.memref_slice %arg4[%add3A_188, %dma_start3A_191] : memref<800x512xf32, #tpu.memory_space<hbm>> -> memref<1x512xf32, #tpu.memory_space<hbm>>
        %dma_start3A_193 = tpu.memref_squeeze %dma_start3A_192 : memref<1x512xf32, #tpu.memory_space<hbm>> -> memref<512xf32, #tpu.memory_space<hbm>>
        %dma_start3A_194 = arith.constant 512 : i32
        %dma_start3A_195 = tpu.memref_slice %arg8[%dma_start3A_194] : memref<1024xf32, #tpu.memory_space<vmem>> -> memref<512xf32, #tpu.memory_space<vmem>>
        %dma_start3A_196 = arith.constant 0 : i32
        %dma_start3A_197 = tpu.memref_slice %arg4[%add3A_188, %dma_start3A_196] : memref<800x512xf32, #tpu.memory_space<hbm>> -> memref<1x512xf32, #tpu.memory_space<hbm>>
        %dma_start3A_198 = tpu.memref_squeeze %dma_start3A_197 : memref<1x512xf32, #tpu.memory_space<hbm>> -> memref<512xf32, #tpu.memory_space<hbm>>
        tpu.enqueue_dma source(%dma_start3A_198 : memref<512xf32, #tpu.memory_space<hbm>>) target(%dma_start3A_195 : memref<512xf32, #tpu.memory_space<vmem>>) target_semaphore(%arg14 : memref<!tpu.dma_semaphore, #tpu.memory_space<semaphore_mem>>)
      } else {
      }
      %dma_wait3A_86 = arith.constant 0 : i32
      %dma_wait3A_87 = arith.constant 0 : i32
      %dma_wait3A_88 = arith.constant 0 : i32
      %dma_wait3A_89 = tpu.memref_slice %arg7[%dma_wait3A_86, %dma_wait3A_87, %dma_wait3A_88] : memref<2x128x384xf32, #tpu.memory_space<vmem>> -> memref<1x128x384xf32, #tpu.memory_space<vmem>>
      %dma_wait3A_90 = tpu.memref_squeeze %dma_wait3A_89 : memref<1x128x384xf32, #tpu.memory_space<vmem>> -> memref<128x384xf32, #tpu.memory_space<vmem>>
      %dma_wait3A_91 = arith.constant 0 : i32
      %dma_wait3A_92 = tpu.memref_slice %arg6[%add3A_78, %dma_wait3A_91] : memref<25x128xi32, #tpu.memory_space<vmem>> -> memref<1x128xi32, #tpu.memory_space<vmem>>
      %dma_wait3A_93 = tpu.memref_squeeze %dma_wait3A_92 : memref<1x128xi32, #tpu.memory_space<vmem>> -> memref<128xi32, #tpu.memory_space<vmem>>
      %dma_wait3A_94 = arith.constant 0 : i32
      %dma_wait3A_95 = arith.constant 0 : i32
      %dma_wait3A_96 = tpu.memref_slice %arg2[%dma_wait3A_94, %dma_wait3A_95] : memref<100000x384xf32, #tpu.memory_space<hbm>> -> memref<100000x384xf32, #tpu.memory_space<hbm>>
      tpu.wait_indirect_dma semaphore(%arg11 : memref<!tpu.dma_semaphore, #tpu.memory_space<semaphore_mem>>) src(%dma_wait3A_96 : memref<100000x384xf32, #tpu.memory_space<hbm>>) dst(%dma_wait3A_90 : memref<128x384xf32, #tpu.memory_space<vmem>>)
      %mul3A_97 = arith.constant 25 : i32
      %mul3A_98 = arith.muli %add3A, %mul3A_97 : i32
      %add3A_99 = arith.addi %mul3A_98, %add3A_78 : i32
      %dma_wait3A_100 = arith.constant 0 : i32
      %dma_wait3A_101 = tpu.memref_slice %arg8[%dma_wait3A_100] : memref<1024xf32, #tpu.memory_space<vmem>> -> memref<512xf32, #tpu.memory_space<vmem>>
      %dma_wait3A_102 = arith.constant 0 : i32
      %dma_wait3A_103 = tpu.memref_slice %arg4[%add3A_99, %dma_wait3A_102] : memref<800x512xf32, #tpu.memory_space<hbm>> -> memref<1x512xf32, #tpu.memory_space<hbm>>
      %dma_wait3A_104 = tpu.memref_squeeze %dma_wait3A_103 : memref<1x512xf32, #tpu.memory_space<hbm>> -> memref<512xf32, #tpu.memory_space<hbm>>
      %dma_wait3A_105 = arith.constant 0 : i32
      %dma_wait3A_106 = tpu.memref_slice %arg8[%dma_wait3A_105] : memref<1024xf32, #tpu.memory_space<vmem>> -> memref<512xf32, #tpu.memory_space<vmem>>
      %dma_wait3A_107 = arith.constant 0 : i32
      %dma_wait3A_108 = tpu.memref_slice %arg4[%add3A_99, %dma_wait3A_107] : memref<800x512xf32, #tpu.memory_space<hbm>> -> memref<1x512xf32, #tpu.memory_space<hbm>>
      %dma_wait3A_109 = tpu.memref_squeeze %dma_wait3A_108 : memref<1x512xf32, #tpu.memory_space<hbm>> -> memref<512xf32, #tpu.memory_space<hbm>>
      tpu.wait_dma2 semaphore(%arg13 : memref<!tpu.dma_semaphore, #tpu.memory_space<semaphore_mem>>) src(%dma_wait3A_109 : memref<512xf32, #tpu.memory_space<hbm>>) dst(%dma_wait3A_106 : memref<512xf32, #tpu.memory_space<vmem>>)
      %scan3A_110 = arith.constant 0 : i32
      %scan3A_111 = arith.constant 0 : i32
      %scan3A_112 = arith.constant 128 : i32
      %scan3A_113 = arith.addi %scan3A_111, %scan3A_112 : i32
      %scan3A_114 = arith.constant 1 : i32
      scf.for %scan3A_171 = %scan3A_111 to %scan3A_113 step %scan3A_114  : i32 {
        %mul3A_172 = arith.constant 4 : i32
        %mul3A_173 = arith.muli %scan3A_171, %mul3A_172 : i32
        %broadcast_in_dim3A = vector.broadcast %mul3A_173 : i32 to vector<16xi32>
        %add3A_174 = arith.constant 0 : i32
        %add3A_175 = vector.broadcast %add3A_174 : i32 to vector<16xi32>
        %add3A_176 = arith.addi %broadcast_in_dim3A, %add3A_175 : vector<16xi32>
        %gather3A = tpu.vector_load_idx %arg8[%add3A_176] : memref<1024xf32, #tpu.memory_space<vmem>>[vector<16xi32>], vector<16xf32>,
        %add3A_177 = arith.constant 1 : i32
        %add3A_178 = vector.broadcast %add3A_177 : i32 to vector<16xi32>
        %add3A_179 = arith.addi %broadcast_in_dim3A, %add3A_178 : vector<16xi32>
        %gather3A_180 = tpu.vector_load_idx %arg8[%add3A_179] : memref<1024xf32, #tpu.memory_space<vmem>>[vector<16xi32>], vector<16xf32>,
        %add3A_181 = arith.constant 2 : i32
        %add3A_182 = vector.broadcast %add3A_181 : i32 to vector<16xi32>
        %add3A_183 = arith.addi %broadcast_in_dim3A, %add3A_182 : vector<16xi32>
        %gather3A_184 = tpu.vector_load_idx %arg8[%add3A_183] : memref<1024xf32, #tpu.memory_space<vmem>>[vector<16xi32>], vector<16xf32>,
        %add3A_185 = arith.constant 3 : i32
        %add3A_186 = vector.broadcast %add3A_185 : i32 to vector<16xi32>
        %add3A_187 = arith.addi %broadcast_in_dim3A, %add3A_186 : vector<16xi32>
        %gather3A_188 = tpu.vector_load_idx %arg8[%add3A_187] : memref<1024xf32, #tpu.memory_space<vmem>>[vector<16xi32>], vector<16xf32>,
        %get3A = arith.constant 0 : i32
        %get3A_189 = arith.index_cast %get3A : i32 to index
        %get3A_190 = arith.index_cast %scan3A_171 : i32 to index
        %get3A_191 = arith.constant 256 : index
        %get3A_192 = tpu.vector_load %arg7[%get3A_189, %get3A_190, %get3A_191] {strides = array<i32>} : memref<2x128x384xf32, #tpu.memory_space<vmem>>, vector<16xf32>,
        %get3A_193 = arith.constant 0 : i32
        %get3A_194 = arith.index_cast %get3A_193 : i32 to index
        %get3A_195 = arith.index_cast %scan3A_171 : i32 to index
        %get3A_196 = arith.constant 0 : index
        %get3A_197 = tpu.vector_load %arg7[%get3A_194, %get3A_195, %get3A_196] {strides = array<i32>} : memref<2x128x384xf32, #tpu.memory_space<vmem>>, vector<16xf32>,
        %mul3A_198 = arith.mulf %gather3A, %get3A_197 : vector<16xf32>
        %add3A_199 = arith.addf %get3A_192, %mul3A_198 : vector<16xf32>
        %get3A_200 = arith.constant 0 : i32
        %get3A_201 = arith.index_cast %get3A_200 : i32 to index
        %get3A_202 = arith.index_cast %scan3A_171 : i32 to index
        %get3A_203 = arith.constant 64 : index
        %get3A_204 = tpu.vector_load %arg7[%get3A_201, %get3A_202, %get3A_203] {strides = array<i32>} : memref<2x128x384xf32, #tpu.memory_space<vmem>>, vector<16xf32>,
        %mul3A_205 = arith.mulf %gather3A_180, %get3A_204 : vector<16xf32>
        %add3A_206 = arith.addf %add3A_199, %mul3A_205 : vector<16xf32>
        %get3A_207 = arith.constant 0 : i32
        %get3A_208 = arith.index_cast %get3A_207 : i32 to index
        %get3A_209 = arith.index_cast %scan3A_171 : i32 to index
        %get3A_210 = arith.constant 128 : index
        %get3A_211 = tpu.vector_load %arg7[%get3A_208, %get3A_209, %get3A_210] {strides = array<i32>} : memref<2x128x384xf32, #tpu.memory_space<vmem>>, vector<16xf32>,
        %mul3A_212 = arith.mulf %gather3A_184, %get3A_211 : vector<16xf32>
        %add3A_213 = arith.addf %add3A_206, %mul3A_212 : vector<16xf32>
        %get3A_214 = arith.constant 0 : i32
        %get3A_215 = arith.index_cast %get3A_214 : i32 to index
        %get3A_216 = arith.index_cast %scan3A_171 : i32 to index
        %get3A_217 = arith.constant 192 : index
        %get3A_218 = tpu.vector_load %arg7[%get3A_215, %get3A_216, %get3A_217] {strides = array<i32>} : memref<2x128x384xf32, #tpu.memory_space<vmem>>, vector<16xf32>,
        %mul3A_219 = arith.mulf %gather3A_188, %get3A_218 : vector<16xf32>
        %add3A_220 = arith.addf %add3A_213, %mul3A_219 : vector<16xf32>
        %mul3A_221 = arith.constant 64 : i32
        %mul3A_222 = arith.muli %scan3A_171, %mul3A_221 : i32
        %add3A_223 = arith.constant 0 : i32
        %add3A_224 = arith.addi %mul3A_222, %add3A_223 : i32
        %swap3A = arith.index_cast %add3A_224 : i32 to index
        %swap3A_225 = tpu.vector_load %arg9[%swap3A] {strides = array<i32>} : memref<8192xf32, #tpu.memory_space<vmem>>, vector<16xf32>,
        tpu.vector_store %arg9[%swap3A], %add3A_220 {strides = array<i32>} : memref<8192xf32, #tpu.memory_space<vmem>>, vector<16xf32>,
        %get3A_226 = arith.constant 0 : i32
        %get3A_227 = arith.index_cast %get3A_226 : i32 to index
        %get3A_228 = arith.index_cast %scan3A_171 : i32 to index
        %get3A_229 = arith.constant 272 : index
        %get3A_230 = tpu.vector_load %arg7[%get3A_227, %get3A_228, %get3A_229] {strides = array<i32>} : memref<2x128x384xf32, #tpu.memory_space<vmem>>, vector<16xf32>,
        %get3A_231 = arith.constant 0 : i32
        %get3A_232 = arith.index_cast %get3A_231 : i32 to index
        %get3A_233 = arith.index_cast %scan3A_171 : i32 to index
        %get3A_234 = arith.constant 16 : index
        %get3A_235 = tpu.vector_load %arg7[%get3A_232, %get3A_233, %get3A_234] {strides = array<i32>} : memref<2x128x384xf32, #tpu.memory_space<vmem>>, vector<16xf32>,
        %mul3A_236 = arith.mulf %gather3A, %get3A_235 : vector<16xf32>
        %add3A_237 = arith.addf %get3A_230, %mul3A_236 : vector<16xf32>
        %get3A_238 = arith.constant 0 : i32
        %get3A_239 = arith.index_cast %get3A_238 : i32 to index
        %get3A_240 = arith.index_cast %scan3A_171 : i32 to index
        %get3A_241 = arith.constant 80 : index
        %get3A_242 = tpu.vector_load %arg7[%get3A_239, %get3A_240, %get3A_241] {strides = array<i32>} : memref<2x128x384xf32, #tpu.memory_space<vmem>>, vector<16xf32>,
        %mul3A_243 = arith.mulf %gather3A_180, %get3A_242 : vector<16xf32>
        %add3A_244 = arith.addf %add3A_237, %mul3A_243 : vector<16xf32>
        %get3A_245 = arith.constant 0 : i32
        %get3A_246 = arith.index_cast %get3A_245 : i32 to index
        %get3A_247 = arith.index_cast %scan3A_171 : i32 to index
        %get3A_248 = arith.constant 144 : index
        %get3A_249 = tpu.vector_load %arg7[%get3A_246, %get3A_247, %get3A_248] {strides = array<i32>} : memref<2x128x384xf32, #tpu.memory_space<vmem>>, vector<16xf32>,
        %mul3A_250 = arith.mulf %gather3A_184, %get3A_249 : vector<16xf32>
        %add3A_251 = arith.addf %add3A_244, %mul3A_250 : vector<16xf32>
        %get3A_252 = arith.constant 0 : i32
        %get3A_253 = arith.index_cast %get3A_252 : i32 to index
        %get3A_254 = arith.index_cast %scan3A_171 : i32 to index
        %get3A_255 = arith.constant 208 : index
        %get3A_256 = tpu.vector_load %arg7[%get3A_253, %get3A_254, %get3A_255] {strides = array<i32>} : memref<2x128x384xf32, #tpu.memory_space<vmem>>, vector<16xf32>,
        %mul3A_257 = arith.mulf %gather3A_188, %get3A_256 : vector<16xf32>
        %add3A_258 = arith.addf %add3A_251, %mul3A_257 : vector<16xf32>
        %mul3A_259 = arith.constant 64 : i32
        %mul3A_260 = arith.muli %scan3A_171, %mul3A_259 : i32
        %add3A_261 = arith.constant 16 : i32
        %add3A_262 = arith.addi %mul3A_260, %add3A_261 : i32
        %swap3A_263 = arith.index_cast %add3A_262 : i32 to index
        %swap3A_264 = tpu.vector_load %arg9[%swap3A_263] {strides = array<i32>} : memref<8192xf32, #tpu.memory_space<vmem>>, vector<16xf32>,
        tpu.vector_store %arg9[%swap3A_263], %add3A_258 {strides = array<i32>} : memref<8192xf32, #tpu.memory_space<vmem>>, vector<16xf32>,
        %get3A_265 = arith.constant 0 : i32
        %get3A_266 = arith.index_cast %get3A_265 : i32 to index
        %get3A_267 = arith.index_cast %scan3A_171 : i32 to index
        %get3A_268 = arith.constant 288 : index
        %get3A_269 = tpu.vector_load %arg7[%get3A_266, %get3A_267, %get3A_268] {strides = array<i32>} : memref<2x128x384xf32, #tpu.memory_space<vmem>>, vector<16xf32>,
        %get3A_270 = arith.constant 0 : i32
        %get3A_271 = arith.index_cast %get3A_270 : i32 to index
        %get3A_272 = arith.index_cast %scan3A_171 : i32 to index
        %get3A_273 = arith.constant 32 : index
        %get3A_274 = tpu.vector_load %arg7[%get3A_271, %get3A_272, %get3A_273] {strides = array<i32>} : memref<2x128x384xf32, #tpu.memory_space<vmem>>, vector<16xf32>,
        %mul3A_275 = arith.mulf %gather3A, %get3A_274 : vector<16xf32>
        %add3A_276 = arith.addf %get3A_269, %mul3A_275 : vector<16xf32>
        %get3A_277 = arith.constant 0 : i32
        %get3A_278 = arith.index_cast %get3A_277 : i32 to index
        %get3A_279 = arith.index_cast %scan3A_171 : i32 to index
        %get3A_280 = arith.constant 96 : index
        %get3A_281 = tpu.vector_load %arg7[%get3A_278, %get3A_279, %get3A_280] {strides = array<i32>} : memref<2x128x384xf32, #tpu.memory_space<vmem>>, vector<16xf32>,
        %mul3A_282 = arith.mulf %gather3A_180, %get3A_281 : vector<16xf32>
        %add3A_283 = arith.addf %add3A_276, %mul3A_282 : vector<16xf32>
        %get3A_284 = arith.constant 0 : i32
        %get3A_285 = arith.index_cast %get3A_284 : i32 to index
        %get3A_286 = arith.index_cast %scan3A_171 : i32 to index
        %get3A_287 = arith.constant 160 : index
        %get3A_288 = tpu.vector_load %arg7[%get3A_285, %get3A_286, %get3A_287] {strides = array<i32>} : memref<2x128x384xf32, #tpu.memory_space<vmem>>, vector<16xf32>,
        %mul3A_289 = arith.mulf %gather3A_184, %get3A_288 : vector<16xf32>
        %add3A_290 = arith.addf %add3A_283, %mul3A_289 : vector<16xf32>
        %get3A_291 = arith.constant 0 : i32
        %get3A_292 = arith.index_cast %get3A_291 : i32 to index
        %get3A_293 = arith.index_cast %scan3A_171 : i32 to index
        %get3A_294 = arith.constant 224 : index
        %get3A_295 = tpu.vector_load %arg7[%get3A_292, %get3A_293, %get3A_294] {strides = array<i32>} : memref<2x128x384xf32, #tpu.memory_space<vmem>>, vector<16xf32>,
        %mul3A_296 = arith.mulf %gather3A_188, %get3A_295 : vector<16xf32>
        %add3A_297 = arith.addf %add3A_290, %mul3A_296 : vector<16xf32>
        %mul3A_298 = arith.constant 64 : i32
        %mul3A_299 = arith.muli %scan3A_171, %mul3A_298 : i32
        %add3A_300 = arith.constant 32 : i32
        %add3A_301 = arith.addi %mul3A_299, %add3A_300 : i32
        %swap3A_302 = arith.index_cast %add3A_301 : i32 to index
        %swap3A_303 = tpu.vector_load %arg9[%swap3A_302] {strides = array<i32>} : memref<8192xf32, #tpu.memory_space<vmem>>, vector<16xf32>,
        tpu.vector_store %arg9[%swap3A_302], %add3A_297 {strides = array<i32>} : memref<8192xf32, #tpu.memory_space<vmem>>, vector<16xf32>,
        %get3A_304 = arith.constant 0 : i32
        %get3A_305 = arith.index_cast %get3A_304 : i32 to index
        %get3A_306 = arith.index_cast %scan3A_171 : i32 to index
        %get3A_307 = arith.constant 304 : index
        %get3A_308 = tpu.vector_load %arg7[%get3A_305, %get3A_306, %get3A_307] {strides = array<i32>} : memref<2x128x384xf32, #tpu.memory_space<vmem>>, vector<16xf32>,
        %get3A_309 = arith.constant 0 : i32
        %get3A_310 = arith.index_cast %get3A_309 : i32 to index
        %get3A_311 = arith.index_cast %scan3A_171 : i32 to index
        %get3A_312 = arith.constant 48 : index
        %get3A_313 = tpu.vector_load %arg7[%get3A_310, %get3A_311, %get3A_312] {strides = array<i32>} : memref<2x128x384xf32, #tpu.memory_space<vmem>>, vector<16xf32>,
        %mul3A_314 = arith.mulf %gather3A, %get3A_313 : vector<16xf32>
        %add3A_315 = arith.addf %get3A_308, %mul3A_314 : vector<16xf32>
        %get3A_316 = arith.constant 0 : i32
        %get3A_317 = arith.index_cast %get3A_316 : i32 to index
        %get3A_318 = arith.index_cast %scan3A_171 : i32 to index
        %get3A_319 = arith.constant 112 : index
        %get3A_320 = tpu.vector_load %arg7[%get3A_317, %get3A_318, %get3A_319] {strides = array<i32>} : memref<2x128x384xf32, #tpu.memory_space<vmem>>, vector<16xf32>,
        %mul3A_321 = arith.mulf %gather3A_180, %get3A_320 : vector<16xf32>
        %add3A_322 = arith.addf %add3A_315, %mul3A_321 : vector<16xf32>
        %get3A_323 = arith.constant 0 : i32
        %get3A_324 = arith.index_cast %get3A_323 : i32 to index
        %get3A_325 = arith.index_cast %scan3A_171 : i32 to index
        %get3A_326 = arith.constant 176 : index
        %get3A_327 = tpu.vector_load %arg7[%get3A_324, %get3A_325, %get3A_326] {strides = array<i32>} : memref<2x128x384xf32, #tpu.memory_space<vmem>>, vector<16xf32>,
        %mul3A_328 = arith.mulf %gather3A_184, %get3A_327 : vector<16xf32>
        %add3A_329 = arith.addf %add3A_322, %mul3A_328 : vector<16xf32>
        %get3A_330 = arith.constant 0 : i32
        %get3A_331 = arith.index_cast %get3A_330 : i32 to index
        %get3A_332 = arith.index_cast %scan3A_171 : i32 to index
        %get3A_333 = arith.constant 240 : index
        %get3A_334 = tpu.vector_load %arg7[%get3A_331, %get3A_332, %get3A_333] {strides = array<i32>} : memref<2x128x384xf32, #tpu.memory_space<vmem>>, vector<16xf32>,
        %mul3A_335 = arith.mulf %gather3A_188, %get3A_334 : vector<16xf32>
        %add3A_336 = arith.addf %add3A_329, %mul3A_335 : vector<16xf32>
        %mul3A_337 = arith.constant 64 : i32
        %mul3A_338 = arith.muli %scan3A_171, %mul3A_337 : i32
        %add3A_339 = arith.constant 48 : i32
        %add3A_340 = arith.addi %mul3A_338, %add3A_339 : i32
        %swap3A_341 = arith.index_cast %add3A_340 : i32 to index
        %swap3A_342 = tpu.vector_load %arg9[%swap3A_341] {strides = array<i32>} : memref<8192xf32, #tpu.memory_space<vmem>>, vector<16xf32>,
        tpu.vector_store %arg9[%swap3A_341], %add3A_336 {strides = array<i32>} : memref<8192xf32, #tpu.memory_space<vmem>>, vector<16xf32>,
      }
      %scan3A_115 = arith.constant 128 : i32
      %mul3A_116 = arith.constant 3200 : i32
      %mul3A_117 = arith.muli %add3A, %mul3A_116 : i32
      %mul3A_118 = arith.constant 128 : i32
      %mul3A_119 = arith.muli %add3A_78, %mul3A_118 : i32
      %add3A_120 = arith.addi %mul3A_117, %mul3A_119 : i32
      %mul3A_121 = arith.constant 64 : i32
      %mul3A_122 = arith.muli %add3A_120, %mul3A_121 : i32
      "tpu.region"() ({
        %run_scoped3A = tpu.sem_alloc : memref<!tpu.dma_semaphore, #tpu.memory_space<semaphore_mem>>
        %dma_start3A_171 = tpu.memref_slice %arg5[%mul3A_122] : memref<6553600xf32, #tpu.memory_space<hbm>> -> memref<8192xf32, #tpu.memory_space<hbm>>
        %dma_start3A_172 = tpu.memref_slice %arg5[%mul3A_122] : memref<6553600xf32, #tpu.memory_space<hbm>> -> memref<8192xf32, #tpu.memory_space<hbm>>
        tpu.enqueue_dma source(%arg9 : memref<8192xf32, #tpu.memory_space<vmem>>) target(%dma_start3A_172 : memref<8192xf32, #tpu.memory_space<hbm>>) target_semaphore(%run_scoped3A : memref<!tpu.dma_semaphore, #tpu.memory_space<semaphore_mem>>)
        %dma_wait3A_173 = tpu.memref_slice %arg5[%mul3A_122] : memref<6553600xf32, #tpu.memory_space<hbm>> -> memref<8192xf32, #tpu.memory_space<hbm>>
        %dma_wait3A_174 = tpu.memref_slice %arg5[%mul3A_122] : memref<6553600xf32, #tpu.memory_space<hbm>> -> memref<8192xf32, #tpu.memory_space<hbm>>
        tpu.wait_dma2 semaphore(%run_scoped3A : memref<!tpu.dma_semaphore, #tpu.memory_space<semaphore_mem>>) src(%arg9 : memref<8192xf32, #tpu.memory_space<vmem>>) dst(%dma_wait3A_174 : memref<8192xf32, #tpu.memory_space<hbm>>)
        tpu.yield
      }) : () -> ()
      %mul3A_123 = arith.constant 2 : i32
      %mul3A_124 = arith.muli %scan3A_74, %mul3A_123 : i32
      %add3A_125 = arith.constant 1 : i32
      %add3A_126 = arith.addi %mul3A_124, %add3A_125 : i32
      %add3A_127 = arith.constant 1 : i32
      %add3A_128 = arith.addi %add3A_126, %add3A_127 : i32
      %lt3A_129 = arith.constant 25 : i32
      %lt3A_130 = arith.cmpi slt, %add3A_128, %lt3A_129 : i32
      %convert_element_type3A_131 = arith.extui %lt3A_130 : i1 to i32
      %cond3A_132 = arith.constant 0 : i32
      %cond3A_133 = arith.cmpi ne, %convert_element_type3A_131, %cond3A_132 : i32
      scf.if %cond3A_133 {
        %add3A_171 = arith.constant 1 : i32
        %add3A_172 = arith.addi %add3A_126, %add3A_171 : i32
        %dma_start3A_173 = arith.constant 0 : i32
        %dma_start3A_174 = arith.constant 0 : i32
        %dma_start3A_175 = arith.constant 0 : i32
        %dma_start3A_176 = tpu.memref_slice %arg7[%dma_start3A_173, %dma_start3A_174, %dma_start3A_175] : memref<2x128x384xf32, #tpu.memory_space<vmem>> -> memref<1x128x384xf32, #tpu.memory_space<vmem>>
        %dma_start3A_177 = tpu.memref_squeeze %dma_start3A_176 : memref<1x128x384xf32, #tpu.memory_space<vmem>> -> memref<128x384xf32, #tpu.memory_space<vmem>>
        %dma_start3A_178 = arith.constant 0 : i32
        %dma_start3A_179 = tpu.memref_slice %arg6[%add3A_172, %dma_start3A_178] : memref<25x128xi32, #tpu.memory_space<vmem>> -> memref<1x128xi32, #tpu.memory_space<vmem>>
        %dma_start3A_180 = tpu.memref_squeeze %dma_start3A_179 : memref<1x128xi32, #tpu.memory_space<vmem>> -> memref<128xi32, #tpu.memory_space<vmem>>
        %dma_start3A_181 = arith.constant 0 : i32
        %dma_start3A_182 = arith.constant 0 : i32
        %dma_start3A_183 = tpu.memref_slice %arg2[%dma_start3A_181, %dma_start3A_182] : memref<100000x384xf32, #tpu.memory_space<hbm>> -> memref<100000x384xf32, #tpu.memory_space<hbm>>
        tpu.enqueue_indirect_dma source(%dma_start3A_183 : memref<100000x384xf32, #tpu.memory_space<hbm>>) target(%dma_start3A_177 : memref<128x384xf32, #tpu.memory_space<vmem>>) offsets(%dma_start3A_180 : memref<128xi32, #tpu.memory_space<vmem>>) semaphore(%arg11 : memref<!tpu.dma_semaphore, #tpu.memory_space<semaphore_mem>>)
        %mul3A_184 = arith.constant 25 : i32
        %mul3A_185 = arith.muli %add3A, %mul3A_184 : i32
        %add3A_186 = arith.addi %mul3A_185, %add3A_126 : i32
        %add3A_187 = arith.constant 1 : i32
        %add3A_188 = arith.addi %add3A_186, %add3A_187 : i32
        %dma_start3A_189 = arith.constant 0 : i32
        %dma_start3A_190 = tpu.memref_slice %arg8[%dma_start3A_189] : memref<1024xf32, #tpu.memory_space<vmem>> -> memref<512xf32, #tpu.memory_space<vmem>>
        %dma_start3A_191 = arith.constant 0 : i32
        %dma_start3A_192 = tpu.memref_slice %arg4[%add3A_188, %dma_start3A_191] : memref<800x512xf32, #tpu.memory_space<hbm>> -> memref<1x512xf32, #tpu.memory_space<hbm>>
        %dma_start3A_193 = tpu.memref_squeeze %dma_start3A_192 : memref<1x512xf32, #tpu.memory_space<hbm>> -> memref<512xf32, #tpu.memory_space<hbm>>
        %dma_start3A_194 = arith.constant 0 : i32
        %dma_start3A_195 = tpu.memref_slice %arg8[%dma_start3A_194] : memref<1024xf32, #tpu.memory_space<vmem>> -> memref<512xf32, #tpu.memory_space<vmem>>
        %dma_start3A_196 = arith.constant 0 : i32
        %dma_start3A_197 = tpu.memref_slice %arg4[%add3A_188, %dma_start3A_196] : memref<800x512xf32, #tpu.memory_space<hbm>> -> memref<1x512xf32, #tpu.memory_space<hbm>>
        %dma_start3A_198 = tpu.memref_squeeze %dma_start3A_197 : memref<1x512xf32, #tpu.memory_space<hbm>> -> memref<512xf32, #tpu.memory_space<hbm>>
        tpu.enqueue_dma source(%dma_start3A_198 : memref<512xf32, #tpu.memory_space<hbm>>) target(%dma_start3A_195 : memref<512xf32, #tpu.memory_space<vmem>>) target_semaphore(%arg13 : memref<!tpu.dma_semaphore, #tpu.memory_space<semaphore_mem>>)
      } else {
      }
      %dma_wait3A_134 = arith.constant 1 : i32
      %dma_wait3A_135 = arith.constant 0 : i32
      %dma_wait3A_136 = arith.constant 0 : i32
      %dma_wait3A_137 = tpu.memref_slice %arg7[%dma_wait3A_134, %dma_wait3A_135, %dma_wait3A_136] : memref<2x128x384xf32, #tpu.memory_space<vmem>> -> memref<1x128x384xf32, #tpu.memory_space<vmem>>
      %dma_wait3A_138 = tpu.memref_squeeze %dma_wait3A_137 : memref<1x128x384xf32, #tpu.memory_space<vmem>> -> memref<128x384xf32, #tpu.memory_space<vmem>>
      %dma_wait3A_139 = arith.constant 0 : i32
      %dma_wait3A_140 = tpu.memref_slice %arg6[%add3A_126, %dma_wait3A_139] : memref<25x128xi32, #tpu.memory_space<vmem>> -> memref<1x128xi32, #tpu.memory_space<vmem>>
      %dma_wait3A_141 = tpu.memref_squeeze %dma_wait3A_140 : memref<1x128xi32, #tpu.memory_space<vmem>> -> memref<128xi32, #tpu.memory_space<vmem>>
      %dma_wait3A_142 = arith.constant 0 : i32
      %dma_wait3A_143 = arith.constant 0 : i32
      %dma_wait3A_144 = tpu.memref_slice %arg2[%dma_wait3A_142, %dma_wait3A_143] : memref<100000x384xf32, #tpu.memory_space<hbm>> -> memref<100000x384xf32, #tpu.memory_space<hbm>>
      tpu.wait_indirect_dma semaphore(%arg12 : memref<!tpu.dma_semaphore, #tpu.memory_space<semaphore_mem>>) src(%dma_wait3A_144 : memref<100000x384xf32, #tpu.memory_space<hbm>>) dst(%dma_wait3A_138 : memref<128x384xf32, #tpu.memory_space<vmem>>)
      %mul3A_145 = arith.constant 25 : i32
      %mul3A_146 = arith.muli %add3A, %mul3A_145 : i32
      %add3A_147 = arith.addi %mul3A_146, %add3A_126 : i32
      %dma_wait3A_148 = arith.constant 512 : i32
      %dma_wait3A_149 = tpu.memref_slice %arg8[%dma_wait3A_148] : memref<1024xf32, #tpu.memory_space<vmem>> -> memref<512xf32, #tpu.memory_space<vmem>>
      %dma_wait3A_150 = arith.constant 0 : i32
      %dma_wait3A_151 = tpu.memref_slice %arg4[%add3A_147, %dma_wait3A_150] : memref<800x512xf32, #tpu.memory_space<hbm>> -> memref<1x512xf32, #tpu.memory_space<hbm>>
      %dma_wait3A_152 = tpu.memref_squeeze %dma_wait3A_151 : memref<1x512xf32, #tpu.memory_space<hbm>> -> memref<512xf32, #tpu.memory_space<hbm>>
      %dma_wait3A_153 = arith.constant 512 : i32
      %dma_wait3A_154 = tpu.memref_slice %arg8[%dma_wait3A_153] : memref<1024xf32, #tpu.memory_space<vmem>> -> memref<512xf32, #tpu.memory_space<vmem>>
      %dma_wait3A_155 = arith.constant 0 : i32
      %dma_wait3A_156 = tpu.memref_slice %arg4[%add3A_147, %dma_wait3A_155] : memref<800x512xf32, #tpu.memory_space<hbm>> -> memref<1x512xf32, #tpu.memory_space<hbm>>
      %dma_wait3A_157 = tpu.memref_squeeze %dma_wait3A_156 : memref<1x512xf32, #tpu.memory_space<hbm>> -> memref<512xf32, #tpu.memory_space<hbm>>
      tpu.wait_dma2 semaphore(%arg14 : memref<!tpu.dma_semaphore, #tpu.memory_space<semaphore_mem>>) src(%dma_wait3A_157 : memref<512xf32, #tpu.memory_space<hbm>>) dst(%dma_wait3A_154 : memref<512xf32, #tpu.memory_space<vmem>>)
      %scan3A_158 = arith.constant 0 : i32
      %scan3A_159 = arith.constant 0 : i32
      %scan3A_160 = arith.constant 128 : i32
      %scan3A_161 = arith.addi %scan3A_159, %scan3A_160 : i32
      %scan3A_162 = arith.constant 1 : i32
      scf.for %scan3A_171 = %scan3A_159 to %scan3A_161 step %scan3A_162  : i32 {
        %mul3A_172 = arith.constant 4 : i32
        %mul3A_173 = arith.muli %scan3A_171, %mul3A_172 : i32
        %broadcast_in_dim3A = vector.broadcast %mul3A_173 : i32 to vector<16xi32>
        %add3A_174 = arith.constant 512 : i32
        %add3A_175 = vector.broadcast %add3A_174 : i32 to vector<16xi32>
        %add3A_176 = arith.addi %broadcast_in_dim3A, %add3A_175 : vector<16xi32>
        %gather3A = tpu.vector_load_idx %arg8[%add3A_176] : memref<1024xf32, #tpu.memory_space<vmem>>[vector<16xi32>], vector<16xf32>,
        %add3A_177 = arith.constant 513 : i32
        %add3A_178 = vector.broadcast %add3A_177 : i32 to vector<16xi32>
        %add3A_179 = arith.addi %broadcast_in_dim3A, %add3A_178 : vector<16xi32>
        %gather3A_180 = tpu.vector_load_idx %arg8[%add3A_179] : memref<1024xf32, #tpu.memory_space<vmem>>[vector<16xi32>], vector<16xf32>,
        %add3A_181 = arith.constant 514 : i32
        %add3A_182 = vector.broadcast %add3A_181 : i32 to vector<16xi32>
        %add3A_183 = arith.addi %broadcast_in_dim3A, %add3A_182 : vector<16xi32>
        %gather3A_184 = tpu.vector_load_idx %arg8[%add3A_183] : memref<1024xf32, #tpu.memory_space<vmem>>[vector<16xi32>], vector<16xf32>,
        %add3A_185 = arith.constant 515 : i32
        %add3A_186 = vector.broadcast %add3A_185 : i32 to vector<16xi32>
        %add3A_187 = arith.addi %broadcast_in_dim3A, %add3A_186 : vector<16xi32>
        %gather3A_188 = tpu.vector_load_idx %arg8[%add3A_187] : memref<1024xf32, #tpu.memory_space<vmem>>[vector<16xi32>], vector<16xf32>,
        %get3A = arith.constant 1 : i32
        %get3A_189 = arith.index_cast %get3A : i32 to index
        %get3A_190 = arith.index_cast %scan3A_171 : i32 to index
        %get3A_191 = arith.constant 256 : index
        %get3A_192 = tpu.vector_load %arg7[%get3A_189, %get3A_190, %get3A_191] {strides = array<i32>} : memref<2x128x384xf32, #tpu.memory_space<vmem>>, vector<16xf32>,
        %get3A_193 = arith.constant 1 : i32
        %get3A_194 = arith.index_cast %get3A_193 : i32 to index
        %get3A_195 = arith.index_cast %scan3A_171 : i32 to index
        %get3A_196 = arith.constant 0 : index
        %get3A_197 = tpu.vector_load %arg7[%get3A_194, %get3A_195, %get3A_196] {strides = array<i32>} : memref<2x128x384xf32, #tpu.memory_space<vmem>>, vector<16xf32>,
        %mul3A_198 = arith.mulf %gather3A, %get3A_197 : vector<16xf32>
        %add3A_199 = arith.addf %get3A_192, %mul3A_198 : vector<16xf32>
        %get3A_200 = arith.constant 1 : i32
        %get3A_201 = arith.index_cast %get3A_200 : i32 to index
        %get3A_202 = arith.index_cast %scan3A_171 : i32 to index
        %get3A_203 = arith.constant 64 : index
        %get3A_204 = tpu.vector_load %arg7[%get3A_201, %get3A_202, %get3A_203] {strides = array<i32>} : memref<2x128x384xf32, #tpu.memory_space<vmem>>, vector<16xf32>,
        %mul3A_205 = arith.mulf %gather3A_180, %get3A_204 : vector<16xf32>
        %add3A_206 = arith.addf %add3A_199, %mul3A_205 : vector<16xf32>
        %get3A_207 = arith.constant 1 : i32
        %get3A_208 = arith.index_cast %get3A_207 : i32 to index
        %get3A_209 = arith.index_cast %scan3A_171 : i32 to index
        %get3A_210 = arith.constant 128 : index
        %get3A_211 = tpu.vector_load %arg7[%get3A_208, %get3A_209, %get3A_210] {strides = array<i32>} : memref<2x128x384xf32, #tpu.memory_space<vmem>>, vector<16xf32>,
        %mul3A_212 = arith.mulf %gather3A_184, %get3A_211 : vector<16xf32>
        %add3A_213 = arith.addf %add3A_206, %mul3A_212 : vector<16xf32>
        %get3A_214 = arith.constant 1 : i32
        %get3A_215 = arith.index_cast %get3A_214 : i32 to index
        %get3A_216 = arith.index_cast %scan3A_171 : i32 to index
        %get3A_217 = arith.constant 192 : index
        %get3A_218 = tpu.vector_load %arg7[%get3A_215, %get3A_216, %get3A_217] {strides = array<i32>} : memref<2x128x384xf32, #tpu.memory_space<vmem>>, vector<16xf32>,
        %mul3A_219 = arith.mulf %gather3A_188, %get3A_218 : vector<16xf32>
        %add3A_220 = arith.addf %add3A_213, %mul3A_219 : vector<16xf32>
        %mul3A_221 = arith.constant 64 : i32
        %mul3A_222 = arith.muli %scan3A_171, %mul3A_221 : i32
        %add3A_223 = arith.constant 0 : i32
        %add3A_224 = arith.addi %mul3A_222, %add3A_223 : i32
        %swap3A = arith.index_cast %add3A_224 : i32 to index
        %swap3A_225 = tpu.vector_load %arg10[%swap3A] {strides = array<i32>} : memref<8192xf32, #tpu.memory_space<vmem>>, vector<16xf32>,
        tpu.vector_store %arg10[%swap3A], %add3A_220 {strides = array<i32>} : memref<8192xf32, #tpu.memory_space<vmem>>, vector<16xf32>,
        %get3A_226 = arith.constant 1 : i32
        %get3A_227 = arith.index_cast %get3A_226 : i32 to index
        %get3A_228 = arith.index_cast %scan3A_171 : i32 to index
        %get3A_229 = arith.constant 272 : index
        %get3A_230 = tpu.vector_load %arg7[%get3A_227, %get3A_228, %get3A_229] {strides = array<i32>} : memref<2x128x384xf32, #tpu.memory_space<vmem>>, vector<16xf32>,
        %get3A_231 = arith.constant 1 : i32
        %get3A_232 = arith.index_cast %get3A_231 : i32 to index
        %get3A_233 = arith.index_cast %scan3A_171 : i32 to index
        %get3A_234 = arith.constant 16 : index
        %get3A_235 = tpu.vector_load %arg7[%get3A_232, %get3A_233, %get3A_234] {strides = array<i32>} : memref<2x128x384xf32, #tpu.memory_space<vmem>>, vector<16xf32>,
        %mul3A_236 = arith.mulf %gather3A, %get3A_235 : vector<16xf32>
        %add3A_237 = arith.addf %get3A_230, %mul3A_236 : vector<16xf32>
        %get3A_238 = arith.constant 1 : i32
        %get3A_239 = arith.index_cast %get3A_238 : i32 to index
        %get3A_240 = arith.index_cast %scan3A_171 : i32 to index
        %get3A_241 = arith.constant 80 : index
        %get3A_242 = tpu.vector_load %arg7[%get3A_239, %get3A_240, %get3A_241] {strides = array<i32>} : memref<2x128x384xf32, #tpu.memory_space<vmem>>, vector<16xf32>,
        %mul3A_243 = arith.mulf %gather3A_180, %get3A_242 : vector<16xf32>
        %add3A_244 = arith.addf %add3A_237, %mul3A_243 : vector<16xf32>
        %get3A_245 = arith.constant 1 : i32
        %get3A_246 = arith.index_cast %get3A_245 : i32 to index
        %get3A_247 = arith.index_cast %scan3A_171 : i32 to index
        %get3A_248 = arith.constant 144 : index
        %get3A_249 = tpu.vector_load %arg7[%get3A_246, %get3A_247, %get3A_248] {strides = array<i32>} : memref<2x128x384xf32, #tpu.memory_space<vmem>>, vector<16xf32>,
        %mul3A_250 = arith.mulf %gather3A_184, %get3A_249 : vector<16xf32>
        %add3A_251 = arith.addf %add3A_244, %mul3A_250 : vector<16xf32>
        %get3A_252 = arith.constant 1 : i32
        %get3A_253 = arith.index_cast %get3A_252 : i32 to index
        %get3A_254 = arith.index_cast %scan3A_171 : i32 to index
        %get3A_255 = arith.constant 208 : index
        %get3A_256 = tpu.vector_load %arg7[%get3A_253, %get3A_254, %get3A_255] {strides = array<i32>} : memref<2x128x384xf32, #tpu.memory_space<vmem>>, vector<16xf32>,
        %mul3A_257 = arith.mulf %gather3A_188, %get3A_256 : vector<16xf32>
        %add3A_258 = arith.addf %add3A_251, %mul3A_257 : vector<16xf32>
        %mul3A_259 = arith.constant 64 : i32
        %mul3A_260 = arith.muli %scan3A_171, %mul3A_259 : i32
        %add3A_261 = arith.constant 16 : i32
        %add3A_262 = arith.addi %mul3A_260, %add3A_261 : i32
        %swap3A_263 = arith.index_cast %add3A_262 : i32 to index
        %swap3A_264 = tpu.vector_load %arg10[%swap3A_263] {strides = array<i32>} : memref<8192xf32, #tpu.memory_space<vmem>>, vector<16xf32>,
        tpu.vector_store %arg10[%swap3A_263], %add3A_258 {strides = array<i32>} : memref<8192xf32, #tpu.memory_space<vmem>>, vector<16xf32>,
        %get3A_265 = arith.constant 1 : i32
        %get3A_266 = arith.index_cast %get3A_265 : i32 to index
        %get3A_267 = arith.index_cast %scan3A_171 : i32 to index
        %get3A_268 = arith.constant 288 : index
        %get3A_269 = tpu.vector_load %arg7[%get3A_266, %get3A_267, %get3A_268] {strides = array<i32>} : memref<2x128x384xf32, #tpu.memory_space<vmem>>, vector<16xf32>,
        %get3A_270 = arith.constant 1 : i32
        %get3A_271 = arith.index_cast %get3A_270 : i32 to index
        %get3A_272 = arith.index_cast %scan3A_171 : i32 to index
        %get3A_273 = arith.constant 32 : index
        %get3A_274 = tpu.vector_load %arg7[%get3A_271, %get3A_272, %get3A_273] {strides = array<i32>} : memref<2x128x384xf32, #tpu.memory_space<vmem>>, vector<16xf32>,
        %mul3A_275 = arith.mulf %gather3A, %get3A_274 : vector<16xf32>
        %add3A_276 = arith.addf %get3A_269, %mul3A_275 : vector<16xf32>
        %get3A_277 = arith.constant 1 : i32
        %get3A_278 = arith.index_cast %get3A_277 : i32 to index
        %get3A_279 = arith.index_cast %scan3A_171 : i32 to index
        %get3A_280 = arith.constant 96 : index
        %get3A_281 = tpu.vector_load %arg7[%get3A_278, %get3A_279, %get3A_280] {strides = array<i32>} : memref<2x128x384xf32, #tpu.memory_space<vmem>>, vector<16xf32>,
        %mul3A_282 = arith.mulf %gather3A_180, %get3A_281 : vector<16xf32>
        %add3A_283 = arith.addf %add3A_276, %mul3A_282 : vector<16xf32>
        %get3A_284 = arith.constant 1 : i32
        %get3A_285 = arith.index_cast %get3A_284 : i32 to index
        %get3A_286 = arith.index_cast %scan3A_171 : i32 to index
        %get3A_287 = arith.constant 160 : index
        %get3A_288 = tpu.vector_load %arg7[%get3A_285, %get3A_286, %get3A_287] {strides = array<i32>} : memref<2x128x384xf32, #tpu.memory_space<vmem>>, vector<16xf32>,
        %mul3A_289 = arith.mulf %gather3A_184, %get3A_288 : vector<16xf32>
        %add3A_290 = arith.addf %add3A_283, %mul3A_289 : vector<16xf32>
        %get3A_291 = arith.constant 1 : i32
        %get3A_292 = arith.index_cast %get3A_291 : i32 to index
        %get3A_293 = arith.index_cast %scan3A_171 : i32 to index
        %get3A_294 = arith.constant 224 : index
        %get3A_295 = tpu.vector_load %arg7[%get3A_292, %get3A_293, %get3A_294] {strides = array<i32>} : memref<2x128x384xf32, #tpu.memory_space<vmem>>, vector<16xf32>,
        %mul3A_296 = arith.mulf %gather3A_188, %get3A_295 : vector<16xf32>
        %add3A_297 = arith.addf %add3A_290, %mul3A_296 : vector<16xf32>
        %mul3A_298 = arith.constant 64 : i32
        %mul3A_299 = arith.muli %scan3A_171, %mul3A_298 : i32
        %add3A_300 = arith.constant 32 : i32
        %add3A_301 = arith.addi %mul3A_299, %add3A_300 : i32
        %swap3A_302 = arith.index_cast %add3A_301 : i32 to index
        %swap3A_303 = tpu.vector_load %arg10[%swap3A_302] {strides = array<i32>} : memref<8192xf32, #tpu.memory_space<vmem>>, vector<16xf32>,
        tpu.vector_store %arg10[%swap3A_302], %add3A_297 {strides = array<i32>} : memref<8192xf32, #tpu.memory_space<vmem>>, vector<16xf32>,
        %get3A_304 = arith.constant 1 : i32
        %get3A_305 = arith.index_cast %get3A_304 : i32 to index
        %get3A_306 = arith.index_cast %scan3A_171 : i32 to index
        %get3A_307 = arith.constant 304 : index
        %get3A_308 = tpu.vector_load %arg7[%get3A_305, %get3A_306, %get3A_307] {strides = array<i32>} : memref<2x128x384xf32, #tpu.memory_space<vmem>>, vector<16xf32>,
        %get3A_309 = arith.constant 1 : i32
        %get3A_310 = arith.index_cast %get3A_309 : i32 to index
        %get3A_311 = arith.index_cast %scan3A_171 : i32 to index
        %get3A_312 = arith.constant 48 : index
        %get3A_313 = tpu.vector_load %arg7[%get3A_310, %get3A_311, %get3A_312] {strides = array<i32>} : memref<2x128x384xf32, #tpu.memory_space<vmem>>, vector<16xf32>,
        %mul3A_314 = arith.mulf %gather3A, %get3A_313 : vector<16xf32>
        %add3A_315 = arith.addf %get3A_308, %mul3A_314 : vector<16xf32>
        %get3A_316 = arith.constant 1 : i32
        %get3A_317 = arith.index_cast %get3A_316 : i32 to index
        %get3A_318 = arith.index_cast %scan3A_171 : i32 to index
        %get3A_319 = arith.constant 112 : index
        %get3A_320 = tpu.vector_load %arg7[%get3A_317, %get3A_318, %get3A_319] {strides = array<i32>} : memref<2x128x384xf32, #tpu.memory_space<vmem>>, vector<16xf32>,
        %mul3A_321 = arith.mulf %gather3A_180, %get3A_320 : vector<16xf32>
        %add3A_322 = arith.addf %add3A_315, %mul3A_321 : vector<16xf32>
        %get3A_323 = arith.constant 1 : i32
        %get3A_324 = arith.index_cast %get3A_323 : i32 to index
        %get3A_325 = arith.index_cast %scan3A_171 : i32 to index
        %get3A_326 = arith.constant 176 : index
        %get3A_327 = tpu.vector_load %arg7[%get3A_324, %get3A_325, %get3A_326] {strides = array<i32>} : memref<2x128x384xf32, #tpu.memory_space<vmem>>, vector<16xf32>,
        %mul3A_328 = arith.mulf %gather3A_184, %get3A_327 : vector<16xf32>
        %add3A_329 = arith.addf %add3A_322, %mul3A_328 : vector<16xf32>
        %get3A_330 = arith.constant 1 : i32
        %get3A_331 = arith.index_cast %get3A_330 : i32 to index
        %get3A_332 = arith.index_cast %scan3A_171 : i32 to index
        %get3A_333 = arith.constant 240 : index
        %get3A_334 = tpu.vector_load %arg7[%get3A_331, %get3A_332, %get3A_333] {strides = array<i32>} : memref<2x128x384xf32, #tpu.memory_space<vmem>>, vector<16xf32>,
        %mul3A_335 = arith.mulf %gather3A_188, %get3A_334 : vector<16xf32>
        %add3A_336 = arith.addf %add3A_329, %mul3A_335 : vector<16xf32>
        %mul3A_337 = arith.constant 64 : i32
        %mul3A_338 = arith.muli %scan3A_171, %mul3A_337 : i32
        %add3A_339 = arith.constant 48 : i32
        %add3A_340 = arith.addi %mul3A_338, %add3A_339 : i32
        %swap3A_341 = arith.index_cast %add3A_340 : i32 to index
        %swap3A_342 = tpu.vector_load %arg10[%swap3A_341] {strides = array<i32>} : memref<8192xf32, #tpu.memory_space<vmem>>, vector<16xf32>,
        tpu.vector_store %arg10[%swap3A_341], %add3A_336 {strides = array<i32>} : memref<8192xf32, #tpu.memory_space<vmem>>, vector<16xf32>,
      }
      %scan3A_163 = arith.constant 128 : i32
      %mul3A_164 = arith.constant 3200 : i32
      %mul3A_165 = arith.muli %add3A, %mul3A_164 : i32
      %mul3A_166 = arith.constant 128 : i32
      %mul3A_167 = arith.muli %add3A_126, %mul3A_166 : i32
      %add3A_168 = arith.addi %mul3A_165, %mul3A_167 : i32
      %mul3A_169 = arith.constant 64 : i32
      %mul3A_170 = arith.muli %add3A_168, %mul3A_169 : i32
      "tpu.region"() ({
        %run_scoped3A = tpu.sem_alloc : memref<!tpu.dma_semaphore, #tpu.memory_space<semaphore_mem>>
        %dma_start3A_171 = tpu.memref_slice %arg5[%mul3A_170] : memref<6553600xf32, #tpu.memory_space<hbm>> -> memref<8192xf32, #tpu.memory_space<hbm>>
        %dma_start3A_172 = tpu.memref_slice %arg5[%mul3A_170] : memref<6553600xf32, #tpu.memory_space<hbm>> -> memref<8192xf32, #tpu.memory_space<hbm>>
        tpu.enqueue_dma source(%arg10 : memref<8192xf32, #tpu.memory_space<vmem>>) target(%dma_start3A_172 : memref<8192xf32, #tpu.memory_space<hbm>>) target_semaphore(%run_scoped3A : memref<!tpu.dma_semaphore, #tpu.memory_space<semaphore_mem>>)
        %dma_wait3A_173 = tpu.memref_slice %arg5[%mul3A_170] : memref<6553600xf32, #tpu.memory_space<hbm>> -> memref<8192xf32, #tpu.memory_space<hbm>>
        %dma_wait3A_174 = tpu.memref_slice %arg5[%mul3A_170] : memref<6553600xf32, #tpu.memory_space<hbm>> -> memref<8192xf32, #tpu.memory_space<hbm>>
        tpu.wait_dma2 semaphore(%run_scoped3A : memref<!tpu.dma_semaphore, #tpu.memory_space<semaphore_mem>>) src(%arg10 : memref<8192xf32, #tpu.memory_space<vmem>>) dst(%dma_wait3A_174 : memref<8192xf32, #tpu.memory_space<hbm>>)
        tpu.yield
      }) : () -> ()
    }
    %scan3A_28 = arith.constant 12 : i32
    %add3A_29 = arith.constant 24 : i32
    %add3A_30 = arith.constant 1 : i32
    %add3A_31 = arith.addi %add3A_29, %add3A_30 : i32
    %lt3A = arith.constant 25 : i32
    %lt3A_32 = arith.cmpi slt, %add3A_31, %lt3A : i32
    %convert_element_type3A = arith.extui %lt3A_32 : i1 to i32
    %cond3A = arith.constant 24 : i32
    %cond3A_33 = arith.constant 0 : i32
    %cond3A_34 = arith.cmpi ne, %convert_element_type3A, %cond3A_33 : i32
    scf.if %cond3A_34 {
      %add3A_74 = arith.constant 1 : i32
      %add3A_75 = arith.addi %cond3A, %add3A_74 : i32
      %dma_start3A_76 = arith.constant 1 : i32
      %dma_start3A_77 = arith.constant 0 : i32
      %dma_start3A_78 = arith.constant 0 : i32
      %dma_start3A_79 = tpu.memref_slice %arg7[%dma_start3A_76, %dma_start3A_77, %dma_start3A_78] : memref<2x128x384xf32, #tpu.memory_space<vmem>> -> memref<1x128x384xf32, #tpu.memory_space<vmem>>
      %dma_start3A_80 = tpu.memref_squeeze %dma_start3A_79 : memref<1x128x384xf32, #tpu.memory_space<vmem>> -> memref<128x384xf32, #tpu.memory_space<vmem>>
      %dma_start3A_81 = arith.constant 0 : i32
      %dma_start3A_82 = tpu.memref_slice %arg6[%add3A_75, %dma_start3A_81] : memref<25x128xi32, #tpu.memory_space<vmem>> -> memref<1x128xi32, #tpu.memory_space<vmem>>
      %dma_start3A_83 = tpu.memref_squeeze %dma_start3A_82 : memref<1x128xi32, #tpu.memory_space<vmem>> -> memref<128xi32, #tpu.memory_space<vmem>>
      %dma_start3A_84 = arith.constant 0 : i32
      %dma_start3A_85 = arith.constant 0 : i32
      %dma_start3A_86 = tpu.memref_slice %arg2[%dma_start3A_84, %dma_start3A_85] : memref<100000x384xf32, #tpu.memory_space<hbm>> -> memref<100000x384xf32, #tpu.memory_space<hbm>>
      tpu.enqueue_indirect_dma source(%dma_start3A_86 : memref<100000x384xf32, #tpu.memory_space<hbm>>) target(%dma_start3A_80 : memref<128x384xf32, #tpu.memory_space<vmem>>) offsets(%dma_start3A_83 : memref<128xi32, #tpu.memory_space<vmem>>) semaphore(%arg12 : memref<!tpu.dma_semaphore, #tpu.memory_space<semaphore_mem>>)
      %mul3A_87 = arith.constant 25 : i32
      %mul3A_88 = arith.muli %add3A, %mul3A_87 : i32
      %add3A_89 = arith.addi %mul3A_88, %cond3A : i32
      %add3A_90 = arith.constant 1 : i32
      %add3A_91 = arith.addi %add3A_89, %add3A_90 : i32
      %dma_start3A_92 = arith.constant 512 : i32
      %dma_start3A_93 = tpu.memref_slice %arg8[%dma_start3A_92] : memref<1024xf32, #tpu.memory_space<vmem>> -> memref<512xf32, #tpu.memory_space<vmem>>
      %dma_start3A_94 = arith.constant 0 : i32
      %dma_start3A_95 = tpu.memref_slice %arg4[%add3A_91, %dma_start3A_94] : memref<800x512xf32, #tpu.memory_space<hbm>> -> memref<1x512xf32, #tpu.memory_space<hbm>>
      %dma_start3A_96 = tpu.memref_squeeze %dma_start3A_95 : memref<1x512xf32, #tpu.memory_space<hbm>> -> memref<512xf32, #tpu.memory_space<hbm>>
      %dma_start3A_97 = arith.constant 512 : i32
      %dma_start3A_98 = tpu.memref_slice %arg8[%dma_start3A_97] : memref<1024xf32, #tpu.memory_space<vmem>> -> memref<512xf32, #tpu.memory_space<vmem>>
      %dma_start3A_99 = arith.constant 0 : i32
      %dma_start3A_100 = tpu.memref_slice %arg4[%add3A_91, %dma_start3A_99] : memref<800x512xf32, #tpu.memory_space<hbm>> -> memref<1x512xf32, #tpu.memory_space<hbm>>
      %dma_start3A_101 = tpu.memref_squeeze %dma_start3A_100 : memref<1x512xf32, #tpu.memory_space<hbm>> -> memref<512xf32, #tpu.memory_space<hbm>>
      tpu.enqueue_dma source(%dma_start3A_101 : memref<512xf32, #tpu.memory_space<hbm>>) target(%dma_start3A_98 : memref<512xf32, #tpu.memory_space<vmem>>) target_semaphore(%arg14 : memref<!tpu.dma_semaphore, #tpu.memory_space<semaphore_mem>>)
    } else {
    }
    %dma_wait3A = arith.constant 24 : i32
    %dma_wait3A_35 = arith.constant 0 : i32
    %dma_wait3A_36 = arith.constant 0 : i32
    %dma_wait3A_37 = arith.constant 0 : i32
    %dma_wait3A_38 = tpu.memref_slice %arg7[%dma_wait3A_35, %dma_wait3A_36, %dma_wait3A_37] : memref<2x128x384xf32, #tpu.memory_space<vmem>> -> memref<1x128x384xf32, #tpu.memory_space<vmem>>
    %dma_wait3A_39 = tpu.memref_squeeze %dma_wait3A_38 : memref<1x128x384xf32, #tpu.memory_space<vmem>> -> memref<128x384xf32, #tpu.memory_space<vmem>>
    %dma_wait3A_40 = arith.constant 0 : i32
    %dma_wait3A_41 = tpu.memref_slice %arg6[%dma_wait3A, %dma_wait3A_40] : memref<25x128xi32, #tpu.memory_space<vmem>> -> memref<1x128xi32, #tpu.memory_space<vmem>>
    %dma_wait3A_42 = tpu.memref_squeeze %dma_wait3A_41 : memref<1x128xi32, #tpu.memory_space<vmem>> -> memref<128xi32, #tpu.memory_space<vmem>>
    %dma_wait3A_43 = arith.constant 0 : i32
    %dma_wait3A_44 = arith.constant 0 : i32
    %dma_wait3A_45 = tpu.memref_slice %arg2[%dma_wait3A_43, %dma_wait3A_44] : memref<100000x384xf32, #tpu.memory_space<hbm>> -> memref<100000x384xf32, #tpu.memory_space<hbm>>
    tpu.wait_indirect_dma semaphore(%arg11 : memref<!tpu.dma_semaphore, #tpu.memory_space<semaphore_mem>>) src(%dma_wait3A_45 : memref<100000x384xf32, #tpu.memory_space<hbm>>) dst(%dma_wait3A_39 : memref<128x384xf32, #tpu.memory_space<vmem>>)
    %mul3A_46 = arith.constant 25 : i32
    %mul3A_47 = arith.muli %add3A, %mul3A_46 : i32
    %add3A_48 = arith.constant 24 : i32
    %add3A_49 = arith.addi %mul3A_47, %add3A_48 : i32
    %dma_wait3A_50 = arith.constant 0 : i32
    %dma_wait3A_51 = tpu.memref_slice %arg8[%dma_wait3A_50] : memref<1024xf32, #tpu.memory_space<vmem>> -> memref<512xf32, #tpu.memory_space<vmem>>
    %dma_wait3A_52 = arith.constant 0 : i32
    %dma_wait3A_53 = tpu.memref_slice %arg4[%add3A_49, %dma_wait3A_52] : memref<800x512xf32, #tpu.memory_space<hbm>> -> memref<1x512xf32, #tpu.memory_space<hbm>>
    %dma_wait3A_54 = tpu.memref_squeeze %dma_wait3A_53 : memref<1x512xf32, #tpu.memory_space<hbm>> -> memref<512xf32, #tpu.memory_space<hbm>>
    %dma_wait3A_55 = arith.constant 0 : i32
    %dma_wait3A_56 = tpu.memref_slice %arg8[%dma_wait3A_55] : memref<1024xf32, #tpu.memory_space<vmem>> -> memref<512xf32, #tpu.memory_space<vmem>>
    %dma_wait3A_57 = arith.constant 0 : i32
    %dma_wait3A_58 = tpu.memref_slice %arg4[%add3A_49, %dma_wait3A_57] : memref<800x512xf32, #tpu.memory_space<hbm>> -> memref<1x512xf32, #tpu.memory_space<hbm>>
    %dma_wait3A_59 = tpu.memref_squeeze %dma_wait3A_58 : memref<1x512xf32, #tpu.memory_space<hbm>> -> memref<512xf32, #tpu.memory_space<hbm>>
    tpu.wait_dma2 semaphore(%arg13 : memref<!tpu.dma_semaphore, #tpu.memory_space<semaphore_mem>>) src(%dma_wait3A_59 : memref<512xf32, #tpu.memory_space<hbm>>) dst(%dma_wait3A_56 : memref<512xf32, #tpu.memory_space<vmem>>)
    %scan3A_60 = arith.constant 0 : i32
    %scan3A_61 = arith.constant 0 : i32
    %scan3A_62 = arith.constant 128 : i32
    %scan3A_63 = arith.addi %scan3A_61, %scan3A_62 : i32
    %scan3A_64 = arith.constant 1 : i32
    scf.for %scan3A_74 = %scan3A_61 to %scan3A_63 step %scan3A_64  : i32 {
      %mul3A_75 = arith.constant 4 : i32
      %mul3A_76 = arith.muli %scan3A_74, %mul3A_75 : i32
      %broadcast_in_dim3A = vector.broadcast %mul3A_76 : i32 to vector<16xi32>
      %add3A_77 = arith.constant 0 : i32
      %add3A_78 = vector.broadcast %add3A_77 : i32 to vector<16xi32>
      %add3A_79 = arith.addi %broadcast_in_dim3A, %add3A_78 : vector<16xi32>
      %gather3A = tpu.vector_load_idx %arg8[%add3A_79] : memref<1024xf32, #tpu.memory_space<vmem>>[vector<16xi32>], vector<16xf32>,
      %add3A_80 = arith.constant 1 : i32
      %add3A_81 = vector.broadcast %add3A_80 : i32 to vector<16xi32>
      %add3A_82 = arith.addi %broadcast_in_dim3A, %add3A_81 : vector<16xi32>
      %gather3A_83 = tpu.vector_load_idx %arg8[%add3A_82] : memref<1024xf32, #tpu.memory_space<vmem>>[vector<16xi32>], vector<16xf32>,
      %add3A_84 = arith.constant 2 : i32
      %add3A_85 = vector.broadcast %add3A_84 : i32 to vector<16xi32>
      %add3A_86 = arith.addi %broadcast_in_dim3A, %add3A_85 : vector<16xi32>
      %gather3A_87 = tpu.vector_load_idx %arg8[%add3A_86] : memref<1024xf32, #tpu.memory_space<vmem>>[vector<16xi32>], vector<16xf32>,
      %add3A_88 = arith.constant 3 : i32
      %add3A_89 = vector.broadcast %add3A_88 : i32 to vector<16xi32>
      %add3A_90 = arith.addi %broadcast_in_dim3A, %add3A_89 : vector<16xi32>
      %gather3A_91 = tpu.vector_load_idx %arg8[%add3A_90] : memref<1024xf32, #tpu.memory_space<vmem>>[vector<16xi32>], vector<16xf32>,
      %get3A = arith.constant 0 : i32
      %get3A_92 = arith.index_cast %get3A : i32 to index
      %get3A_93 = arith.index_cast %scan3A_74 : i32 to index
      %get3A_94 = arith.constant 256 : index
      %get3A_95 = tpu.vector_load %arg7[%get3A_92, %get3A_93, %get3A_94] {strides = array<i32>} : memref<2x128x384xf32, #tpu.memory_space<vmem>>, vector<16xf32>,
      %get3A_96 = arith.constant 0 : i32
      %get3A_97 = arith.index_cast %get3A_96 : i32 to index
      %get3A_98 = arith.index_cast %scan3A_74 : i32 to index
      %get3A_99 = arith.constant 0 : index
      %get3A_100 = tpu.vector_load %arg7[%get3A_97, %get3A_98, %get3A_99] {strides = array<i32>} : memref<2x128x384xf32, #tpu.memory_space<vmem>>, vector<16xf32>,
      %mul3A_101 = arith.mulf %gather3A, %get3A_100 : vector<16xf32>
      %add3A_102 = arith.addf %get3A_95, %mul3A_101 : vector<16xf32>
      %get3A_103 = arith.constant 0 : i32
      %get3A_104 = arith.index_cast %get3A_103 : i32 to index
      %get3A_105 = arith.index_cast %scan3A_74 : i32 to index
      %get3A_106 = arith.constant 64 : index
      %get3A_107 = tpu.vector_load %arg7[%get3A_104, %get3A_105, %get3A_106] {strides = array<i32>} : memref<2x128x384xf32, #tpu.memory_space<vmem>>, vector<16xf32>,
      %mul3A_108 = arith.mulf %gather3A_83, %get3A_107 : vector<16xf32>
      %add3A_109 = arith.addf %add3A_102, %mul3A_108 : vector<16xf32>
      %get3A_110 = arith.constant 0 : i32
      %get3A_111 = arith.index_cast %get3A_110 : i32 to index
      %get3A_112 = arith.index_cast %scan3A_74 : i32 to index
      %get3A_113 = arith.constant 128 : index
      %get3A_114 = tpu.vector_load %arg7[%get3A_111, %get3A_112, %get3A_113] {strides = array<i32>} : memref<2x128x384xf32, #tpu.memory_space<vmem>>, vector<16xf32>,
      %mul3A_115 = arith.mulf %gather3A_87, %get3A_114 : vector<16xf32>
      %add3A_116 = arith.addf %add3A_109, %mul3A_115 : vector<16xf32>
      %get3A_117 = arith.constant 0 : i32
      %get3A_118 = arith.index_cast %get3A_117 : i32 to index
      %get3A_119 = arith.index_cast %scan3A_74 : i32 to index
      %get3A_120 = arith.constant 192 : index
      %get3A_121 = tpu.vector_load %arg7[%get3A_118, %get3A_119, %get3A_120] {strides = array<i32>} : memref<2x128x384xf32, #tpu.memory_space<vmem>>, vector<16xf32>,
      %mul3A_122 = arith.mulf %gather3A_91, %get3A_121 : vector<16xf32>
      %add3A_123 = arith.addf %add3A_116, %mul3A_122 : vector<16xf32>
      %mul3A_124 = arith.constant 64 : i32
      %mul3A_125 = arith.muli %scan3A_74, %mul3A_124 : i32
      %add3A_126 = arith.constant 0 : i32
      %add3A_127 = arith.addi %mul3A_125, %add3A_126 : i32
      %swap3A = arith.index_cast %add3A_127 : i32 to index
      %swap3A_128 = tpu.vector_load %arg9[%swap3A] {strides = array<i32>} : memref<8192xf32, #tpu.memory_space<vmem>>, vector<16xf32>,
      tpu.vector_store %arg9[%swap3A], %add3A_123 {strides = array<i32>} : memref<8192xf32, #tpu.memory_space<vmem>>, vector<16xf32>,
      %get3A_129 = arith.constant 0 : i32
      %get3A_130 = arith.index_cast %get3A_129 : i32 to index
      %get3A_131 = arith.index_cast %scan3A_74 : i32 to index
      %get3A_132 = arith.constant 272 : index
      %get3A_133 = tpu.vector_load %arg7[%get3A_130, %get3A_131, %get3A_132] {strides = array<i32>} : memref<2x128x384xf32, #tpu.memory_space<vmem>>, vector<16xf32>,
      %get3A_134 = arith.constant 0 : i32
      %get3A_135 = arith.index_cast %get3A_134 : i32 to index
      %get3A_136 = arith.index_cast %scan3A_74 : i32 to index
      %get3A_137 = arith.constant 16 : index
      %get3A_138 = tpu.vector_load %arg7[%get3A_135, %get3A_136, %get3A_137] {strides = array<i32>} : memref<2x128x384xf32, #tpu.memory_space<vmem>>, vector<16xf32>,
      %mul3A_139 = arith.mulf %gather3A, %get3A_138 : vector<16xf32>
      %add3A_140 = arith.addf %get3A_133, %mul3A_139 : vector<16xf32>
      %get3A_141 = arith.constant 0 : i32
      %get3A_142 = arith.index_cast %get3A_141 : i32 to index
      %get3A_143 = arith.index_cast %scan3A_74 : i32 to index
      %get3A_144 = arith.constant 80 : index
      %get3A_145 = tpu.vector_load %arg7[%get3A_142, %get3A_143, %get3A_144] {strides = array<i32>} : memref<2x128x384xf32, #tpu.memory_space<vmem>>, vector<16xf32>,
      %mul3A_146 = arith.mulf %gather3A_83, %get3A_145 : vector<16xf32>
      %add3A_147 = arith.addf %add3A_140, %mul3A_146 : vector<16xf32>
      %get3A_148 = arith.constant 0 : i32
      %get3A_149 = arith.index_cast %get3A_148 : i32 to index
      %get3A_150 = arith.index_cast %scan3A_74 : i32 to index
      %get3A_151 = arith.constant 144 : index
      %get3A_152 = tpu.vector_load %arg7[%get3A_149, %get3A_150, %get3A_151] {strides = array<i32>} : memref<2x128x384xf32, #tpu.memory_space<vmem>>, vector<16xf32>,
      %mul3A_153 = arith.mulf %gather3A_87, %get3A_152 : vector<16xf32>
      %add3A_154 = arith.addf %add3A_147, %mul3A_153 : vector<16xf32>
      %get3A_155 = arith.constant 0 : i32
      %get3A_156 = arith.index_cast %get3A_155 : i32 to index
      %get3A_157 = arith.index_cast %scan3A_74 : i32 to index
      %get3A_158 = arith.constant 208 : index
      %get3A_159 = tpu.vector_load %arg7[%get3A_156, %get3A_157, %get3A_158] {strides = array<i32>} : memref<2x128x384xf32, #tpu.memory_space<vmem>>, vector<16xf32>,
      %mul3A_160 = arith.mulf %gather3A_91, %get3A_159 : vector<16xf32>
      %add3A_161 = arith.addf %add3A_154, %mul3A_160 : vector<16xf32>
      %mul3A_162 = arith.constant 64 : i32
      %mul3A_163 = arith.muli %scan3A_74, %mul3A_162 : i32
      %add3A_164 = arith.constant 16 : i32
      %add3A_165 = arith.addi %mul3A_163, %add3A_164 : i32
      %swap3A_166 = arith.index_cast %add3A_165 : i32 to index
      %swap3A_167 = tpu.vector_load %arg9[%swap3A_166] {strides = array<i32>} : memref<8192xf32, #tpu.memory_space<vmem>>, vector<16xf32>,
      tpu.vector_store %arg9[%swap3A_166], %add3A_161 {strides = array<i32>} : memref<8192xf32, #tpu.memory_space<vmem>>, vector<16xf32>,
      %get3A_168 = arith.constant 0 : i32
      %get3A_169 = arith.index_cast %get3A_168 : i32 to index
      %get3A_170 = arith.index_cast %scan3A_74 : i32 to index
      %get3A_171 = arith.constant 288 : index
      %get3A_172 = tpu.vector_load %arg7[%get3A_169, %get3A_170, %get3A_171] {strides = array<i32>} : memref<2x128x384xf32, #tpu.memory_space<vmem>>, vector<16xf32>,
      %get3A_173 = arith.constant 0 : i32
      %get3A_174 = arith.index_cast %get3A_173 : i32 to index
      %get3A_175 = arith.index_cast %scan3A_74 : i32 to index
      %get3A_176 = arith.constant 32 : index
      %get3A_177 = tpu.vector_load %arg7[%get3A_174, %get3A_175, %get3A_176] {strides = array<i32>} : memref<2x128x384xf32, #tpu.memory_space<vmem>>, vector<16xf32>,
      %mul3A_178 = arith.mulf %gather3A, %get3A_177 : vector<16xf32>
      %add3A_179 = arith.addf %get3A_172, %mul3A_178 : vector<16xf32>
      %get3A_180 = arith.constant 0 : i32
      %get3A_181 = arith.index_cast %get3A_180 : i32 to index
      %get3A_182 = arith.index_cast %scan3A_74 : i32 to index
      %get3A_183 = arith.constant 96 : index
      %get3A_184 = tpu.vector_load %arg7[%get3A_181, %get3A_182, %get3A_183] {strides = array<i32>} : memref<2x128x384xf32, #tpu.memory_space<vmem>>, vector<16xf32>,
      %mul3A_185 = arith.mulf %gather3A_83, %get3A_184 : vector<16xf32>
      %add3A_186 = arith.addf %add3A_179, %mul3A_185 : vector<16xf32>
      %get3A_187 = arith.constant 0 : i32
      %get3A_188 = arith.index_cast %get3A_187 : i32 to index
      %get3A_189 = arith.index_cast %scan3A_74 : i32 to index
      %get3A_190 = arith.constant 160 : index
      %get3A_191 = tpu.vector_load %arg7[%get3A_188, %get3A_189, %get3A_190] {strides = array<i32>} : memref<2x128x384xf32, #tpu.memory_space<vmem>>, vector<16xf32>,
      %mul3A_192 = arith.mulf %gather3A_87, %get3A_191 : vector<16xf32>
      %add3A_193 = arith.addf %add3A_186, %mul3A_192 : vector<16xf32>
      %get3A_194 = arith.constant 0 : i32
      %get3A_195 = arith.index_cast %get3A_194 : i32 to index
      %get3A_196 = arith.index_cast %scan3A_74 : i32 to index
      %get3A_197 = arith.constant 224 : index
      %get3A_198 = tpu.vector_load %arg7[%get3A_195, %get3A_196, %get3A_197] {strides = array<i32>} : memref<2x128x384xf32, #tpu.memory_space<vmem>>, vector<16xf32>,
      %mul3A_199 = arith.mulf %gather3A_91, %get3A_198 : vector<16xf32>
      %add3A_200 = arith.addf %add3A_193, %mul3A_199 : vector<16xf32>
      %mul3A_201 = arith.constant 64 : i32
      %mul3A_202 = arith.muli %scan3A_74, %mul3A_201 : i32
      %add3A_203 = arith.constant 32 : i32
      %add3A_204 = arith.addi %mul3A_202, %add3A_203 : i32
      %swap3A_205 = arith.index_cast %add3A_204 : i32 to index
      %swap3A_206 = tpu.vector_load %arg9[%swap3A_205] {strides = array<i32>} : memref<8192xf32, #tpu.memory_space<vmem>>, vector<16xf32>,
      tpu.vector_store %arg9[%swap3A_205], %add3A_200 {strides = array<i32>} : memref<8192xf32, #tpu.memory_space<vmem>>, vector<16xf32>,
      %get3A_207 = arith.constant 0 : i32
      %get3A_208 = arith.index_cast %get3A_207 : i32 to index
      %get3A_209 = arith.index_cast %scan3A_74 : i32 to index
      %get3A_210 = arith.constant 304 : index
      %get3A_211 = tpu.vector_load %arg7[%get3A_208, %get3A_209, %get3A_210] {strides = array<i32>} : memref<2x128x384xf32, #tpu.memory_space<vmem>>, vector<16xf32>,
      %get3A_212 = arith.constant 0 : i32
      %get3A_213 = arith.index_cast %get3A_212 : i32 to index
      %get3A_214 = arith.index_cast %scan3A_74 : i32 to index
      %get3A_215 = arith.constant 48 : index
      %get3A_216 = tpu.vector_load %arg7[%get3A_213, %get3A_214, %get3A_215] {strides = array<i32>} : memref<2x128x384xf32, #tpu.memory_space<vmem>>, vector<16xf32>,
      %mul3A_217 = arith.mulf %gather3A, %get3A_216 : vector<16xf32>
      %add3A_218 = arith.addf %get3A_211, %mul3A_217 : vector<16xf32>
      %get3A_219 = arith.constant 0 : i32
      %get3A_220 = arith.index_cast %get3A_219 : i32 to index
      %get3A_221 = arith.index_cast %scan3A_74 : i32 to index
      %get3A_222 = arith.constant 112 : index
      %get3A_223 = tpu.vector_load %arg7[%get3A_220, %get3A_221, %get3A_222] {strides = array<i32>} : memref<2x128x384xf32, #tpu.memory_space<vmem>>, vector<16xf32>,
      %mul3A_224 = arith.mulf %gather3A_83, %get3A_223 : vector<16xf32>
      %add3A_225 = arith.addf %add3A_218, %mul3A_224 : vector<16xf32>
      %get3A_226 = arith.constant 0 : i32
      %get3A_227 = arith.index_cast %get3A_226 : i32 to index
      %get3A_228 = arith.index_cast %scan3A_74 : i32 to index
      %get3A_229 = arith.constant 176 : index
      %get3A_230 = tpu.vector_load %arg7[%get3A_227, %get3A_228, %get3A_229] {strides = array<i32>} : memref<2x128x384xf32, #tpu.memory_space<vmem>>, vector<16xf32>,
      %mul3A_231 = arith.mulf %gather3A_87, %get3A_230 : vector<16xf32>
      %add3A_232 = arith.addf %add3A_225, %mul3A_231 : vector<16xf32>
      %get3A_233 = arith.constant 0 : i32
      %get3A_234 = arith.index_cast %get3A_233 : i32 to index
      %get3A_235 = arith.index_cast %scan3A_74 : i32 to index
      %get3A_236 = arith.constant 240 : index
      %get3A_237 = tpu.vector_load %arg7[%get3A_234, %get3A_235, %get3A_236] {strides = array<i32>} : memref<2x128x384xf32, #tpu.memory_space<vmem>>, vector<16xf32>,
      %mul3A_238 = arith.mulf %gather3A_91, %get3A_237 : vector<16xf32>
      %add3A_239 = arith.addf %add3A_232, %mul3A_238 : vector<16xf32>
      %mul3A_240 = arith.constant 64 : i32
      %mul3A_241 = arith.muli %scan3A_74, %mul3A_240 : i32
      %add3A_242 = arith.constant 48 : i32
      %add3A_243 = arith.addi %mul3A_241, %add3A_242 : i32
      %swap3A_244 = arith.index_cast %add3A_243 : i32 to index
      %swap3A_245 = tpu.vector_load %arg9[%swap3A_244] {strides = array<i32>} : memref<8192xf32, #tpu.memory_space<vmem>>, vector<16xf32>,
      tpu.vector_store %arg9[%swap3A_244], %add3A_239 {strides = array<i32>} : memref<8192xf32, #tpu.memory_space<vmem>>, vector<16xf32>,
    }
    %scan3A_65 = arith.constant 128 : i32
    %mul3A_66 = arith.constant 3200 : i32
    %mul3A_67 = arith.muli %add3A, %mul3A_66 : i32
    %mul3A_68 = arith.constant 24 : i32
    %mul3A_69 = arith.constant 128 : i32
    %mul3A_70 = arith.muli %mul3A_68, %mul3A_69 : i32
    %add3A_71 = arith.addi %mul3A_67, %mul3A_70 : i32
    %mul3A_72 = arith.constant 64 : i32
    %mul3A_73 = arith.muli %add3A_71, %mul3A_72 : i32
    "tpu.region"() ({
      %run_scoped3A = tpu.sem_alloc : memref<!tpu.dma_semaphore, #tpu.memory_space<semaphore_mem>>
      %dma_start3A_74 = tpu.memref_slice %arg5[%mul3A_73] : memref<6553600xf32, #tpu.memory_space<hbm>> -> memref<8192xf32, #tpu.memory_space<hbm>>
      %dma_start3A_75 = tpu.memref_slice %arg5[%mul3A_73] : memref<6553600xf32, #tpu.memory_space<hbm>> -> memref<8192xf32, #tpu.memory_space<hbm>>
      tpu.enqueue_dma source(%arg9 : memref<8192xf32, #tpu.memory_space<vmem>>) target(%dma_start3A_75 : memref<8192xf32, #tpu.memory_space<hbm>>) target_semaphore(%run_scoped3A : memref<!tpu.dma_semaphore, #tpu.memory_space<semaphore_mem>>)
      %dma_wait3A_76 = tpu.memref_slice %arg5[%mul3A_73] : memref<6553600xf32, #tpu.memory_space<hbm>> -> memref<8192xf32, #tpu.memory_space<hbm>>
      %dma_wait3A_77 = tpu.memref_slice %arg5[%mul3A_73] : memref<6553600xf32, #tpu.memory_space<hbm>> -> memref<8192xf32, #tpu.memory_space<hbm>>
      tpu.wait_dma2 semaphore(%run_scoped3A : memref<!tpu.dma_semaphore, #tpu.memory_space<semaphore_mem>>) src(%arg9 : memref<8192xf32, #tpu.memory_space<vmem>>) dst(%dma_wait3A_77 : memref<8192xf32, #tpu.memory_space<hbm>>)
      tpu.yield
    }) : () -> ()
    return
  }
}

module attributes {stable_mosaic.version = 14 : i64} {
  func.func @_pad_body(%arg0: i32, %arg1: memref<1000x320xf32, #tpu.memory_space<vmem>>, %arg2: memref<1000x384xf32, #tpu.memory_space<vmem>>) attributes {dimension_semantics = [#tpu.dimension_semantics<arbitrary>], iteration_bounds = array<i64: 100>, scalar_prefetch = 0 : i64, scratch_operands = 0 : i64, tpu.core_type = #tpu.core_type<tc>, window_params = [{transform_indices = @transform_0, window_bounds = array<i64: 1000, 320>}, {transform_indices = @transform_1, window_bounds = array<i64: 1000, 384>}]} {
    %get3A = arith.constant 0 : index
    %get3A_0 = arith.constant 0 : index
    %get3A_1 = vector.load %arg1[%get3A, %get3A_0] : memref<1000x320xf32, #tpu.memory_space<vmem>>, vector<1000x320xf32>
    %swap3A = arith.constant 0 : index
    %swap3A_2 = arith.constant 0 : index
    %swap3A_3 = vector.load %arg2[%swap3A, %swap3A_2] : memref<1000x384xf32, #tpu.memory_space<vmem>>, vector<1000x320xf32>
    tpu.vector_store %arg2[%swap3A, %swap3A_2], %get3A_1 {strides = array<i32>} : memref<1000x384xf32, #tpu.memory_space<vmem>>, vector<1000x320xf32>,
    %broadcast_in_dim3A = arith.constant 0.000000e+00 : f32
    %broadcast_in_dim3A_4 = vector.broadcast %broadcast_in_dim3A : f32 to vector<1000x64xf32>
    %swap3A_5 = arith.constant 0 : index
    %swap3A_6 = arith.constant 320 : index
    %swap3A_7 = vector.load %arg2[%swap3A_5, %swap3A_6] : memref<1000x384xf32, #tpu.memory_space<vmem>>, vector<1000x64xf32>
    tpu.vector_store %arg2[%swap3A_5, %swap3A_6], %broadcast_in_dim3A_4 {strides = array<i32>} : memref<1000x384xf32, #tpu.memory_space<vmem>>, vector<1000x64xf32>,
    return
  }
  func.func @transform_0(%arg0: i32) -> (i32, i32) {
    %c0_i32 = arith.constant 0 : i32
    %c0_i32_0 = arith.constant 0 : i32
    return %arg0, %c0_i32 : i32, i32
  }
  func.func @transform_1(%arg0: i32) -> (i32, i32) {
    %c0_i32 = arith.constant 0 : i32
    %c0_i32_0 = arith.constant 0 : i32
    return %arg0, %c0_i32 : i32, i32
  }
}

module attributes {stable_mosaic.version = 14 : i64} {
  func.func @_tc_body(%arg0: i32, %arg1: memref<128x50x64xf32, #tpu.memory_space<vmem>>, %arg2: memref<128x50x4xf32, #tpu.memory_space<vmem>>, %arg3: memref<4xf32, #tpu.memory_space<smem>>, %arg4: memref<1xf32, #tpu.memory_space<smem>>, %arg5: memref<128x50x65xf32, #tpu.memory_space<vmem>>) attributes {dimension_semantics = [#tpu.dimension_semantics<arbitrary>], iteration_bounds = array<i64: 16>, scalar_prefetch = 0 : i64, scratch_operands = 0 : i64, tpu.core_type = #tpu.core_type<tc>, window_params = [{transform_indices = @transform_0, window_bounds = array<i64: 128, 50, 64>}, {transform_indices = @transform_1, window_bounds = array<i64: 128, 50, 4>}, {transform_indices = @transform_2, window_bounds = array<i64: 4>}, {transform_indices = @transform_3, window_bounds = array<i64: 1>}, {transform_indices = @transform_4, window_bounds = array<i64: 128, 50, 65>}]} {
    %get3A = arith.constant 0 : index
    %get3A_0 = arith.constant 0 : index
    %get3A_1 = arith.constant 0 : index
    %get3A_2 = vector.load %arg2[%get3A, %get3A_0, %get3A_1] : memref<128x50x4xf32, #tpu.memory_space<vmem>>, vector<128x50x4xf32>
    %slice3A = vector.extract_strided_slice %get3A_2 {offsets = [0, 0, 0], sizes = [128, 50, 1], strides = [1, 1, 1]} : vector<128x50x4xf32> to vector<128x50x1xf32>
    %get3A_3 = arith.constant 0 : index
    %get3A_4 = memref.load %arg3[%get3A_3] : memref<4xf32, #tpu.memory_space<smem>>
    %mul3A = vector.broadcast %get3A_4 : f32 to vector<128x50x1xf32>
    %mul3A_5 = arith.mulf %slice3A, %mul3A : vector<128x50x1xf32>
    %slice3A_6 = vector.extract_strided_slice %get3A_2 {offsets = [0, 0, 1], sizes = [128, 50, 1], strides = [1, 1, 1]} : vector<128x50x4xf32> to vector<128x50x1xf32>
    %get3A_7 = arith.constant 1 : index
    %get3A_8 = memref.load %arg3[%get3A_7] : memref<4xf32, #tpu.memory_space<smem>>
    %mul3A_9 = vector.broadcast %get3A_8 : f32 to vector<128x50x1xf32>
    %mul3A_10 = arith.mulf %slice3A_6, %mul3A_9 : vector<128x50x1xf32>
    %add3A = arith.addf %mul3A_5, %mul3A_10 : vector<128x50x1xf32>
    %slice3A_11 = vector.extract_strided_slice %get3A_2 {offsets = [0, 0, 2], sizes = [128, 50, 1], strides = [1, 1, 1]} : vector<128x50x4xf32> to vector<128x50x1xf32>
    %get3A_12 = arith.constant 2 : index
    %get3A_13 = memref.load %arg3[%get3A_12] : memref<4xf32, #tpu.memory_space<smem>>
    %mul3A_14 = vector.broadcast %get3A_13 : f32 to vector<128x50x1xf32>
    %mul3A_15 = arith.mulf %slice3A_11, %mul3A_14 : vector<128x50x1xf32>
    %add3A_16 = arith.addf %add3A, %mul3A_15 : vector<128x50x1xf32>
    %slice3A_17 = vector.extract_strided_slice %get3A_2 {offsets = [0, 0, 3], sizes = [128, 50, 1], strides = [1, 1, 1]} : vector<128x50x4xf32> to vector<128x50x1xf32>
    %get3A_18 = arith.constant 3 : index
    %get3A_19 = memref.load %arg3[%get3A_18] : memref<4xf32, #tpu.memory_space<smem>>
    %mul3A_20 = vector.broadcast %get3A_19 : f32 to vector<128x50x1xf32>
    %mul3A_21 = arith.mulf %slice3A_17, %mul3A_20 : vector<128x50x1xf32>
    %add3A_22 = arith.addf %add3A_16, %mul3A_21 : vector<128x50x1xf32>
    %get3A_23 = arith.constant 0 : index
    %get3A_24 = memref.load %arg4[%get3A_23] : memref<1xf32, #tpu.memory_space<smem>>
    %add3A_25 = vector.broadcast %get3A_24 : f32 to vector<128x50x1xf32>
    %add3A_26 = arith.addf %add3A_22, %add3A_25 : vector<128x50x1xf32>
    %swap3A = arith.constant 0 : index
    %swap3A_27 = arith.constant 0 : index
    %swap3A_28 = arith.constant 0 : index
    %swap3A_29 = vector.load %arg5[%swap3A, %swap3A_27, %swap3A_28] : memref<128x50x65xf32, #tpu.memory_space<vmem>>, vector<128x50x1xf32>
    tpu.vector_store %arg5[%swap3A, %swap3A_27, %swap3A_28], %add3A_26 {strides = array<i32>} : memref<128x50x65xf32, #tpu.memory_space<vmem>>, vector<128x50x1xf32>,
    %get3A_30 = arith.constant 0 : index
    %get3A_31 = arith.constant 0 : index
    %get3A_32 = arith.constant 0 : index
    %get3A_33 = vector.load %arg1[%get3A_30, %get3A_31, %get3A_32] : memref<128x50x64xf32, #tpu.memory_space<vmem>>, vector<128x50x64xf32>
    %mul3A_34 = arith.constant 0.318309873 : f32
    %mul3A_35 = vector.broadcast %mul3A_34 : f32 to vector<128x50x64xf32>
    %mul3A_36 = arith.mulf %get3A_33, %mul3A_35 : vector<128x50x64xf32>
    %add3A_37 = arith.constant 5.000000e-01 : f32
    %add3A_38 = vector.broadcast %add3A_37 : f32 to vector<128x50x64xf32>
    %add3A_39 = arith.addf %mul3A_36, %add3A_38 : vector<128x50x64xf32>
    %floor3A = math.floor %add3A_39 : vector<128x50x64xf32>
    %mul3A_40 = arith.constant 3.140625 : f32
    %mul3A_41 = vector.broadcast %mul3A_40 : f32 to vector<128x50x64xf32>
    %mul3A_42 = arith.mulf %floor3A, %mul3A_41 : vector<128x50x64xf32>
    %sub3A = arith.subf %get3A_33, %mul3A_42 : vector<128x50x64xf32>
    %mul3A_43 = arith.constant 9.67653584E-4 : f32
    %mul3A_44 = vector.broadcast %mul3A_43 : f32 to vector<128x50x64xf32>
    %mul3A_45 = arith.mulf %floor3A, %mul3A_44 : vector<128x50x64xf32>
    %sub3A_46 = arith.subf %sub3A, %mul3A_45 : vector<128x50x64xf32>
    %mul3A_47 = arith.mulf %sub3A_46, %sub3A_46 : vector<128x50x64xf32>
    %mul3A_48 = arith.constant 2.752600e-06 : f32
    %mul3A_49 = vector.broadcast %mul3A_48 : f32 to vector<128x50x64xf32>
    %mul3A_50 = arith.mulf %mul3A_47, %mul3A_49 : vector<128x50x64xf32>
    %add3A_51 = arith.constant -1.984090e-04 : f32
    %add3A_52 = vector.broadcast %add3A_51 : f32 to vector<128x50x64xf32>
    %add3A_53 = arith.addf %add3A_52, %mul3A_50 : vector<128x50x64xf32>
    %mul3A_54 = arith.mulf %mul3A_47, %add3A_53 : vector<128x50x64xf32>
    %add3A_55 = arith.constant 0.00833333097 : f32
    %add3A_56 = vector.broadcast %add3A_55 : f32 to vector<128x50x64xf32>
    %add3A_57 = arith.addf %add3A_56, %mul3A_54 : vector<128x50x64xf32>
    %mul3A_58 = arith.mulf %mul3A_47, %add3A_57 : vector<128x50x64xf32>
    %add3A_59 = arith.constant -0.166666672 : f32
    %add3A_60 = vector.broadcast %add3A_59 : f32 to vector<128x50x64xf32>
    %add3A_61 = arith.addf %add3A_60, %mul3A_58 : vector<128x50x64xf32>
    %mul3A_62 = arith.mulf %mul3A_47, %add3A_61 : vector<128x50x64xf32>
    %add3A_63 = arith.constant 1.000000e+00 : f32
    %add3A_64 = vector.broadcast %add3A_63 : f32 to vector<128x50x64xf32>
    %add3A_65 = arith.addf %add3A_64, %mul3A_62 : vector<128x50x64xf32>
    %mul3A_66 = arith.mulf %sub3A_46, %add3A_65 : vector<128x50x64xf32>
    %mul3A_67 = arith.constant 5.000000e-01 : f32
    %mul3A_68 = vector.broadcast %mul3A_67 : f32 to vector<128x50x64xf32>
    %mul3A_69 = arith.mulf %floor3A, %mul3A_68 : vector<128x50x64xf32>
    %floor3A_70 = math.floor %mul3A_69 : vector<128x50x64xf32>
    %mul3A_71 = arith.constant 2.000000e+00 : f32
    %mul3A_72 = vector.broadcast %mul3A_71 : f32 to vector<128x50x64xf32>
    %mul3A_73 = arith.mulf %mul3A_72, %floor3A_70 : vector<128x50x64xf32>
    %sub3A_74 = arith.subf %floor3A, %mul3A_73 : vector<128x50x64xf32>
    %mul3A_75 = arith.constant 2.000000e+00 : f32
    %mul3A_76 = vector.broadcast %mul3A_75 : f32 to vector<128x50x64xf32>
    %mul3A_77 = arith.mulf %mul3A_76, %sub3A_74 : vector<128x50x64xf32>
    %sub3A_78 = arith.constant 1.000000e+00 : f32
    %sub3A_79 = vector.broadcast %sub3A_78 : f32 to vector<128x50x64xf32>
    %sub3A_80 = arith.subf %sub3A_79, %mul3A_77 : vector<128x50x64xf32>
    %mul3A_81 = arith.mulf %mul3A_66, %sub3A_80 : vector<128x50x64xf32>
    %swap3A_82 = arith.constant 0 : index
    %swap3A_83 = arith.constant 0 : index
    %swap3A_84 = arith.constant 1 : index
    %swap3A_85 = vector.load %arg5[%swap3A_82, %swap3A_83, %swap3A_84] : memref<128x50x65xf32, #tpu.memory_space<vmem>>, vector<128x50x64xf32>
    tpu.vector_store %arg5[%swap3A_82, %swap3A_83, %swap3A_84], %mul3A_81 {strides = array<i32>} : memref<128x50x65xf32, #tpu.memory_space<vmem>>, vector<128x50x64xf32>,
    return
  }
  func.func @transform_0(%arg0: i32) -> (i32, i32, i32) {
    %c0_i32 = arith.constant 0 : i32
    %c0_i32_0 = arith.constant 0 : i32
    %c0_i32_1 = arith.constant 0 : i32
    return %arg0, %c0_i32, %c0_i32_0 : i32, i32, i32
  }
  func.func @transform_1(%arg0: i32) -> (i32, i32, i32) {
    %add3A = arith.constant 0 : i32
    %add3A_0 = arith.addi %arg0, %add3A : i32
    %c0_i32 = arith.constant 0 : i32
    %c0_i32_1 = arith.constant 0 : i32
    %c0_i32_2 = arith.constant 0 : i32
    return %add3A_0, %c0_i32, %c0_i32_1 : i32, i32, i32
  }
  func.func @transform_2(%arg0: i32) -> i32 {
    %c0_i32 = arith.constant 0 : i32
    %c0_i32_0 = arith.constant 0 : i32
    return %c0_i32 : i32
  }
  func.func @transform_3(%arg0: i32) -> i32 {
    %c0_i32 = arith.constant 0 : i32
    %c0_i32_0 = arith.constant 0 : i32
    return %c0_i32 : i32
  }
  func.func @transform_4(%arg0: i32) -> (i32, i32, i32) {
    %add3A = arith.constant 0 : i32
    %add3A_0 = arith.addi %arg0, %add3A : i32
    %c0_i32 = arith.constant 0 : i32
    %c0_i32_1 = arith.constant 0 : i32
    %c0_i32_2 = arith.constant 0 : i32
    return %add3A_0, %c0_i32, %c0_i32_1 : i32, i32, i32
  }
}

module attributes {stable_mosaic.version = 14 : i64} {
  func.func @_tc_body_alias(%arg0: i32, %arg1: memref<128x50x64xf32, #tpu.memory_space<vmem>>, %arg2: memref<128x50x4xf32, #tpu.memory_space<vmem>>, %arg3: memref<4xf32, #tpu.memory_space<smem>>, %arg4: memref<1xf32, #tpu.memory_space<smem>>, %arg5: memref<4096x50x65xf32, #tpu.memory_space<any>>, %arg6: memref<128x50x65xf32, #tpu.memory_space<vmem>>) attributes {dimension_semantics = [#tpu.dimension_semantics<arbitrary>], iteration_bounds = array<i64: 16>, scalar_prefetch = 0 : i64, scratch_operands = 0 : i64, tpu.core_type = #tpu.core_type<tc>, window_params = [{transform_indices = @transform_0, window_bounds = array<i64: 128, 50, 64>}, {transform_indices = @transform_1, window_bounds = array<i64: 128, 50, 4>}, {transform_indices = @transform_2, window_bounds = array<i64: 4>}, {transform_indices = @transform_3, window_bounds = array<i64: 1>}, {}, {transform_indices = @transform_5, window_bounds = array<i64: 128, 50, 65>}]} {
    %get3A = arith.constant 0 : index
    %get3A_0 = arith.constant 0 : index
    %get3A_1 = arith.constant 0 : index
    %get3A_2 = vector.load %arg2[%get3A, %get3A_0, %get3A_1] : memref<128x50x4xf32, #tpu.memory_space<vmem>>, vector<128x50x4xf32>
    %slice3A = vector.extract_strided_slice %get3A_2 {offsets = [0, 0, 0], sizes = [128, 50, 1], strides = [1, 1, 1]} : vector<128x50x4xf32> to vector<128x50x1xf32>
    %get3A_3 = arith.constant 0 : index
    %get3A_4 = memref.load %arg3[%get3A_3] : memref<4xf32, #tpu.memory_space<smem>>
    %mul3A = vector.broadcast %get3A_4 : f32 to vector<128x50x1xf32>
    %mul3A_5 = arith.mulf %slice3A, %mul3A : vector<128x50x1xf32>
    %slice3A_6 = vector.extract_strided_slice %get3A_2 {offsets = [0, 0, 1], sizes = [128, 50, 1], strides = [1, 1, 1]} : vector<128x50x4xf32> to vector<128x50x1xf32>
    %get3A_7 = arith.constant 1 : index
    %get3A_8 = memref.load %arg3[%get3A_7] : memref<4xf32, #tpu.memory_space<smem>>
    %mul3A_9 = vector.broadcast %get3A_8 : f32 to vector<128x50x1xf32>
    %mul3A_10 = arith.mulf %slice3A_6, %mul3A_9 : vector<128x50x1xf32>
    %add3A = arith.addf %mul3A_5, %mul3A_10 : vector<128x50x1xf32>
    %slice3A_11 = vector.extract_strided_slice %get3A_2 {offsets = [0, 0, 2], sizes = [128, 50, 1], strides = [1, 1, 1]} : vector<128x50x4xf32> to vector<128x50x1xf32>
    %get3A_12 = arith.constant 2 : index
    %get3A_13 = memref.load %arg3[%get3A_12] : memref<4xf32, #tpu.memory_space<smem>>
    %mul3A_14 = vector.broadcast %get3A_13 : f32 to vector<128x50x1xf32>
    %mul3A_15 = arith.mulf %slice3A_11, %mul3A_14 : vector<128x50x1xf32>
    %add3A_16 = arith.addf %add3A, %mul3A_15 : vector<128x50x1xf32>
    %slice3A_17 = vector.extract_strided_slice %get3A_2 {offsets = [0, 0, 3], sizes = [128, 50, 1], strides = [1, 1, 1]} : vector<128x50x4xf32> to vector<128x50x1xf32>
    %get3A_18 = arith.constant 3 : index
    %get3A_19 = memref.load %arg3[%get3A_18] : memref<4xf32, #tpu.memory_space<smem>>
    %mul3A_20 = vector.broadcast %get3A_19 : f32 to vector<128x50x1xf32>
    %mul3A_21 = arith.mulf %slice3A_17, %mul3A_20 : vector<128x50x1xf32>
    %add3A_22 = arith.addf %add3A_16, %mul3A_21 : vector<128x50x1xf32>
    %get3A_23 = arith.constant 0 : index
    %get3A_24 = memref.load %arg4[%get3A_23] : memref<1xf32, #tpu.memory_space<smem>>
    %add3A_25 = vector.broadcast %get3A_24 : f32 to vector<128x50x1xf32>
    %add3A_26 = arith.addf %add3A_22, %add3A_25 : vector<128x50x1xf32>
    %swap3A = arith.constant 0 : index
    %swap3A_27 = arith.constant 0 : index
    %swap3A_28 = arith.constant 0 : index
    %swap3A_29 = vector.load %arg6[%swap3A, %swap3A_27, %swap3A_28] : memref<128x50x65xf32, #tpu.memory_space<vmem>>, vector<128x50x1xf32>
    tpu.vector_store %arg6[%swap3A, %swap3A_27, %swap3A_28], %add3A_26 {strides = array<i32>} : memref<128x50x65xf32, #tpu.memory_space<vmem>>, vector<128x50x1xf32>,
    %get3A_30 = arith.constant 0 : index
    %get3A_31 = arith.constant 0 : index
    %get3A_32 = arith.constant 0 : index
    %get3A_33 = vector.load %arg1[%get3A_30, %get3A_31, %get3A_32] : memref<128x50x64xf32, #tpu.memory_space<vmem>>, vector<128x50x64xf32>
    %mul3A_34 = arith.constant 0.318309873 : f32
    %mul3A_35 = vector.broadcast %mul3A_34 : f32 to vector<128x50x64xf32>
    %mul3A_36 = arith.mulf %get3A_33, %mul3A_35 : vector<128x50x64xf32>
    %add3A_37 = arith.constant 5.000000e-01 : f32
    %add3A_38 = vector.broadcast %add3A_37 : f32 to vector<128x50x64xf32>
    %add3A_39 = arith.addf %mul3A_36, %add3A_38 : vector<128x50x64xf32>
    %floor3A = math.floor %add3A_39 : vector<128x50x64xf32>
    %mul3A_40 = arith.constant 3.140625 : f32
    %mul3A_41 = vector.broadcast %mul3A_40 : f32 to vector<128x50x64xf32>
    %mul3A_42 = arith.mulf %floor3A, %mul3A_41 : vector<128x50x64xf32>
    %sub3A = arith.subf %get3A_33, %mul3A_42 : vector<128x50x64xf32>
    %mul3A_43 = arith.constant 9.67653584E-4 : f32
    %mul3A_44 = vector.broadcast %mul3A_43 : f32 to vector<128x50x64xf32>
    %mul3A_45 = arith.mulf %floor3A, %mul3A_44 : vector<128x50x64xf32>
    %sub3A_46 = arith.subf %sub3A, %mul3A_45 : vector<128x50x64xf32>
    %mul3A_47 = arith.mulf %sub3A_46, %sub3A_46 : vector<128x50x64xf32>
    %mul3A_48 = arith.constant 2.752600e-06 : f32
    %mul3A_49 = vector.broadcast %mul3A_48 : f32 to vector<128x50x64xf32>
    %mul3A_50 = arith.mulf %mul3A_47, %mul3A_49 : vector<128x50x64xf32>
    %add3A_51 = arith.constant -1.984090e-04 : f32
    %add3A_52 = vector.broadcast %add3A_51 : f32 to vector<128x50x64xf32>
    %add3A_53 = arith.addf %add3A_52, %mul3A_50 : vector<128x50x64xf32>
    %mul3A_54 = arith.mulf %mul3A_47, %add3A_53 : vector<128x50x64xf32>
    %add3A_55 = arith.constant 0.00833333097 : f32
    %add3A_56 = vector.broadcast %add3A_55 : f32 to vector<128x50x64xf32>
    %add3A_57 = arith.addf %add3A_56, %mul3A_54 : vector<128x50x64xf32>
    %mul3A_58 = arith.mulf %mul3A_47, %add3A_57 : vector<128x50x64xf32>
    %add3A_59 = arith.constant -0.166666672 : f32
    %add3A_60 = vector.broadcast %add3A_59 : f32 to vector<128x50x64xf32>
    %add3A_61 = arith.addf %add3A_60, %mul3A_58 : vector<128x50x64xf32>
    %mul3A_62 = arith.mulf %mul3A_47, %add3A_61 : vector<128x50x64xf32>
    %add3A_63 = arith.constant 1.000000e+00 : f32
    %add3A_64 = vector.broadcast %add3A_63 : f32 to vector<128x50x64xf32>
    %add3A_65 = arith.addf %add3A_64, %mul3A_62 : vector<128x50x64xf32>
    %mul3A_66 = arith.mulf %sub3A_46, %add3A_65 : vector<128x50x64xf32>
    %mul3A_67 = arith.constant 5.000000e-01 : f32
    %mul3A_68 = vector.broadcast %mul3A_67 : f32 to vector<128x50x64xf32>
    %mul3A_69 = arith.mulf %floor3A, %mul3A_68 : vector<128x50x64xf32>
    %floor3A_70 = math.floor %mul3A_69 : vector<128x50x64xf32>
    %mul3A_71 = arith.constant 2.000000e+00 : f32
    %mul3A_72 = vector.broadcast %mul3A_71 : f32 to vector<128x50x64xf32>
    %mul3A_73 = arith.mulf %mul3A_72, %floor3A_70 : vector<128x50x64xf32>
    %sub3A_74 = arith.subf %floor3A, %mul3A_73 : vector<128x50x64xf32>
    %mul3A_75 = arith.constant 2.000000e+00 : f32
    %mul3A_76 = vector.broadcast %mul3A_75 : f32 to vector<128x50x64xf32>
    %mul3A_77 = arith.mulf %mul3A_76, %sub3A_74 : vector<128x50x64xf32>
    %sub3A_78 = arith.constant 1.000000e+00 : f32
    %sub3A_79 = vector.broadcast %sub3A_78 : f32 to vector<128x50x64xf32>
    %sub3A_80 = arith.subf %sub3A_79, %mul3A_77 : vector<128x50x64xf32>
    %mul3A_81 = arith.mulf %mul3A_66, %sub3A_80 : vector<128x50x64xf32>
    %swap3A_82 = arith.constant 0 : index
    %swap3A_83 = arith.constant 0 : index
    %swap3A_84 = arith.constant 1 : index
    %swap3A_85 = vector.load %arg6[%swap3A_82, %swap3A_83, %swap3A_84] : memref<128x50x65xf32, #tpu.memory_space<vmem>>, vector<128x50x64xf32>
    tpu.vector_store %arg6[%swap3A_82, %swap3A_83, %swap3A_84], %mul3A_81 {strides = array<i32>} : memref<128x50x65xf32, #tpu.memory_space<vmem>>, vector<128x50x64xf32>,
    return
  }
  func.func @transform_0(%arg0: i32) -> (i32, i32, i32) {
    %c0_i32 = arith.constant 0 : i32
    %c0_i32_0 = arith.constant 0 : i32
    %c0_i32_1 = arith.constant 0 : i32
    return %arg0, %c0_i32, %c0_i32_0 : i32, i32, i32
  }
  func.func @transform_1(%arg0: i32) -> (i32, i32, i32) {
    %add3A = arith.constant 16 : i32
    %add3A_0 = arith.addi %arg0, %add3A : i32
    %c0_i32 = arith.constant 0 : i32
    %c0_i32_1 = arith.constant 0 : i32
    %c0_i32_2 = arith.constant 0 : i32
    return %add3A_0, %c0_i32, %c0_i32_1 : i32, i32, i32
  }
  func.func @transform_2(%arg0: i32) -> i32 {
    %c0_i32 = arith.constant 0 : i32
    %c0_i32_0 = arith.constant 0 : i32
    return %c0_i32 : i32
  }
  func.func @transform_3(%arg0: i32) -> i32 {
    %c0_i32 = arith.constant 0 : i32
    %c0_i32_0 = arith.constant 0 : i32
    return %c0_i32 : i32
  }
  func.func @transform_5(%arg0: i32) -> (i32, i32, i32) {
    %add3A = arith.constant 16 : i32
    %add3A_0 = arith.addi %arg0, %add3A : i32
    %c0_i32 = arith.constant 0 : i32
    %c0_i32_1 = arith.constant 0 : i32
    %c0_i32_2 = arith.constant 0 : i32
    return %add3A_0, %c0_i32, %c0_i32_1 : i32, i32, i32
  }
}

</mosaic_0001>

<sc_bundles>
// kernel: kernel.10.cloned.1.call-start
scs
__scs_entry_jumppad:
0x0: {  	(pc) =	sbr.rel $0x88, $3  }
0x1: {  	(tag) =	ssettag $0x0;
	lr =	simm.s32 $0x1  }
0x2: {  	[smem:$0x3F9C] =	sst lr;
	_ =	strace $0xD0000000  }
0x3: {  	_ = 	snop  }
0x4: {  	_ = 	snop  }
0x5: {  	_ = 	snop  }
0x6: {  	_ = 	snop  }
0x7: {  	_ = 	snop  }
__scs_overlays_trampoline_lowered:
0x8: {  	[smem:$0x3FAB] =	sst s0  }
0x9: {  	[smem:$0x3FAC] =	sst s1  }
0xa: {  	[smem:$0x3FAD] =	sst s2  }
0xb: {  	[smem:$0x3FAE] =	sst s3  }
0xc: {  	[smem:$0x3FAF] =	sst s4  }
0xd: {  	[smem:$0x3FB0] =	sst s5  }
0xe: {  	[smem:$0x3FB1] =	sst s6  }
0xf: {  	[smem:$0x3FB2] =	sst s7  }
0x10: {  	[smem:$0x3FB3] =	sst s8  }
0x11: {  	[smem:$0x3FB4] =	sst s9;
	s0 =	simm.s32 @!p0 $0x0  }
0x12: {  	s1 =	sld [smem:$0x3F9A];
	s0 =	simm.s32 @p0 $0x1  }
0x13: {  	[smem:$0x3FB5] =	sst s0;
	s0 =	simm.s32 @!p1 $0x0  }
0x14: {  	s2 =	sld [smem:$0x3F99];
	s0 =	simm.s32 @p1 $0x1  }
0x15: {  	[smem:$0x3FB6] =	sst s0;
	s0 =	simm.s32 @!p2 $0x0  }
0x16: {  	s3 =	sld [smem:$0x3FDB];
	s0 =	simm.s32 @p2 $0x1  }
0x17: {  	s4 =	simm.s32 $0x1BF5;
	[smem:$0x3FB8] =	sst s0  }
0x18: {  	s0 =	sld [smem:$0x3F9B];
	_ =	swait.ge [sflag:s4], $0x0  }
0x19: {  	s7 =	sld [smem:$0x3F9C]  }
0x1a: {  	s8 =	sadd.s32 $0xFFFFE003, lr  }
0x1b: {  	s9 =	sadd.s32 $0xFFFFFEF7, lr;
	s5 =	simm.s32 $0xFFFFFFFF;
	p2 =	slt.u32 s8, $0xFFFFF086  }
0x1c: {  	p1 =	slt.u32 s9, $0xF7A;
	s5 =	simm.s32 @!p2 $0x0  }
0x1d: {  	s5 =	simm.s32 @p1 $0x1;
	p0 =	seq.s32 s7, s2  }
0x1e: {  	s7 =	smul.u32 @!p0 $0xF7A, s2;
	p2 =	seq.s32 @!p0 s5, $0x0  }
0x1f: {  	s9 =	smul.u32 $0xF7A, s1;
	s8 =	simm.s32 @!p0 $0x1BF5;
	p2 =	por !p2, p0  }
0x20: {  	[sflag:s8] =	ssyncset.s32 @!p0 $0xFFFFF086;
	s6 =	sadd.s32 @!p0 s3, s7;
	s7 =	simm.s32 @!p0 $0x108  }
0x21: {  	s3 =	sadd.s32 s3, s9;
	s6 =	sadd.s32 @!p0 $0x88, s6;
	s7 =	simm.s32 @p2 $0x1082  }
0x22: {  	[simem:s7], [sflag:s8] =	dma.local @!p0 [hbm:s6], $0xF7A  }
0x23: {  	s9 =	sor.u32 $0xD0000000, s2;
	s6 =	simm.s32 $0x108;
	_ =	swait.ge @!p0 [sflag:s8], $0x0  }
0x24: {  	s3 =	sadd.s32 $0x88, s3;
	s6 =	simm.s32 @!p1 $0x1082;
	[sflag:s4] =	ssyncset.s32 $0xFFFFF086  }
0x25: {  	[simem:s6], [sflag:s4] =	dma.local [hbm:s3], $0xF7A  }
0x26: {  	[smem:$0x3F9C] =	sst s1;
	(tag) =	ssettag s2;
	_ =	strace s9  }
0x27: {  	s1 =	sld [smem:$0x3FAC]  }
0x28: {  	s2 =	sld [smem:$0x3FAD]  }
0x29: {  	s4 =	sld [smem:$0x3FAF]  }
0x2a: {  	p0 =	seq.s32 s5, $0x0;
	s5 =	sld [smem:$0x3FB0]  }
0x2b: {  	s6 =	sld [smem:$0x3FB1]  }
0x2c: {  	s7 =	sld [smem:$0x3FB2]  }
0x2d: {  	s3 =	simm.s32 $0x108;
	s8 =	sld [smem:$0x3FB3]  }
0x2e: {  	s3 =	simm.s32 @!p0 $0x1082;
	s9 =	sld [smem:$0x3FB4]  }
0x2f: {  	lr =	sadd.s32 s0, s3;
	s0 =	sld [smem:$0x3FAB]  }
0x30: {  	s3 =	sld [smem:$0x3FAE]  }
0x31: {  	[smem:$0x3FB7] =	sst s10  }
0x32: {  	s10 =	sld [smem:$0x3FB5];
	_ =	sdelay $0x3  }
0x33: {  	p0 =	seq.s32 s10, $0x1;
	s10 =	sld [smem:$0x3FB7];
	_ =	sdelay $0x3  }
0x34: {  	[smem:$0x3FB7] =	sst s10  }
0x35: {  	s10 =	sld [smem:$0x3FB6];
	_ =	sdelay $0x3  }
0x36: {  	p1 =	seq.s32 s10, $0x1;
	s10 =	sld [smem:$0x3FB7];
	_ =	sdelay $0x3  }
0x37: {  	[smem:$0x3FB7] =	sst s10  }
0x38: {  	s10 =	sld [smem:$0x3FB8]  }
0x39: {  	_ = 	snop;
	(pc) =	sbr.ind lr, $3  }
0x3a: {  	_ = 	snop  }
0x3b: {  	_ = 	snop  }
0x3c: {  	p2 =	seq.s32 s10, $0x1;
	s10 =	sld [smem:$0x3FB7]  }
0x3d: {  	_ =	shalt  }
0x3e: {  	_ =	shalt  }
0x3f: {  	_ =	shalt  }
0x40: {  	_ =	shalt  }
0x41: {  	_ =	shalt  }
0x42: {  	_ =	shalt  }
0x43: {  	_ =	shalt  }
0x44: {  	_ =	shalt  }
0x45: {  	_ =	shalt  }
0x46: {  	_ =	shalt  }
0x47: {  	_ =	shalt  }
0x48: {  	_ =	shalt  }
0x49: {  	_ =	shalt  }
0x4a: {  	_ =	shalt  }
0x4b: {  	_ =	shalt  }
0x4c: {  	_ =	shalt  }
0x4d: {  	_ =	shalt  }
0x4e: {  	_ =	shalt  }
0x4f: {  	_ =	shalt  }
0x50: {  	_ =	shalt  }
0x51: {  	_ =	shalt  }
0x52: {  	_ =	shalt  }
0x53: {  	_ =	shalt  }
0x54: {  	_ =	shalt  }
0x55: {  	_ =	shalt  }
0x56: {  	_ =	shalt  }
0x57: {  	_ =	shalt  }
0x58: {  	_ =	shalt  }
0x59: {  	_ =	shalt  }
0x5a: {  	_ =	shalt  }
0x5b: {  	_ =	shalt  }
0x5c: {  	_ =	shalt  }
0x5d: {  	_ =	shalt  }
0x5e: {  	_ =	shalt  }
0x5f: {  	_ =	shalt  }
0x60: {  	_ =	shalt  }
0x61: {  	_ =	shalt  }
0x62: {  	_ =	shalt  }
0x63: {  	_ =	shalt  }
0x64: {  	_ =	shalt  }
0x65: {  	_ =	shalt  }
0x66: {  	_ =	shalt  }
0x67: {  	_ =	shalt  }
0x68: {  	_ =	shalt  }
0x69: {  	_ =	shalt  }
0x6a: {  	_ =	shalt  }
0x6b: {  	_ =	shalt  }
0x6c: {  	_ =	shalt  }
0x6d: {  	_ =	shalt  }
0x6e: {  	_ =	shalt  }
0x6f: {  	_ =	shalt  }
0x70: {  	_ =	shalt  }
0x71: {  	_ =	shalt  }
0x72: {  	_ =	shalt  }
0x73: {  	_ =	shalt  }
0x74: {  	_ =	shalt  }
0x75: {  	_ =	shalt  }
0x76: {  	_ =	shalt  }
0x77: {  	_ =	shalt  }
0x78: {  	_ =	shalt  }
0x79: {  	_ =	shalt  }
0x7a: {  	_ =	shalt  }
0x7b: {  	_ =	shalt  }
0x7c: {  	_ =	shalt  }
0x7d: {  	_ =	shalt  }
0x7e: {  	_ =	shalt  }
0x7f: {  	_ =	shalt  }
0x80: {  	_ =	shalt  }
0x81: {  	_ =	shalt  }
0x82: {  	_ =	shalt  }
0x83: {  	_ =	shalt  }
0x84: {  	_ =	shalt  }
0x85: {  	_ =	shalt  }
0x86: {  	_ =	shalt  }
0x87: {  	_ =	shalt  }
.Lfunc_end0:
.L_simem_size_0:
called_computation.1_lowered:
.L_overlay_start_0:
0x88: {  	s2 =	sld [smem:$0x3FD9]  }
0x89: {  	s3 =	sld [smem:$0x3FFE];
	_ =	sdelay $0x1  }
0x8a: {  	s1 =	srdreg.scid  }
0x8b: {  	s0 =	sand.u32 $0x1, s1  }
0x8c: {  	s17 =	sshll.u32 s0, $0xA;
	s2 =	sadd.s32 s3, s2  }
0x8d: {  	s2 =	sadd.s32 s2, s17  }
0x8e: {  	[smem:$0x3FC3] =	sst s2  }
0x8f: {  	_ = 	snop  }
0x90: {  	(tm) =	ssettm $0x1  }
0x91: {  	s18 =	sld [smem:$0x3FFB];
	_ =	sdelay $0x3  }
0x92: {  	_ =	strace s18  }
0x93: {  	s2 =	sld [smem:$0x3FFC];
	_ =	sdelay $0x3  }
0x94: {  	_ =	strace s2  }
0x95: {  	s2 =	sld [smem:$0x3FFD];
	_ =	sdelay $0x3  }
0x96: {  	_ =	strace s2  }
0x97: {  	_ =	strace $0x8FFFFFFF  }
0x98: {  	s19 =	sld [smem:$0x3FDB];
	_ =	sdelay $0x1  }
0x99: {  	s20 =	simm.s32 $_scs_section_size  }
0x9a: {  	s4 =	simm.s32 $_size__tile_overlayer_lowered;
	s5 =	simm.s32 $_tile_overlayer_lowered  }
0x9b: {  	s6 =	simm.s32 $0x1BFF;
	s21 =	sshll.u32 s5, $0x1;
	s3 =	sadd.s32 s20, s19  }
0x9c: {  	s22 =	simm.s32 $0x0;
	s4 =	sshll.u32 s4, $0x1;
	s5 =	sadd.s32 s21, s3  }
0x9d: {  	[timem:s22], [sflag:s6] =	dma.local [hbm:s5], s4  }
0x9e: {  	_ =	swait.ge [sflag:s6], s4  }
0x9f: {  	s4 =	ssub.s32 $0x0, s4;
	[sflag:s6] =	ssyncset.done $0x0  }
0xa0: {  	[sflag:s6] =	ssyncadd.s32 s4;
	_ =	sdelay $0x1  }
0xa1: {  	s23 =	simm.s32 $0x1B8B  }
0xa2: {  	_ =	swait.ge [sflag:s23], $0x1  }
0xa3: {  	[sflag:s23] =	ssyncset.done $0x0  }
0xa4: {  	[sflag:s23] =	ssyncadd.s32 $0xFFFFFFFF  }
0xa5: {  	s4 =	sld [smem:$0x0]  }
0xa6: {  	s5 =	sand.u32 $0xFFFFFFFE, s1  }
0xa7: {  	p0 =	sne.s32 s1, s5  }
0xa8: {  	s5 =	sshll.u32 @p0 s5, $0xE  }
0xa9: {  	s5 =	sadd.s32 @p0 $0x11B8D, s5;
	s6 =	sshll.u32 @p0 s4, $0x11  }
0xaa: {  	s5 =	sor.u32 @p0 s6, s5  }
0xab: {  	[sflag:s5] =	ssyncadd.remote.s32 @p0 $0x1;
	_ =	sdelay $0x1  }
0xac: {  	s5 =	simm.s32 @p0 $0x1B8D  }
0xad: {  	_ =	swait.eq @p0 [sflag:s5], $0x1  }
0xae: {  	[sflag:s5] =	ssyncadd.s32 @p0 $0xFFFFFFFF  }
0xaf: {  	s6 =	sshll.u32 @!p0 s1, $0xE  }
0xb0: {  	s6 =	sor.u32 @!p0 $0x4000, s6;
	s5 =	simm.s32 @!p0 $0x1B8D  }
0xb1: {  	s4 =	sshll.u32 @!p0 s4, $0x11;
	s6 =	sadd.s32 @!p0 $0x11B8D, s6;
	_ =	swait.eq @!p0 [sflag:s5], $0x1  }
0xb2: {  	s4 =	sor.u32 @!p0 s4, s6;
	[sflag:s5] =	ssyncadd.s32 @!p0 $0xFFFFFFFF  }
0xb3: {  	s25 =	simm.s32 $0x1B8E;
	s24 =	sld [smem:$0x3FFE];
	[sflag:s4] =	ssyncadd.remote.s32 @!p0 $0x1  }
0xb4: {  	s26 =	simm.s32 $execute0_lowered;
	[smem:$0x3FD2] =	sst s25  }
0xb5: {  	s5 =	sshll.u32 s26, $0x1;
	_ =	strace $0x80000049;
	[dreg:$0x1] =	wrdreg $0xFFFFFFFF  }
0xb6: {  	s28 =	simm.s32 $_size_execute0_lowered;
	s3 =	sadd.s32 s3, s5;
	[dreg:$0x0] =	wrdreg $0x0  }
0xb7: {  	s5 =	sshll.u32 s28, $0x1;
	[dreg:$0x2] =	wrdreg s3  }
0xb8: {  	[dreg:$0x3] =	wrdreg s5  }
0xb9: {  	[dreg:$0x4] =	wrdreg $0xC0  }
0xba: {  	_ =	task [dreg:s22], $0x5FFFF  }
0xbb: {  	[dreg:$0x1] =	wrdreg $0xFFFFFFFF  }
0xbc: {  	[dreg:$0x0] =	wrdreg $0x60  }
0xbd: {  	[dreg:$0x2] =	wrdreg s24  }
0xbe: {  	[dreg:$0x3] =	wrdreg $0xA  }
0xbf: {  	_ =	task.clear_ibuf [dreg:s22], $0x4FFFF;
	_ =	strace $0x90000049  }
0xc0: {  	s29 =	simm.s32 $0xA;
	_ =	strace $0x8000004B  }
0xc1: {  	_ =	swait.ge [sflag:s29], $0x1  }
0xc2: {  	[sflag:s29] =	ssyncadd.s32 $0xFFFFFFFF  }
0xc3: {  	_ =	strace $0x9000004B  }
0xc4: {  	_ =	sfence  }
0xc5: {  	s30 =	sld [smem:$0x0];
	_ =	sdelay $0x2  }
0xc6: {  	s31 =	sshll.u32 s1, $0xD;
	s1 =	sshrl.u32 s1, $0x2  }
0xc7: {  	s4 =	sand.u32 $0x4000, s31;
	s1 =	sadd.s32 s1, s30  }
0xc8: {  	s0 =	sor.u32 s4, s0;
	s1 =	sshll.u32 s1, $0x11  }
0xc9: {  	s0 =	sor.u32 s1, s0  }
0xca: {  	s0 =	sadd.s32 $0x8F2B, s0  }
0xcb: {  	[sflag:s0] =	ssyncadd.remote.s32 $0x1  }
0xcc: {  	_ =	sfence.sel $0xFFFF  }
0xcd: {  	[dreg:$0x0] =	wrdreg $0xFFFFFFFF;
	(pc) =	sbr.abs _section_cstart, $3  }
0xce: {  	[dreg:$0x1] =	wrdreg $0xFFFFFFFF  }
0xcf: {  	_ =	task.clear_ibuf [dreg:s22], $0x2FFFF;
	_ =	strace $0x9FFFFFFF  }
0xd0: {  	(tm) =	ssettm $0x7FFFFFFF  }
0xd1: {  	_ =	shalt  }
tec
execute0_lowered:
.L_overlay_start_1:
0x0: {  	(tag) =	ssettag $0x1  }
0x1: {  	s0 =	rddreg [dreg:$0x0];
	s1 =	srdreg.scid  }
0x2: {  	s3 =	stileid.u32;
	s2 =	simm.s32 $0x0;
	s13 =	simm.s32 $0x5  }
0x3: {  	s19 =	simm.s32 $0xB800;
	s20 =	simm.s32 $0xC000;
	s21 =	simm.s32 $0xC400  }
0x4: {  	s22 =	simm.s32 $0xCC00;
	s23 =	simm.s32 $0x80;
	s28 =	simm.s32 $0x1  }
0x5: {  	s31 =	simm.s32 $0x19400;
	s11 =	simm.s32 $0x2;
	s12 =	simm.s32 $0x1B400  }
0x6: {  	s1 =	sand.u32 $0x1, s1;
	s3 =	sshll.u32 s3, $0x1;
	[smem:$0x7FF] =	sst s2  }
0x7: {  	s5 =	sadd.s32 $0xEDA00, s0;
	s7 =	sor.u32 s1, s3;
	_ =	strace $0x8000004A  }
0x8: {  	s3 =	sadd.s32 $0x495600, s0;
	s1 =	ssub.s32 $0x2, s1;
	s4 =	sshll.u32 s7, $0x9  }
0x9: {  	s6 =	sshrl.u32 s1, $0x1;
	s9 =	smul.u32 $0x3200, s7;
	s24 =	sshll.u32 s7, $0x7  }
0xa: {  	s8 =	sadd.s32 s4, s0;
	s1 =	ssub.s32 s1, s6;
	s6 =	smul.u32 $0x32000, s7  }
0xb: {  	s4 =	sadd.s32 $0x1800, s0;
	s10 =	sand.u32 $0x380, s24;
	s7 =	smul.u32 $0x19, s7  }
0xc: {  	s24 =	simm.s32 $0x400;
	s9 =	sand.u32 $0x7F000, s9;
	s8 =	sadd.s32 $0xE9A00, s8  }
0xd: {  	s30 =	smax.u32 s1, $0x1;
	s1 =	simm.s32 $0x0;
	[dreg:$0x2] =	wrdreg s8  }
0xe: {  	s9 =	sor.u32 s10, s9;
	s8 =	sadd.s32 $0x495700, s0;
	s26 =	sshrl.u32 s6, $0x3  }
0xf: {  	s10 =	sadd.s32 $0x1, s7;
	[dreg:$0x5] =	wrdreg s30;
	s25 =	sshrl.u32 s9, $0x3  }
0x10: {  	v2 =	vlaneseq.u32;
	s7 =	simm.s32 $0x19200;
	s29 =	sadd.s32 s5, s26;
	s0 =	sadd.s32 s4, s25  }
0x11: {  	vm0 =	vmmov $0xffff;
	vm1 =	vmmov $0xff;
	v1 =	vshrl.u32 v2, $0x3;
	s9 =	simm.s32 $0x3;
	[dreg:$0x3] =	wrdreg s0;
	s0 =	sadd.s32 $0x6000, s29  }
0x12: {  	v0 =	vand.u32 $0x7, v2;
	v2 =	vor.u32 $0x8, v2;
	v1 =	vmul.u32 $0x8, v1;
	s26 =	simm.s32 $0x4;
	s25 =	simm.s32 $0x19000;
	[dreg:$0x4] =	wrdreg s0  }
.LBB2_1:
0x13: {  	[dreg:$0x6] =	wrdreg s1  }
0x14: {  	s0 =	rddreg [dreg:$0x2]  }
0x15: {  	[tilespmem:s2], [sflag:$0x5] =	stream.linear.gather [hbm4b:s0+s2], $0xC80, $0x38;
	[tilespmem:$0x1D400] =	vst v63  }
0x16: {  	_ =	swait.ge [sflag:s13], $0xC80  }
0x17: {  	[sflag:s13] =	ssyncset.done $0x0  }
0x18: {  	[sflag:s13] =	ssyncadd.s32 $0xFFFFF380  }
0x19: {  	v3 =	vld [tilespmem:$0x0];
	_ =	sdelay $0x4  }
0x1a: {  	v4 =	vshrl.u32 v3, $0x3  }
0x1b: {  	v4 =	vmul.u32 $0x18, v4  }
0x1c: {  	v3 =	vand.u32 $0x7, v3  }
0x1d: {  	v3 =	vor.u32 v3, v4  }
0x1e: {  	v4 =	vperm.xlane v3, v0;
	_ =	sdelay $0x1  }
0x1f: {  	v4 =	vadd.s32 v1, v4;
	_ =	sdelay $0x1  }
0x20: {  	v3 =	vperm.xlane v3, v2;
	_ =	sdelay $0x1  }
0x21: {  	s16 =	simm.s32 $0x1000;
	v3 =	vadd.s32 v1, v3  }
0x22: {  	[tilespmem:s16], [sflag:$0x1] =	stream.indirect_vreg.gather [hbm4b:s3+s2], $0x80, v4, vm0, $0xb8;
	[tilespmem:$0x1D400] =	vst v63  }
0x23: {  	s17 =	simm.s32 $0x1800  }
0x24: {  	[tilespmem:s17], [sflag:$0x1] =	stream.indirect_vreg.gather [hbm4b:s8+s2], $0x80, v4, vm1, $0xb8;
	[tilespmem:$0x1D400] =	vst v63  }
0x25: {  	s18 =	simm.s32 $0x1C00  }
0x26: {  	[tilespmem:s18], [sflag:$0x1] =	stream.indirect_vreg.gather [hbm4b:s3+s2], $0x80, v3, vm0, $0xb8;
	[tilespmem:$0x1D400] =	vst v63  }
0x27: {  	s29 =	simm.s32 $0x2400  }
0x28: {  	[tilespmem:s29], [sflag:$0x1] =	stream.indirect_vreg.gather [hbm4b:s8+s2], $0x80, v3, vm1, $0xb8;
	[tilespmem:$0x1D400] =	vst v63  }
0x29: {  	v3 =	vld [tilespmem:$0x10];
	_ =	sdelay $0x4  }
0x2a: {  	v57 =	vshrl.u32 v3, $0x3  }
0x2b: {  	v4 =	vmul.u32 $0x18, v57  }
0x2c: {  	v3 =	vand.u32 $0x7, v3  }
0x2d: {  	v3 =	vor.u32 v3, v4  }
0x2e: {  	v4 =	vperm.xlane v3, v0;
	_ =	sdelay $0x1  }
0x2f: {  	v4 =	vadd.s32 v1, v4;
	_ =	sdelay $0x1  }
0x30: {  	v3 =	vperm.xlane v3, v2;
	_ =	sdelay $0x1  }
0x31: {  	s30 =	simm.s32 $0x2800;
	v3 =	vadd.s32 v1, v3  }
0x32: {  	[tilespmem:s30], [sflag:$0x1] =	stream.indirect_vreg.gather [hbm4b:s3+s2], $0x80, v4, vm0, $0xb8;
	[tilespmem:$0x1D400] =	vst v63  }
0x33: {  	s1 =	simm.s32 $0x3000  }
0x34: {  	[tilespmem:s1], [sflag:$0x1] =	stream.indirect_vreg.gather [hbm4b:s8+s2], $0x80, v4, vm1, $0xb8;
	[tilespmem:$0x1D400] =	vst v63  }
0x35: {  	s14 =	simm.s32 $0x3400  }
0x36: {  	[tilespmem:s14], [sflag:$0x1] =	stream.indirect_vreg.gather [hbm4b:s3+s2], $0x80, v3, vm0, $0xb8;
	[tilespmem:$0x1D400] =	vst v63  }
0x37: {  	s15 =	simm.s32 $0x3C00  }
0x38: {  	[tilespmem:s15], [sflag:$0x1] =	stream.indirect_vreg.gather [hbm4b:s8+s2], $0x80, v3, vm1, $0xb8;
	[tilespmem:$0x1D400] =	vst v63  }
0x39: {  	v3 =	vld [tilespmem:$0x20];
	_ =	sdelay $0x4  }
0x3a: {  	v58 =	vshrl.u32 v3, $0x3  }
0x3b: {  	v4 =	vmul.u32 $0x18, v58  }
0x3c: {  	v3 =	vand.u32 $0x7, v3  }
0x3d: {  	v3 =	vor.u32 v3, v4  }
0x3e: {  	v4 =	vperm.xlane v3, v0;
	_ =	sdelay $0x1  }
0x3f: {  	v4 =	vadd.s32 v1, v4;
	_ =	sdelay $0x1  }
0x40: {  	v3 =	vperm.xlane v3, v2;
	_ =	sdelay $0x1  }
0x41: {  	s16 =	simm.s32 $0x4000;
	v3 =	vadd.s32 v1, v3  }
0x42: {  	[tilespmem:s16], [sflag:$0x1] =	stream.indirect_vreg.gather [hbm4b:s3+s2], $0x80, v4, vm0, $0xb8;
	[tilespmem:$0x1D400] =	vst v63  }
0x43: {  	s17 =	simm.s32 $0x4800  }
0x44: {  	[tilespmem:s17], [sflag:$0x1] =	stream.indirect_vreg.gather [hbm4b:s8+s2], $0x80, v4, vm1, $0xb8;
	[tilespmem:$0x1D400] =	vst v63  }
0x45: {  	s18 =	simm.s32 $0x4C00  }
0x46: {  	[tilespmem:s18], [sflag:$0x1] =	stream.indirect_vreg.gather [hbm4b:s3+s2], $0x80, v3, vm0, $0xb8;
	[tilespmem:$0x1D400] =	vst v63  }
0x47: {  	s29 =	simm.s32 $0x5400  }
0x48: {  	[tilespmem:s29], [sflag:$0x1] =	stream.indirect_vreg.gather [hbm4b:s8+s2], $0x80, v3, vm1, $0xb8;
	[tilespmem:$0x1D400] =	vst v63  }
0x49: {  	v3 =	vld [tilespmem:$0x30];
	_ =	sdelay $0x4  }
0x4a: {  	v59 =	vshrl.u32 v3, $0x3  }
0x4b: {  	v4 =	vmul.u32 $0x18, v59  }
0x4c: {  	v3 =	vand.u32 $0x7, v3  }
0x4d: {  	v3 =	vor.u32 v3, v4  }
0x4e: {  	v4 =	vperm.xlane v3, v0;
	_ =	sdelay $0x1  }
0x4f: {  	v4 =	vadd.s32 v1, v4;
	_ =	sdelay $0x1  }
0x50: {  	v3 =	vperm.xlane v3, v2;
	_ =	sdelay $0x1  }
0x51: {  	s30 =	simm.s32 $0x5800;
	v3 =	vadd.s32 v1, v3  }
0x52: {  	[tilespmem:s30], [sflag:$0x1] =	stream.indirect_vreg.gather [hbm4b:s3+s2], $0x80, v4, vm0, $0xb8;
	[tilespmem:$0x1D400] =	vst v63  }
0x53: {  	s1 =	simm.s32 $0x6000  }
0x54: {  	[tilespmem:s1], [sflag:$0x1] =	stream.indirect_vreg.gather [hbm4b:s8+s2], $0x80, v4, vm1, $0xb8;
	[tilespmem:$0x1D400] =	vst v63  }
0x55: {  	s14 =	simm.s32 $0x6400  }
0x56: {  	[tilespmem:s14], [sflag:$0x1] =	stream.indirect_vreg.gather [hbm4b:s3+s2], $0x80, v3, vm0, $0xb8;
	[tilespmem:$0x1D400] =	vst v63  }
0x57: {  	s15 =	simm.s32 $0x6C00  }
0x58: {  	[tilespmem:s15], [sflag:$0x1] =	stream.indirect_vreg.gather [hbm4b:s8+s2], $0x80, v3, vm1, $0xb8;
	[tilespmem:$0x1D400] =	vst v63  }
0x59: {  	v3 =	vld [tilespmem:$0x40];
	_ =	sdelay $0x4  }
0x5a: {  	v60 =	vshrl.u32 v3, $0x3  }
0x5b: {  	v4 =	vmul.u32 $0x18, v60  }
0x5c: {  	v3 =	vand.u32 $0x7, v3  }
0x5d: {  	v3 =	vor.u32 v3, v4  }
0x5e: {  	v4 =	vperm.xlane v3, v0;
	_ =	sdelay $0x1  }
0x5f: {  	v4 =	vadd.s32 v1, v4;
	_ =	sdelay $0x1  }
0x60: {  	v3 =	vperm.xlane v3, v2;
	_ =	sdelay $0x1  }
0x61: {  	s16 =	simm.s32 $0x7000;
	v3 =	vadd.s32 v1, v3  }
0x62: {  	[tilespmem:s16], [sflag:$0x1] =	stream.indirect_vreg.gather [hbm4b:s3+s2], $0x80, v4, vm0, $0xb8;
	[tilespmem:$0x1D400] =	vst v63  }
0x63: {  	s17 =	simm.s32 $0x7800  }
0x64: {  	[tilespmem:s17], [sflag:$0x1] =	stream.indirect_vreg.gather [hbm4b:s8+s2], $0x80, v4, vm1, $0xb8;
	[tilespmem:$0x1D400] =	vst v63  }
0x65: {  	s18 =	simm.s32 $0x7C00  }
0x66: {  	[tilespmem:s18], [sflag:$0x1] =	stream.indirect_vreg.gather [hbm4b:s3+s2], $0x80, v3, vm0, $0xb8;
	[tilespmem:$0x1D400] =	vst v63  }
0x67: {  	s29 =	simm.s32 $0x8400  }
0x68: {  	[tilespmem:s29], [sflag:$0x1] =	stream.indirect_vreg.gather [hbm4b:s8+s2], $0x80, v3, vm1, $0xb8;
	[tilespmem:$0x1D400] =	vst v63  }
0x69: {  	v3 =	vld [tilespmem:$0x50];
	_ =	sdelay $0x4  }
0x6a: {  	v61 =	vshrl.u32 v3, $0x3  }
0x6b: {  	v4 =	vmul.u32 $0x18, v61  }
0x6c: {  	v3 =	vand.u32 $0x7, v3  }
0x6d: {  	v3 =	vor.u32 v3, v4  }
0x6e: {  	v4 =	vperm.xlane v3, v0;
	_ =	sdelay $0x1  }
0x6f: {  	v4 =	vadd.s32 v1, v4;
	_ =	sdelay $0x1  }
0x70: {  	v3 =	vperm.xlane v3, v2;
	_ =	sdelay $0x1  }
0x71: {  	s30 =	simm.s32 $0x8800;
	v3 =	vadd.s32 v1, v3  }
0x72: {  	[tilespmem:s30], [sflag:$0x1] =	stream.indirect_vreg.gather [hbm4b:s3+s2], $0x80, v4, vm0, $0xb8;
	[tilespmem:$0x1D400] =	vst v63  }
0x73: {  	s1 =	simm.s32 $0x9000  }
0x74: {  	[tilespmem:s1], [sflag:$0x1] =	stream.indirect_vreg.gather [hbm4b:s8+s2], $0x80, v4, vm1, $0xb8;
	[tilespmem:$0x1D400] =	vst v63  }
0x75: {  	s14 =	simm.s32 $0x9400  }
0x76: {  	[tilespmem:s14], [sflag:$0x1] =	stream.indirect_vreg.gather [hbm4b:s3+s2], $0x80, v3, vm0, $0xb8;
	[tilespmem:$0x1D400] =	vst v63  }
0x77: {  	s15 =	simm.s32 $0x9C00  }
0x78: {  	[tilespmem:s15], [sflag:$0x1] =	stream.indirect_vreg.gather [hbm4b:s8+s2], $0x80, v3, vm1, $0xb8;
	[tilespmem:$0x1D400] =	vst v63  }
0x79: {  	v3 =	vld [tilespmem:$0x60];
	_ =	sdelay $0x4  }
0x7a: {  	v62 =	vshrl.u32 v3, $0x3  }
0x7b: {  	v4 =	vmul.u32 $0x18, v62  }
0x7c: {  	v3 =	vand.u32 $0x7, v3  }
0x7d: {  	v3 =	vor.u32 v3, v4  }
0x7e: {  	v4 =	vperm.xlane v3, v0;
	_ =	sdelay $0x1  }
0x7f: {  	v4 =	vadd.s32 v1, v4;
	_ =	sdelay $0x1  }
0x80: {  	v3 =	vperm.xlane v3, v2;
	_ =	sdelay $0x1  }
0x81: {  	s16 =	simm.s32 $0xA000;
	v3 =	vadd.s32 v1, v3  }
0x82: {  	[tilespmem:s16], [sflag:$0x1] =	stream.indirect_vreg.gather [hbm4b:s3+s2], $0x80, v4, vm0, $0xb8;
	[tilespmem:$0x1D400] =	vst v63  }
0x83: {  	s17 =	simm.s32 $0xA800  }
0x84: {  	[tilespmem:s17], [sflag:$0x1] =	stream.indirect_vreg.gather [hbm4b:s8+s2], $0x80, v4, vm1, $0xb8;
	[tilespmem:$0x1D400] =	vst v63  }
0x85: {  	s18 =	simm.s32 $0xAC00  }
0x86: {  	[tilespmem:s18], [sflag:$0x1] =	stream.indirect_vreg.gather [hbm4b:s3+s2], $0x80, v3, vm0, $0xb8;
	[tilespmem:$0x1D400] =	vst v63  }
0x87: {  	s29 =	simm.s32 $0xB400  }
0x88: {  	[tilespmem:s29], [sflag:$0x1] =	stream.indirect_vreg.gather [hbm4b:s8+s2], $0x80, v3, vm1, $0xb8;
	[tilespmem:$0x1D400] =	vst v63  }
0x89: {  	v3 =	vld [tilespmem:$0x70];
	_ =	sdelay $0x4  }
0x8a: {  	v63 =	vshrl.u32 v3, $0x3  }
0x8b: {  	v4 =	vmul.u32 $0x18, v63  }
0x8c: {  	v3 =	vand.u32 $0x7, v3  }
0x8d: {  	v3 =	vor.u32 v3, v4  }
0x8e: {  	v4 =	vperm.xlane v3, v0;
	_ =	sdelay $0x1  }
0x8f: {  	v4 =	vadd.s32 v1, v4;
	_ =	sdelay $0x1  }
0x90: {  	v3 =	vperm.xlane v3, v2;
	_ =	sdelay $0x1  }
0x91: {  	v3 =	vadd.s32 v1, v3  }
0x92: {  	[tilespmem:s19], [sflag:$0x1] =	stream.indirect_vreg.gather [hbm4b:s3+s2], $0x80, v4, vm0, $0xb8;
	[tilespmem:$0x1D400] =	vst v63  }
0x93: {  	_ = 	snop  }
0x94: {  	[tilespmem:s20], [sflag:$0x1] =	stream.indirect_vreg.gather [hbm4b:s8+s2], $0x80, v4, vm1, $0xb8;
	[tilespmem:$0x1D400] =	vst v63  }
0x95: {  	_ = 	snop  }
0x96: {  	[tilespmem:s21], [sflag:$0x1] =	stream.indirect_vreg.gather [hbm4b:s3+s2], $0x80, v3, vm0, $0xb8;
	[tilespmem:$0x1D400] =	vst v63  }
0x97: {  	_ = 	snop  }
0x98: {  	[tilespmem:s22], [sflag:$0x1] =	stream.indirect_vreg.gather [hbm4b:s8+s2], $0x80, v3, vm1, $0xb8;
	[tilespmem:$0x1D400] =	vst v63  }
0x99: {  	s30 =	rddreg [dreg:$0x3];
	s14 =	simm.s32 $0x0  }
0x9a: {  	[tilespmem:s25], [sflag:$0x3] =	stream.strided.gather [hbm4b:s30+s23], $0x200, s24, s23, $0x38;
	[tilespmem:$0x1D400] =	vst v63  }
.LBB2_2:
0x9b: {  	s0 =	sshllo.u32 s14, $0x1  }
0x9c: {  	s1 =	sshll.u32 s0, $0x7  }
0x9d: {  	s15 =	sand.u32 $0x3FFFFF80, s1  }
0x9e: {  	v3 =	vld [tilespmem:s15+$0x0];
	_ =	sdelay $0x4  }
0x9f: {  	v4 =	vshrl.u32 v3, $0x3  }
0xa0: {  	v4 =	vmul.u32 $0x18, v4  }
0xa1: {  	v3 =	vand.u32 $0x7, v3  }
0xa2: {  	v3 =	vor.u32 v3, v4  }
0xa3: {  	v4 =	vperm.xlane v3, v0;
	_ =	sdelay $0x1  }
0xa4: {  	v4 =	vadd.s32 v1, v4;
	_ =	sdelay $0x1  }
0xa5: {  	v3 =	vperm.xlane v3, v2;
	_ =	sdelay $0x1  }
0xa6: {  	s16 =	simm.s32 $0xD000;
	s1 =	simm.s32 $0x0;
	v3 =	vadd.s32 v1, v3  }
0xa7: {  	[tilespmem:s16], [sflag:$0x2] =	stream.indirect_vreg.gather [hbm4b:s3+s1], $0x80, v4, vm0, $0xb8;
	[tilespmem:$0x1D400] =	vst v63  }
0xa8: {  	s30 =	simm.s32 $0xD800  }
0xa9: {  	[tilespmem:s30], [sflag:$0x2] =	stream.indirect_vreg.gather [hbm4b:s8+s1], $0x80, v4, vm1, $0xb8;
	[tilespmem:$0x1D400] =	vst v63  }
0xaa: {  	s17 =	simm.s32 $0xDC00  }
0xab: {  	[tilespmem:s17], [sflag:$0x2] =	stream.indirect_vreg.gather [hbm4b:s3+s1], $0x80, v3, vm0, $0xb8;
	[tilespmem:$0x1D400] =	vst v63  }
0xac: {  	s18 =	simm.s32 $0xE400  }
0xad: {  	[tilespmem:s18], [sflag:$0x2] =	stream.indirect_vreg.gather [hbm4b:s8+s1], $0x80, v3, vm1, $0xb8;
	[tilespmem:$0x1D400] =	vst v63  }
0xae: {  	v3 =	vld [tilespmem:s15+$0x10];
	_ =	sdelay $0x4  }
0xaf: {  	v4 =	vshrl.u32 v3, $0x3  }
0xb0: {  	v4 =	vmul.u32 $0x18, v4  }
0xb1: {  	v3 =	vand.u32 $0x7, v3  }
0xb2: {  	v3 =	vor.u32 v3, v4  }
0xb3: {  	v4 =	vperm.xlane v3, v0;
	_ =	sdelay $0x1  }
0xb4: {  	v4 =	vadd.s32 v1, v4;
	_ =	sdelay $0x1  }
0xb5: {  	v3 =	vperm.xlane v3, v2;
	_ =	sdelay $0x1  }
0xb6: {  	s30 =	simm.s32 $0xE800;
	v3 =	vadd.s32 v1, v3  }
0xb7: {  	[tilespmem:s30], [sflag:$0x2] =	stream.indirect_vreg.gather [hbm4b:s3+s1], $0x80, v4, vm0, $0xb8;
	[tilespmem:$0x1D400] =	vst v63  }
0xb8: {  	s17 =	simm.s32 $0xF000  }
0xb9: {  	[tilespmem:s17], [sflag:$0x2] =	stream.indirect_vreg.gather [hbm4b:s8+s1], $0x80, v4, vm1, $0xb8;
	[tilespmem:$0x1D400] =	vst v63  }
0xba: {  	s18 =	simm.s32 $0xF400  }
0xbb: {  	[tilespmem:s18], [sflag:$0x2] =	stream.indirect_vreg.gather [hbm4b:s3+s1], $0x80, v3, vm0, $0xb8;
	[tilespmem:$0x1D400] =	vst v63  }
0xbc: {  	s30 =	simm.s32 $0xFC00  }
0xbd: {  	[tilespmem:s30], [sflag:$0x2] =	stream.indirect_vreg.gather [hbm4b:s8+s1], $0x80, v3, vm1, $0xb8;
	[tilespmem:$0x1D400] =	vst v63  }
0xbe: {  	v3 =	vld [tilespmem:s15+$0x20];
	_ =	sdelay $0x4  }
0xbf: {  	v4 =	vshrl.u32 v3, $0x3  }
0xc0: {  	v4 =	vmul.u32 $0x18, v4  }
0xc1: {  	v3 =	vand.u32 $0x7, v3  }
0xc2: {  	v3 =	vor.u32 v3, v4  }
0xc3: {  	v4 =	vperm.xlane v3, v0;
	_ =	sdelay $0x1  }
0xc4: {  	v4 =	vadd.s32 v1, v4;
	_ =	sdelay $0x1  }
0xc5: {  	v3 =	vperm.xlane v3, v2;
	_ =	sdelay $0x1  }
0xc6: {  	s17 =	simm.s32 $0x10000;
	v3 =	vadd.s32 v1, v3  }
0xc7: {  	[tilespmem:s17], [sflag:$0x2] =	stream.indirect_vreg.gather [hbm4b:s3+s1], $0x80, v4, vm0, $0xb8;
	[tilespmem:$0x1D400] =	vst v63  }
0xc8: {  	s18 =	simm.s32 $0x10800  }
0xc9: {  	[tilespmem:s18], [sflag:$0x2] =	stream.indirect_vreg.gather [hbm4b:s8+s1], $0x80, v4, vm1, $0xb8;
	[tilespmem:$0x1D400] =	vst v63  }
0xca: {  	s30 =	simm.s32 $0x10C00  }
0xcb: {  	[tilespmem:s30], [sflag:$0x2] =	stream.indirect_vreg.gather [hbm4b:s3+s1], $0x80, v3, vm0, $0xb8;
	[tilespmem:$0x1D400] =	vst v63  }
0xcc: {  	s17 =	simm.s32 $0x11400  }
0xcd: {  	[tilespmem:s17], [sflag:$0x2] =	stream.indirect_vreg.gather [hbm4b:s8+s1], $0x80, v3, vm1, $0xb8;
	[tilespmem:$0x1D400] =	vst v63  }
0xce: {  	v3 =	vld [tilespmem:s15+$0x30];
	_ =	sdelay $0x4  }
0xcf: {  	v4 =	vshrl.u32 v3, $0x3  }
0xd0: {  	v4 =	vmul.u32 $0x18, v4  }
0xd1: {  	v3 =	vand.u32 $0x7, v3  }
0xd2: {  	v3 =	vor.u32 v3, v4  }
0xd3: {  	v4 =	vperm.xlane v3, v0;
	_ =	sdelay $0x1  }
0xd4: {  	v4 =	vadd.s32 v1, v4;
	_ =	sdelay $0x1  }
0xd5: {  	v3 =	vperm.xlane v3, v2;
	_ =	sdelay $0x1  }
0xd6: {  	s18 =	simm.s32 $0x11800;
	v3 =	vadd.s32 v1, v3  }
0xd7: {  	[tilespmem:s18], [sflag:$0x2] =	stream.indirect_vreg.gather [hbm4b:s3+s1], $0x80, v4, vm0, $0xb8;
	[tilespmem:$0x1D400] =	vst v63  }
0xd8: {  	s30 =	simm.s32 $0x12000  }
0xd9: {  	[tilespmem:s30], [sflag:$0x2] =	stream.indirect_vreg.gather [hbm4b:s8+s1], $0x80, v4, vm1, $0xb8;
	[tilespmem:$0x1D400] =	vst v63  }
0xda: {  	s17 =	simm.s32 $0x12400  }
0xdb: {  	[tilespmem:s17], [sflag:$0x2] =	stream.indirect_vreg.gather [hbm4b:s3+s1], $0x80, v3, vm0, $0xb8;
	[tilespmem:$0x1D400] =	vst v63  }
0xdc: {  	s18 =	simm.s32 $0x12C00  }
0xdd: {  	[tilespmem:s18], [sflag:$0x2] =	stream.indirect_vreg.gather [hbm4b:s8+s1], $0x80, v3, vm1, $0xb8;
	[tilespmem:$0x1D400] =	vst v63  }
0xde: {  	v3 =	vld [tilespmem:s15+$0x40];
	_ =	sdelay $0x4  }
0xdf: {  	v4 =	vshrl.u32 v3, $0x3  }
0xe0: {  	v4 =	vmul.u32 $0x18, v4  }
0xe1: {  	v3 =	vand.u32 $0x7, v3  }
0xe2: {  	v3 =	vor.u32 v3, v4  }
0xe3: {  	v4 =	vperm.xlane v3, v0;
	_ =	sdelay $0x1  }
0xe4: {  	v4 =	vadd.s32 v1, v4;
	_ =	sdelay $0x1  }
0xe5: {  	v3 =	vperm.xlane v3, v2;
	_ =	sdelay $0x1  }
0xe6: {  	s30 =	simm.s32 $0x13000;
	v3 =	vadd.s32 v1, v3  }
0xe7: {  	[tilespmem:s30], [sflag:$0x2] =	stream.indirect_vreg.gather [hbm4b:s3+s1], $0x80, v4, vm0, $0xb8;
	[tilespmem:$0x1D400] =	vst v63  }
0xe8: {  	s17 =	simm.s32 $0x13800  }
0xe9: {  	[tilespmem:s17], [sflag:$0x2] =	stream.indirect_vreg.gather [hbm4b:s8+s1], $0x80, v4, vm1, $0xb8;
	[tilespmem:$0x1D400] =	vst v63  }
0xea: {  	s18 =	simm.s32 $0x13C00  }
0xeb: {  	[tilespmem:s18], [sflag:$0x2] =	stream.indirect_vreg.gather [hbm4b:s3+s1], $0x80, v3, vm0, $0xb8;
	[tilespmem:$0x1D400] =	vst v63  }
0xec: {  	s30 =	simm.s32 $0x14400  }
0xed: {  	[tilespmem:s30], [sflag:$0x2] =	stream.indirect_vreg.gather [hbm4b:s8+s1], $0x80, v3, vm1, $0xb8;
	[tilespmem:$0x1D400] =	vst v63  }
0xee: {  	v3 =	vld [tilespmem:s15+$0x50];
	_ =	sdelay $0x4  }
0xef: {  	v4 =	vshrl.u32 v3, $0x3  }
0xf0: {  	v4 =	vmul.u32 $0x18, v4  }
0xf1: {  	v3 =	vand.u32 $0x7, v3  }
0xf2: {  	v3 =	vor.u32 v3, v4  }
0xf3: {  	v4 =	vperm.xlane v3, v0;
	_ =	sdelay $0x1  }
0xf4: {  	v4 =	vadd.s32 v1, v4;
	_ =	sdelay $0x1  }
0xf5: {  	v3 =	vperm.xlane v3, v2;
	_ =	sdelay $0x1  }
0xf6: {  	s17 =	simm.s32 $0x14800;
	v3 =	vadd.s32 v1, v3  }
0xf7: {  	[tilespmem:s17], [sflag:$0x2] =	stream.indirect_vreg.gather [hbm4b:s3+s1], $0x80, v4, vm0, $0xb8;
	[tilespmem:$0x1D400] =	vst v63  }
0xf8: {  	s18 =	simm.s32 $0x15000  }
0xf9: {  	[tilespmem:s18], [sflag:$0x2] =	stream.indirect_vreg.gather [hbm4b:s8+s1], $0x80, v4, vm1, $0xb8;
	[tilespmem:$0x1D400] =	vst v63  }
0xfa: {  	s30 =	simm.s32 $0x15400  }
0xfb: {  	[tilespmem:s30], [sflag:$0x2] =	stream.indirect_vreg.gather [hbm4b:s3+s1], $0x80, v3, vm0, $0xb8;
	[tilespmem:$0x1D400] =	vst v63  }
0xfc: {  	s17 =	simm.s32 $0x15C00  }
0xfd: {  	[tilespmem:s17], [sflag:$0x2] =	stream.indirect_vreg.gather [hbm4b:s8+s1], $0x80, v3, vm1, $0xb8;
	[tilespmem:$0x1D400] =	vst v63  }
0xfe: {  	v3 =	vld [tilespmem:s15+$0x60];
	_ =	sdelay $0x4  }
0xff: {  	v4 =	vshrl.u32 v3, $0x3  }
0x100: {  	v4 =	vmul.u32 $0x18, v4  }
0x101: {  	v3 =	vand.u32 $0x7, v3  }
0x102: {  	v3 =	vor.u32 v3, v4  }
0x103: {  	v4 =	vperm.xlane v3, v0;
	_ =	sdelay $0x1  }
0x104: {  	v4 =	vadd.s32 v1, v4;
	_ =	sdelay $0x1  }
0x105: {  	v3 =	vperm.xlane v3, v2;
	_ =	sdelay $0x1  }
0x106: {  	s18 =	simm.s32 $0x16000;
	v3 =	vadd.s32 v1, v3  }
0x107: {  	[tilespmem:s18], [sflag:$0x2] =	stream.indirect_vreg.gather [hbm4b:s3+s1], $0x80, v4, vm0, $0xb8;
	[tilespmem:$0x1D400] =	vst v63  }
0x108: {  	s30 =	simm.s32 $0x16800  }
0x109: {  	[tilespmem:s30], [sflag:$0x2] =	stream.indirect_vreg.gather [hbm4b:s8+s1], $0x80, v4, vm1, $0xb8;
	[tilespmem:$0x1D400] =	vst v63  }
0x10a: {  	s17 =	simm.s32 $0x16C00  }
0x10b: {  	[tilespmem:s17], [sflag:$0x2] =	stream.indirect_vreg.gather [hbm4b:s3+s1], $0x80, v3, vm0, $0xb8;
	[tilespmem:$0x1D400] =	vst v63  }
0x10c: {  	s18 =	simm.s32 $0x17400  }
0x10d: {  	[tilespmem:s18], [sflag:$0x2] =	stream.indirect_vreg.gather [hbm4b:s8+s1], $0x80, v3, vm1, $0xb8;
	[tilespmem:$0x1D400] =	vst v63  }
0x10e: {  	v3 =	vld [tilespmem:s15+$0x70];
	_ =	sdelay $0x4  }
0x10f: {  	v4 =	vshrl.u32 v3, $0x3  }
0x110: {  	v4 =	vmul.u32 $0x18, v4  }
0x111: {  	v3 =	vand.u32 $0x7, v3  }
0x112: {  	v3 =	vor.u32 v3, v4  }
0x113: {  	v4 =	vperm.xlane v3, v0;
	_ =	sdelay $0x1  }
0x114: {  	v4 =	vadd.s32 v1, v4;
	_ =	sdelay $0x1  }
0x115: {  	v3 =	vperm.xlane v3, v2;
	_ =	sdelay $0x1  }
0x116: {  	s30 =	simm.s32 $0x17800;
	v3 =	vadd.s32 v1, v3  }
0x117: {  	[tilespmem:s30], [sflag:$0x2] =	stream.indirect_vreg.gather [hbm4b:s3+s1], $0x80, v4, vm0, $0xb8;
	[tilespmem:$0x1D400] =	vst v63  }
0x118: {  	s16 =	simm.s32 $0x18000;
	s18 =	sshll.u32 s14, $0x1  }
0x119: {  	[tilespmem:s16], [sflag:$0x2] =	stream.indirect_vreg.gather [hbm4b:s8+s1], $0x80, v4, vm1, $0xb8;
	[tilespmem:$0x1D400] =	vst v63  }
0x11a: {  	s17 =	simm.s32 $0x18400;
	s15 =	sadd.s32 s18, s10  }
0x11b: {  	[tilespmem:s17], [sflag:$0x2] =	stream.indirect_vreg.gather [hbm4b:s3+s1], $0x80, v3, vm0, $0xb8;
	[tilespmem:$0x1D400] =	vst v63  }
0x11c: {  	s17 =	sshll.u32 s15, $0x4  }
0x11d: {  	s30 =	simm.s32 $0x18C00;
	s15 =	sshll.u32 s15, $0x6;
	s16 =	sand.u32 $0x70, s17  }
0x11e: {  	[tilespmem:s30], [sflag:$0x2] =	stream.indirect_vreg.gather [hbm4b:s8+s1], $0x80, v3, vm1, $0xb8;
	[tilespmem:$0x1D400] =	vst v63  }
0x11f: {  	s15 =	sand.u32 $0xFFFFE00, s15;
	s16 =	sadd.s32 s4, s16  }
0x120: {  	s15 =	sadd.s32 s15, s16  }
0x121: {  	[tilespmem:s7], [sflag:$0x4] =	stream.strided.gather [hbm4b:s15+s23], $0x200, s24, s23, $0x38;
	[tilespmem:$0x1D400] =	vst v63  }
0x122: {  	_ =	swait.ge [sflag:s28], $0xC000  }
0x123: {  	s18 =	simm.s32 $0x0;
	[sflag:s28] =	ssyncset.done $0x0  }
0x124: {  	v3 =	vmov s1;
	s15 =	smul.u32 $0x3000, s18;
	[sflag:s28] =	ssyncadd.s32 $0xFFFF4000  }
0x125: {  	_ =	swait.ge [sflag:s9], $0x200  }
0x126: {  	s1 =	sand.u32 $0x380, s1;
	v4 =	vor.u32 $0x1, v3;
	s15 =	sshra.s32 s15, $0x2;
	[sflag:s9] =	ssyncset.done $0x0  }
0x127: {  	s1 =	sor.u32 s1, s15;
	[sflag:s9] =	ssyncadd.s32 $0xFFFFFE00  }
0x128: {  	v5 =	vor.u32 $0x2, v3;
	v6 =	vld [tilespmem:s1+$0x1040]  }
0x129: {  	v7 =	vld.idx.msk [tilespmem:v3+s25+$0x0], $0xffff  }
0x12a: {  	v8 =	vld [tilespmem:s1+$0x1000]  }
0x12b: {  	v3 =	vor.u32 $0x3, v3;
	v4 =	vld.idx.msk [tilespmem:v4+s25+$0x0], $0xffff  }
0x12c: {  	v9 =	vld [tilespmem:s1+$0x1800]  }
0x12d: {  	v5 =	vld.idx.msk [tilespmem:v5+s25+$0x0], $0xffff  }
0x12e: {  	v10 =	vld [tilespmem:s1+$0x1400]  }
0x12f: {  	v11 =	vld [tilespmem:s1+$0x1440];
	v8 =	vmul.f32 v8, v7  }
0x130: {  	v3 =	vld.idx.msk [tilespmem:v3+s25+$0x0], $0xffff  }
0x131: {  	v6 =	vmul.f32 v6, v4;
	v8 =	vadd.f32 v8, v9;
	_ =	sdelay $0x1  }
0x132: {  	v6 =	vadd.f32 v6, v8;
	v8 =	vmul.f32 v10, v5;
	_ =	sdelay $0x1  }
0x133: {  	v6 =	vadd.f32 v8, v6;
	v8 =	vmul.f32 v11, v3;
	_ =	sdelay $0x1  }
0x134: {  	v6 =	vadd.f32 v8, v6  }
0x135: {  	s15 =	simm.s32 $0x19420  }
0x136: {  	[tilespmem:s15+$0xFFFFFFE0] =	vst v6  }
0x137: {  	v6 =	vld [tilespmem:s1+$0x1010]  }
0x138: {  	v8 =	vld [tilespmem:s1+$0x1050]  }
0x139: {  	v56 =	vld [tilespmem:s1+$0x1810];
	_ =	sdelay $0x1  }
0x13a: {  	v57 =	vld [tilespmem:s1+$0x1410]  }
0x13b: {  	v6 =	vmul.f32 v6, v7  }
0x13c: {  	v58 =	vld [tilespmem:s1+$0x1450]  }
0x13d: {  	v8 =	vmul.f32 v8, v4;
	v6 =	vadd.f32 v6, v56;
	_ =	sdelay $0x1  }
0x13e: {  	v6 =	vadd.f32 v8, v6;
	v8 =	vmul.f32 v57, v5;
	_ =	sdelay $0x1  }
0x13f: {  	v6 =	vadd.f32 v8, v6;
	v8 =	vmul.f32 v58, v3;
	_ =	sdelay $0x1  }
0x140: {  	v6 =	vadd.f32 v8, v6;
	_ =	sdelay $0x1  }
0x141: {  	[tilespmem:s15+$0xFFFFFFF0] =	vst v6  }
0x142: {  	v6 =	vld [tilespmem:s1+$0x1020]  }
0x143: {  	v8 =	vld [tilespmem:s1+$0x1060]  }
0x144: {  	v59 =	vld [tilespmem:s1+$0x1820];
	_ =	sdelay $0x1  }
0x145: {  	v60 =	vld [tilespmem:s1+$0x1420]  }
0x146: {  	v6 =	vmul.f32 v6, v7  }
0x147: {  	v61 =	vld [tilespmem:s1+$0x1460]  }
0x148: {  	v8 =	vmul.f32 v8, v4;
	v6 =	vadd.f32 v6, v59;
	_ =	sdelay $0x1  }
0x149: {  	v6 =	vadd.f32 v8, v6;
	v8 =	vmul.f32 v60, v5;
	_ =	sdelay $0x1  }
0x14a: {  	v6 =	vadd.f32 v8, v6;
	v8 =	vmul.f32 v61, v3;
	_ =	sdelay $0x1  }
0x14b: {  	v6 =	vadd.f32 v8, v6;
	_ =	sdelay $0x1  }
0x14c: {  	[tilespmem:s15+$0x0] =	vst v6  }
0x14d: {  	v6 =	vld [tilespmem:s1+$0x1030]  }
0x14e: {  	v8 =	vld [tilespmem:s1+$0x1830]  }
0x14f: {  	v62 =	vld [tilespmem:s1+$0x1070];
	_ =	sdelay $0x1  }
0x150: {  	v63 =	vld [tilespmem:s1+$0x1430]  }
0x151: {  	v6 =	vmul.f32 v6, v7  }
0x152: {  	v7 =	vld [tilespmem:s1+$0x1470]  }
0x153: {  	v4 =	vmul.f32 v62, v4;
	v6 =	vadd.f32 v6, v8;
	_ =	sdelay $0x1  }
0x154: {  	v5 =	vmul.f32 v63, v5;
	v4 =	vadd.f32 v4, v6  }
0x155: {  	s29 =	simm.s32 $0x4;
	s30 =	simm.s32 $0x0  }
0x156: {  	s18 =	smul.u32 $0x3000, s30;
	v6 =	vmov s29;
	v7 =	vmul.f32 v7, v3;
	v4 =	vadd.f32 v5, v4  }
0x157: {  	s16 =	simm.s32 $0x80;
	v3 =	vor.u32 $0x2, v6  }
0x158: {  	s17 =	sand.u32 $0x380, s16;
	s18 =	sshra.s32 s18, $0x2;
	s1 =	simm.s32 $0x2;
	v5 =	vor.u32 $0x1, v6;
	v7 =	vadd.f32 v7, v4;
	v4 =	vor.u32 $0x3, v6  }
.LBB2_3:
0x159: {  	s18 =	sor.u32 s17, s18  }
0x15a: {  	[tilespmem:s15+$0x10] =	vst v7;
	s15 =	sadd.s32 $0x40, s15;
	s17 =	smov.u32 s1;
	s30 =	sadd.s32 $0x1, s1  }
0x15b: {  	p0 =	sne.s32 s1, $0x7F;
	v7 =	vld [tilespmem:s18+$0x1040]  }
0x15c: {  	v6 =	vld.idx.msk [tilespmem:v6+s25+$0x0], $0xffff  }
0x15d: {  	v8 =	vld [tilespmem:s18+$0x1000]  }
0x15e: {  	v5 =	vld.idx.msk [tilespmem:v5+s25+$0x0], $0xffff  }
0x15f: {  	v9 =	vld [tilespmem:s18+$0x1800]  }
0x160: {  	v3 =	vld.idx.msk [tilespmem:v3+s25+$0x0], $0xffff  }
0x161: {  	v10 =	vld [tilespmem:s18+$0x1400]  }
0x162: {  	v4 =	vld.idx.msk [tilespmem:v4+s25+$0x0], $0xffff;
	v8 =	vmul.f32 v8, v6  }
0x163: {  	v11 =	vld [tilespmem:s18+$0x1440]  }
0x164: {  	v7 =	vmul.f32 v7, v5;
	v8 =	vadd.f32 v8, v9;
	_ =	sdelay $0x1  }
0x165: {  	v7 =	vadd.f32 v7, v8;
	v8 =	vmul.f32 v10, v3;
	_ =	sdelay $0x1  }
0x166: {  	v7 =	vadd.f32 v8, v7;
	v8 =	vmul.f32 v11, v4;
	_ =	sdelay $0x1  }
0x167: {  	v7 =	vadd.f32 v8, v7;
	_ =	sdelay $0x1  }
0x168: {  	[tilespmem:s15+$0xFFFFFFE0] =	vst v7  }
0x169: {  	v7 =	vld [tilespmem:s18+$0x1010]  }
0x16a: {  	v8 =	vld [tilespmem:s18+$0x1050]  }
0x16b: {  	v9 =	vld [tilespmem:s18+$0x1810];
	_ =	sdelay $0x1  }
0x16c: {  	v10 =	vld [tilespmem:s18+$0x1410]  }
0x16d: {  	v7 =	vmul.f32 v7, v6  }
0x16e: {  	v8 =	vmul.f32 v8, v5;
	v11 =	vld [tilespmem:s18+$0x1450]  }
0x16f: {  	v7 =	vadd.f32 v7, v9;
	_ =	sdelay $0x1  }
0x170: {  	v7 =	vadd.f32 v8, v7;
	v8 =	vmul.f32 v10, v3;
	_ =	sdelay $0x1  }
0x171: {  	v7 =	vadd.f32 v8, v7;
	v8 =	vmul.f32 v11, v4;
	_ =	sdelay $0x1  }
0x172: {  	v7 =	vadd.f32 v8, v7;
	_ =	sdelay $0x1  }
0x173: {  	[tilespmem:s15+$0xFFFFFFF0] =	vst v7  }
0x174: {  	v7 =	vld [tilespmem:s18+$0x1020]  }
0x175: {  	v8 =	vld [tilespmem:s18+$0x1060]  }
0x176: {  	v9 =	vld [tilespmem:s18+$0x1820];
	_ =	sdelay $0x1  }
0x177: {  	v10 =	vld [tilespmem:s18+$0x1420]  }
0x178: {  	v7 =	vmul.f32 v7, v6  }
0x179: {  	v8 =	vmul.f32 v8, v5;
	v11 =	vld [tilespmem:s18+$0x1460]  }
0x17a: {  	v7 =	vadd.f32 v7, v9;
	_ =	sdelay $0x1  }
0x17b: {  	v7 =	vadd.f32 v8, v7;
	v8 =	vmul.f32 v10, v3;
	_ =	sdelay $0x1  }
0x17c: {  	v7 =	vadd.f32 v8, v7;
	v8 =	vmul.f32 v11, v4;
	_ =	sdelay $0x1  }
0x17d: {  	v7 =	vadd.f32 v8, v7;
	_ =	sdelay $0x1  }
0x17e: {  	[tilespmem:s15+$0x0] =	vst v7  }
0x17f: {  	v7 =	vld [tilespmem:s18+$0x1030]  }
0x180: {  	v8 =	vld [tilespmem:s18+$0x1830]  }
0x181: {  	v9 =	vld [tilespmem:s18+$0x1070]  }
0x182: {  	v10 =	vld [tilespmem:s18+$0x1430]  }
0x183: {  	v11 =	vld [tilespmem:s18+$0x1470]  }
0x184: {  	v6 =	vmul.f32 v7, v6;
	_ =	sdelay $0x1  }
0x185: {  	v6 =	vadd.f32 v6, v8;
	v5 =	vmul.f32 v9, v5  }
0x186: {  	v3 =	vmul.f32 v10, v3  }
0x187: {  	v5 =	vadd.f32 v5, v6;
	v4 =	vmul.f32 v11, v4  }
.Ltmp0:
0x188: {  	(pc) =	sbr.rel @p0 .LBB2_3-.Ltmp0, $4  }
0x189: {  	s29 =	sadd.s32 $0x4, s29;
	s1 =	sshrl.u32 s17, $0x3;
	v7 =	vadd.f32 v3, v5  }
0x18a: {  	s1 =	smul.u32 $0x3000, s1;
	v6 =	vmov s29  }
0x18b: {  	s16 =	sadd.s32 $0x80, s16;
	v5 =	vor.u32 $0x1, v6;
	v3 =	vor.u32 $0x2, v6;
	v7 =	vadd.f32 v4, v7  }
0x18c: {  	s17 =	sand.u32 $0x380, s16;
	s18 =	sshra.s32 s1, $0x2;
	s1 =	smov.u32 s30;
	v4 =	vor.u32 $0x3, v6  }
0x18d: {  	_ =	sdelay $0x1  }
0x18e: {  	s1 =	sor.u32 s17, s18;
	[tilespmem:s15+$0x10] =	vst v7  }
0x18f: {  	v7 =	vld [tilespmem:s1+$0x1040]  }
0x190: {  	v6 =	vld.idx.msk [tilespmem:v6+s25+$0x0], $0xffff  }
0x191: {  	v8 =	vld [tilespmem:s1+$0x1000]  }
0x192: {  	v5 =	vld.idx.msk [tilespmem:v5+s25+$0x0], $0xffff  }
0x193: {  	v9 =	vld [tilespmem:s1+$0x1800]  }
0x194: {  	v3 =	vld.idx.msk [tilespmem:v3+s25+$0x0], $0xffff  }
0x195: {  	v10 =	vld [tilespmem:s1+$0x1400]  }
0x196: {  	v4 =	vld.idx.msk [tilespmem:v4+s25+$0x0], $0xffff;
	v8 =	vmul.f32 v8, v6  }
0x197: {  	v11 =	vld [tilespmem:s1+$0x1440]  }
0x198: {  	v7 =	vmul.f32 v7, v5;
	v8 =	vadd.f32 v8, v9;
	_ =	sdelay $0x1  }
0x199: {  	v7 =	vadd.f32 v7, v8;
	v8 =	vmul.f32 v10, v3;
	_ =	sdelay $0x1  }
0x19a: {  	v7 =	vadd.f32 v8, v7;
	v8 =	vmul.f32 v11, v4;
	_ =	sdelay $0x1  }
0x19b: {  	v7 =	vadd.f32 v8, v7  }
0x19c: {  	s17 =	sadd.s32 $0x40, s15  }
0x19d: {  	[tilespmem:s17+$0xFFFFFFE0] =	vst v7  }
0x19e: {  	v7 =	vld [tilespmem:s1+$0x1010]  }
0x19f: {  	v8 =	vld [tilespmem:s1+$0x1050]  }
0x1a0: {  	v45 =	vld [tilespmem:s1+$0x1810];
	_ =	sdelay $0x1  }
0x1a1: {  	v46 =	vld [tilespmem:s1+$0x1410]  }
0x1a2: {  	v7 =	vmul.f32 v7, v6  }
0x1a3: {  	v47 =	vld [tilespmem:s1+$0x1450]  }
0x1a4: {  	v8 =	vmul.f32 v8, v5;
	v7 =	vadd.f32 v7, v45;
	_ =	sdelay $0x1  }
0x1a5: {  	v7 =	vadd.f32 v8, v7;
	v8 =	vmul.f32 v46, v3;
	_ =	sdelay $0x1  }
0x1a6: {  	v7 =	vadd.f32 v8, v7;
	v8 =	vmul.f32 v47, v4;
	_ =	sdelay $0x1  }
0x1a7: {  	v7 =	vadd.f32 v8, v7;
	_ =	sdelay $0x1  }
0x1a8: {  	[tilespmem:s17+$0xFFFFFFF0] =	vst v7  }
0x1a9: {  	v7 =	vld [tilespmem:s1+$0x1020]  }
0x1aa: {  	v8 =	vld [tilespmem:s1+$0x1060]  }
0x1ab: {  	v48 =	vld [tilespmem:s1+$0x1820];
	_ =	sdelay $0x1  }
0x1ac: {  	v49 =	vld [tilespmem:s1+$0x1420]  }
0x1ad: {  	v7 =	vmul.f32 v7, v6  }
0x1ae: {  	v50 =	vld [tilespmem:s1+$0x1460]  }
0x1af: {  	v8 =	vmul.f32 v8, v5;
	v7 =	vadd.f32 v7, v48;
	_ =	sdelay $0x1  }
0x1b0: {  	v7 =	vadd.f32 v8, v7;
	v8 =	vmul.f32 v49, v3;
	_ =	sdelay $0x1  }
0x1b1: {  	v7 =	vadd.f32 v8, v7;
	v8 =	vmul.f32 v50, v4;
	_ =	sdelay $0x1  }
0x1b2: {  	v7 =	vadd.f32 v8, v7;
	_ =	sdelay $0x1  }
0x1b3: {  	[tilespmem:s17+$0x0] =	vst v7  }
0x1b4: {  	v7 =	vld [tilespmem:s1+$0x1030]  }
0x1b5: {  	v8 =	vld [tilespmem:s1+$0x1830]  }
0x1b6: {  	v51 =	vld [tilespmem:s1+$0x1070];
	_ =	sdelay $0x1  }
0x1b7: {  	v52 =	vld [tilespmem:s1+$0x1430]  }
0x1b8: {  	v6 =	vmul.f32 v7, v6  }
0x1b9: {  	v7 =	vld [tilespmem:s1+$0x1470]  }
0x1ba: {  	v5 =	vmul.f32 v51, v5;
	v6 =	vadd.f32 v6, v8;
	_ =	sdelay $0x1  }
0x1bb: {  	v3 =	vmul.f32 v52, v3;
	v5 =	vadd.f32 v5, v6;
	_ =	sdelay $0x1  }
0x1bc: {  	v4 =	vmul.f32 v7, v4;
	v3 =	vadd.f32 v3, v5  }
0x1bd: {  	s18 =	sshll.u32 s14, $0xE  }
0x1be: {  	s1 =	sadd.s32 s6, s18;
	v3 =	vadd.f32 v4, v3  }
0x1bf: {  	s1 =	sshrl.u32 s1, $0x3  }
0x1c0: {  	s16 =	sadd.s32 s5, s1;
	s1 =	simm.s32 $0x0;
	[tilespmem:s17+$0x10] =	vst v3  }
0x1c1: {  	[hbm4b:s16+s1] =	stream.linear.scatter [tilespmem:s31], [sflag:$0x5], $0x2000, $0x38;
	[tilespmem:$0x1D400] =	vst v63  }
0x1c2: {  	_ =	swait.ge [sflag:s13], $0x2000  }
0x1c3: {  	s17 =	sshll.u32 s14, $0x8;
	[sflag:s13] =	ssyncset.done $0x0  }
0x1c4: {  	s15 =	sand.u32 $0x3FFFFF00, s17;
	[sflag:s13] =	ssyncadd.s32 $0xFFFFE000  }
0x1c5: {  	v3 =	vld [tilespmem:s15+$0x100];
	_ =	sdelay $0x4  }
0x1c6: {  	v4 =	vshrl.u32 v3, $0x3  }
0x1c7: {  	v4 =	vmul.u32 $0x18, v4  }
0x1c8: {  	v3 =	vand.u32 $0x7, v3  }
0x1c9: {  	v3 =	vor.u32 v3, v4  }
0x1ca: {  	v4 =	vperm.xlane v3, v0;
	_ =	sdelay $0x1  }
0x1cb: {  	v4 =	vadd.s32 v1, v4;
	_ =	sdelay $0x1  }
0x1cc: {  	v3 =	vperm.xlane v3, v2;
	_ =	sdelay $0x1  }
0x1cd: {  	s16 =	simm.s32 $0x1000;
	v3 =	vadd.s32 v1, v3  }
0x1ce: {  	[tilespmem:s16], [sflag:$0x1] =	stream.indirect_vreg.gather [hbm4b:s3+s1], $0x80, v4, vm0, $0xb8;
	[tilespmem:$0x1D400] =	vst v63  }
0x1cf: {  	s18 =	simm.s32 $0x1800  }
0x1d0: {  	[tilespmem:s18], [sflag:$0x1] =	stream.indirect_vreg.gather [hbm4b:s8+s1], $0x80, v4, vm1, $0xb8;
	[tilespmem:$0x1D400] =	vst v63  }
0x1d1: {  	s17 =	simm.s32 $0x1C00  }
0x1d2: {  	[tilespmem:s17], [sflag:$0x1] =	stream.indirect_vreg.gather [hbm4b:s3+s1], $0x80, v3, vm0, $0xb8;
	[tilespmem:$0x1D400] =	vst v63  }
0x1d3: {  	s18 =	simm.s32 $0x2400  }
0x1d4: {  	[tilespmem:s18], [sflag:$0x1] =	stream.indirect_vreg.gather [hbm4b:s8+s1], $0x80, v3, vm1, $0xb8;
	[tilespmem:$0x1D400] =	vst v63  }
0x1d5: {  	v3 =	vld [tilespmem:s15+$0x110];
	_ =	sdelay $0x4  }
0x1d6: {  	v4 =	vshrl.u32 v3, $0x3  }
0x1d7: {  	v4 =	vmul.u32 $0x18, v4  }
0x1d8: {  	v3 =	vand.u32 $0x7, v3  }
0x1d9: {  	v3 =	vor.u32 v3, v4  }
0x1da: {  	v4 =	vperm.xlane v3, v0;
	_ =	sdelay $0x1  }
0x1db: {  	v4 =	vadd.s32 v1, v4;
	_ =	sdelay $0x1  }
0x1dc: {  	v3 =	vperm.xlane v3, v2;
	_ =	sdelay $0x1  }
0x1dd: {  	s17 =	simm.s32 $0x2800;
	v3 =	vadd.s32 v1, v3  }
0x1de: {  	[tilespmem:s17], [sflag:$0x1] =	stream.indirect_vreg.gather [hbm4b:s3+s1], $0x80, v4, vm0, $0xb8;
	[tilespmem:$0x1D400] =	vst v63  }
0x1df: {  	s18 =	simm.s32 $0x3000  }
0x1e0: {  	[tilespmem:s18], [sflag:$0x1] =	stream.indirect_vreg.gather [hbm4b:s8+s1], $0x80, v4, vm1, $0xb8;
	[tilespmem:$0x1D400] =	vst v63  }
0x1e1: {  	s17 =	simm.s32 $0x3400  }
0x1e2: {  	[tilespmem:s17], [sflag:$0x1] =	stream.indirect_vreg.gather [hbm4b:s3+s1], $0x80, v3, vm0, $0xb8;
	[tilespmem:$0x1D400] =	vst v63  }
0x1e3: {  	s18 =	simm.s32 $0x3C00  }
0x1e4: {  	[tilespmem:s18], [sflag:$0x1] =	stream.indirect_vreg.gather [hbm4b:s8+s1], $0x80, v3, vm1, $0xb8;
	[tilespmem:$0x1D400] =	vst v63  }
0x1e5: {  	v3 =	vld [tilespmem:s15+$0x120];
	_ =	sdelay $0x4  }
0x1e6: {  	v4 =	vshrl.u32 v3, $0x3  }
0x1e7: {  	v4 =	vmul.u32 $0x18, v4  }
0x1e8: {  	v3 =	vand.u32 $0x7, v3  }
0x1e9: {  	v3 =	vor.u32 v3, v4  }
0x1ea: {  	v4 =	vperm.xlane v3, v0;
	_ =	sdelay $0x1  }
0x1eb: {  	v4 =	vadd.s32 v1, v4;
	_ =	sdelay $0x1  }
0x1ec: {  	v3 =	vperm.xlane v3, v2;
	_ =	sdelay $0x1  }
0x1ed: {  	s17 =	simm.s32 $0x4000;
	v3 =	vadd.s32 v1, v3  }
0x1ee: {  	[tilespmem:s17], [sflag:$0x1] =	stream.indirect_vreg.gather [hbm4b:s3+s1], $0x80, v4, vm0, $0xb8;
	[tilespmem:$0x1D400] =	vst v63  }
0x1ef: {  	s18 =	simm.s32 $0x4800  }
0x1f0: {  	[tilespmem:s18], [sflag:$0x1] =	stream.indirect_vreg.gather [hbm4b:s8+s1], $0x80, v4, vm1, $0xb8;
	[tilespmem:$0x1D400] =	vst v63  }
0x1f1: {  	s17 =	simm.s32 $0x4C00  }
0x1f2: {  	[tilespmem:s17], [sflag:$0x1] =	stream.indirect_vreg.gather [hbm4b:s3+s1], $0x80, v3, vm0, $0xb8;
	[tilespmem:$0x1D400] =	vst v63  }
0x1f3: {  	s18 =	simm.s32 $0x5400  }
0x1f4: {  	[tilespmem:s18], [sflag:$0x1] =	stream.indirect_vreg.gather [hbm4b:s8+s1], $0x80, v3, vm1, $0xb8;
	[tilespmem:$0x1D400] =	vst v63  }
0x1f5: {  	v3 =	vld [tilespmem:s15+$0x130];
	_ =	sdelay $0x4  }
0x1f6: {  	v4 =	vshrl.u32 v3, $0x3  }
0x1f7: {  	v4 =	vmul.u32 $0x18, v4  }
0x1f8: {  	v3 =	vand.u32 $0x7, v3  }
0x1f9: {  	v3 =	vor.u32 v3, v4  }
0x1fa: {  	v4 =	vperm.xlane v3, v0;
	_ =	sdelay $0x1  }
0x1fb: {  	v4 =	vadd.s32 v1, v4;
	_ =	sdelay $0x1  }
0x1fc: {  	v3 =	vperm.xlane v3, v2;
	_ =	sdelay $0x1  }
0x1fd: {  	s17 =	simm.s32 $0x5800;
	v3 =	vadd.s32 v1, v3  }
0x1fe: {  	[tilespmem:s17], [sflag:$0x1] =	stream.indirect_vreg.gather [hbm4b:s3+s1], $0x80, v4, vm0, $0xb8;
	[tilespmem:$0x1D400] =	vst v63  }
0x1ff: {  	s18 =	simm.s32 $0x6000  }
0x200: {  	[tilespmem:s18], [sflag:$0x1] =	stream.indirect_vreg.gather [hbm4b:s8+s1], $0x80, v4, vm1, $0xb8;
	[tilespmem:$0x1D400] =	vst v63  }
0x201: {  	s17 =	simm.s32 $0x6400  }
0x202: {  	[tilespmem:s17], [sflag:$0x1] =	stream.indirect_vreg.gather [hbm4b:s3+s1], $0x80, v3, vm0, $0xb8;
	[tilespmem:$0x1D400] =	vst v63  }
0x203: {  	s18 =	simm.s32 $0x6C00  }
0x204: {  	[tilespmem:s18], [sflag:$0x1] =	stream.indirect_vreg.gather [hbm4b:s8+s1], $0x80, v3, vm1, $0xb8;
	[tilespmem:$0x1D400] =	vst v63  }
0x205: {  	v3 =	vld [tilespmem:s15+$0x140];
	_ =	sdelay $0x4  }
0x206: {  	v4 =	vshrl.u32 v3, $0x3  }
0x207: {  	v4 =	vmul.u32 $0x18, v4  }
0x208: {  	v3 =	vand.u32 $0x7, v3  }
0x209: {  	v3 =	vor.u32 v3, v4  }
0x20a: {  	v4 =	vperm.xlane v3, v0;
	_ =	sdelay $0x1  }
0x20b: {  	v4 =	vadd.s32 v1, v4;
	_ =	sdelay $0x1  }
0x20c: {  	v3 =	vperm.xlane v3, v2;
	_ =	sdelay $0x1  }
0x20d: {  	s17 =	simm.s32 $0x7000;
	v3 =	vadd.s32 v1, v3  }
0x20e: {  	[tilespmem:s17], [sflag:$0x1] =	stream.indirect_vreg.gather [hbm4b:s3+s1], $0x80, v4, vm0, $0xb8;
	[tilespmem:$0x1D400] =	vst v63  }
0x20f: {  	s18 =	simm.s32 $0x7800  }
0x210: {  	[tilespmem:s18], [sflag:$0x1] =	stream.indirect_vreg.gather [hbm4b:s8+s1], $0x80, v4, vm1, $0xb8;
	[tilespmem:$0x1D400] =	vst v63  }
0x211: {  	s17 =	simm.s32 $0x7C00  }
0x212: {  	[tilespmem:s17], [sflag:$0x1] =	stream.indirect_vreg.gather [hbm4b:s3+s1], $0x80, v3, vm0, $0xb8;
	[tilespmem:$0x1D400] =	vst v63  }
0x213: {  	s18 =	simm.s32 $0x8400  }
0x214: {  	[tilespmem:s18], [sflag:$0x1] =	stream.indirect_vreg.gather [hbm4b:s8+s1], $0x80, v3, vm1, $0xb8;
	[tilespmem:$0x1D400] =	vst v63  }
0x215: {  	v3 =	vld [tilespmem:s15+$0x150];
	_ =	sdelay $0x4  }
0x216: {  	v4 =	vshrl.u32 v3, $0x3  }
0x217: {  	v4 =	vmul.u32 $0x18, v4  }
0x218: {  	v3 =	vand.u32 $0x7, v3  }
0x219: {  	v3 =	vor.u32 v3, v4  }
0x21a: {  	v4 =	vperm.xlane v3, v0;
	_ =	sdelay $0x1  }
0x21b: {  	v4 =	vadd.s32 v1, v4;
	_ =	sdelay $0x1  }
0x21c: {  	v3 =	vperm.xlane v3, v2;
	_ =	sdelay $0x1  }
0x21d: {  	s17 =	simm.s32 $0x8800;
	v3 =	vadd.s32 v1, v3  }
0x21e: {  	[tilespmem:s17], [sflag:$0x1] =	stream.indirect_vreg.gather [hbm4b:s3+s1], $0x80, v4, vm0, $0xb8;
	[tilespmem:$0x1D400] =	vst v63  }
0x21f: {  	s18 =	simm.s32 $0x9000  }
0x220: {  	[tilespmem:s18], [sflag:$0x1] =	stream.indirect_vreg.gather [hbm4b:s8+s1], $0x80, v4, vm1, $0xb8;
	[tilespmem:$0x1D400] =	vst v63  }
0x221: {  	s17 =	simm.s32 $0x9400  }
0x222: {  	[tilespmem:s17], [sflag:$0x1] =	stream.indirect_vreg.gather [hbm4b:s3+s1], $0x80, v3, vm0, $0xb8;
	[tilespmem:$0x1D400] =	vst v63  }
0x223: {  	s18 =	simm.s32 $0x9C00  }
0x224: {  	[tilespmem:s18], [sflag:$0x1] =	stream.indirect_vreg.gather [hbm4b:s8+s1], $0x80, v3, vm1, $0xb8;
	[tilespmem:$0x1D400] =	vst v63  }
0x225: {  	v3 =	vld [tilespmem:s15+$0x160];
	_ =	sdelay $0x4  }
0x226: {  	v4 =	vshrl.u32 v3, $0x3  }
0x227: {  	v4 =	vmul.u32 $0x18, v4  }
0x228: {  	v3 =	vand.u32 $0x7, v3  }
0x229: {  	v3 =	vor.u32 v3, v4  }
0x22a: {  	v4 =	vperm.xlane v3, v0;
	_ =	sdelay $0x1  }
0x22b: {  	v4 =	vadd.s32 v1, v4;
	_ =	sdelay $0x1  }
0x22c: {  	v3 =	vperm.xlane v3, v2;
	_ =	sdelay $0x1  }
0x22d: {  	s17 =	simm.s32 $0xA000;
	v3 =	vadd.s32 v1, v3  }
0x22e: {  	[tilespmem:s17], [sflag:$0x1] =	stream.indirect_vreg.gather [hbm4b:s3+s1], $0x80, v4, vm0, $0xb8;
	[tilespmem:$0x1D400] =	vst v63  }
0x22f: {  	s18 =	simm.s32 $0xA800  }
0x230: {  	[tilespmem:s18], [sflag:$0x1] =	stream.indirect_vreg.gather [hbm4b:s8+s1], $0x80, v4, vm1, $0xb8;
	[tilespmem:$0x1D400] =	vst v63  }
0x231: {  	s17 =	simm.s32 $0xAC00  }
0x232: {  	[tilespmem:s17], [sflag:$0x1] =	stream.indirect_vreg.gather [hbm4b:s3+s1], $0x80, v3, vm0, $0xb8;
	[tilespmem:$0x1D400] =	vst v63  }
0x233: {  	s18 =	simm.s32 $0xB400  }
0x234: {  	[tilespmem:s18], [sflag:$0x1] =	stream.indirect_vreg.gather [hbm4b:s8+s1], $0x80, v3, vm1, $0xb8;
	[tilespmem:$0x1D400] =	vst v63  }
0x235: {  	v3 =	vld [tilespmem:s15+$0x170];
	_ =	sdelay $0x4  }
0x236: {  	v4 =	vshrl.u32 v3, $0x3  }
0x237: {  	v4 =	vmul.u32 $0x18, v4  }
0x238: {  	v3 =	vand.u32 $0x7, v3  }
0x239: {  	v3 =	vor.u32 v3, v4  }
0x23a: {  	v4 =	vperm.xlane v3, v0;
	_ =	sdelay $0x1  }
0x23b: {  	v4 =	vadd.s32 v1, v4;
	_ =	sdelay $0x1  }
0x23c: {  	v3 =	vperm.xlane v3, v2;
	_ =	sdelay $0x1  }
0x23d: {  	s17 =	sadd.s32 s0, s10;
	v3 =	vadd.s32 v1, v3  }
0x23e: {  	[tilespmem:s19], [sflag:$0x1] =	stream.indirect_vreg.gather [hbm4b:s3+s1], $0x80, v4, vm0, $0xb8;
	[tilespmem:$0x1D400] =	vst v63  }
0x23f: {  	s18 =	sshll.u32 s17, $0x4  }
0x240: {  	[tilespmem:s20], [sflag:$0x1] =	stream.indirect_vreg.gather [hbm4b:s8+s1], $0x80, v4, vm1, $0xb8;
	[tilespmem:$0x1D400] =	vst v63  }
0x241: {  	s15 =	sshll.u32 s17, $0x6;
	s16 =	sand.u32 $0x70, s18  }
0x242: {  	[tilespmem:s21], [sflag:$0x1] =	stream.indirect_vreg.gather [hbm4b:s3+s1], $0x80, v3, vm0, $0xb8;
	[tilespmem:$0x1D400] =	vst v63  }
0x243: {  	s15 =	sand.u32 $0xFFFFE00, s15;
	s16 =	sadd.s32 s4, s16  }
0x244: {  	[tilespmem:s22], [sflag:$0x1] =	stream.indirect_vreg.gather [hbm4b:s8+s1], $0x80, v3, vm1, $0xb8;
	[tilespmem:$0x1D400] =	vst v63  }
0x245: {  	s15 =	sadd.s32 s15, s16  }
0x246: {  	[tilespmem:s25], [sflag:$0x3] =	stream.strided.gather [hbm4b:s15+s23], $0x200, s24, s23, $0x38;
	[tilespmem:$0x1D400] =	vst v63  }
0x247: {  	_ =	swait.ge [sflag:s11], $0xC000  }
0x248: {  	s17 =	simm.s32 $0x0;
	v3 =	vmov s1;
	[sflag:s11] =	ssyncset.done $0x0  }
0x249: {  	v4 =	vor.u32 $0x200, v3;
	s15 =	smul.u32 $0x3000, s17;
	[sflag:s11] =	ssyncadd.s32 $0xFFFF4000  }
0x24a: {  	_ =	swait.ge [sflag:s26], $0x200  }
0x24b: {  	s1 =	sand.u32 $0x380, s1;
	v5 =	vor.u32 $0x201, v3;
	s15 =	sshra.s32 s15, $0x2;
	[sflag:s26] =	ssyncset.done $0x0  }
0x24c: {  	s1 =	sor.u32 s1, s15;
	[sflag:s26] =	ssyncadd.s32 $0xFFFFFE00  }
0x24d: {  	v6 =	vor.u32 $0x202, v3;
	v7 =	vld [tilespmem:s1+$0xD040]  }
0x24e: {  	v4 =	vld.idx.msk [tilespmem:v4+s25+$0x0], $0xffff  }
0x24f: {  	v3 =	vor.u32 $0x203, v3;
	v8 =	vld [tilespmem:s1+$0xD000]  }
0x250: {  	v5 =	vld.idx.msk [tilespmem:v5+s25+$0x0], $0xffff  }
0x251: {  	v53 =	vld [tilespmem:s1+$0xD800]  }
0x252: {  	v6 =	vld.idx.msk [tilespmem:v6+s25+$0x0], $0xffff  }
0x253: {  	v54 =	vld [tilespmem:s1+$0xD400]  }
0x254: {  	v3 =	vld.idx.msk [tilespmem:v3+s25+$0x0], $0xffff;
	v8 =	vmul.f32 v8, v4  }
0x255: {  	v55 =	vld [tilespmem:s1+$0xD440]  }
0x256: {  	v7 =	vmul.f32 v7, v5;
	v8 =	vadd.f32 v8, v53;
	_ =	sdelay $0x1  }
0x257: {  	v7 =	vadd.f32 v7, v8;
	v8 =	vmul.f32 v54, v6;
	_ =	sdelay $0x1  }
0x258: {  	v7 =	vadd.f32 v8, v7;
	v8 =	vmul.f32 v55, v3;
	_ =	sdelay $0x1  }
0x259: {  	v7 =	vadd.f32 v8, v7  }
0x25a: {  	s15 =	simm.s32 $0x1B420  }
0x25b: {  	[tilespmem:s15+$0xFFFFFFE0] =	vst v7  }
0x25c: {  	v7 =	vld [tilespmem:s1+$0xD010]  }
0x25d: {  	v8 =	vld [tilespmem:s1+$0xD050]  }
0x25e: {  	v56 =	vld [tilespmem:s1+$0xD810];
	_ =	sdelay $0x1  }
0x25f: {  	v57 =	vld [tilespmem:s1+$0xD410]  }
0x260: {  	v7 =	vmul.f32 v7, v4  }
0x261: {  	v58 =	vld [tilespmem:s1+$0xD450]  }
0x262: {  	v8 =	vmul.f32 v8, v5;
	v7 =	vadd.f32 v7, v56;
	_ =	sdelay $0x1  }
0x263: {  	v7 =	vadd.f32 v8, v7;
	v8 =	vmul.f32 v57, v6;
	_ =	sdelay $0x1  }
0x264: {  	v7 =	vadd.f32 v8, v7;
	v8 =	vmul.f32 v58, v3;
	_ =	sdelay $0x1  }
0x265: {  	v7 =	vadd.f32 v8, v7;
	_ =	sdelay $0x1  }
0x266: {  	[tilespmem:s15+$0xFFFFFFF0] =	vst v7  }
0x267: {  	v7 =	vld [tilespmem:s1+$0xD020]  }
0x268: {  	v8 =	vld [tilespmem:s1+$0xD060]  }
0x269: {  	v59 =	vld [tilespmem:s1+$0xD820];
	_ =	sdelay $0x1  }
0x26a: {  	v60 =	vld [tilespmem:s1+$0xD420]  }
0x26b: {  	v7 =	vmul.f32 v7, v4  }
0x26c: {  	v61 =	vld [tilespmem:s1+$0xD460]  }
0x26d: {  	v8 =	vmul.f32 v8, v5;
	v7 =	vadd.f32 v7, v59;
	_ =	sdelay $0x1  }
0x26e: {  	v7 =	vadd.f32 v8, v7;
	v8 =	vmul.f32 v60, v6;
	_ =	sdelay $0x1  }
0x26f: {  	v7 =	vadd.f32 v8, v7;
	v8 =	vmul.f32 v61, v3;
	_ =	sdelay $0x1  }
0x270: {  	v7 =	vadd.f32 v8, v7;
	_ =	sdelay $0x1  }
0x271: {  	[tilespmem:s15+$0x0] =	vst v7  }
0x272: {  	v7 =	vld [tilespmem:s1+$0xD030]  }
0x273: {  	v8 =	vld [tilespmem:s1+$0xD830]  }
0x274: {  	v62 =	vld [tilespmem:s1+$0xD070];
	_ =	sdelay $0x1  }
0x275: {  	v63 =	vld [tilespmem:s1+$0xD430]  }
0x276: {  	v4 =	vmul.f32 v7, v4  }
0x277: {  	v7 =	vld [tilespmem:s1+$0xD470]  }
0x278: {  	v5 =	vmul.f32 v62, v5;
	v4 =	vadd.f32 v4, v8;
	_ =	sdelay $0x1  }
0x279: {  	v6 =	vmul.f32 v63, v6;
	v4 =	vadd.f32 v5, v4  }
0x27a: {  	s29 =	simm.s32 $0x4;
	s18 =	simm.s32 $0x0  }
0x27b: {  	s1 =	smul.u32 $0x3000, s18;
	v7 =	vmul.f32 v7, v3;
	v3 =	vmov s29;
	v8 =	vadd.f32 v6, v4  }
0x27c: {  	s16 =	simm.s32 $0x80;
	v6 =	vor.u32 $0x200, v3;
	v5 =	vor.u32 $0x201, v3  }
0x27d: {  	s30 =	simm.s32 $0x2;
	s17 =	sand.u32 $0x380, s16;
	s18 =	sshra.s32 s1, $0x2;
	v4 =	vor.u32 $0x202, v3;
	v3 =	vor.u32 $0x203, v3;
	v7 =	vadd.f32 v7, v8  }
.LBB2_5:
0x27e: {  	s18 =	sor.u32 s17, s18  }
0x27f: {  	[tilespmem:s15+$0x10] =	vst v7;
	s15 =	sadd.s32 $0x40, s15;
	s17 =	smov.u32 s30;
	s1 =	sadd.s32 $0x1, s30  }
0x280: {  	p0 =	sne.s32 s30, $0x7F;
	v7 =	vld [tilespmem:s18+$0xD040]  }
0x281: {  	v6 =	vld.idx.msk [tilespmem:v6+s25+$0x0], $0xffff  }
0x282: {  	v8 =	vld [tilespmem:s18+$0xD000]  }
0x283: {  	v5 =	vld.idx.msk [tilespmem:v5+s25+$0x0], $0xffff  }
0x284: {  	v9 =	vld [tilespmem:s18+$0xD800]  }
0x285: {  	v4 =	vld.idx.msk [tilespmem:v4+s25+$0x0], $0xffff  }
0x286: {  	v10 =	vld [tilespmem:s18+$0xD400]  }
0x287: {  	v3 =	vld.idx.msk [tilespmem:v3+s25+$0x0], $0xffff;
	v8 =	vmul.f32 v8, v6  }
0x288: {  	v11 =	vld [tilespmem:s18+$0xD440]  }
0x289: {  	v7 =	vmul.f32 v7, v5;
	v8 =	vadd.f32 v8, v9;
	_ =	sdelay $0x1  }
0x28a: {  	v7 =	vadd.f32 v7, v8;
	v8 =	vmul.f32 v10, v4;
	_ =	sdelay $0x1  }
0x28b: {  	v7 =	vadd.f32 v8, v7;
	v8 =	vmul.f32 v11, v3;
	_ =	sdelay $0x1  }
0x28c: {  	v7 =	vadd.f32 v8, v7;
	_ =	sdelay $0x1  }
0x28d: {  	[tilespmem:s15+$0xFFFFFFE0] =	vst v7  }
0x28e: {  	v7 =	vld [tilespmem:s18+$0xD010]  }
0x28f: {  	v8 =	vld [tilespmem:s18+$0xD050]  }
0x290: {  	v9 =	vld [tilespmem:s18+$0xD810];
	_ =	sdelay $0x1  }
0x291: {  	v10 =	vld [tilespmem:s18+$0xD410]  }
0x292: {  	v7 =	vmul.f32 v7, v6  }
0x293: {  	v8 =	vmul.f32 v8, v5;
	v11 =	vld [tilespmem:s18+$0xD450]  }
0x294: {  	v7 =	vadd.f32 v7, v9;
	_ =	sdelay $0x1  }
0x295: {  	v7 =	vadd.f32 v8, v7;
	v8 =	vmul.f32 v10, v4;
	_ =	sdelay $0x1  }
0x296: {  	v7 =	vadd.f32 v8, v7;
	v8 =	vmul.f32 v11, v3;
	_ =	sdelay $0x1  }
0x297: {  	v7 =	vadd.f32 v8, v7;
	_ =	sdelay $0x1  }
0x298: {  	[tilespmem:s15+$0xFFFFFFF0] =	vst v7  }
0x299: {  	v7 =	vld [tilespmem:s18+$0xD020]  }
0x29a: {  	v8 =	vld [tilespmem:s18+$0xD060]  }
0x29b: {  	v9 =	vld [tilespmem:s18+$0xD820];
	_ =	sdelay $0x1  }
0x29c: {  	v10 =	vld [tilespmem:s18+$0xD420]  }
0x29d: {  	v7 =	vmul.f32 v7, v6  }
0x29e: {  	v8 =	vmul.f32 v8, v5;
	v11 =	vld [tilespmem:s18+$0xD460]  }
0x29f: {  	v7 =	vadd.f32 v7, v9;
	_ =	sdelay $0x1  }
0x2a0: {  	v7 =	vadd.f32 v8, v7;
	v8 =	vmul.f32 v10, v4;
	_ =	sdelay $0x1  }
0x2a1: {  	v7 =	vadd.f32 v8, v7;
	v8 =	vmul.f32 v11, v3;
	_ =	sdelay $0x1  }
0x2a2: {  	v7 =	vadd.f32 v8, v7;
	_ =	sdelay $0x1  }
0x2a3: {  	[tilespmem:s15+$0x0] =	vst v7  }
0x2a4: {  	v7 =	vld [tilespmem:s18+$0xD030]  }
0x2a5: {  	v8 =	vld [tilespmem:s18+$0xD830]  }
0x2a6: {  	v9 =	vld [tilespmem:s18+$0xD070]  }
0x2a7: {  	v10 =	vld [tilespmem:s18+$0xD430]  }
0x2a8: {  	v11 =	vld [tilespmem:s18+$0xD470]  }
0x2a9: {  	v6 =	vmul.f32 v7, v6;
	_ =	sdelay $0x1  }
0x2aa: {  	v6 =	vadd.f32 v6, v8;
	v5 =	vmul.f32 v9, v5  }
0x2ab: {  	v4 =	vmul.f32 v10, v4  }
0x2ac: {  	v5 =	vadd.f32 v5, v6;
	v7 =	vmul.f32 v11, v3  }
.Ltmp1:
0x2ad: {  	s29 =	sadd.s32 $0x4, s29;
	(pc) =	sbr.rel @p0 .LBB2_5-.Ltmp1, $4  }
0x2ae: {  	s17 =	sshrl.u32 s17, $0x3;
	v3 =	vmov s29;
	v8 =	vadd.f32 v4, v5  }
0x2af: {  	s18 =	smul.u32 $0x3000, s17;
	v6 =	vor.u32 $0x200, v3;
	v5 =	vor.u32 $0x201, v3;
	v4 =	vor.u32 $0x202, v3  }
0x2b0: {  	s16 =	sadd.s32 $0x80, s16;
	v3 =	vor.u32 $0x203, v3;
	v7 =	vadd.f32 v7, v8  }
0x2b1: {  	s30 =	smov.u32 s1;
	s17 =	sand.u32 $0x380, s16;
	s18 =	sshra.s32 s18, $0x2  }
0x2b2: {  	_ =	sdelay $0x1  }
0x2b3: {  	s1 =	sor.u32 s17, s18;
	[tilespmem:s15+$0x10] =	vst v7  }
0x2b4: {  	v7 =	vld [tilespmem:s1+$0xD040]  }
0x2b5: {  	v6 =	vld.idx.msk [tilespmem:v6+s25+$0x0], $0xffff  }
0x2b6: {  	v8 =	vld [tilespmem:s1+$0xD000]  }
0x2b7: {  	v5 =	vld.idx.msk [tilespmem:v5+s25+$0x0], $0xffff  }
0x2b8: {  	v9 =	vld [tilespmem:s1+$0xD800]  }
0x2b9: {  	v4 =	vld.idx.msk [tilespmem:v4+s25+$0x0], $0xffff  }
0x2ba: {  	v10 =	vld [tilespmem:s1+$0xD400]  }
0x2bb: {  	v3 =	vld.idx.msk [tilespmem:v3+s25+$0x0], $0xffff;
	v8 =	vmul.f32 v8, v6  }
0x2bc: {  	v11 =	vld [tilespmem:s1+$0xD440]  }
0x2bd: {  	v7 =	vmul.f32 v7, v5;
	v8 =	vadd.f32 v8, v9;
	_ =	sdelay $0x1  }
0x2be: {  	v46 =	vmul.f32 v10, v4;
	v7 =	vadd.f32 v7, v8;
	_ =	sdelay $0x1  }
0x2bf: {  	v47 =	vmul.f32 v11, v3;
	v7 =	vadd.f32 v46, v7;
	_ =	sdelay $0x1  }
0x2c0: {  	v7 =	vadd.f32 v47, v7  }
0x2c1: {  	s30 =	sadd.s32 $0x40, s15  }
0x2c2: {  	[tilespmem:s30+$0xFFFFFFE0] =	vst v7  }
0x2c3: {  	v7 =	vld [tilespmem:s1+$0xD010]  }
0x2c4: {  	v48 =	vld [tilespmem:s1+$0xD050]  }
0x2c5: {  	v49 =	vld [tilespmem:s1+$0xD810];
	_ =	sdelay $0x1  }
0x2c6: {  	v50 =	vld [tilespmem:s1+$0xD410]  }
0x2c7: {  	v7 =	vmul.f32 v7, v6  }
0x2c8: {  	v51 =	vld [tilespmem:s1+$0xD450]  }
0x2c9: {  	v8 =	vmul.f32 v48, v5;
	v7 =	vadd.f32 v7, v49;
	_ =	sdelay $0x1  }
0x2ca: {  	v52 =	vmul.f32 v50, v4;
	v7 =	vadd.f32 v8, v7;
	_ =	sdelay $0x1  }
0x2cb: {  	v53 =	vmul.f32 v51, v3;
	v7 =	vadd.f32 v52, v7;
	_ =	sdelay $0x1  }
0x2cc: {  	v7 =	vadd.f32 v53, v7;
	_ =	sdelay $0x1  }
0x2cd: {  	[tilespmem:s30+$0xFFFFFFF0] =	vst v7  }
0x2ce: {  	v7 =	vld [tilespmem:s1+$0xD020]  }
0x2cf: {  	v54 =	vld [tilespmem:s1+$0xD060]  }
0x2d0: {  	v55 =	vld [tilespmem:s1+$0xD820];
	_ =	sdelay $0x1  }
0x2d1: {  	v56 =	vld [tilespmem:s1+$0xD420]  }
0x2d2: {  	v7 =	vmul.f32 v7, v6  }
0x2d3: {  	v57 =	vld [tilespmem:s1+$0xD460]  }
0x2d4: {  	v8 =	vmul.f32 v54, v5;
	v7 =	vadd.f32 v7, v55;
	_ =	sdelay $0x1  }
0x2d5: {  	v58 =	vmul.f32 v56, v4;
	v7 =	vadd.f32 v8, v7;
	_ =	sdelay $0x1  }
0x2d6: {  	v59 =	vmul.f32 v57, v3;
	v7 =	vadd.f32 v58, v7;
	_ =	sdelay $0x1  }
0x2d7: {  	v7 =	vadd.f32 v59, v7;
	_ =	sdelay $0x1  }
0x2d8: {  	[tilespmem:s30+$0x0] =	vst v7  }
0x2d9: {  	v7 =	vld [tilespmem:s1+$0xD030]  }
0x2da: {  	v60 =	vld [tilespmem:s1+$0xD830]  }
0x2db: {  	v61 =	vld [tilespmem:s1+$0xD070];
	_ =	sdelay $0x1  }
0x2dc: {  	v62 =	vld [tilespmem:s1+$0xD430]  }
0x2dd: {  	v6 =	vmul.f32 v7, v6  }
0x2de: {  	v63 =	vld [tilespmem:s1+$0xD470]  }
0x2df: {  	v5 =	vmul.f32 v61, v5;
	v6 =	vadd.f32 v6, v60;
	_ =	sdelay $0x1  }
0x2e0: {  	v4 =	vmul.f32 v62, v4;
	v5 =	vadd.f32 v5, v6;
	_ =	sdelay $0x1  }
0x2e1: {  	v3 =	vmul.f32 v63, v3;
	v4 =	vadd.f32 v4, v5  }
0x2e2: {  	s0 =	sshll.u32 s0, $0xD  }
0x2e3: {  	s14 =	sadd.s32 $0x1, s14;
	s0 =	sadd.s32 s6, s0;
	v3 =	vadd.f32 v3, v4  }
0x2e4: {  	p0 =	sne.s32 s14, $0xC;
	s0 =	sshrl.u32 s0, $0x3  }
.Ltmp2:
0x2e5: {  	s0 =	sadd.s32 s5, s0;
	[tilespmem:s30+$0x10] =	vst v3;
	(pc) =	sbr.rel @p0 .LBB2_2-.Ltmp2, $4  }
0x2e6: {  	[hbm4b:s0+s2] =	stream.linear.scatter [tilespmem:s12], [sflag:$0x5], $0x2000, $0x38;
	[tilespmem:$0x1D400] =	vst v63  }
0x2e7: {  	_ =	swait.ge [sflag:s13], $0x2000  }
0x2e8: {  	[sflag:s13] =	ssyncset.done $0x0  }
0x2e9: {  	[sflag:s13] =	ssyncadd.s32 $0xFFFFE000  }
0x2ea: {  	_ =	swait.ge [sflag:s28], $0xC000  }
0x2eb: {  	s0 =	simm.s32 $0x0;
	s1 =	simm.s32 $0x0;
	[sflag:s28] =	ssyncset.done $0x0  }
0x2ec: {  	v3 =	vmov s0;
	s1 =	smul.u32 $0x3000, s1;
	[sflag:s28] =	ssyncadd.s32 $0xFFFF4000  }
0x2ed: {  	_ =	swait.ge [sflag:s9], $0x200  }
0x2ee: {  	s0 =	sand.u32 $0x380, s0;
	s1 =	sshra.s32 s1, $0x2;
	[sflag:s9] =	ssyncset.done $0x0  }
0x2ef: {  	v4 =	vor.u32 $0x1, v3;
	s1 =	sor.u32 s0, s1;
	[sflag:s9] =	ssyncadd.s32 $0xFFFFFE00  }
0x2f0: {  	v6 =	vld [tilespmem:s1+$0x1040]  }
0x2f1: {  	v5 =	vor.u32 $0x2, v3;
	v7 =	vld.idx.msk [tilespmem:v3+s25+$0x0], $0xffff  }
0x2f2: {  	v8 =	vld [tilespmem:s1+$0x1000]  }
0x2f3: {  	v3 =	vor.u32 $0x3, v3;
	v9 =	vld [tilespmem:s1+$0x1800]  }
0x2f4: {  	v4 =	vld.idx.msk [tilespmem:v4+s25+$0x0], $0xffff  }
0x2f5: {  	v10 =	vld [tilespmem:s1+$0x1400]  }
0x2f6: {  	v5 =	vld.idx.msk [tilespmem:v5+s25+$0x0], $0xffff  }
0x2f7: {  	v11 =	vld [tilespmem:s1+$0x1440];
	v8 =	vmul.f32 v8, v7  }
0x2f8: {  	v3 =	vld.idx.msk [tilespmem:v3+s25+$0x0], $0xffff  }
0x2f9: {  	v6 =	vmul.f32 v6, v4;
	v8 =	vadd.f32 v8, v9;
	_ =	sdelay $0x1  }
0x2fa: {  	v6 =	vadd.f32 v6, v8;
	v8 =	vmul.f32 v10, v5;
	_ =	sdelay $0x1  }
0x2fb: {  	v6 =	vadd.f32 v8, v6;
	v8 =	vmul.f32 v11, v3;
	_ =	sdelay $0x1  }
0x2fc: {  	v6 =	vadd.f32 v8, v6  }
0x2fd: {  	s0 =	simm.s32 $0x19420  }
0x2fe: {  	[tilespmem:s0+$0xFFFFFFE0] =	vst v6  }
0x2ff: {  	v6 =	vld [tilespmem:s1+$0x1010]  }
0x300: {  	v8 =	vld [tilespmem:s1+$0x1050]  }
0x301: {  	v56 =	vld [tilespmem:s1+$0x1810];
	_ =	sdelay $0x1  }
0x302: {  	v57 =	vld [tilespmem:s1+$0x1410]  }
0x303: {  	v6 =	vmul.f32 v6, v7  }
0x304: {  	v58 =	vld [tilespmem:s1+$0x1450]  }
0x305: {  	v8 =	vmul.f32 v8, v4;
	v6 =	vadd.f32 v6, v56;
	_ =	sdelay $0x1  }
0x306: {  	v6 =	vadd.f32 v8, v6;
	v8 =	vmul.f32 v57, v5;
	_ =	sdelay $0x1  }
0x307: {  	v6 =	vadd.f32 v8, v6;
	v8 =	vmul.f32 v58, v3;
	_ =	sdelay $0x1  }
0x308: {  	v6 =	vadd.f32 v8, v6;
	_ =	sdelay $0x1  }
0x309: {  	[tilespmem:s0+$0xFFFFFFF0] =	vst v6  }
0x30a: {  	v6 =	vld [tilespmem:s1+$0x1020]  }
0x30b: {  	v8 =	vld [tilespmem:s1+$0x1060]  }
0x30c: {  	v59 =	vld [tilespmem:s1+$0x1820];
	_ =	sdelay $0x1  }
0x30d: {  	v60 =	vld [tilespmem:s1+$0x1420]  }
0x30e: {  	v6 =	vmul.f32 v6, v7  }
0x30f: {  	v61 =	vld [tilespmem:s1+$0x1460]  }
0x310: {  	v8 =	vmul.f32 v8, v4;
	v6 =	vadd.f32 v6, v59;
	_ =	sdelay $0x1  }
0x311: {  	v6 =	vadd.f32 v8, v6;
	v8 =	vmul.f32 v60, v5;
	_ =	sdelay $0x1  }
0x312: {  	v6 =	vadd.f32 v8, v6;
	v8 =	vmul.f32 v61, v3;
	_ =	sdelay $0x1  }
0x313: {  	v6 =	vadd.f32 v8, v6;
	_ =	sdelay $0x1  }
0x314: {  	[tilespmem:s0+$0x0] =	vst v6  }
0x315: {  	v6 =	vld [tilespmem:s1+$0x1030]  }
0x316: {  	v8 =	vld [tilespmem:s1+$0x1830]  }
0x317: {  	v62 =	vld [tilespmem:s1+$0x1070];
	_ =	sdelay $0x1  }
0x318: {  	v63 =	vld [tilespmem:s1+$0x1430]  }
0x319: {  	v6 =	vmul.f32 v6, v7  }
0x31a: {  	v7 =	vld [tilespmem:s1+$0x1470]  }
0x31b: {  	v4 =	vmul.f32 v62, v4;
	v6 =	vadd.f32 v6, v8;
	_ =	sdelay $0x1  }
0x31c: {  	v5 =	vmul.f32 v63, v5;
	v4 =	vadd.f32 v4, v6  }
0x31d: {  	s30 =	simm.s32 $0x0;
	s14 =	simm.s32 $0x4  }
0x31e: {  	s1 =	smul.u32 $0x3000, s30;
	v6 =	vmov s14;
	v7 =	vmul.f32 v7, v3;
	v4 =	vadd.f32 v5, v4  }
0x31f: {  	s15 =	simm.s32 $0x80;
	v3 =	vor.u32 $0x2, v6  }
0x320: {  	s18 =	simm.s32 $0x2;
	s16 =	sand.u32 $0x380, s15;
	s17 =	sshra.s32 s1, $0x2;
	v5 =	vor.u32 $0x1, v6;
	v7 =	vadd.f32 v7, v4;
	v4 =	vor.u32 $0x3, v6  }
.LBB2_8:
0x321: {  	s17 =	sor.u32 s16, s17  }
0x322: {  	[tilespmem:s0+$0x10] =	vst v7;
	s0 =	sadd.s32 $0x40, s0;
	s16 =	smov.u32 s18;
	s1 =	sadd.s32 $0x1, s18  }
0x323: {  	p0 =	sne.s32 s18, $0x7F;
	v7 =	vld [tilespmem:s17+$0x1040]  }
0x324: {  	v6 =	vld.idx.msk [tilespmem:v6+s25+$0x0], $0xffff  }
0x325: {  	v8 =	vld [tilespmem:s17+$0x1000]  }
0x326: {  	v5 =	vld.idx.msk [tilespmem:v5+s25+$0x0], $0xffff  }
0x327: {  	v9 =	vld [tilespmem:s17+$0x1800]  }
0x328: {  	v3 =	vld.idx.msk [tilespmem:v3+s25+$0x0], $0xffff  }
0x329: {  	v10 =	vld [tilespmem:s17+$0x1400]  }
0x32a: {  	v4 =	vld.idx.msk [tilespmem:v4+s25+$0x0], $0xffff;
	v8 =	vmul.f32 v8, v6  }
0x32b: {  	v11 =	vld [tilespmem:s17+$0x1440]  }
0x32c: {  	v7 =	vmul.f32 v7, v5;
	v8 =	vadd.f32 v8, v9;
	_ =	sdelay $0x1  }
0x32d: {  	v7 =	vadd.f32 v7, v8;
	v8 =	vmul.f32 v10, v3;
	_ =	sdelay $0x1  }
0x32e: {  	v7 =	vadd.f32 v8, v7;
	v8 =	vmul.f32 v11, v4;
	_ =	sdelay $0x1  }
0x32f: {  	v7 =	vadd.f32 v8, v7;
	_ =	sdelay $0x1  }
0x330: {  	[tilespmem:s0+$0xFFFFFFE0] =	vst v7  }
0x331: {  	v7 =	vld [tilespmem:s17+$0x1010]  }
0x332: {  	v8 =	vld [tilespmem:s17+$0x1050]  }
0x333: {  	v9 =	vld [tilespmem:s17+$0x1810];
	_ =	sdelay $0x1  }
0x334: {  	v10 =	vld [tilespmem:s17+$0x1410]  }
0x335: {  	v7 =	vmul.f32 v7, v6  }
0x336: {  	v8 =	vmul.f32 v8, v5;
	v11 =	vld [tilespmem:s17+$0x1450]  }
0x337: {  	v7 =	vadd.f32 v7, v9;
	_ =	sdelay $0x1  }
0x338: {  	v7 =	vadd.f32 v8, v7;
	v8 =	vmul.f32 v10, v3;
	_ =	sdelay $0x1  }
0x339: {  	v7 =	vadd.f32 v8, v7;
	v8 =	vmul.f32 v11, v4;
	_ =	sdelay $0x1  }
0x33a: {  	v7 =	vadd.f32 v8, v7;
	_ =	sdelay $0x1  }
0x33b: {  	[tilespmem:s0+$0xFFFFFFF0] =	vst v7  }
0x33c: {  	v7 =	vld [tilespmem:s17+$0x1020]  }
0x33d: {  	v8 =	vld [tilespmem:s17+$0x1060]  }
0x33e: {  	v9 =	vld [tilespmem:s17+$0x1820];
	_ =	sdelay $0x1  }
0x33f: {  	v10 =	vld [tilespmem:s17+$0x1420]  }
0x340: {  	v7 =	vmul.f32 v7, v6  }
0x341: {  	v8 =	vmul.f32 v8, v5;
	v11 =	vld [tilespmem:s17+$0x1460]  }
0x342: {  	v7 =	vadd.f32 v7, v9;
	_ =	sdelay $0x1  }
0x343: {  	v7 =	vadd.f32 v8, v7;
	v8 =	vmul.f32 v10, v3;
	_ =	sdelay $0x1  }
0x344: {  	v7 =	vadd.f32 v8, v7;
	v8 =	vmul.f32 v11, v4;
	_ =	sdelay $0x1  }
0x345: {  	v7 =	vadd.f32 v8, v7;
	_ =	sdelay $0x1  }
0x346: {  	[tilespmem:s0+$0x0] =	vst v7  }
0x347: {  	v7 =	vld [tilespmem:s17+$0x1030]  }
0x348: {  	v8 =	vld [tilespmem:s17+$0x1830]  }
0x349: {  	v9 =	vld [tilespmem:s17+$0x1070]  }
0x34a: {  	v10 =	vld [tilespmem:s17+$0x1430]  }
0x34b: {  	v11 =	vld [tilespmem:s17+$0x1470]  }
0x34c: {  	v6 =	vmul.f32 v7, v6;
	_ =	sdelay $0x1  }
0x34d: {  	v6 =	vadd.f32 v6, v8;
	v5 =	vmul.f32 v9, v5  }
0x34e: {  	v3 =	vmul.f32 v10, v3  }
0x34f: {  	v5 =	vadd.f32 v5, v6;
	v4 =	vmul.f32 v11, v4  }
.Ltmp3:
0x350: {  	(pc) =	sbr.rel @p0 .LBB2_8-.Ltmp3, $4  }
0x351: {  	s14 =	sadd.s32 $0x4, s14;
	s16 =	sshrl.u32 s16, $0x3;
	v7 =	vadd.f32 v3, v5  }
0x352: {  	s17 =	smul.u32 $0x3000, s16;
	v6 =	vmov s14  }
0x353: {  	s15 =	sadd.s32 $0x80, s15;
	v5 =	vor.u32 $0x1, v6;
	v3 =	vor.u32 $0x2, v6;
	v7 =	vadd.f32 v4, v7  }
0x354: {  	s18 =	smov.u32 s1;
	s16 =	sand.u32 $0x380, s15;
	s17 =	sshra.s32 s17, $0x2;
	v4 =	vor.u32 $0x3, v6  }
0x355: {  	_ =	sdelay $0x1  }
0x356: {  	s1 =	sor.u32 s16, s17;
	[tilespmem:s0+$0x10] =	vst v7  }
0x357: {  	v7 =	vld [tilespmem:s1+$0x1040]  }
0x358: {  	v6 =	vld.idx.msk [tilespmem:v6+s25+$0x0], $0xffff  }
0x359: {  	v8 =	vld [tilespmem:s1+$0x1000]  }
0x35a: {  	v5 =	vld.idx.msk [tilespmem:v5+s25+$0x0], $0xffff  }
0x35b: {  	v9 =	vld [tilespmem:s1+$0x1800]  }
0x35c: {  	v3 =	vld.idx.msk [tilespmem:v3+s25+$0x0], $0xffff  }
0x35d: {  	v10 =	vld [tilespmem:s1+$0x1400]  }
0x35e: {  	v4 =	vld.idx.msk [tilespmem:v4+s25+$0x0], $0xffff;
	v8 =	vmul.f32 v8, v6  }
0x35f: {  	v11 =	vld [tilespmem:s1+$0x1440]  }
0x360: {  	v7 =	vmul.f32 v7, v5;
	v8 =	vadd.f32 v8, v9;
	_ =	sdelay $0x1  }
0x361: {  	v46 =	vmul.f32 v10, v3;
	v7 =	vadd.f32 v7, v8;
	_ =	sdelay $0x1  }
0x362: {  	v47 =	vmul.f32 v11, v4;
	v7 =	vadd.f32 v46, v7;
	_ =	sdelay $0x1  }
0x363: {  	v7 =	vadd.f32 v47, v7  }
0x364: {  	s17 =	sadd.s32 $0x40, s0  }
0x365: {  	[tilespmem:s17+$0xFFFFFFE0] =	vst v7  }
0x366: {  	v7 =	vld [tilespmem:s1+$0x1010]  }
0x367: {  	v48 =	vld [tilespmem:s1+$0x1050]  }
0x368: {  	v49 =	vld [tilespmem:s1+$0x1810];
	_ =	sdelay $0x1  }
0x369: {  	v50 =	vld [tilespmem:s1+$0x1410]  }
0x36a: {  	v7 =	vmul.f32 v7, v6  }
0x36b: {  	v51 =	vld [tilespmem:s1+$0x1450]  }
0x36c: {  	v8 =	vmul.f32 v48, v5;
	v7 =	vadd.f32 v7, v49;
	_ =	sdelay $0x1  }
0x36d: {  	v52 =	vmul.f32 v50, v3;
	v7 =	vadd.f32 v8, v7;
	_ =	sdelay $0x1  }
0x36e: {  	v53 =	vmul.f32 v51, v4;
	v7 =	vadd.f32 v52, v7;
	_ =	sdelay $0x1  }
0x36f: {  	v7 =	vadd.f32 v53, v7;
	_ =	sdelay $0x1  }
0x370: {  	[tilespmem:s17+$0xFFFFFFF0] =	vst v7  }
0x371: {  	v7 =	vld [tilespmem:s1+$0x1020]  }
0x372: {  	v54 =	vld [tilespmem:s1+$0x1060]  }
0x373: {  	v55 =	vld [tilespmem:s1+$0x1820];
	_ =	sdelay $0x1  }
0x374: {  	v56 =	vld [tilespmem:s1+$0x1420]  }
0x375: {  	v7 =	vmul.f32 v7, v6  }
0x376: {  	v57 =	vld [tilespmem:s1+$0x1460]  }
0x377: {  	v8 =	vmul.f32 v54, v5;
	v7 =	vadd.f32 v7, v55;
	_ =	sdelay $0x1  }
0x378: {  	v58 =	vmul.f32 v56, v3;
	v7 =	vadd.f32 v8, v7;
	_ =	sdelay $0x1  }
0x379: {  	v59 =	vmul.f32 v57, v4;
	v7 =	vadd.f32 v58, v7;
	_ =	sdelay $0x1  }
0x37a: {  	v7 =	vadd.f32 v59, v7;
	_ =	sdelay $0x1  }
0x37b: {  	[tilespmem:s17+$0x0] =	vst v7  }
0x37c: {  	v7 =	vld [tilespmem:s1+$0x1030]  }
0x37d: {  	v60 =	vld [tilespmem:s1+$0x1830]  }
0x37e: {  	v61 =	vld [tilespmem:s1+$0x1070];
	_ =	sdelay $0x1  }
0x37f: {  	v62 =	vld [tilespmem:s1+$0x1430]  }
0x380: {  	v6 =	vmul.f32 v7, v6  }
0x381: {  	v63 =	vld [tilespmem:s1+$0x1470]  }
0x382: {  	v5 =	vmul.f32 v61, v5;
	v6 =	vadd.f32 v6, v60;
	_ =	sdelay $0x1  }
0x383: {  	v3 =	vmul.f32 v62, v3;
	v5 =	vadd.f32 v5, v6;
	_ =	sdelay $0x1  }
0x384: {  	v4 =	vmul.f32 v63, v4;
	v3 =	vadd.f32 v3, v5;
	_ =	sdelay $0x1  }
0x385: {  	v3 =	vadd.f32 v4, v3;
	_ =	sdelay $0x1  }
0x386: {  	s18 =	rddreg [dreg:$0x4];
	[tilespmem:s17+$0x10] =	vst v3  }
0x387: {  	[hbm4b:s18+s2] =	stream.linear.scatter [tilespmem:s31], [sflag:$0x5], $0x2000, $0x38;
	[tilespmem:$0x1D400] =	vst v63  }
0x388: {  	_ =	swait.ge [sflag:s13], $0x2000  }
0x389: {  	s29 =	rddreg [dreg:$0x6]  }
0x38a: {  	s30 =	rddreg [dreg:$0x5];
	s1 =	sadd.s32 $0x1, s29  }
0x38b: {  	p0 =	sne.s32 s1, s30  }
.Ltmp4:
0x38c: {  	_ = 	snop;
	(pc) =	sbr.rel @p0 .LBB2_1-.Ltmp4, $3  }
0x38d: {  	_ =	sdelay $0x1  }
0x38e: {  	[sflag:s13] =	ssyncset.done $0x0  }
0x38f: {  	[sflag:s13] =	ssyncadd.s32 $0xFFFFE000  }
0x390: {  	_ =	sfence.sel $0x180000  }
0x391: {  	[bflag:$0x0] =	sbarrier.arrive $0xFFFF  }
0x392: {  	_ =	strace $0x9000004A  }
0x393: {  	s0 =	stileid.u32;
	[bflag:$0x2] =	sbarrier.arrive $0xFFFF  }
0x394: {  	p0 =	sne.s32 s0, $0x0;
	s0 =	rddreg [dreg:$0x1]  }
0x395: {  	s0 =	sadd.s32 @!p0 $0x100000, s0  }
0x396: {  	[sflag:s0] =	ssyncadd.tile.s32 @!p0 $0x1;
	_ =	shalt  }
.Lfunc_end2:
_tile_overlayer_lowered:
.L_overlay_start_2:
0x397: {  	(tag) =	ssettag $0x2  }
0x398: {  	s0 =	rddreg [dreg:$0x0];
	s2 =	stileid.u32  }
0x399: {  	s1 =	rddreg [dreg:$0x1];
	p0 =	sne.s32 s2, $0x0  }
0x39a: {  	s3 =	rddreg [dreg:$0x2];
	[bflag:$0x3] =	sbarrier.arrive $0xFFFF;
	s2 =	simm.s32 @!p0 $0x1C05  }
0x39b: {  	[timem:s3], [sflag:s2] =	dma.local @!p0 [hbm:s0], s1  }
0x39c: {  	s0 =	simm.s32 @!p0 $0x5  }
0x39d: {  	_ =	swait.ge @!p0 [sflag:s0], s1  }
0x39e: {  	s1 =	ssub.s32 @!p0 $0x0, s1;
	[sflag:s0] =	ssyncset.done @!p0 $0x0  }
0x39f: {  	[sflag:s0] =	ssyncadd.s32 @!p0 s1  }
0x3a0: {  	[bflag:$0x3] =	sbarrier.arrive $0xFFFF  }
0x3a1: {  	_ =	shalt  }

// kernel: kernel.7.cloned.1.call-start
scs
__scs_entry_jumppad:
0x0: {  	(pc) =	sbr.rel $0x88, $3  }
0x1: {  	(tag) =	ssettag $0x0;
	lr =	simm.s32 $0x1  }
0x2: {  	[smem:$0x3F9C] =	sst lr;
	_ =	strace $0xD0000000  }
0x3: {  	_ = 	snop  }
0x4: {  	_ = 	snop  }
0x5: {  	_ = 	snop  }
0x6: {  	_ = 	snop  }
0x7: {  	_ = 	snop  }
__scs_overlays_trampoline_lowered:
0x8: {  	[smem:$0x3FAB] =	sst s0  }
0x9: {  	[smem:$0x3FAC] =	sst s1  }
0xa: {  	[smem:$0x3FAD] =	sst s2  }
0xb: {  	[smem:$0x3FAE] =	sst s3  }
0xc: {  	[smem:$0x3FAF] =	sst s4  }
0xd: {  	[smem:$0x3FB0] =	sst s5  }
0xe: {  	[smem:$0x3FB1] =	sst s6  }
0xf: {  	[smem:$0x3FB2] =	sst s7  }
0x10: {  	[smem:$0x3FB3] =	sst s8  }
0x11: {  	[smem:$0x3FB4] =	sst s9;
	s0 =	simm.s32 @!p0 $0x0  }
0x12: {  	s1 =	sld [smem:$0x3F9A];
	s0 =	simm.s32 @p0 $0x1  }
0x13: {  	[smem:$0x3FB5] =	sst s0;
	s0 =	simm.s32 @!p1 $0x0  }
0x14: {  	s2 =	sld [smem:$0x3F99];
	s0 =	simm.s32 @p1 $0x1  }
0x15: {  	[smem:$0x3FB6] =	sst s0;
	s0 =	simm.s32 @!p2 $0x0  }
0x16: {  	s3 =	sld [smem:$0x3FDB];
	s0 =	simm.s32 @p2 $0x1  }
0x17: {  	s4 =	simm.s32 $0x1BF5;
	[smem:$0x3FB8] =	sst s0  }
0x18: {  	s0 =	sld [smem:$0x3F9B];
	_ =	swait.ge [sflag:s4], $0x0  }
0x19: {  	s7 =	sld [smem:$0x3F9C]  }
0x1a: {  	s8 =	sadd.s32 $0xFFFFE003, lr  }
0x1b: {  	s9 =	sadd.s32 $0xFFFFFEF7, lr;
	s5 =	simm.s32 $0xFFFFFFFF;
	p2 =	slt.u32 s8, $0xFFFFF086  }
0x1c: {  	p1 =	slt.u32 s9, $0xF7A;
	s5 =	simm.s32 @!p2 $0x0  }
0x1d: {  	s5 =	simm.s32 @p1 $0x1;
	p0 =	seq.s32 s7, s2  }
0x1e: {  	s7 =	smul.u32 @!p0 $0xF7A, s2;
	p2 =	seq.s32 @!p0 s5, $0x0  }
0x1f: {  	s9 =	smul.u32 $0xF7A, s1;
	s8 =	simm.s32 @!p0 $0x1BF5;
	p2 =	por !p2, p0  }
0x20: {  	[sflag:s8] =	ssyncset.s32 @!p0 $0xFFFFF086;
	s6 =	sadd.s32 @!p0 s3, s7;
	s7 =	simm.s32 @!p0 $0x108  }
0x21: {  	s3 =	sadd.s32 s3, s9;
	s6 =	sadd.s32 @!p0 $0x88, s6;
	s7 =	simm.s32 @p2 $0x1082  }
0x22: {  	[simem:s7], [sflag:s8] =	dma.local @!p0 [hbm:s6], $0xF7A  }
0x23: {  	s9 =	sor.u32 $0xD0000000, s2;
	s6 =	simm.s32 $0x108;
	_ =	swait.ge @!p0 [sflag:s8], $0x0  }
0x24: {  	s3 =	sadd.s32 $0x88, s3;
	s6 =	simm.s32 @!p1 $0x1082;
	[sflag:s4] =	ssyncset.s32 $0xFFFFF086  }
0x25: {  	[simem:s6], [sflag:s4] =	dma.local [hbm:s3], $0xF7A  }
0x26: {  	[smem:$0x3F9C] =	sst s1;
	(tag) =	ssettag s2;
	_ =	strace s9  }
0x27: {  	s1 =	sld [smem:$0x3FAC]  }
0x28: {  	s2 =	sld [smem:$0x3FAD]  }
0x29: {  	s4 =	sld [smem:$0x3FAF]  }
0x2a: {  	p0 =	seq.s32 s5, $0x0;
	s5 =	sld [smem:$0x3FB0]  }
0x2b: {  	s6 =	sld [smem:$0x3FB1]  }
0x2c: {  	s7 =	sld [smem:$0x3FB2]  }
0x2d: {  	s3 =	simm.s32 $0x108;
	s8 =	sld [smem:$0x3FB3]  }
0x2e: {  	s3 =	simm.s32 @!p0 $0x1082;
	s9 =	sld [smem:$0x3FB4]  }
0x2f: {  	lr =	sadd.s32 s0, s3;
	s0 =	sld [smem:$0x3FAB]  }
0x30: {  	s3 =	sld [smem:$0x3FAE]  }
0x31: {  	[smem:$0x3FB7] =	sst s10  }
0x32: {  	s10 =	sld [smem:$0x3FB5];
	_ =	sdelay $0x3  }
0x33: {  	p0 =	seq.s32 s10, $0x1;
	s10 =	sld [smem:$0x3FB7];
	_ =	sdelay $0x3  }
0x34: {  	[smem:$0x3FB7] =	sst s10  }
0x35: {  	s10 =	sld [smem:$0x3FB6];
	_ =	sdelay $0x3  }
0x36: {  	p1 =	seq.s32 s10, $0x1;
	s10 =	sld [smem:$0x3FB7];
	_ =	sdelay $0x3  }
0x37: {  	[smem:$0x3FB7] =	sst s10  }
0x38: {  	s10 =	sld [smem:$0x3FB8]  }
0x39: {  	_ = 	snop;
	(pc) =	sbr.ind lr, $3  }
0x3a: {  	_ = 	snop  }
0x3b: {  	_ = 	snop  }
0x3c: {  	p2 =	seq.s32 s10, $0x1;
	s10 =	sld [smem:$0x3FB7]  }
0x3d: {  	_ =	shalt  }
0x3e: {  	_ =	shalt  }
0x3f: {  	_ =	shalt  }
0x40: {  	_ =	shalt  }
0x41: {  	_ =	shalt  }
0x42: {  	_ =	shalt  }
0x43: {  	_ =	shalt  }
0x44: {  	_ =	shalt  }
0x45: {  	_ =	shalt  }
0x46: {  	_ =	shalt  }
0x47: {  	_ =	shalt  }
0x48: {  	_ =	shalt  }
0x49: {  	_ =	shalt  }
0x4a: {  	_ =	shalt  }
0x4b: {  	_ =	shalt  }
0x4c: {  	_ =	shalt  }
0x4d: {  	_ =	shalt  }
0x4e: {  	_ =	shalt  }
0x4f: {  	_ =	shalt  }
0x50: {  	_ =	shalt  }
0x51: {  	_ =	shalt  }
0x52: {  	_ =	shalt  }
0x53: {  	_ =	shalt  }
0x54: {  	_ =	shalt  }
0x55: {  	_ =	shalt  }
0x56: {  	_ =	shalt  }
0x57: {  	_ =	shalt  }
0x58: {  	_ =	shalt  }
0x59: {  	_ =	shalt  }
0x5a: {  	_ =	shalt  }
0x5b: {  	_ =	shalt  }
0x5c: {  	_ =	shalt  }
0x5d: {  	_ =	shalt  }
0x5e: {  	_ =	shalt  }
0x5f: {  	_ =	shalt  }
0x60: {  	_ =	shalt  }
0x61: {  	_ =	shalt  }
0x62: {  	_ =	shalt  }
0x63: {  	_ =	shalt  }
0x64: {  	_ =	shalt  }
0x65: {  	_ =	shalt  }
0x66: {  	_ =	shalt  }
0x67: {  	_ =	shalt  }
0x68: {  	_ =	shalt  }
0x69: {  	_ =	shalt  }
0x6a: {  	_ =	shalt  }
0x6b: {  	_ =	shalt  }
0x6c: {  	_ =	shalt  }
0x6d: {  	_ =	shalt  }
0x6e: {  	_ =	shalt  }
0x6f: {  	_ =	shalt  }
0x70: {  	_ =	shalt  }
0x71: {  	_ =	shalt  }
0x72: {  	_ =	shalt  }
0x73: {  	_ =	shalt  }
0x74: {  	_ =	shalt  }
0x75: {  	_ =	shalt  }
0x76: {  	_ =	shalt  }
0x77: {  	_ =	shalt  }
0x78: {  	_ =	shalt  }
0x79: {  	_ =	shalt  }
0x7a: {  	_ =	shalt  }
0x7b: {  	_ =	shalt  }
0x7c: {  	_ =	shalt  }
0x7d: {  	_ =	shalt  }
0x7e: {  	_ =	shalt  }
0x7f: {  	_ =	shalt  }
0x80: {  	_ =	shalt  }
0x81: {  	_ =	shalt  }
0x82: {  	_ =	shalt  }
0x83: {  	_ =	shalt  }
0x84: {  	_ =	shalt  }
0x85: {  	_ =	shalt  }
0x86: {  	_ =	shalt  }
0x87: {  	_ =	shalt  }
.Lfunc_end0:
.L_simem_size_0:
called_computation_lowered:
.L_overlay_start_0:
0x88: {  	s2 =	sld [smem:$0x3FD9]  }
0x89: {  	s3 =	sld [smem:$0x3FFE];
	_ =	sdelay $0x1  }
0x8a: {  	s1 =	srdreg.scid  }
0x8b: {  	s0 =	sand.u32 $0x1, s1  }
0x8c: {  	s16 =	sshll.u32 s0, $0xA;
	s2 =	sadd.s32 s3, s2  }
0x8d: {  	s2 =	sadd.s32 s2, s16  }
0x8e: {  	[smem:$0x3FC3] =	sst s2  }
0x8f: {  	_ = 	snop  }
0x90: {  	(tm) =	ssettm $0x1  }
0x91: {  	s17 =	sld [smem:$0x3FFB];
	_ =	sdelay $0x3  }
0x92: {  	_ =	strace s17  }
0x93: {  	s2 =	sld [smem:$0x3FFC];
	_ =	sdelay $0x3  }
0x94: {  	_ =	strace s2  }
0x95: {  	s2 =	sld [smem:$0x3FFD];
	_ =	sdelay $0x3  }
0x96: {  	_ =	strace s2  }
0x97: {  	_ =	strace $0x8FFFFFFF  }
0x98: {  	s18 =	sld [smem:$0x3FDB];
	_ =	sdelay $0x1  }
0x99: {  	s19 =	simm.s32 $_scs_section_size  }
0x9a: {  	s4 =	simm.s32 $_size__tile_overlayer_lowered;
	s5 =	simm.s32 $_tile_overlayer_lowered  }
0x9b: {  	s22 =	simm.s32 $0x1BFF;
	s21 =	sshll.u32 s5, $0x1;
	s2 =	sadd.s32 s19, s18  }
0x9c: {  	s6 =	simm.s32 $0x0;
	s20 =	sshll.u32 s4, $0x1;
	s4 =	sadd.s32 s21, s2  }
0x9d: {  	[timem:s6], [sflag:s22] =	dma.local [hbm:s4], s20  }
0x9e: {  	_ =	swait.ge [sflag:s22], s20  }
0x9f: {  	s3 =	ssub.s32 $0x0, s20;
	[sflag:s22] =	ssyncset.done $0x0  }
0xa0: {  	[sflag:s22] =	ssyncadd.s32 s3;
	_ =	sdelay $0x1  }
0xa1: {  	s23 =	simm.s32 $0x1B8B  }
0xa2: {  	_ =	swait.ge [sflag:s23], $0x1  }
0xa3: {  	[sflag:s23] =	ssyncset.done $0x0  }
0xa4: {  	s25 =	simm.s32 $0x1B8E;
	s24 =	sld [smem:$0x3FFE];
	[sflag:s23] =	ssyncadd.s32 $0xFFFFFFFF  }
0xa5: {  	s26 =	simm.s32 $execute0_lowered;
	[smem:$0x3FD2] =	sst s25  }
0xa6: {  	s4 =	sshll.u32 s26, $0x1;
	_ =	strace $0x80000046;
	[dreg:$0x1] =	wrdreg $0xFFFFFFFF  }
0xa7: {  	s28 =	simm.s32 $_size_execute0_lowered;
	s2 =	sadd.s32 s2, s4;
	[dreg:$0x0] =	wrdreg $0x0  }
0xa8: {  	s4 =	sshll.u32 s28, $0x1;
	[dreg:$0x2] =	wrdreg s2  }
0xa9: {  	[dreg:$0x3] =	wrdreg s4  }
0xaa: {  	[dreg:$0x4] =	wrdreg $0xC0  }
0xab: {  	_ =	task [dreg:s6], $0x5FFFF  }
0xac: {  	[dreg:$0x1] =	wrdreg $0xFFFFFFFF  }
0xad: {  	[dreg:$0x0] =	wrdreg $0x60  }
0xae: {  	[dreg:$0x2] =	wrdreg s24  }
0xaf: {  	[dreg:$0x3] =	wrdreg $0x9  }
0xb0: {  	_ =	task.clear_ibuf [dreg:s6], $0x4FFFF;
	_ =	strace $0x90000046  }
0xb1: {  	s29 =	simm.s32 $0x9;
	_ =	strace $0x80000048  }
0xb2: {  	_ =	swait.ge [sflag:s29], $0x1  }
0xb3: {  	[sflag:s29] =	ssyncadd.s32 $0xFFFFFFFF  }
0xb4: {  	_ =	strace $0x90000048  }
0xb5: {  	_ =	sfence  }
0xb6: {  	s30 =	sld [smem:$0x0];
	_ =	sdelay $0x2  }
0xb7: {  	s31 =	sshll.u32 s1, $0xD;
	s1 =	sshrl.u32 s1, $0x2  }
0xb8: {  	s3 =	sand.u32 $0x4000, s31;
	s1 =	sadd.s32 s1, s30  }
0xb9: {  	s0 =	sor.u32 s3, s0;
	s1 =	sshll.u32 s1, $0x11  }
0xba: {  	s0 =	sor.u32 s1, s0  }
0xbb: {  	s0 =	sadd.s32 $0x8F2B, s0  }
0xbc: {  	[sflag:s0] =	ssyncadd.remote.s32 $0x1  }
0xbd: {  	_ =	sfence.sel $0xFFFF  }
0xbe: {  	[dreg:$0x0] =	wrdreg $0xFFFFFFFF;
	(pc) =	sbr.abs _section_cstart, $3  }
0xbf: {  	[dreg:$0x1] =	wrdreg $0xFFFFFFFF  }
0xc0: {  	_ =	task.clear_ibuf [dreg:s6], $0x2FFFF;
	_ =	strace $0x9FFFFFFF  }
0xc1: {  	(tm) =	ssettm $0x7FFFFFFF  }
tec
execute0_lowered:
.L_overlay_start_1:
0x0: {  	(tag) =	ssettag $0x1  }
0x1: {  	s0 =	rddreg [dreg:$0x0];
	s1 =	srdreg.scid  }
0x2: {  	s3 =	stileid.u32;
	s2 =	simm.s32 $0x0;
	s13 =	simm.s32 $0x5  }
0x3: {  	s19 =	simm.s32 $0xB800;
	s20 =	simm.s32 $0xC000;
	s21 =	simm.s32 $0xC400  }
0x4: {  	s22 =	simm.s32 $0xCC00;
	s23 =	simm.s32 $0x80;
	s28 =	simm.s32 $0x1  }
0x5: {  	s31 =	simm.s32 $0x19400;
	s11 =	simm.s32 $0x2;
	s12 =	simm.s32 $0x1B400  }
0x6: {  	s1 =	sand.u32 $0x1, s1;
	s3 =	sshll.u32 s3, $0x1;
	[smem:$0x7FF] =	sst s2  }
0x7: {  	s5 =	sadd.s32 $0x21A00, s0;
	s7 =	sor.u32 s1, s3;
	_ =	strace $0x80000047  }
0x8: {  	s3 =	sadd.s32 $0x495600, s0;
	s1 =	ssub.s32 $0x2, s1;
	s4 =	sshll.u32 s7, $0x9  }
0x9: {  	s6 =	sshrl.u32 s1, $0x1;
	s9 =	smul.u32 $0x3200, s7;
	s24 =	sshll.u32 s7, $0x7  }
0xa: {  	s8 =	sadd.s32 s4, s0;
	s1 =	ssub.s32 s1, s6;
	s6 =	smul.u32 $0x32000, s7  }
0xb: {  	s4 =	sadd.s32 $0x15200, s0;
	s10 =	sand.u32 $0x380, s24;
	s7 =	smul.u32 $0x19, s7  }
0xc: {  	s24 =	simm.s32 $0x400;
	s9 =	sand.u32 $0x7F000, s9;
	s8 =	sadd.s32 $0x11200, s8  }
0xd: {  	s30 =	smax.u32 s1, $0x1;
	s1 =	simm.s32 $0x0;
	[dreg:$0x2] =	wrdreg s8  }
0xe: {  	s9 =	sor.u32 s10, s9;
	s8 =	sadd.s32 $0x495700, s0;
	s26 =	sshrl.u32 s6, $0x3  }
0xf: {  	s10 =	sadd.s32 $0x1, s7;
	[dreg:$0x5] =	wrdreg s30;
	s25 =	sshrl.u32 s9, $0x3  }
0x10: {  	v2 =	vlaneseq.u32;
	s7 =	simm.s32 $0x19200;
	s29 =	sadd.s32 s5, s26;
	s0 =	sadd.s32 s4, s25  }
0x11: {  	vm0 =	vmmov $0xffff;
	vm1 =	vmmov $0xff;
	v1 =	vshrl.u32 v2, $0x3;
	s9 =	simm.s32 $0x3;
	[dreg:$0x3] =	wrdreg s0;
	s0 =	sadd.s32 $0x6000, s29  }
0x12: {  	v0 =	vand.u32 $0x7, v2;
	v2 =	vor.u32 $0x8, v2;
	v1 =	vmul.u32 $0x8, v1;
	s26 =	simm.s32 $0x4;
	s25 =	simm.s32 $0x19000;
	[dreg:$0x4] =	wrdreg s0  }
.LBB2_1:
0x13: {  	[dreg:$0x6] =	wrdreg s1  }
0x14: {  	s0 =	rddreg [dreg:$0x2]  }
0x15: {  	[tilespmem:s2], [sflag:$0x5] =	stream.linear.gather [hbm4b:s0+s2], $0xC80, $0x38;
	[tilespmem:$0x1D400] =	vst v63  }
0x16: {  	_ =	swait.ge [sflag:s13], $0xC80  }
0x17: {  	[sflag:s13] =	ssyncset.done $0x0  }
0x18: {  	[sflag:s13] =	ssyncadd.s32 $0xFFFFF380  }
0x19: {  	v3 =	vld [tilespmem:$0x0];
	_ =	sdelay $0x4  }
0x1a: {  	v4 =	vshrl.u32 v3, $0x3  }
0x1b: {  	v4 =	vmul.u32 $0x18, v4  }
0x1c: {  	v3 =	vand.u32 $0x7, v3  }
0x1d: {  	v3 =	vor.u32 v3, v4  }
0x1e: {  	v4 =	vperm.xlane v3, v0;
	_ =	sdelay $0x1  }
0x1f: {  	v4 =	vadd.s32 v1, v4;
	_ =	sdelay $0x1  }
0x20: {  	v3 =	vperm.xlane v3, v2;
	_ =	sdelay $0x1  }
0x21: {  	s16 =	simm.s32 $0x1000;
	v3 =	vadd.s32 v1, v3  }
0x22: {  	[tilespmem:s16], [sflag:$0x1] =	stream.indirect_vreg.gather [hbm4b:s3+s2], $0x80, v4, vm0, $0xb8;
	[tilespmem:$0x1D400] =	vst v63  }
0x23: {  	s17 =	simm.s32 $0x1800  }
0x24: {  	[tilespmem:s17], [sflag:$0x1] =	stream.indirect_vreg.gather [hbm4b:s8+s2], $0x80, v4, vm1, $0xb8;
	[tilespmem:$0x1D400] =	vst v63  }
0x25: {  	s18 =	simm.s32 $0x1C00  }
0x26: {  	[tilespmem:s18], [sflag:$0x1] =	stream.indirect_vreg.gather [hbm4b:s3+s2], $0x80, v3, vm0, $0xb8;
	[tilespmem:$0x1D400] =	vst v63  }
0x27: {  	s29 =	simm.s32 $0x2400  }
0x28: {  	[tilespmem:s29], [sflag:$0x1] =	stream.indirect_vreg.gather [hbm4b:s8+s2], $0x80, v3, vm1, $0xb8;
	[tilespmem:$0x1D400] =	vst v63  }
0x29: {  	v3 =	vld [tilespmem:$0x10];
	_ =	sdelay $0x4  }
0x2a: {  	v57 =	vshrl.u32 v3, $0x3  }
0x2b: {  	v4 =	vmul.u32 $0x18, v57  }
0x2c: {  	v3 =	vand.u32 $0x7, v3  }
0x2d: {  	v3 =	vor.u32 v3, v4  }
0x2e: {  	v4 =	vperm.xlane v3, v0;
	_ =	sdelay $0x1  }
0x2f: {  	v4 =	vadd.s32 v1, v4;
	_ =	sdelay $0x1  }
0x30: {  	v3 =	vperm.xlane v3, v2;
	_ =	sdelay $0x1  }
0x31: {  	s30 =	simm.s32 $0x2800;
	v3 =	vadd.s32 v1, v3  }
0x32: {  	[tilespmem:s30], [sflag:$0x1] =	stream.indirect_vreg.gather [hbm4b:s3+s2], $0x80, v4, vm0, $0xb8;
	[tilespmem:$0x1D400] =	vst v63  }
0x33: {  	s1 =	simm.s32 $0x3000  }
0x34: {  	[tilespmem:s1], [sflag:$0x1] =	stream.indirect_vreg.gather [hbm4b:s8+s2], $0x80, v4, vm1, $0xb8;
	[tilespmem:$0x1D400] =	vst v63  }
0x35: {  	s14 =	simm.s32 $0x3400  }
0x36: {  	[tilespmem:s14], [sflag:$0x1] =	stream.indirect_vreg.gather [hbm4b:s3+s2], $0x80, v3, vm0, $0xb8;
	[tilespmem:$0x1D400] =	vst v63  }
0x37: {  	s15 =	simm.s32 $0x3C00  }
0x38: {  	[tilespmem:s15], [sflag:$0x1] =	stream.indirect_vreg.gather [hbm4b:s8+s2], $0x80, v3, vm1, $0xb8;
	[tilespmem:$0x1D400] =	vst v63  }
0x39: {  	v3 =	vld [tilespmem:$0x20];
	_ =	sdelay $0x4  }
0x3a: {  	v58 =	vshrl.u32 v3, $0x3  }
0x3b: {  	v4 =	vmul.u32 $0x18, v58  }
0x3c: {  	v3 =	vand.u32 $0x7, v3  }
0x3d: {  	v3 =	vor.u32 v3, v4  }
0x3e: {  	v4 =	vperm.xlane v3, v0;
	_ =	sdelay $0x1  }
0x3f: {  	v4 =	vadd.s32 v1, v4;
	_ =	sdelay $0x1  }
0x40: {  	v3 =	vperm.xlane v3, v2;
	_ =	sdelay $0x1  }
0x41: {  	s16 =	simm.s32 $0x4000;
	v3 =	vadd.s32 v1, v3  }
0x42: {  	[tilespmem:s16], [sflag:$0x1] =	stream.indirect_vreg.gather [hbm4b:s3+s2], $0x80, v4, vm0, $0xb8;
	[tilespmem:$0x1D400] =	vst v63  }
0x43: {  	s17 =	simm.s32 $0x4800  }
0x44: {  	[tilespmem:s17], [sflag:$0x1] =	stream.indirect_vreg.gather [hbm4b:s8+s2], $0x80, v4, vm1, $0xb8;
	[tilespmem:$0x1D400] =	vst v63  }
0x45: {  	s18 =	simm.s32 $0x4C00  }
0x46: {  	[tilespmem:s18], [sflag:$0x1] =	stream.indirect_vreg.gather [hbm4b:s3+s2], $0x80, v3, vm0, $0xb8;
	[tilespmem:$0x1D400] =	vst v63  }
0x47: {  	s29 =	simm.s32 $0x5400  }
0x48: {  	[tilespmem:s29], [sflag:$0x1] =	stream.indirect_vreg.gather [hbm4b:s8+s2], $0x80, v3, vm1, $0xb8;
	[tilespmem:$0x1D400] =	vst v63  }
0x49: {  	v3 =	vld [tilespmem:$0x30];
	_ =	sdelay $0x4  }
0x4a: {  	v59 =	vshrl.u32 v3, $0x3  }
0x4b: {  	v4 =	vmul.u32 $0x18, v59  }
0x4c: {  	v3 =	vand.u32 $0x7, v3  }
0x4d: {  	v3 =	vor.u32 v3, v4  }
0x4e: {  	v4 =	vperm.xlane v3, v0;
	_ =	sdelay $0x1  }
0x4f: {  	v4 =	vadd.s32 v1, v4;
	_ =	sdelay $0x1  }
0x50: {  	v3 =	vperm.xlane v3, v2;
	_ =	sdelay $0x1  }
0x51: {  	s30 =	simm.s32 $0x5800;
	v3 =	vadd.s32 v1, v3  }
0x52: {  	[tilespmem:s30], [sflag:$0x1] =	stream.indirect_vreg.gather [hbm4b:s3+s2], $0x80, v4, vm0, $0xb8;
	[tilespmem:$0x1D400] =	vst v63  }
0x53: {  	s1 =	simm.s32 $0x6000  }
0x54: {  	[tilespmem:s1], [sflag:$0x1] =	stream.indirect_vreg.gather [hbm4b:s8+s2], $0x80, v4, vm1, $0xb8;
	[tilespmem:$0x1D400] =	vst v63  }
0x55: {  	s14 =	simm.s32 $0x6400  }
0x56: {  	[tilespmem:s14], [sflag:$0x1] =	stream.indirect_vreg.gather [hbm4b:s3+s2], $0x80, v3, vm0, $0xb8;
	[tilespmem:$0x1D400] =	vst v63  }
0x57: {  	s15 =	simm.s32 $0x6C00  }
0x58: {  	[tilespmem:s15], [sflag:$0x1] =	stream.indirect_vreg.gather [hbm4b:s8+s2], $0x80, v3, vm1, $0xb8;
	[tilespmem:$0x1D400] =	vst v63  }
0x59: {  	v3 =	vld [tilespmem:$0x40];
	_ =	sdelay $0x4  }
0x5a: {  	v60 =	vshrl.u32 v3, $0x3  }
0x5b: {  	v4 =	vmul.u32 $0x18, v60  }
0x5c: {  	v3 =	vand.u32 $0x7, v3  }
0x5d: {  	v3 =	vor.u32 v3, v4  }
0x5e: {  	v4 =	vperm.xlane v3, v0;
	_ =	sdelay $0x1  }
0x5f: {  	v4 =	vadd.s32 v1, v4;
	_ =	sdelay $0x1  }
0x60: {  	v3 =	vperm.xlane v3, v2;
	_ =	sdelay $0x1  }
0x61: {  	s16 =	simm.s32 $0x7000;
	v3 =	vadd.s32 v1, v3  }
0x62: {  	[tilespmem:s16], [sflag:$0x1] =	stream.indirect_vreg.gather [hbm4b:s3+s2], $0x80, v4, vm0, $0xb8;
	[tilespmem:$0x1D400] =	vst v63  }
0x63: {  	s17 =	simm.s32 $0x7800  }
0x64: {  	[tilespmem:s17], [sflag:$0x1] =	stream.indirect_vreg.gather [hbm4b:s8+s2], $0x80, v4, vm1, $0xb8;
	[tilespmem:$0x1D400] =	vst v63  }
0x65: {  	s18 =	simm.s32 $0x7C00  }
0x66: {  	[tilespmem:s18], [sflag:$0x1] =	stream.indirect_vreg.gather [hbm4b:s3+s2], $0x80, v3, vm0, $0xb8;
	[tilespmem:$0x1D400] =	vst v63  }
0x67: {  	s29 =	simm.s32 $0x8400  }
0x68: {  	[tilespmem:s29], [sflag:$0x1] =	stream.indirect_vreg.gather [hbm4b:s8+s2], $0x80, v3, vm1, $0xb8;
	[tilespmem:$0x1D400] =	vst v63  }
0x69: {  	v3 =	vld [tilespmem:$0x50];
	_ =	sdelay $0x4  }
0x6a: {  	v61 =	vshrl.u32 v3, $0x3  }
0x6b: {  	v4 =	vmul.u32 $0x18, v61  }
0x6c: {  	v3 =	vand.u32 $0x7, v3  }
0x6d: {  	v3 =	vor.u32 v3, v4  }
0x6e: {  	v4 =	vperm.xlane v3, v0;
	_ =	sdelay $0x1  }
0x6f: {  	v4 =	vadd.s32 v1, v4;
	_ =	sdelay $0x1  }
0x70: {  	v3 =	vperm.xlane v3, v2;
	_ =	sdelay $0x1  }
0x71: {  	s30 =	simm.s32 $0x8800;
	v3 =	vadd.s32 v1, v3  }
0x72: {  	[tilespmem:s30], [sflag:$0x1] =	stream.indirect_vreg.gather [hbm4b:s3+s2], $0x80, v4, vm0, $0xb8;
	[tilespmem:$0x1D400] =	vst v63  }
0x73: {  	s1 =	simm.s32 $0x9000  }
0x74: {  	[tilespmem:s1], [sflag:$0x1] =	stream.indirect_vreg.gather [hbm4b:s8+s2], $0x80, v4, vm1, $0xb8;
	[tilespmem:$0x1D400] =	vst v63  }
0x75: {  	s14 =	simm.s32 $0x9400  }
0x76: {  	[tilespmem:s14], [sflag:$0x1] =	stream.indirect_vreg.gather [hbm4b:s3+s2], $0x80, v3, vm0, $0xb8;
	[tilespmem:$0x1D400] =	vst v63  }
0x77: {  	s15 =	simm.s32 $0x9C00  }
0x78: {  	[tilespmem:s15], [sflag:$0x1] =	stream.indirect_vreg.gather [hbm4b:s8+s2], $0x80, v3, vm1, $0xb8;
	[tilespmem:$0x1D400] =	vst v63  }
0x79: {  	v3 =	vld [tilespmem:$0x60];
	_ =	sdelay $0x4  }
0x7a: {  	v62 =	vshrl.u32 v3, $0x3  }
0x7b: {  	v4 =	vmul.u32 $0x18, v62  }
0x7c: {  	v3 =	vand.u32 $0x7, v3  }
0x7d: {  	v3 =	vor.u32 v3, v4  }
0x7e: {  	v4 =	vperm.xlane v3, v0;
	_ =	sdelay $0x1  }
0x7f: {  	v4 =	vadd.s32 v1, v4;
	_ =	sdelay $0x1  }
0x80: {  	v3 =	vperm.xlane v3, v2;
	_ =	sdelay $0x1  }
0x81: {  	s16 =	simm.s32 $0xA000;
	v3 =	vadd.s32 v1, v3  }
0x82: {  	[tilespmem:s16], [sflag:$0x1] =	stream.indirect_vreg.gather [hbm4b:s3+s2], $0x80, v4, vm0, $0xb8;
	[tilespmem:$0x1D400] =	vst v63  }
0x83: {  	s17 =	simm.s32 $0xA800  }
0x84: {  	[tilespmem:s17], [sflag:$0x1] =	stream.indirect_vreg.gather [hbm4b:s8+s2], $0x80, v4, vm1, $0xb8;
	[tilespmem:$0x1D400] =	vst v63  }
0x85: {  	s18 =	simm.s32 $0xAC00  }
0x86: {  	[tilespmem:s18], [sflag:$0x1] =	stream.indirect_vreg.gather [hbm4b:s3+s2], $0x80, v3, vm0, $0xb8;
	[tilespmem:$0x1D400] =	vst v63  }
0x87: {  	s29 =	simm.s32 $0xB400  }
0x88: {  	[tilespmem:s29], [sflag:$0x1] =	stream.indirect_vreg.gather [hbm4b:s8+s2], $0x80, v3, vm1, $0xb8;
	[tilespmem:$0x1D400] =	vst v63  }
0x89: {  	v3 =	vld [tilespmem:$0x70];
	_ =	sdelay $0x4  }
0x8a: {  	v63 =	vshrl.u32 v3, $0x3  }
0x8b: {  	v4 =	vmul.u32 $0x18, v63  }
0x8c: {  	v3 =	vand.u32 $0x7, v3  }
0x8d: {  	v3 =	vor.u32 v3, v4  }
0x8e: {  	v4 =	vperm.xlane v3, v0;
	_ =	sdelay $0x1  }
0x8f: {  	v4 =	vadd.s32 v1, v4;
	_ =	sdelay $0x1  }
0x90: {  	v3 =	vperm.xlane v3, v2;
	_ =	sdelay $0x1  }
0x91: {  	v3 =	vadd.s32 v1, v3  }
0x92: {  	[tilespmem:s19], [sflag:$0x1] =	stream.indirect_vreg.gather [hbm4b:s3+s2], $0x80, v4, vm0, $0xb8;
	[tilespmem:$0x1D400] =	vst v63  }
0x93: {  	_ = 	snop  }
0x94: {  	[tilespmem:s20], [sflag:$0x1] =	stream.indirect_vreg.gather [hbm4b:s8+s2], $0x80, v4, vm1, $0xb8;
	[tilespmem:$0x1D400] =	vst v63  }
0x95: {  	_ = 	snop  }
0x96: {  	[tilespmem:s21], [sflag:$0x1] =	stream.indirect_vreg.gather [hbm4b:s3+s2], $0x80, v3, vm0, $0xb8;
	[tilespmem:$0x1D400] =	vst v63  }
0x97: {  	_ = 	snop  }
0x98: {  	[tilespmem:s22], [sflag:$0x1] =	stream.indirect_vreg.gather [hbm4b:s8+s2], $0x80, v3, vm1, $0xb8;
	[tilespmem:$0x1D400] =	vst v63  }
0x99: {  	s30 =	rddreg [dreg:$0x3];
	s14 =	simm.s32 $0x0  }
0x9a: {  	[tilespmem:s25], [sflag:$0x3] =	stream.strided.gather [hbm4b:s30+s23], $0x200, s24, s23, $0x38;
	[tilespmem:$0x1D400] =	vst v63  }
.LBB2_2:
0x9b: {  	s0 =	sshllo.u32 s14, $0x1  }
0x9c: {  	s1 =	sshll.u32 s0, $0x7  }
0x9d: {  	s15 =	sand.u32 $0x3FFFFF80, s1  }
0x9e: {  	v3 =	vld [tilespmem:s15+$0x0];
	_ =	sdelay $0x4  }
0x9f: {  	v4 =	vshrl.u32 v3, $0x3  }
0xa0: {  	v4 =	vmul.u32 $0x18, v4  }
0xa1: {  	v3 =	vand.u32 $0x7, v3  }
0xa2: {  	v3 =	vor.u32 v3, v4  }
0xa3: {  	v4 =	vperm.xlane v3, v0;
	_ =	sdelay $0x1  }
0xa4: {  	v4 =	vadd.s32 v1, v4;
	_ =	sdelay $0x1  }
0xa5: {  	v3 =	vperm.xlane v3, v2;
	_ =	sdelay $0x1  }
0xa6: {  	s16 =	simm.s32 $0xD000;
	s1 =	simm.s32 $0x0;
	v3 =	vadd.s32 v1, v3  }
0xa7: {  	[tilespmem:s16], [sflag:$0x2] =	stream.indirect_vreg.gather [hbm4b:s3+s1], $0x80, v4, vm0, $0xb8;
	[tilespmem:$0x1D400] =	vst v63  }
0xa8: {  	s30 =	simm.s32 $0xD800  }
0xa9: {  	[tilespmem:s30], [sflag:$0x2] =	stream.indirect_vreg.gather [hbm4b:s8+s1], $0x80, v4, vm1, $0xb8;
	[tilespmem:$0x1D400] =	vst v63  }
0xaa: {  	s17 =	simm.s32 $0xDC00  }
0xab: {  	[tilespmem:s17], [sflag:$0x2] =	stream.indirect_vreg.gather [hbm4b:s3+s1], $0x80, v3, vm0, $0xb8;
	[tilespmem:$0x1D400] =	vst v63  }
0xac: {  	s18 =	simm.s32 $0xE400  }
0xad: {  	[tilespmem:s18], [sflag:$0x2] =	stream.indirect_vreg.gather [hbm4b:s8+s1], $0x80, v3, vm1, $0xb8;
	[tilespmem:$0x1D400] =	vst v63  }
0xae: {  	v3 =	vld [tilespmem:s15+$0x10];
	_ =	sdelay $0x4  }
0xaf: {  	v4 =	vshrl.u32 v3, $0x3  }
0xb0: {  	v4 =	vmul.u32 $0x18, v4  }
0xb1: {  	v3 =	vand.u32 $0x7, v3  }
0xb2: {  	v3 =	vor.u32 v3, v4  }
0xb3: {  	v4 =	vperm.xlane v3, v0;
	_ =	sdelay $0x1  }
0xb4: {  	v4 =	vadd.s32 v1, v4;
	_ =	sdelay $0x1  }
0xb5: {  	v3 =	vperm.xlane v3, v2;
	_ =	sdelay $0x1  }
0xb6: {  	s30 =	simm.s32 $0xE800;
	v3 =	vadd.s32 v1, v3  }
0xb7: {  	[tilespmem:s30], [sflag:$0x2] =	stream.indirect_vreg.gather [hbm4b:s3+s1], $0x80, v4, vm0, $0xb8;
	[tilespmem:$0x1D400] =	vst v63  }
0xb8: {  	s17 =	simm.s32 $0xF000  }
0xb9: {  	[tilespmem:s17], [sflag:$0x2] =	stream.indirect_vreg.gather [hbm4b:s8+s1], $0x80, v4, vm1, $0xb8;
	[tilespmem:$0x1D400] =	vst v63  }
0xba: {  	s18 =	simm.s32 $0xF400  }
0xbb: {  	[tilespmem:s18], [sflag:$0x2] =	stream.indirect_vreg.gather [hbm4b:s3+s1], $0x80, v3, vm0, $0xb8;
	[tilespmem:$0x1D400] =	vst v63  }
0xbc: {  	s30 =	simm.s32 $0xFC00  }
0xbd: {  	[tilespmem:s30], [sflag:$0x2] =	stream.indirect_vreg.gather [hbm4b:s8+s1], $0x80, v3, vm1, $0xb8;
	[tilespmem:$0x1D400] =	vst v63  }
0xbe: {  	v3 =	vld [tilespmem:s15+$0x20];
	_ =	sdelay $0x4  }
0xbf: {  	v4 =	vshrl.u32 v3, $0x3  }
0xc0: {  	v4 =	vmul.u32 $0x18, v4  }
0xc1: {  	v3 =	vand.u32 $0x7, v3  }
0xc2: {  	v3 =	vor.u32 v3, v4  }
0xc3: {  	v4 =	vperm.xlane v3, v0;
	_ =	sdelay $0x1  }
0xc4: {  	v4 =	vadd.s32 v1, v4;
	_ =	sdelay $0x1  }
0xc5: {  	v3 =	vperm.xlane v3, v2;
	_ =	sdelay $0x1  }
0xc6: {  	s17 =	simm.s32 $0x10000;
	v3 =	vadd.s32 v1, v3  }
0xc7: {  	[tilespmem:s17], [sflag:$0x2] =	stream.indirect_vreg.gather [hbm4b:s3+s1], $0x80, v4, vm0, $0xb8;
	[tilespmem:$0x1D400] =	vst v63  }
0xc8: {  	s18 =	simm.s32 $0x10800  }
0xc9: {  	[tilespmem:s18], [sflag:$0x2] =	stream.indirect_vreg.gather [hbm4b:s8+s1], $0x80, v4, vm1, $0xb8;
	[tilespmem:$0x1D400] =	vst v63  }
0xca: {  	s30 =	simm.s32 $0x10C00  }
0xcb: {  	[tilespmem:s30], [sflag:$0x2] =	stream.indirect_vreg.gather [hbm4b:s3+s1], $0x80, v3, vm0, $0xb8;
	[tilespmem:$0x1D400] =	vst v63  }
0xcc: {  	s17 =	simm.s32 $0x11400  }
0xcd: {  	[tilespmem:s17], [sflag:$0x2] =	stream.indirect_vreg.gather [hbm4b:s8+s1], $0x80, v3, vm1, $0xb8;
	[tilespmem:$0x1D400] =	vst v63  }
0xce: {  	v3 =	vld [tilespmem:s15+$0x30];
	_ =	sdelay $0x4  }
0xcf: {  	v4 =	vshrl.u32 v3, $0x3  }
0xd0: {  	v4 =	vmul.u32 $0x18, v4  }
0xd1: {  	v3 =	vand.u32 $0x7, v3  }
0xd2: {  	v3 =	vor.u32 v3, v4  }
0xd3: {  	v4 =	vperm.xlane v3, v0;
	_ =	sdelay $0x1  }
0xd4: {  	v4 =	vadd.s32 v1, v4;
	_ =	sdelay $0x1  }
0xd5: {  	v3 =	vperm.xlane v3, v2;
	_ =	sdelay $0x1  }
0xd6: {  	s18 =	simm.s32 $0x11800;
	v3 =	vadd.s32 v1, v3  }
0xd7: {  	[tilespmem:s18], [sflag:$0x2] =	stream.indirect_vreg.gather [hbm4b:s3+s1], $0x80, v4, vm0, $0xb8;
	[tilespmem:$0x1D400] =	vst v63  }
0xd8: {  	s30 =	simm.s32 $0x12000  }
0xd9: {  	[tilespmem:s30], [sflag:$0x2] =	stream.indirect_vreg.gather [hbm4b:s8+s1], $0x80, v4, vm1, $0xb8;
	[tilespmem:$0x1D400] =	vst v63  }
0xda: {  	s17 =	simm.s32 $0x12400  }
0xdb: {  	[tilespmem:s17], [sflag:$0x2] =	stream.indirect_vreg.gather [hbm4b:s3+s1], $0x80, v3, vm0, $0xb8;
	[tilespmem:$0x1D400] =	vst v63  }
0xdc: {  	s18 =	simm.s32 $0x12C00  }
0xdd: {  	[tilespmem:s18], [sflag:$0x2] =	stream.indirect_vreg.gather [hbm4b:s8+s1], $0x80, v3, vm1, $0xb8;
	[tilespmem:$0x1D400] =	vst v63  }
0xde: {  	v3 =	vld [tilespmem:s15+$0x40];
	_ =	sdelay $0x4  }
0xdf: {  	v4 =	vshrl.u32 v3, $0x3  }
0xe0: {  	v4 =	vmul.u32 $0x18, v4  }
0xe1: {  	v3 =	vand.u32 $0x7, v3  }
0xe2: {  	v3 =	vor.u32 v3, v4  }
0xe3: {  	v4 =	vperm.xlane v3, v0;
	_ =	sdelay $0x1  }
0xe4: {  	v4 =	vadd.s32 v1, v4;
	_ =	sdelay $0x1  }
0xe5: {  	v3 =	vperm.xlane v3, v2;
	_ =	sdelay $0x1  }
0xe6: {  	s30 =	simm.s32 $0x13000;
	v3 =	vadd.s32 v1, v3  }
0xe7: {  	[tilespmem:s30], [sflag:$0x2] =	stream.indirect_vreg.gather [hbm4b:s3+s1], $0x80, v4, vm0, $0xb8;
	[tilespmem:$0x1D400] =	vst v63  }
0xe8: {  	s17 =	simm.s32 $0x13800  }
0xe9: {  	[tilespmem:s17], [sflag:$0x2] =	stream.indirect_vreg.gather [hbm4b:s8+s1], $0x80, v4, vm1, $0xb8;
	[tilespmem:$0x1D400] =	vst v63  }
0xea: {  	s18 =	simm.s32 $0x13C00  }
0xeb: {  	[tilespmem:s18], [sflag:$0x2] =	stream.indirect_vreg.gather [hbm4b:s3+s1], $0x80, v3, vm0, $0xb8;
	[tilespmem:$0x1D400] =	vst v63  }
0xec: {  	s30 =	simm.s32 $0x14400  }
0xed: {  	[tilespmem:s30], [sflag:$0x2] =	stream.indirect_vreg.gather [hbm4b:s8+s1], $0x80, v3, vm1, $0xb8;
	[tilespmem:$0x1D400] =	vst v63  }
0xee: {  	v3 =	vld [tilespmem:s15+$0x50];
	_ =	sdelay $0x4  }
0xef: {  	v4 =	vshrl.u32 v3, $0x3  }
0xf0: {  	v4 =	vmul.u32 $0x18, v4  }
0xf1: {  	v3 =	vand.u32 $0x7, v3  }
0xf2: {  	v3 =	vor.u32 v3, v4  }
0xf3: {  	v4 =	vperm.xlane v3, v0;
	_ =	sdelay $0x1  }
0xf4: {  	v4 =	vadd.s32 v1, v4;
	_ =	sdelay $0x1  }
0xf5: {  	v3 =	vperm.xlane v3, v2;
	_ =	sdelay $0x1  }
0xf6: {  	s17 =	simm.s32 $0x14800;
	v3 =	vadd.s32 v1, v3  }
0xf7: {  	[tilespmem:s17], [sflag:$0x2] =	stream.indirect_vreg.gather [hbm4b:s3+s1], $0x80, v4, vm0, $0xb8;
	[tilespmem:$0x1D400] =	vst v63  }
0xf8: {  	s18 =	simm.s32 $0x15000  }
0xf9: {  	[tilespmem:s18], [sflag:$0x2] =	stream.indirect_vreg.gather [hbm4b:s8+s1], $0x80, v4, vm1, $0xb8;
	[tilespmem:$0x1D400] =	vst v63  }
0xfa: {  	s30 =	simm.s32 $0x15400  }
0xfb: {  	[tilespmem:s30], [sflag:$0x2] =	stream.indirect_vreg.gather [hbm4b:s3+s1], $0x80, v3, vm0, $0xb8;
	[tilespmem:$0x1D400] =	vst v63  }
0xfc: {  	s17 =	simm.s32 $0x15C00  }
0xfd: {  	[tilespmem:s17], [sflag:$0x2] =	stream.indirect_vreg.gather [hbm4b:s8+s1], $0x80, v3, vm1, $0xb8;
	[tilespmem:$0x1D400] =	vst v63  }
0xfe: {  	v3 =	vld [tilespmem:s15+$0x60];
	_ =	sdelay $0x4  }
0xff: {  	v4 =	vshrl.u32 v3, $0x3  }
0x100: {  	v4 =	vmul.u32 $0x18, v4  }
0x101: {  	v3 =	vand.u32 $0x7, v3  }
0x102: {  	v3 =	vor.u32 v3, v4  }
0x103: {  	v4 =	vperm.xlane v3, v0;
	_ =	sdelay $0x1  }
0x104: {  	v4 =	vadd.s32 v1, v4;
	_ =	sdelay $0x1  }
0x105: {  	v3 =	vperm.xlane v3, v2;
	_ =	sdelay $0x1  }
0x106: {  	s18 =	simm.s32 $0x16000;
	v3 =	vadd.s32 v1, v3  }
0x107: {  	[tilespmem:s18], [sflag:$0x2] =	stream.indirect_vreg.gather [hbm4b:s3+s1], $0x80, v4, vm0, $0xb8;
	[tilespmem:$0x1D400] =	vst v63  }
0x108: {  	s30 =	simm.s32 $0x16800  }
0x109: {  	[tilespmem:s30], [sflag:$0x2] =	stream.indirect_vreg.gather [hbm4b:s8+s1], $0x80, v4, vm1, $0xb8;
	[tilespmem:$0x1D400] =	vst v63  }
0x10a: {  	s17 =	simm.s32 $0x16C00  }
0x10b: {  	[tilespmem:s17], [sflag:$0x2] =	stream.indirect_vreg.gather [hbm4b:s3+s1], $0x80, v3, vm0, $0xb8;
	[tilespmem:$0x1D400] =	vst v63  }
0x10c: {  	s18 =	simm.s32 $0x17400  }
0x10d: {  	[tilespmem:s18], [sflag:$0x2] =	stream.indirect_vreg.gather [hbm4b:s8+s1], $0x80, v3, vm1, $0xb8;
	[tilespmem:$0x1D400] =	vst v63  }
0x10e: {  	v3 =	vld [tilespmem:s15+$0x70];
	_ =	sdelay $0x4  }
0x10f: {  	v4 =	vshrl.u32 v3, $0x3  }
0x110: {  	v4 =	vmul.u32 $0x18, v4  }
0x111: {  	v3 =	vand.u32 $0x7, v3  }
0x112: {  	v3 =	vor.u32 v3, v4  }
0x113: {  	v4 =	vperm.xlane v3, v0;
	_ =	sdelay $0x1  }
0x114: {  	v4 =	vadd.s32 v1, v4;
	_ =	sdelay $0x1  }
0x115: {  	v3 =	vperm.xlane v3, v2;
	_ =	sdelay $0x1  }
0x116: {  	s30 =	simm.s32 $0x17800;
	v3 =	vadd.s32 v1, v3  }
0x117: {  	[tilespmem:s30], [sflag:$0x2] =	stream.indirect_vreg.gather [hbm4b:s3+s1], $0x80, v4, vm0, $0xb8;
	[tilespmem:$0x1D400] =	vst v63  }
0x118: {  	s16 =	simm.s32 $0x18000;
	s18 =	sshll.u32 s14, $0x1  }
0x119: {  	[tilespmem:s16], [sflag:$0x2] =	stream.indirect_vreg.gather [hbm4b:s8+s1], $0x80, v4, vm1, $0xb8;
	[tilespmem:$0x1D400] =	vst v63  }
0x11a: {  	s17 =	simm.s32 $0x18400;
	s15 =	sadd.s32 s18, s10  }
0x11b: {  	[tilespmem:s17], [sflag:$0x2] =	stream.indirect_vreg.gather [hbm4b:s3+s1], $0x80, v3, vm0, $0xb8;
	[tilespmem:$0x1D400] =	vst v63  }
0x11c: {  	s17 =	sshll.u32 s15, $0x4  }
0x11d: {  	s30 =	simm.s32 $0x18C00;
	s15 =	sshll.u32 s15, $0x6;
	s16 =	sand.u32 $0x70, s17  }
0x11e: {  	[tilespmem:s30], [sflag:$0x2] =	stream.indirect_vreg.gather [hbm4b:s8+s1], $0x80, v3, vm1, $0xb8;
	[tilespmem:$0x1D400] =	vst v63  }
0x11f: {  	s15 =	sand.u32 $0xFFFFE00, s15;
	s16 =	sadd.s32 s4, s16  }
0x120: {  	s15 =	sadd.s32 s15, s16  }
0x121: {  	[tilespmem:s7], [sflag:$0x4] =	stream.strided.gather [hbm4b:s15+s23], $0x200, s24, s23, $0x38;
	[tilespmem:$0x1D400] =	vst v63  }
0x122: {  	_ =	swait.ge [sflag:s28], $0xC000  }
0x123: {  	s18 =	simm.s32 $0x0;
	[sflag:s28] =	ssyncset.done $0x0  }
0x124: {  	v3 =	vmov s1;
	s15 =	smul.u32 $0x3000, s18;
	[sflag:s28] =	ssyncadd.s32 $0xFFFF4000  }
0x125: {  	_ =	swait.ge [sflag:s9], $0x200  }
0x126: {  	s1 =	sand.u32 $0x380, s1;
	v4 =	vor.u32 $0x1, v3;
	s15 =	sshra.s32 s15, $0x2;
	[sflag:s9] =	ssyncset.done $0x0  }
0x127: {  	s1 =	sor.u32 s1, s15;
	[sflag:s9] =	ssyncadd.s32 $0xFFFFFE00  }
0x128: {  	v5 =	vor.u32 $0x2, v3;
	v6 =	vld [tilespmem:s1+$0x1040]  }
0x129: {  	v7 =	vld.idx.msk [tilespmem:v3+s25+$0x0], $0xffff  }
0x12a: {  	v8 =	vld [tilespmem:s1+$0x1000]  }
0x12b: {  	v3 =	vor.u32 $0x3, v3;
	v4 =	vld.idx.msk [tilespmem:v4+s25+$0x0], $0xffff  }
0x12c: {  	v9 =	vld [tilespmem:s1+$0x1800]  }
0x12d: {  	v5 =	vld.idx.msk [tilespmem:v5+s25+$0x0], $0xffff  }
0x12e: {  	v10 =	vld [tilespmem:s1+$0x1400]  }
0x12f: {  	v11 =	vld [tilespmem:s1+$0x1440];
	v8 =	vmul.f32 v8, v7  }
0x130: {  	v3 =	vld.idx.msk [tilespmem:v3+s25+$0x0], $0xffff  }
0x131: {  	v6 =	vmul.f32 v6, v4;
	v8 =	vadd.f32 v8, v9;
	_ =	sdelay $0x1  }
0x132: {  	v6 =	vadd.f32 v6, v8;
	v8 =	vmul.f32 v10, v5;
	_ =	sdelay $0x1  }
0x133: {  	v6 =	vadd.f32 v8, v6;
	v8 =	vmul.f32 v11, v3;
	_ =	sdelay $0x1  }
0x134: {  	v6 =	vadd.f32 v8, v6  }
0x135: {  	s15 =	simm.s32 $0x19420  }
0x136: {  	[tilespmem:s15+$0xFFFFFFE0] =	vst v6  }
0x137: {  	v6 =	vld [tilespmem:s1+$0x1010]  }
0x138: {  	v8 =	vld [tilespmem:s1+$0x1050]  }
0x139: {  	v56 =	vld [tilespmem:s1+$0x1810];
	_ =	sdelay $0x1  }
0x13a: {  	v57 =	vld [tilespmem:s1+$0x1410]  }
0x13b: {  	v6 =	vmul.f32 v6, v7  }
0x13c: {  	v58 =	vld [tilespmem:s1+$0x1450]  }
0x13d: {  	v8 =	vmul.f32 v8, v4;
	v6 =	vadd.f32 v6, v56;
	_ =	sdelay $0x1  }
0x13e: {  	v6 =	vadd.f32 v8, v6;
	v8 =	vmul.f32 v57, v5;
	_ =	sdelay $0x1  }
0x13f: {  	v6 =	vadd.f32 v8, v6;
	v8 =	vmul.f32 v58, v3;
	_ =	sdelay $0x1  }
0x140: {  	v6 =	vadd.f32 v8, v6;
	_ =	sdelay $0x1  }
0x141: {  	[tilespmem:s15+$0xFFFFFFF0] =	vst v6  }
0x142: {  	v6 =	vld [tilespmem:s1+$0x1020]  }
0x143: {  	v8 =	vld [tilespmem:s1+$0x1060]  }
0x144: {  	v59 =	vld [tilespmem:s1+$0x1820];
	_ =	sdelay $0x1  }
0x145: {  	v60 =	vld [tilespmem:s1+$0x1420]  }
0x146: {  	v6 =	vmul.f32 v6, v7  }
0x147: {  	v61 =	vld [tilespmem:s1+$0x1460]  }
0x148: {  	v8 =	vmul.f32 v8, v4;
	v6 =	vadd.f32 v6, v59;
	_ =	sdelay $0x1  }
0x149: {  	v6 =	vadd.f32 v8, v6;
	v8 =	vmul.f32 v60, v5;
	_ =	sdelay $0x1  }
0x14a: {  	v6 =	vadd.f32 v8, v6;
	v8 =	vmul.f32 v61, v3;
	_ =	sdelay $0x1  }
0x14b: {  	v6 =	vadd.f32 v8, v6;
	_ =	sdelay $0x1  }
0x14c: {  	[tilespmem:s15+$0x0] =	vst v6  }
0x14d: {  	v6 =	vld [tilespmem:s1+$0x1030]  }
0x14e: {  	v8 =	vld [tilespmem:s1+$0x1830]  }
0x14f: {  	v62 =	vld [tilespmem:s1+$0x1070];
	_ =	sdelay $0x1  }
0x150: {  	v63 =	vld [tilespmem:s1+$0x1430]  }
0x151: {  	v6 =	vmul.f32 v6, v7  }
0x152: {  	v7 =	vld [tilespmem:s1+$0x1470]  }
0x153: {  	v4 =	vmul.f32 v62, v4;
	v6 =	vadd.f32 v6, v8;
	_ =	sdelay $0x1  }
0x154: {  	v5 =	vmul.f32 v63, v5;
	v4 =	vadd.f32 v4, v6  }
0x155: {  	s29 =	simm.s32 $0x4;
	s30 =	simm.s32 $0x0  }
0x156: {  	s18 =	smul.u32 $0x3000, s30;
	v6 =	vmov s29;
	v7 =	vmul.f32 v7, v3;
	v4 =	vadd.f32 v5, v4  }
0x157: {  	s16 =	simm.s32 $0x80;
	v3 =	vor.u32 $0x2, v6  }
0x158: {  	s17 =	sand.u32 $0x380, s16;
	s18 =	sshra.s32 s18, $0x2;
	s1 =	simm.s32 $0x2;
	v5 =	vor.u32 $0x1, v6;
	v7 =	vadd.f32 v7, v4;
	v4 =	vor.u32 $0x3, v6  }
.LBB2_3:
0x159: {  	s18 =	sor.u32 s17, s18  }
0x15a: {  	[tilespmem:s15+$0x10] =	vst v7;
	s15 =	sadd.s32 $0x40, s15;
	s17 =	smov.u32 s1;
	s30 =	sadd.s32 $0x1, s1  }
0x15b: {  	p0 =	sne.s32 s1, $0x7F;
	v7 =	vld [tilespmem:s18+$0x1040]  }
0x15c: {  	v6 =	vld.idx.msk [tilespmem:v6+s25+$0x0], $0xffff  }
0x15d: {  	v8 =	vld [tilespmem:s18+$0x1000]  }
0x15e: {  	v5 =	vld.idx.msk [tilespmem:v5+s25+$0x0], $0xffff  }
0x15f: {  	v9 =	vld [tilespmem:s18+$0x1800]  }
0x160: {  	v3 =	vld.idx.msk [tilespmem:v3+s25+$0x0], $0xffff  }
0x161: {  	v10 =	vld [tilespmem:s18+$0x1400]  }
0x162: {  	v4 =	vld.idx.msk [tilespmem:v4+s25+$0x0], $0xffff;
	v8 =	vmul.f32 v8, v6  }
0x163: {  	v11 =	vld [tilespmem:s18+$0x1440]  }
0x164: {  	v7 =	vmul.f32 v7, v5;
	v8 =	vadd.f32 v8, v9;
	_ =	sdelay $0x1  }
0x165: {  	v7 =	vadd.f32 v7, v8;
	v8 =	vmul.f32 v10, v3;
	_ =	sdelay $0x1  }
0x166: {  	v7 =	vadd.f32 v8, v7;
	v8 =	vmul.f32 v11, v4;
	_ =	sdelay $0x1  }
0x167: {  	v7 =	vadd.f32 v8, v7;
	_ =	sdelay $0x1  }
0x168: {  	[tilespmem:s15+$0xFFFFFFE0] =	vst v7  }
0x169: {  	v7 =	vld [tilespmem:s18+$0x1010]  }
0x16a: {  	v8 =	vld [tilespmem:s18+$0x1050]  }
0x16b: {  	v9 =	vld [tilespmem:s18+$0x1810];
	_ =	sdelay $0x1  }
0x16c: {  	v10 =	vld [tilespmem:s18+$0x1410]  }
0x16d: {  	v7 =	vmul.f32 v7, v6  }
0x16e: {  	v8 =	vmul.f32 v8, v5;
	v11 =	vld [tilespmem:s18+$0x1450]  }
0x16f: {  	v7 =	vadd.f32 v7, v9;
	_ =	sdelay $0x1  }
0x170: {  	v7 =	vadd.f32 v8, v7;
	v8 =	vmul.f32 v10, v3;
	_ =	sdelay $0x1  }
0x171: {  	v7 =	vadd.f32 v8, v7;
	v8 =	vmul.f32 v11, v4;
	_ =	sdelay $0x1  }
0x172: {  	v7 =	vadd.f32 v8, v7;
	_ =	sdelay $0x1  }
0x173: {  	[tilespmem:s15+$0xFFFFFFF0] =	vst v7  }
0x174: {  	v7 =	vld [tilespmem:s18+$0x1020]  }
0x175: {  	v8 =	vld [tilespmem:s18+$0x1060]  }
0x176: {  	v9 =	vld [tilespmem:s18+$0x1820];
	_ =	sdelay $0x1  }
0x177: {  	v10 =	vld [tilespmem:s18+$0x1420]  }
0x178: {  	v7 =	vmul.f32 v7, v6  }
0x179: {  	v8 =	vmul.f32 v8, v5;
	v11 =	vld [tilespmem:s18+$0x1460]  }
0x17a: {  	v7 =	vadd.f32 v7, v9;
	_ =	sdelay $0x1  }
0x17b: {  	v7 =	vadd.f32 v8, v7;
	v8 =	vmul.f32 v10, v3;
	_ =	sdelay $0x1  }
0x17c: {  	v7 =	vadd.f32 v8, v7;
	v8 =	vmul.f32 v11, v4;
	_ =	sdelay $0x1  }
0x17d: {  	v7 =	vadd.f32 v8, v7;
	_ =	sdelay $0x1  }
0x17e: {  	[tilespmem:s15+$0x0] =	vst v7  }
0x17f: {  	v7 =	vld [tilespmem:s18+$0x1030]  }
0x180: {  	v8 =	vld [tilespmem:s18+$0x1830]  }
0x181: {  	v9 =	vld [tilespmem:s18+$0x1070]  }
0x182: {  	v10 =	vld [tilespmem:s18+$0x1430]  }
0x183: {  	v11 =	vld [tilespmem:s18+$0x1470]  }
0x184: {  	v6 =	vmul.f32 v7, v6;
	_ =	sdelay $0x1  }
0x185: {  	v6 =	vadd.f32 v6, v8;
	v5 =	vmul.f32 v9, v5  }
0x186: {  	v3 =	vmul.f32 v10, v3  }
0x187: {  	v5 =	vadd.f32 v5, v6;
	v4 =	vmul.f32 v11, v4  }
.Ltmp0:
0x188: {  	(pc) =	sbr.rel @p0 .LBB2_3-.Ltmp0, $4  }
0x189: {  	s29 =	sadd.s32 $0x4, s29;
	s1 =	sshrl.u32 s17, $0x3;
	v7 =	vadd.f32 v3, v5  }
0x18a: {  	s1 =	smul.u32 $0x3000, s1;
	v6 =	vmov s29  }
0x18b: {  	s16 =	sadd.s32 $0x80, s16;
	v5 =	vor.u32 $0x1, v6;
	v3 =	vor.u32 $0x2, v6;
	v7 =	vadd.f32 v4, v7  }
0x18c: {  	s17 =	sand.u32 $0x380, s16;
	s18 =	sshra.s32 s1, $0x2;
	s1 =	smov.u32 s30;
	v4 =	vor.u32 $0x3, v6  }
0x18d: {  	_ =	sdelay $0x1  }
0x18e: {  	s1 =	sor.u32 s17, s18;
	[tilespmem:s15+$0x10] =	vst v7  }
0x18f: {  	v7 =	vld [tilespmem:s1+$0x1040]  }
0x190: {  	v6 =	vld.idx.msk [tilespmem:v6+s25+$0x0], $0xffff  }
0x191: {  	v8 =	vld [tilespmem:s1+$0x1000]  }
0x192: {  	v5 =	vld.idx.msk [tilespmem:v5+s25+$0x0], $0xffff  }
0x193: {  	v9 =	vld [tilespmem:s1+$0x1800]  }
0x194: {  	v3 =	vld.idx.msk [tilespmem:v3+s25+$0x0], $0xffff  }
0x195: {  	v10 =	vld [tilespmem:s1+$0x1400]  }
0x196: {  	v4 =	vld.idx.msk [tilespmem:v4+s25+$0x0], $0xffff;
	v8 =	vmul.f32 v8, v6  }
0x197: {  	v11 =	vld [tilespmem:s1+$0x1440]  }
0x198: {  	v7 =	vmul.f32 v7, v5;
	v8 =	vadd.f32 v8, v9;
	_ =	sdelay $0x1  }
0x199: {  	v7 =	vadd.f32 v7, v8;
	v8 =	vmul.f32 v10, v3;
	_ =	sdelay $0x1  }
0x19a: {  	v7 =	vadd.f32 v8, v7;
	v8 =	vmul.f32 v11, v4;
	_ =	sdelay $0x1  }
0x19b: {  	v7 =	vadd.f32 v8, v7  }
0x19c: {  	s17 =	sadd.s32 $0x40, s15  }
0x19d: {  	[tilespmem:s17+$0xFFFFFFE0] =	vst v7  }
0x19e: {  	v7 =	vld [tilespmem:s1+$0x1010]  }
0x19f: {  	v8 =	vld [tilespmem:s1+$0x1050]  }
0x1a0: {  	v45 =	vld [tilespmem:s1+$0x1810];
	_ =	sdelay $0x1  }
0x1a1: {  	v46 =	vld [tilespmem:s1+$0x1410]  }
0x1a2: {  	v7 =	vmul.f32 v7, v6  }
0x1a3: {  	v47 =	vld [tilespmem:s1+$0x1450]  }
0x1a4: {  	v8 =	vmul.f32 v8, v5;
	v7 =	vadd.f32 v7, v45;
	_ =	sdelay $0x1  }
0x1a5: {  	v7 =	vadd.f32 v8, v7;
	v8 =	vmul.f32 v46, v3;
	_ =	sdelay $0x1  }
0x1a6: {  	v7 =	vadd.f32 v8, v7;
	v8 =	vmul.f32 v47, v4;
	_ =	sdelay $0x1  }
0x1a7: {  	v7 =	vadd.f32 v8, v7;
	_ =	sdelay $0x1  }
0x1a8: {  	[tilespmem:s17+$0xFFFFFFF0] =	vst v7  }
0x1a9: {  	v7 =	vld [tilespmem:s1+$0x1020]  }
0x1aa: {  	v8 =	vld [tilespmem:s1+$0x1060]  }
0x1ab: {  	v48 =	vld [tilespmem:s1+$0x1820];
	_ =	sdelay $0x1  }
0x1ac: {  	v49 =	vld [tilespmem:s1+$0x1420]  }
0x1ad: {  	v7 =	vmul.f32 v7, v6  }
0x1ae: {  	v50 =	vld [tilespmem:s1+$0x1460]  }
0x1af: {  	v8 =	vmul.f32 v8, v5;
	v7 =	vadd.f32 v7, v48;
	_ =	sdelay $0x1  }
0x1b0: {  	v7 =	vadd.f32 v8, v7;
	v8 =	vmul.f32 v49, v3;
	_ =	sdelay $0x1  }
0x1b1: {  	v7 =	vadd.f32 v8, v7;
	v8 =	vmul.f32 v50, v4;
	_ =	sdelay $0x1  }
0x1b2: {  	v7 =	vadd.f32 v8, v7;
	_ =	sdelay $0x1  }
0x1b3: {  	[tilespmem:s17+$0x0] =	vst v7  }
0x1b4: {  	v7 =	vld [tilespmem:s1+$0x1030]  }
0x1b5: {  	v8 =	vld [tilespmem:s1+$0x1830]  }
0x1b6: {  	v51 =	vld [tilespmem:s1+$0x1070];
	_ =	sdelay $0x1  }
0x1b7: {  	v52 =	vld [tilespmem:s1+$0x1430]  }
0x1b8: {  	v6 =	vmul.f32 v7, v6  }
0x1b9: {  	v7 =	vld [tilespmem:s1+$0x1470]  }
0x1ba: {  	v5 =	vmul.f32 v51, v5;
	v6 =	vadd.f32 v6, v8;
	_ =	sdelay $0x1  }
0x1bb: {  	v3 =	vmul.f32 v52, v3;
	v5 =	vadd.f32 v5, v6;
	_ =	sdelay $0x1  }
0x1bc: {  	v4 =	vmul.f32 v7, v4;
	v3 =	vadd.f32 v3, v5  }
0x1bd: {  	s18 =	sshll.u32 s14, $0xE  }
0x1be: {  	s1 =	sadd.s32 s6, s18;
	v3 =	vadd.f32 v4, v3  }
0x1bf: {  	s1 =	sshrl.u32 s1, $0x3  }
0x1c0: {  	s16 =	sadd.s32 s5, s1;
	s1 =	simm.s32 $0x0;
	[tilespmem:s17+$0x10] =	vst v3  }
0x1c1: {  	[hbm4b:s16+s1] =	stream.linear.scatter [tilespmem:s31], [sflag:$0x5], $0x2000, $0x38;
	[tilespmem:$0x1D400] =	vst v63  }
0x1c2: {  	_ =	swait.ge [sflag:s13], $0x2000  }
0x1c3: {  	s17 =	sshll.u32 s14, $0x8;
	[sflag:s13] =	ssyncset.done $0x0  }
0x1c4: {  	s15 =	sand.u32 $0x3FFFFF00, s17;
	[sflag:s13] =	ssyncadd.s32 $0xFFFFE000  }
0x1c5: {  	v3 =	vld [tilespmem:s15+$0x100];
	_ =	sdelay $0x4  }
0x1c6: {  	v4 =	vshrl.u32 v3, $0x3  }
0x1c7: {  	v4 =	vmul.u32 $0x18, v4  }
0x1c8: {  	v3 =	vand.u32 $0x7, v3  }
0x1c9: {  	v3 =	vor.u32 v3, v4  }
0x1ca: {  	v4 =	vperm.xlane v3, v0;
	_ =	sdelay $0x1  }
0x1cb: {  	v4 =	vadd.s32 v1, v4;
	_ =	sdelay $0x1  }
0x1cc: {  	v3 =	vperm.xlane v3, v2;
	_ =	sdelay $0x1  }
0x1cd: {  	s16 =	simm.s32 $0x1000;
	v3 =	vadd.s32 v1, v3  }
0x1ce: {  	[tilespmem:s16], [sflag:$0x1] =	stream.indirect_vreg.gather [hbm4b:s3+s1], $0x80, v4, vm0, $0xb8;
	[tilespmem:$0x1D400] =	vst v63  }
0x1cf: {  	s18 =	simm.s32 $0x1800  }
0x1d0: {  	[tilespmem:s18], [sflag:$0x1] =	stream.indirect_vreg.gather [hbm4b:s8+s1], $0x80, v4, vm1, $0xb8;
	[tilespmem:$0x1D400] =	vst v63  }
0x1d1: {  	s17 =	simm.s32 $0x1C00  }
0x1d2: {  	[tilespmem:s17], [sflag:$0x1] =	stream.indirect_vreg.gather [hbm4b:s3+s1], $0x80, v3, vm0, $0xb8;
	[tilespmem:$0x1D400] =	vst v63  }
0x1d3: {  	s18 =	simm.s32 $0x2400  }
0x1d4: {  	[tilespmem:s18], [sflag:$0x1] =	stream.indirect_vreg.gather [hbm4b:s8+s1], $0x80, v3, vm1, $0xb8;
	[tilespmem:$0x1D400] =	vst v63  }
0x1d5: {  	v3 =	vld [tilespmem:s15+$0x110];
	_ =	sdelay $0x4  }
0x1d6: {  	v4 =	vshrl.u32 v3, $0x3  }
0x1d7: {  	v4 =	vmul.u32 $0x18, v4  }
0x1d8: {  	v3 =	vand.u32 $0x7, v3  }
0x1d9: {  	v3 =	vor.u32 v3, v4  }
0x1da: {  	v4 =	vperm.xlane v3, v0;
	_ =	sdelay $0x1  }
0x1db: {  	v4 =	vadd.s32 v1, v4;
	_ =	sdelay $0x1  }
0x1dc: {  	v3 =	vperm.xlane v3, v2;
	_ =	sdelay $0x1  }
0x1dd: {  	s17 =	simm.s32 $0x2800;
	v3 =	vadd.s32 v1, v3  }
0x1de: {  	[tilespmem:s17], [sflag:$0x1] =	stream.indirect_vreg.gather [hbm4b:s3+s1], $0x80, v4, vm0, $0xb8;
	[tilespmem:$0x1D400] =	vst v63  }
0x1df: {  	s18 =	simm.s32 $0x3000  }
0x1e0: {  	[tilespmem:s18], [sflag:$0x1] =	stream.indirect_vreg.gather [hbm4b:s8+s1], $0x80, v4, vm1, $0xb8;
	[tilespmem:$0x1D400] =	vst v63  }
0x1e1: {  	s17 =	simm.s32 $0x3400  }
0x1e2: {  	[tilespmem:s17], [sflag:$0x1] =	stream.indirect_vreg.gather [hbm4b:s3+s1], $0x80, v3, vm0, $0xb8;
	[tilespmem:$0x1D400] =	vst v63  }
0x1e3: {  	s18 =	simm.s32 $0x3C00  }
0x1e4: {  	[tilespmem:s18], [sflag:$0x1] =	stream.indirect_vreg.gather [hbm4b:s8+s1], $0x80, v3, vm1, $0xb8;
	[tilespmem:$0x1D400] =	vst v63  }
0x1e5: {  	v3 =	vld [tilespmem:s15+$0x120];
	_ =	sdelay $0x4  }
0x1e6: {  	v4 =	vshrl.u32 v3, $0x3  }
0x1e7: {  	v4 =	vmul.u32 $0x18, v4  }
0x1e8: {  	v3 =	vand.u32 $0x7, v3  }
0x1e9: {  	v3 =	vor.u32 v3, v4  }
0x1ea: {  	v4 =	vperm.xlane v3, v0;
	_ =	sdelay $0x1  }
0x1eb: {  	v4 =	vadd.s32 v1, v4;
	_ =	sdelay $0x1  }
0x1ec: {  	v3 =	vperm.xlane v3, v2;
	_ =	sdelay $0x1  }
0x1ed: {  	s17 =	simm.s32 $0x4000;
	v3 =	vadd.s32 v1, v3  }
0x1ee: {  	[tilespmem:s17], [sflag:$0x1] =	stream.indirect_vreg.gather [hbm4b:s3+s1], $0x80, v4, vm0, $0xb8;
	[tilespmem:$0x1D400] =	vst v63  }
0x1ef: {  	s18 =	simm.s32 $0x4800  }
0x1f0: {  	[tilespmem:s18], [sflag:$0x1] =	stream.indirect_vreg.gather [hbm4b:s8+s1], $0x80, v4, vm1, $0xb8;
	[tilespmem:$0x1D400] =	vst v63  }
0x1f1: {  	s17 =	simm.s32 $0x4C00  }
0x1f2: {  	[tilespmem:s17], [sflag:$0x1] =	stream.indirect_vreg.gather [hbm4b:s3+s1], $0x80, v3, vm0, $0xb8;
	[tilespmem:$0x1D400] =	vst v63  }
0x1f3: {  	s18 =	simm.s32 $0x5400  }
0x1f4: {  	[tilespmem:s18], [sflag:$0x1] =	stream.indirect_vreg.gather [hbm4b:s8+s1], $0x80, v3, vm1, $0xb8;
	[tilespmem:$0x1D400] =	vst v63  }
0x1f5: {  	v3 =	vld [tilespmem:s15+$0x130];
	_ =	sdelay $0x4  }
0x1f6: {  	v4 =	vshrl.u32 v3, $0x3  }
0x1f7: {  	v4 =	vmul.u32 $0x18, v4  }
0x1f8: {  	v3 =	vand.u32 $0x7, v3  }
0x1f9: {  	v3 =	vor.u32 v3, v4  }
0x1fa: {  	v4 =	vperm.xlane v3, v0;
	_ =	sdelay $0x1  }
0x1fb: {  	v4 =	vadd.s32 v1, v4;
	_ =	sdelay $0x1  }
0x1fc: {  	v3 =	vperm.xlane v3, v2;
	_ =	sdelay $0x1  }
0x1fd: {  	s17 =	simm.s32 $0x5800;
	v3 =	vadd.s32 v1, v3  }
0x1fe: {  	[tilespmem:s17], [sflag:$0x1] =	stream.indirect_vreg.gather [hbm4b:s3+s1], $0x80, v4, vm0, $0xb8;
	[tilespmem:$0x1D400] =	vst v63  }
0x1ff: {  	s18 =	simm.s32 $0x6000  }
0x200: {  	[tilespmem:s18], [sflag:$0x1] =	stream.indirect_vreg.gather [hbm4b:s8+s1], $0x80, v4, vm1, $0xb8;
	[tilespmem:$0x1D400] =	vst v63  }
0x201: {  	s17 =	simm.s32 $0x6400  }
0x202: {  	[tilespmem:s17], [sflag:$0x1] =	stream.indirect_vreg.gather [hbm4b:s3+s1], $0x80, v3, vm0, $0xb8;
	[tilespmem:$0x1D400] =	vst v63  }
0x203: {  	s18 =	simm.s32 $0x6C00  }
0x204: {  	[tilespmem:s18], [sflag:$0x1] =	stream.indirect_vreg.gather [hbm4b:s8+s1], $0x80, v3, vm1, $0xb8;
	[tilespmem:$0x1D400] =	vst v63  }
0x205: {  	v3 =	vld [tilespmem:s15+$0x140];
	_ =	sdelay $0x4  }
0x206: {  	v4 =	vshrl.u32 v3, $0x3  }
0x207: {  	v4 =	vmul.u32 $0x18, v4  }
0x208: {  	v3 =	vand.u32 $0x7, v3  }
0x209: {  	v3 =	vor.u32 v3, v4  }
0x20a: {  	v4 =	vperm.xlane v3, v0;
	_ =	sdelay $0x1  }
0x20b: {  	v4 =	vadd.s32 v1, v4;
	_ =	sdelay $0x1  }
0x20c: {  	v3 =	vperm.xlane v3, v2;
	_ =	sdelay $0x1  }
0x20d: {  	s17 =	simm.s32 $0x7000;
	v3 =	vadd.s32 v1, v3  }
0x20e: {  	[tilespmem:s17], [sflag:$0x1] =	stream.indirect_vreg.gather [hbm4b:s3+s1], $0x80, v4, vm0, $0xb8;
	[tilespmem:$0x1D400] =	vst v63  }
0x20f: {  	s18 =	simm.s32 $0x7800  }
0x210: {  	[tilespmem:s18], [sflag:$0x1] =	stream.indirect_vreg.gather [hbm4b:s8+s1], $0x80, v4, vm1, $0xb8;
	[tilespmem:$0x1D400] =	vst v63  }
0x211: {  	s17 =	simm.s32 $0x7C00  }
0x212: {  	[tilespmem:s17], [sflag:$0x1] =	stream.indirect_vreg.gather [hbm4b:s3+s1], $0x80, v3, vm0, $0xb8;
	[tilespmem:$0x1D400] =	vst v63  }
0x213: {  	s18 =	simm.s32 $0x8400  }
0x214: {  	[tilespmem:s18], [sflag:$0x1] =	stream.indirect_vreg.gather [hbm4b:s8+s1], $0x80, v3, vm1, $0xb8;
	[tilespmem:$0x1D400] =	vst v63  }
0x215: {  	v3 =	vld [tilespmem:s15+$0x150];
	_ =	sdelay $0x4  }
0x216: {  	v4 =	vshrl.u32 v3, $0x3  }
0x217: {  	v4 =	vmul.u32 $0x18, v4  }
0x218: {  	v3 =	vand.u32 $0x7, v3  }
0x219: {  	v3 =	vor.u32 v3, v4  }
0x21a: {  	v4 =	vperm.xlane v3, v0;
	_ =	sdelay $0x1  }
0x21b: {  	v4 =	vadd.s32 v1, v4;
	_ =	sdelay $0x1  }
0x21c: {  	v3 =	vperm.xlane v3, v2;
	_ =	sdelay $0x1  }
0x21d: {  	s17 =	simm.s32 $0x8800;
	v3 =	vadd.s32 v1, v3  }
0x21e: {  	[tilespmem:s17], [sflag:$0x1] =	stream.indirect_vreg.gather [hbm4b:s3+s1], $0x80, v4, vm0, $0xb8;
	[tilespmem:$0x1D400] =	vst v63  }
0x21f: {  	s18 =	simm.s32 $0x9000  }
0x220: {  	[tilespmem:s18], [sflag:$0x1] =	stream.indirect_vreg.gather [hbm4b:s8+s1], $0x80, v4, vm1, $0xb8;
	[tilespmem:$0x1D400] =	vst v63  }
0x221: {  	s17 =	simm.s32 $0x9400  }
0x222: {  	[tilespmem:s17], [sflag:$0x1] =	stream.indirect_vreg.gather [hbm4b:s3+s1], $0x80, v3, vm0, $0xb8;
	[tilespmem:$0x1D400] =	vst v63  }
0x223: {  	s18 =	simm.s32 $0x9C00  }
0x224: {  	[tilespmem:s18], [sflag:$0x1] =	stream.indirect_vreg.gather [hbm4b:s8+s1], $0x80, v3, vm1, $0xb8;
	[tilespmem:$0x1D400] =	vst v63  }
0x225: {  	v3 =	vld [tilespmem:s15+$0x160];
	_ =	sdelay $0x4  }
0x226: {  	v4 =	vshrl.u32 v3, $0x3  }
0x227: {  	v4 =	vmul.u32 $0x18, v4  }
0x228: {  	v3 =	vand.u32 $0x7, v3  }
0x229: {  	v3 =	vor.u32 v3, v4  }
0x22a: {  	v4 =	vperm.xlane v3, v0;
	_ =	sdelay $0x1  }
0x22b: {  	v4 =	vadd.s32 v1, v4;
	_ =	sdelay $0x1  }
0x22c: {  	v3 =	vperm.xlane v3, v2;
	_ =	sdelay $0x1  }
0x22d: {  	s17 =	simm.s32 $0xA000;
	v3 =	vadd.s32 v1, v3  }
0x22e: {  	[tilespmem:s17], [sflag:$0x1] =	stream.indirect_vreg.gather [hbm4b:s3+s1], $0x80, v4, vm0, $0xb8;
	[tilespmem:$0x1D400] =	vst v63  }
0x22f: {  	s18 =	simm.s32 $0xA800  }
0x230: {  	[tilespmem:s18], [sflag:$0x1] =	stream.indirect_vreg.gather [hbm4b:s8+s1], $0x80, v4, vm1, $0xb8;
	[tilespmem:$0x1D400] =	vst v63  }
0x231: {  	s17 =	simm.s32 $0xAC00  }
0x232: {  	[tilespmem:s17], [sflag:$0x1] =	stream.indirect_vreg.gather [hbm4b:s3+s1], $0x80, v3, vm0, $0xb8;
	[tilespmem:$0x1D400] =	vst v63  }
0x233: {  	s18 =	simm.s32 $0xB400  }
0x234: {  	[tilespmem:s18], [sflag:$0x1] =	stream.indirect_vreg.gather [hbm4b:s8+s1], $0x80, v3, vm1, $0xb8;
	[tilespmem:$0x1D400] =	vst v63  }
0x235: {  	v3 =	vld [tilespmem:s15+$0x170];
	_ =	sdelay $0x4  }
0x236: {  	v4 =	vshrl.u32 v3, $0x3  }
0x237: {  	v4 =	vmul.u32 $0x18, v4  }
0x238: {  	v3 =	vand.u32 $0x7, v3  }
0x239: {  	v3 =	vor.u32 v3, v4  }
0x23a: {  	v4 =	vperm.xlane v3, v0;
	_ =	sdelay $0x1  }
0x23b: {  	v4 =	vadd.s32 v1, v4;
	_ =	sdelay $0x1  }
0x23c: {  	v3 =	vperm.xlane v3, v2;
	_ =	sdelay $0x1  }
0x23d: {  	s17 =	sadd.s32 s0, s10;
	v3 =	vadd.s32 v1, v3  }
0x23e: {  	[tilespmem:s19], [sflag:$0x1] =	stream.indirect_vreg.gather [hbm4b:s3+s1], $0x80, v4, vm0, $0xb8;
	[tilespmem:$0x1D400] =	vst v63  }
0x23f: {  	s18 =	sshll.u32 s17, $0x4  }
0x240: {  	[tilespmem:s20], [sflag:$0x1] =	stream.indirect_vreg.gather [hbm4b:s8+s1], $0x80, v4, vm1, $0xb8;
	[tilespmem:$0x1D400] =	vst v63  }
0x241: {  	s15 =	sshll.u32 s17, $0x6;
	s16 =	sand.u32 $0x70, s18  }
0x242: {  	[tilespmem:s21], [sflag:$0x1] =	stream.indirect_vreg.gather [hbm4b:s3+s1], $0x80, v3, vm0, $0xb8;
	[tilespmem:$0x1D400] =	vst v63  }
0x243: {  	s15 =	sand.u32 $0xFFFFE00, s15;
	s16 =	sadd.s32 s4, s16  }
0x244: {  	[tilespmem:s22], [sflag:$0x1] =	stream.indirect_vreg.gather [hbm4b:s8+s1], $0x80, v3, vm1, $0xb8;
	[tilespmem:$0x1D400] =	vst v63  }
0x245: {  	s15 =	sadd.s32 s15, s16  }
0x246: {  	[tilespmem:s25], [sflag:$0x3] =	stream.strided.gather [hbm4b:s15+s23], $0x200, s24, s23, $0x38;
	[tilespmem:$0x1D400] =	vst v63  }
0x247: {  	_ =	swait.ge [sflag:s11], $0xC000  }
0x248: {  	s17 =	simm.s32 $0x0;
	v3 =	vmov s1;
	[sflag:s11] =	ssyncset.done $0x0  }
0x249: {  	v4 =	vor.u32 $0x200, v3;
	s15 =	smul.u32 $0x3000, s17;
	[sflag:s11] =	ssyncadd.s32 $0xFFFF4000  }
0x24a: {  	_ =	swait.ge [sflag:s26], $0x200  }
0x24b: {  	s1 =	sand.u32 $0x380, s1;
	v5 =	vor.u32 $0x201, v3;
	s15 =	sshra.s32 s15, $0x2;
	[sflag:s26] =	ssyncset.done $0x0  }
0x24c: {  	s1 =	sor.u32 s1, s15;
	[sflag:s26] =	ssyncadd.s32 $0xFFFFFE00  }
0x24d: {  	v6 =	vor.u32 $0x202, v3;
	v7 =	vld [tilespmem:s1+$0xD040]  }
0x24e: {  	v4 =	vld.idx.msk [tilespmem:v4+s25+$0x0], $0xffff  }
0x24f: {  	v3 =	vor.u32 $0x203, v3;
	v8 =	vld [tilespmem:s1+$0xD000]  }
0x250: {  	v5 =	vld.idx.msk [tilespmem:v5+s25+$0x0], $0xffff  }
0x251: {  	v53 =	vld [tilespmem:s1+$0xD800]  }
0x252: {  	v6 =	vld.idx.msk [tilespmem:v6+s25+$0x0], $0xffff  }
0x253: {  	v54 =	vld [tilespmem:s1+$0xD400]  }
0x254: {  	v3 =	vld.idx.msk [tilespmem:v3+s25+$0x0], $0xffff;
	v8 =	vmul.f32 v8, v4  }
0x255: {  	v55 =	vld [tilespmem:s1+$0xD440]  }
0x256: {  	v7 =	vmul.f32 v7, v5;
	v8 =	vadd.f32 v8, v53;
	_ =	sdelay $0x1  }
0x257: {  	v7 =	vadd.f32 v7, v8;
	v8 =	vmul.f32 v54, v6;
	_ =	sdelay $0x1  }
0x258: {  	v7 =	vadd.f32 v8, v7;
	v8 =	vmul.f32 v55, v3;
	_ =	sdelay $0x1  }
0x259: {  	v7 =	vadd.f32 v8, v7  }
0x25a: {  	s15 =	simm.s32 $0x1B420  }
0x25b: {  	[tilespmem:s15+$0xFFFFFFE0] =	vst v7  }
0x25c: {  	v7 =	vld [tilespmem:s1+$0xD010]  }
0x25d: {  	v8 =	vld [tilespmem:s1+$0xD050]  }
0x25e: {  	v56 =	vld [tilespmem:s1+$0xD810];
	_ =	sdelay $0x1  }
0x25f: {  	v57 =	vld [tilespmem:s1+$0xD410]  }
0x260: {  	v7 =	vmul.f32 v7, v4  }
0x261: {  	v58 =	vld [tilespmem:s1+$0xD450]  }
0x262: {  	v8 =	vmul.f32 v8, v5;
	v7 =	vadd.f32 v7, v56;
	_ =	sdelay $0x1  }
0x263: {  	v7 =	vadd.f32 v8, v7;
	v8 =	vmul.f32 v57, v6;
	_ =	sdelay $0x1  }
0x264: {  	v7 =	vadd.f32 v8, v7;
	v8 =	vmul.f32 v58, v3;
	_ =	sdelay $0x1  }
0x265: {  	v7 =	vadd.f32 v8, v7;
	_ =	sdelay $0x1  }
0x266: {  	[tilespmem:s15+$0xFFFFFFF0] =	vst v7  }
0x267: {  	v7 =	vld [tilespmem:s1+$0xD020]  }
0x268: {  	v8 =	vld [tilespmem:s1+$0xD060]  }
0x269: {  	v59 =	vld [tilespmem:s1+$0xD820];
	_ =	sdelay $0x1  }
0x26a: {  	v60 =	vld [tilespmem:s1+$0xD420]  }
0x26b: {  	v7 =	vmul.f32 v7, v4  }
0x26c: {  	v61 =	vld [tilespmem:s1+$0xD460]  }
0x26d: {  	v8 =	vmul.f32 v8, v5;
	v7 =	vadd.f32 v7, v59;
	_ =	sdelay $0x1  }
0x26e: {  	v7 =	vadd.f32 v8, v7;
	v8 =	vmul.f32 v60, v6;
	_ =	sdelay $0x1  }
0x26f: {  	v7 =	vadd.f32 v8, v7;
	v8 =	vmul.f32 v61, v3;
	_ =	sdelay $0x1  }
0x270: {  	v7 =	vadd.f32 v8, v7;
	_ =	sdelay $0x1  }
0x271: {  	[tilespmem:s15+$0x0] =	vst v7  }
0x272: {  	v7 =	vld [tilespmem:s1+$0xD030]  }
0x273: {  	v8 =	vld [tilespmem:s1+$0xD830]  }
0x274: {  	v62 =	vld [tilespmem:s1+$0xD070];
	_ =	sdelay $0x1  }
0x275: {  	v63 =	vld [tilespmem:s1+$0xD430]  }
0x276: {  	v4 =	vmul.f32 v7, v4  }
0x277: {  	v7 =	vld [tilespmem:s1+$0xD470]  }
0x278: {  	v5 =	vmul.f32 v62, v5;
	v4 =	vadd.f32 v4, v8;
	_ =	sdelay $0x1  }
0x279: {  	v6 =	vmul.f32 v63, v6;
	v4 =	vadd.f32 v5, v4  }
0x27a: {  	s29 =	simm.s32 $0x4;
	s18 =	simm.s32 $0x0  }
0x27b: {  	s1 =	smul.u32 $0x3000, s18;
	v7 =	vmul.f32 v7, v3;
	v3 =	vmov s29;
	v8 =	vadd.f32 v6, v4  }
0x27c: {  	s16 =	simm.s32 $0x80;
	v6 =	vor.u32 $0x200, v3;
	v5 =	vor.u32 $0x201, v3  }
0x27d: {  	s30 =	simm.s32 $0x2;
	s17 =	sand.u32 $0x380, s16;
	s18 =	sshra.s32 s1, $0x2;
	v4 =	vor.u32 $0x202, v3;
	v3 =	vor.u32 $0x203, v3;
	v7 =	vadd.f32 v7, v8  }
.LBB2_5:
0x27e: {  	s18 =	sor.u32 s17, s18  }
0x27f: {  	[tilespmem:s15+$0x10] =	vst v7;
	s15 =	sadd.s32 $0x40, s15;
	s17 =	smov.u32 s30;
	s1 =	sadd.s32 $0x1, s30  }
0x280: {  	p0 =	sne.s32 s30, $0x7F;
	v7 =	vld [tilespmem:s18+$0xD040]  }
0x281: {  	v6 =	vld.idx.msk [tilespmem:v6+s25+$0x0], $0xffff  }
0x282: {  	v8 =	vld [tilespmem:s18+$0xD000]  }
0x283: {  	v5 =	vld.idx.msk [tilespmem:v5+s25+$0x0], $0xffff  }
0x284: {  	v9 =	vld [tilespmem:s18+$0xD800]  }
0x285: {  	v4 =	vld.idx.msk [tilespmem:v4+s25+$0x0], $0xffff  }
0x286: {  	v10 =	vld [tilespmem:s18+$0xD400]  }
0x287: {  	v3 =	vld.idx.msk [tilespmem:v3+s25+$0x0], $0xffff;
	v8 =	vmul.f32 v8, v6  }
0x288: {  	v11 =	vld [tilespmem:s18+$0xD440]  }
0x289: {  	v7 =	vmul.f32 v7, v5;
	v8 =	vadd.f32 v8, v9;
	_ =	sdelay $0x1  }
0x28a: {  	v7 =	vadd.f32 v7, v8;
	v8 =	vmul.f32 v10, v4;
	_ =	sdelay $0x1  }
0x28b: {  	v7 =	vadd.f32 v8, v7;
	v8 =	vmul.f32 v11, v3;
	_ =	sdelay $0x1  }
0x28c: {  	v7 =	vadd.f32 v8, v7;
	_ =	sdelay $0x1  }
0x28d: {  	[tilespmem:s15+$0xFFFFFFE0] =	vst v7  }
0x28e: {  	v7 =	vld [tilespmem:s18+$0xD010]  }
0x28f: {  	v8 =	vld [tilespmem:s18+$0xD050]  }
0x290: {  	v9 =	vld [tilespmem:s18+$0xD810];
	_ =	sdelay $0x1  }
0x291: {  	v10 =	vld [tilespmem:s18+$0xD410]  }
0x292: {  	v7 =	vmul.f32 v7, v6  }
0x293: {  	v8 =	vmul.f32 v8, v5;
	v11 =	vld [tilespmem:s18+$0xD450]  }
0x294: {  	v7 =	vadd.f32 v7, v9;
	_ =	sdelay $0x1  }
0x295: {  	v7 =	vadd.f32 v8, v7;
	v8 =	vmul.f32 v10, v4;
	_ =	sdelay $0x1  }
0x296: {  	v7 =	vadd.f32 v8, v7;
	v8 =	vmul.f32 v11, v3;
	_ =	sdelay $0x1  }
0x297: {  	v7 =	vadd.f32 v8, v7;
	_ =	sdelay $0x1  }
0x298: {  	[tilespmem:s15+$0xFFFFFFF0] =	vst v7  }
0x299: {  	v7 =	vld [tilespmem:s18+$0xD020]  }
0x29a: {  	v8 =	vld [tilespmem:s18+$0xD060]  }
0x29b: {  	v9 =	vld [tilespmem:s18+$0xD820];
	_ =	sdelay $0x1  }
0x29c: {  	v10 =	vld [tilespmem:s18+$0xD420]  }
0x29d: {  	v7 =	vmul.f32 v7, v6  }
0x29e: {  	v8 =	vmul.f32 v8, v5;
	v11 =	vld [tilespmem:s18+$0xD460]  }
0x29f: {  	v7 =	vadd.f32 v7, v9;
	_ =	sdelay $0x1  }
0x2a0: {  	v7 =	vadd.f32 v8, v7;
	v8 =	vmul.f32 v10, v4;
	_ =	sdelay $0x1  }
0x2a1: {  	v7 =	vadd.f32 v8, v7;
	v8 =	vmul.f32 v11, v3;
	_ =	sdelay $0x1  }
0x2a2: {  	v7 =	vadd.f32 v8, v7;
	_ =	sdelay $0x1  }
0x2a3: {  	[tilespmem:s15+$0x0] =	vst v7  }
0x2a4: {  	v7 =	vld [tilespmem:s18+$0xD030]  }
0x2a5: {  	v8 =	vld [tilespmem:s18+$0xD830]  }
0x2a6: {  	v9 =	vld [tilespmem:s18+$0xD070]  }
0x2a7: {  	v10 =	vld [tilespmem:s18+$0xD430]  }
0x2a8: {  	v11 =	vld [tilespmem:s18+$0xD470]  }
0x2a9: {  	v6 =	vmul.f32 v7, v6;
	_ =	sdelay $0x1  }
0x2aa: {  	v6 =	vadd.f32 v6, v8;
	v5 =	vmul.f32 v9, v5  }
0x2ab: {  	v4 =	vmul.f32 v10, v4  }
0x2ac: {  	v5 =	vadd.f32 v5, v6;
	v7 =	vmul.f32 v11, v3  }
.Ltmp1:
0x2ad: {  	s29 =	sadd.s32 $0x4, s29;
	(pc) =	sbr.rel @p0 .LBB2_5-.Ltmp1, $4  }
0x2ae: {  	s17 =	sshrl.u32 s17, $0x3;
	v3 =	vmov s29;
	v8 =	vadd.f32 v4, v5  }
0x2af: {  	s18 =	smul.u32 $0x3000, s17;
	v6 =	vor.u32 $0x200, v3;
	v5 =	vor.u32 $0x201, v3;
	v4 =	vor.u32 $0x202, v3  }
0x2b0: {  	s16 =	sadd.s32 $0x80, s16;
	v3 =	vor.u32 $0x203, v3;
	v7 =	vadd.f32 v7, v8  }
0x2b1: {  	s30 =	smov.u32 s1;
	s17 =	sand.u32 $0x380, s16;
	s18 =	sshra.s32 s18, $0x2  }
0x2b2: {  	_ =	sdelay $0x1  }
0x2b3: {  	s1 =	sor.u32 s17, s18;
	[tilespmem:s15+$0x10] =	vst v7  }
0x2b4: {  	v7 =	vld [tilespmem:s1+$0xD040]  }
0x2b5: {  	v6 =	vld.idx.msk [tilespmem:v6+s25+$0x0], $0xffff  }
0x2b6: {  	v8 =	vld [tilespmem:s1+$0xD000]  }
0x2b7: {  	v5 =	vld.idx.msk [tilespmem:v5+s25+$0x0], $0xffff  }
0x2b8: {  	v9 =	vld [tilespmem:s1+$0xD800]  }
0x2b9: {  	v4 =	vld.idx.msk [tilespmem:v4+s25+$0x0], $0xffff  }
0x2ba: {  	v10 =	vld [tilespmem:s1+$0xD400]  }
0x2bb: {  	v3 =	vld.idx.msk [tilespmem:v3+s25+$0x0], $0xffff;
	v8 =	vmul.f32 v8, v6  }
0x2bc: {  	v11 =	vld [tilespmem:s1+$0xD440]  }
0x2bd: {  	v7 =	vmul.f32 v7, v5;
	v8 =	vadd.f32 v8, v9;
	_ =	sdelay $0x1  }
0x2be: {  	v46 =	vmul.f32 v10, v4;
	v7 =	vadd.f32 v7, v8;
	_ =	sdelay $0x1  }
0x2bf: {  	v47 =	vmul.f32 v11, v3;
	v7 =	vadd.f32 v46, v7;
	_ =	sdelay $0x1  }
0x2c0: {  	v7 =	vadd.f32 v47, v7  }
0x2c1: {  	s30 =	sadd.s32 $0x40, s15  }
0x2c2: {  	[tilespmem:s30+$0xFFFFFFE0] =	vst v7  }
0x2c3: {  	v7 =	vld [tilespmem:s1+$0xD010]  }
0x2c4: {  	v48 =	vld [tilespmem:s1+$0xD050]  }
0x2c5: {  	v49 =	vld [tilespmem:s1+$0xD810];
	_ =	sdelay $0x1  }
0x2c6: {  	v50 =	vld [tilespmem:s1+$0xD410]  }
0x2c7: {  	v7 =	vmul.f32 v7, v6  }
0x2c8: {  	v51 =	vld [tilespmem:s1+$0xD450]  }
0x2c9: {  	v8 =	vmul.f32 v48, v5;
	v7 =	vadd.f32 v7, v49;
	_ =	sdelay $0x1  }
0x2ca: {  	v52 =	vmul.f32 v50, v4;
	v7 =	vadd.f32 v8, v7;
	_ =	sdelay $0x1  }
0x2cb: {  	v53 =	vmul.f32 v51, v3;
	v7 =	vadd.f32 v52, v7;
	_ =	sdelay $0x1  }
0x2cc: {  	v7 =	vadd.f32 v53, v7;
	_ =	sdelay $0x1  }
0x2cd: {  	[tilespmem:s30+$0xFFFFFFF0] =	vst v7  }
0x2ce: {  	v7 =	vld [tilespmem:s1+$0xD020]  }
0x2cf: {  	v54 =	vld [tilespmem:s1+$0xD060]  }
0x2d0: {  	v55 =	vld [tilespmem:s1+$0xD820];
	_ =	sdelay $0x1  }
0x2d1: {  	v56 =	vld [tilespmem:s1+$0xD420]  }
0x2d2: {  	v7 =	vmul.f32 v7, v6  }
0x2d3: {  	v57 =	vld [tilespmem:s1+$0xD460]  }
0x2d4: {  	v8 =	vmul.f32 v54, v5;
	v7 =	vadd.f32 v7, v55;
	_ =	sdelay $0x1  }
0x2d5: {  	v58 =	vmul.f32 v56, v4;
	v7 =	vadd.f32 v8, v7;
	_ =	sdelay $0x1  }
0x2d6: {  	v59 =	vmul.f32 v57, v3;
	v7 =	vadd.f32 v58, v7;
	_ =	sdelay $0x1  }
0x2d7: {  	v7 =	vadd.f32 v59, v7;
	_ =	sdelay $0x1  }
0x2d8: {  	[tilespmem:s30+$0x0] =	vst v7  }
0x2d9: {  	v7 =	vld [tilespmem:s1+$0xD030]  }
0x2da: {  	v60 =	vld [tilespmem:s1+$0xD830]  }
0x2db: {  	v61 =	vld [tilespmem:s1+$0xD070];
	_ =	sdelay $0x1  }
0x2dc: {  	v62 =	vld [tilespmem:s1+$0xD430]  }
0x2dd: {  	v6 =	vmul.f32 v7, v6  }
0x2de: {  	v63 =	vld [tilespmem:s1+$0xD470]  }
0x2df: {  	v5 =	vmul.f32 v61, v5;
	v6 =	vadd.f32 v6, v60;
	_ =	sdelay $0x1  }
0x2e0: {  	v4 =	vmul.f32 v62, v4;
	v5 =	vadd.f32 v5, v6;
	_ =	sdelay $0x1  }
0x2e1: {  	v3 =	vmul.f32 v63, v3;
	v4 =	vadd.f32 v4, v5  }
0x2e2: {  	s0 =	sshll.u32 s0, $0xD  }
0x2e3: {  	s14 =	sadd.s32 $0x1, s14;
	s0 =	sadd.s32 s6, s0;
	v3 =	vadd.f32 v3, v4  }
0x2e4: {  	p0 =	sne.s32 s14, $0xC;
	s0 =	sshrl.u32 s0, $0x3  }
.Ltmp2:
0x2e5: {  	s0 =	sadd.s32 s5, s0;
	[tilespmem:s30+$0x10] =	vst v3;
	(pc) =	sbr.rel @p0 .LBB2_2-.Ltmp2, $4  }
0x2e6: {  	[hbm4b:s0+s2] =	stream.linear.scatter [tilespmem:s12], [sflag:$0x5], $0x2000, $0x38;
	[tilespmem:$0x1D400] =	vst v63  }
0x2e7: {  	_ =	swait.ge [sflag:s13], $0x2000  }
0x2e8: {  	[sflag:s13] =	ssyncset.done $0x0  }
0x2e9: {  	[sflag:s13] =	ssyncadd.s32 $0xFFFFE000  }
0x2ea: {  	_ =	swait.ge [sflag:s28], $0xC000  }
0x2eb: {  	s0 =	simm.s32 $0x0;
	s1 =	simm.s32 $0x0;
	[sflag:s28] =	ssyncset.done $0x0  }
0x2ec: {  	v3 =	vmov s0;
	s1 =	smul.u32 $0x3000, s1;
	[sflag:s28] =	ssyncadd.s32 $0xFFFF4000  }
0x2ed: {  	_ =	swait.ge [sflag:s9], $0x200  }
0x2ee: {  	s0 =	sand.u32 $0x380, s0;
	s1 =	sshra.s32 s1, $0x2;
	[sflag:s9] =	ssyncset.done $0x0  }
0x2ef: {  	v4 =	vor.u32 $0x1, v3;
	s1 =	sor.u32 s0, s1;
	[sflag:s9] =	ssyncadd.s32 $0xFFFFFE00  }
0x2f0: {  	v6 =	vld [tilespmem:s1+$0x1040]  }
0x2f1: {  	v5 =	vor.u32 $0x2, v3;
	v7 =	vld.idx.msk [tilespmem:v3+s25+$0x0], $0xffff  }
0x2f2: {  	v8 =	vld [tilespmem:s1+$0x1000]  }
0x2f3: {  	v3 =	vor.u32 $0x3, v3;
	v9 =	vld [tilespmem:s1+$0x1800]  }
0x2f4: {  	v4 =	vld.idx.msk [tilespmem:v4+s25+$0x0], $0xffff  }
0x2f5: {  	v10 =	vld [tilespmem:s1+$0x1400]  }
0x2f6: {  	v5 =	vld.idx.msk [tilespmem:v5+s25+$0x0], $0xffff  }
0x2f7: {  	v11 =	vld [tilespmem:s1+$0x1440];
	v8 =	vmul.f32 v8, v7  }
0x2f8: {  	v3 =	vld.idx.msk [tilespmem:v3+s25+$0x0], $0xffff  }
0x2f9: {  	v6 =	vmul.f32 v6, v4;
	v8 =	vadd.f32 v8, v9;
	_ =	sdelay $0x1  }
0x2fa: {  	v6 =	vadd.f32 v6, v8;
	v8 =	vmul.f32 v10, v5;
	_ =	sdelay $0x1  }
0x2fb: {  	v6 =	vadd.f32 v8, v6;
	v8 =	vmul.f32 v11, v3;
	_ =	sdelay $0x1  }
0x2fc: {  	v6 =	vadd.f32 v8, v6  }
0x2fd: {  	s0 =	simm.s32 $0x19420  }
0x2fe: {  	[tilespmem:s0+$0xFFFFFFE0] =	vst v6  }
0x2ff: {  	v6 =	vld [tilespmem:s1+$0x1010]  }
0x300: {  	v8 =	vld [tilespmem:s1+$0x1050]  }
0x301: {  	v56 =	vld [tilespmem:s1+$0x1810];
	_ =	sdelay $0x1  }
0x302: {  	v57 =	vld [tilespmem:s1+$0x1410]  }
0x303: {  	v6 =	vmul.f32 v6, v7  }
0x304: {  	v58 =	vld [tilespmem:s1+$0x1450]  }
0x305: {  	v8 =	vmul.f32 v8, v4;
	v6 =	vadd.f32 v6, v56;
	_ =	sdelay $0x1  }
0x306: {  	v6 =	vadd.f32 v8, v6;
	v8 =	vmul.f32 v57, v5;
	_ =	sdelay $0x1  }
0x307: {  	v6 =	vadd.f32 v8, v6;
	v8 =	vmul.f32 v58, v3;
	_ =	sdelay $0x1  }
0x308: {  	v6 =	vadd.f32 v8, v6;
	_ =	sdelay $0x1  }
0x309: {  	[tilespmem:s0+$0xFFFFFFF0] =	vst v6  }
0x30a: {  	v6 =	vld [tilespmem:s1+$0x1020]  }
0x30b: {  	v8 =	vld [tilespmem:s1+$0x1060]  }
0x30c: {  	v59 =	vld [tilespmem:s1+$0x1820];
	_ =	sdelay $0x1  }
0x30d: {  	v60 =	vld [tilespmem:s1+$0x1420]  }
0x30e: {  	v6 =	vmul.f32 v6, v7  }
0x30f: {  	v61 =	vld [tilespmem:s1+$0x1460]  }
0x310: {  	v8 =	vmul.f32 v8, v4;
	v6 =	vadd.f32 v6, v59;
	_ =	sdelay $0x1  }
0x311: {  	v6 =	vadd.f32 v8, v6;
	v8 =	vmul.f32 v60, v5;
	_ =	sdelay $0x1  }
0x312: {  	v6 =	vadd.f32 v8, v6;
	v8 =	vmul.f32 v61, v3;
	_ =	sdelay $0x1  }
0x313: {  	v6 =	vadd.f32 v8, v6;
	_ =	sdelay $0x1  }
0x314: {  	[tilespmem:s0+$0x0] =	vst v6  }
0x315: {  	v6 =	vld [tilespmem:s1+$0x1030]  }
0x316: {  	v8 =	vld [tilespmem:s1+$0x1830]  }
0x317: {  	v62 =	vld [tilespmem:s1+$0x1070];
	_ =	sdelay $0x1  }
0x318: {  	v63 =	vld [tilespmem:s1+$0x1430]  }
0x319: {  	v6 =	vmul.f32 v6, v7  }
0x31a: {  	v7 =	vld [tilespmem:s1+$0x1470]  }
0x31b: {  	v4 =	vmul.f32 v62, v4;
	v6 =	vadd.f32 v6, v8;
	_ =	sdelay $0x1  }
0x31c: {  	v5 =	vmul.f32 v63, v5;
	v4 =	vadd.f32 v4, v6  }
0x31d: {  	s30 =	simm.s32 $0x0;
	s14 =	simm.s32 $0x4  }
0x31e: {  	s1 =	smul.u32 $0x3000, s30;
	v6 =	vmov s14;
	v7 =	vmul.f32 v7, v3;
	v4 =	vadd.f32 v5, v4  }
0x31f: {  	s15 =	simm.s32 $0x80;
	v3 =	vor.u32 $0x2, v6  }
0x320: {  	s18 =	simm.s32 $0x2;
	s16 =	sand.u32 $0x380, s15;
	s17 =	sshra.s32 s1, $0x2;
	v5 =	vor.u32 $0x1, v6;
	v7 =	vadd.f32 v7, v4;
	v4 =	vor.u32 $0x3, v6  }
.LBB2_8:
0x321: {  	s17 =	sor.u32 s16, s17  }
0x322: {  	[tilespmem:s0+$0x10] =	vst v7;
	s0 =	sadd.s32 $0x40, s0;
	s16 =	smov.u32 s18;
	s1 =	sadd.s32 $0x1, s18  }
0x323: {  	p0 =	sne.s32 s18, $0x7F;
	v7 =	vld [tilespmem:s17+$0x1040]  }
0x324: {  	v6 =	vld.idx.msk [tilespmem:v6+s25+$0x0], $0xffff  }
0x325: {  	v8 =	vld [tilespmem:s17+$0x1000]  }
0x326: {  	v5 =	vld.idx.msk [tilespmem:v5+s25+$0x0], $0xffff  }
0x327: {  	v9 =	vld [tilespmem:s17+$0x1800]  }
0x328: {  	v3 =	vld.idx.msk [tilespmem:v3+s25+$0x0], $0xffff  }
0x329: {  	v10 =	vld [tilespmem:s17+$0x1400]  }
0x32a: {  	v4 =	vld.idx.msk [tilespmem:v4+s25+$0x0], $0xffff;
	v8 =	vmul.f32 v8, v6  }
0x32b: {  	v11 =	vld [tilespmem:s17+$0x1440]  }
0x32c: {  	v7 =	vmul.f32 v7, v5;
	v8 =	vadd.f32 v8, v9;
	_ =	sdelay $0x1  }
0x32d: {  	v7 =	vadd.f32 v7, v8;
	v8 =	vmul.f32 v10, v3;
	_ =	sdelay $0x1  }
0x32e: {  	v7 =	vadd.f32 v8, v7;
	v8 =	vmul.f32 v11, v4;
	_ =	sdelay $0x1  }
0x32f: {  	v7 =	vadd.f32 v8, v7;
	_ =	sdelay $0x1  }
0x330: {  	[tilespmem:s0+$0xFFFFFFE0] =	vst v7  }
0x331: {  	v7 =	vld [tilespmem:s17+$0x1010]  }
0x332: {  	v8 =	vld [tilespmem:s17+$0x1050]  }
0x333: {  	v9 =	vld [tilespmem:s17+$0x1810];
	_ =	sdelay $0x1  }
0x334: {  	v10 =	vld [tilespmem:s17+$0x1410]  }
0x335: {  	v7 =	vmul.f32 v7, v6  }
0x336: {  	v8 =	vmul.f32 v8, v5;
	v11 =	vld [tilespmem:s17+$0x1450]  }
0x337: {  	v7 =	vadd.f32 v7, v9;
	_ =	sdelay $0x1  }
0x338: {  	v7 =	vadd.f32 v8, v7;
	v8 =	vmul.f32 v10, v3;
	_ =	sdelay $0x1  }
0x339: {  	v7 =	vadd.f32 v8, v7;
	v8 =	vmul.f32 v11, v4;
	_ =	sdelay $0x1  }
0x33a: {  	v7 =	vadd.f32 v8, v7;
	_ =	sdelay $0x1  }
0x33b: {  	[tilespmem:s0+$0xFFFFFFF0] =	vst v7  }
0x33c: {  	v7 =	vld [tilespmem:s17+$0x1020]  }
0x33d: {  	v8 =	vld [tilespmem:s17+$0x1060]  }
0x33e: {  	v9 =	vld [tilespmem:s17+$0x1820];
	_ =	sdelay $0x1  }
0x33f: {  	v10 =	vld [tilespmem:s17+$0x1420]  }
0x340: {  	v7 =	vmul.f32 v7, v6  }
0x341: {  	v8 =	vmul.f32 v8, v5;
	v11 =	vld [tilespmem:s17+$0x1460]  }
0x342: {  	v7 =	vadd.f32 v7, v9;
	_ =	sdelay $0x1  }
0x343: {  	v7 =	vadd.f32 v8, v7;
	v8 =	vmul.f32 v10, v3;
	_ =	sdelay $0x1  }
0x344: {  	v7 =	vadd.f32 v8, v7;
	v8 =	vmul.f32 v11, v4;
	_ =	sdelay $0x1  }
0x345: {  	v7 =	vadd.f32 v8, v7;
	_ =	sdelay $0x1  }
0x346: {  	[tilespmem:s0+$0x0] =	vst v7  }
0x347: {  	v7 =	vld [tilespmem:s17+$0x1030]  }
0x348: {  	v8 =	vld [tilespmem:s17+$0x1830]  }
0x349: {  	v9 =	vld [tilespmem:s17+$0x1070]  }
0x34a: {  	v10 =	vld [tilespmem:s17+$0x1430]  }
0x34b: {  	v11 =	vld [tilespmem:s17+$0x1470]  }
0x34c: {  	v6 =	vmul.f32 v7, v6;
	_ =	sdelay $0x1  }
0x34d: {  	v6 =	vadd.f32 v6, v8;
	v5 =	vmul.f32 v9, v5  }
0x34e: {  	v3 =	vmul.f32 v10, v3  }
0x34f: {  	v5 =	vadd.f32 v5, v6;
	v4 =	vmul.f32 v11, v4  }
.Ltmp3:
0x350: {  	(pc) =	sbr.rel @p0 .LBB2_8-.Ltmp3, $4  }
0x351: {  	s14 =	sadd.s32 $0x4, s14;
	s16 =	sshrl.u32 s16, $0x3;
	v7 =	vadd.f32 v3, v5  }
0x352: {  	s17 =	smul.u32 $0x3000, s16;
	v6 =	vmov s14  }
0x353: {  	s15 =	sadd.s32 $0x80, s15;
	v5 =	vor.u32 $0x1, v6;
	v3 =	vor.u32 $0x2, v6;
	v7 =	vadd.f32 v4, v7  }
0x354: {  	s18 =	smov.u32 s1;
	s16 =	sand.u32 $0x380, s15;
	s17 =	sshra.s32 s17, $0x2;
	v4 =	vor.u32 $0x3, v6  }
0x355: {  	_ =	sdelay $0x1  }
0x356: {  	s1 =	sor.u32 s16, s17;
	[tilespmem:s0+$0x10] =	vst v7  }
0x357: {  	v7 =	vld [tilespmem:s1+$0x1040]  }
0x358: {  	v6 =	vld.idx.msk [tilespmem:v6+s25+$0x0], $0xffff  }
0x359: {  	v8 =	vld [tilespmem:s1+$0x1000]  }
0x35a: {  	v5 =	vld.idx.msk [tilespmem:v5+s25+$0x0], $0xffff  }
0x35b: {  	v9 =	vld [tilespmem:s1+$0x1800]  }
0x35c: {  	v3 =	vld.idx.msk [tilespmem:v3+s25+$0x0], $0xffff  }
0x35d: {  	v10 =	vld [tilespmem:s1+$0x1400]  }
0x35e: {  	v4 =	vld.idx.msk [tilespmem:v4+s25+$0x0], $0xffff;
	v8 =	vmul.f32 v8, v6  }
0x35f: {  	v11 =	vld [tilespmem:s1+$0x1440]  }
0x360: {  	v7 =	vmul.f32 v7, v5;
	v8 =	vadd.f32 v8, v9;
	_ =	sdelay $0x1  }
0x361: {  	v46 =	vmul.f32 v10, v3;
	v7 =	vadd.f32 v7, v8;
	_ =	sdelay $0x1  }
0x362: {  	v47 =	vmul.f32 v11, v4;
	v7 =	vadd.f32 v46, v7;
	_ =	sdelay $0x1  }
0x363: {  	v7 =	vadd.f32 v47, v7  }
0x364: {  	s17 =	sadd.s32 $0x40, s0  }
0x365: {  	[tilespmem:s17+$0xFFFFFFE0] =	vst v7  }
0x366: {  	v7 =	vld [tilespmem:s1+$0x1010]  }
0x367: {  	v48 =	vld [tilespmem:s1+$0x1050]  }
0x368: {  	v49 =	vld [tilespmem:s1+$0x1810];
	_ =	sdelay $0x1  }
0x369: {  	v50 =	vld [tilespmem:s1+$0x1410]  }
0x36a: {  	v7 =	vmul.f32 v7, v6  }
0x36b: {  	v51 =	vld [tilespmem:s1+$0x1450]  }
0x36c: {  	v8 =	vmul.f32 v48, v5;
	v7 =	vadd.f32 v7, v49;
	_ =	sdelay $0x1  }
0x36d: {  	v52 =	vmul.f32 v50, v3;
	v7 =	vadd.f32 v8, v7;
	_ =	sdelay $0x1  }
0x36e: {  	v53 =	vmul.f32 v51, v4;
	v7 =	vadd.f32 v52, v7;
	_ =	sdelay $0x1  }
0x36f: {  	v7 =	vadd.f32 v53, v7;
	_ =	sdelay $0x1  }
0x370: {  	[tilespmem:s17+$0xFFFFFFF0] =	vst v7  }
0x371: {  	v7 =	vld [tilespmem:s1+$0x1020]  }
0x372: {  	v54 =	vld [tilespmem:s1+$0x1060]  }
0x373: {  	v55 =	vld [tilespmem:s1+$0x1820];
	_ =	sdelay $0x1  }
0x374: {  	v56 =	vld [tilespmem:s1+$0x1420]  }
0x375: {  	v7 =	vmul.f32 v7, v6  }
0x376: {  	v57 =	vld [tilespmem:s1+$0x1460]  }
0x377: {  	v8 =	vmul.f32 v54, v5;
	v7 =	vadd.f32 v7, v55;
	_ =	sdelay $0x1  }
0x378: {  	v58 =	vmul.f32 v56, v3;
	v7 =	vadd.f32 v8, v7;
	_ =	sdelay $0x1  }
0x379: {  	v59 =	vmul.f32 v57, v4;
	v7 =	vadd.f32 v58, v7;
	_ =	sdelay $0x1  }
0x37a: {  	v7 =	vadd.f32 v59, v7;
	_ =	sdelay $0x1  }
0x37b: {  	[tilespmem:s17+$0x0] =	vst v7  }
0x37c: {  	v7 =	vld [tilespmem:s1+$0x1030]  }
0x37d: {  	v60 =	vld [tilespmem:s1+$0x1830]  }
0x37e: {  	v61 =	vld [tilespmem:s1+$0x1070];
	_ =	sdelay $0x1  }
0x37f: {  	v62 =	vld [tilespmem:s1+$0x1430]  }
0x380: {  	v6 =	vmul.f32 v7, v6  }
0x381: {  	v63 =	vld [tilespmem:s1+$0x1470]  }
0x382: {  	v5 =	vmul.f32 v61, v5;
	v6 =	vadd.f32 v6, v60;
	_ =	sdelay $0x1  }
0x383: {  	v3 =	vmul.f32 v62, v3;
	v5 =	vadd.f32 v5, v6;
	_ =	sdelay $0x1  }
0x384: {  	v4 =	vmul.f32 v63, v4;
	v3 =	vadd.f32 v3, v5;
	_ =	sdelay $0x1  }
0x385: {  	v3 =	vadd.f32 v4, v3;
	_ =	sdelay $0x1  }
0x386: {  	s18 =	rddreg [dreg:$0x4];
	[tilespmem:s17+$0x10] =	vst v3  }
0x387: {  	[hbm4b:s18+s2] =	stream.linear.scatter [tilespmem:s31], [sflag:$0x5], $0x2000, $0x38;
	[tilespmem:$0x1D400] =	vst v63  }
0x388: {  	_ =	swait.ge [sflag:s13], $0x2000  }
0x389: {  	s29 =	rddreg [dreg:$0x6]  }
0x38a: {  	s30 =	rddreg [dreg:$0x5];
	s1 =	sadd.s32 $0x1, s29  }
0x38b: {  	p0 =	sne.s32 s1, s30  }
.Ltmp4:
0x38c: {  	_ = 	snop;
	(pc) =	sbr.rel @p0 .LBB2_1-.Ltmp4, $3  }
0x38d: {  	_ =	sdelay $0x1  }
0x38e: {  	[sflag:s13] =	ssyncset.done $0x0  }
0x38f: {  	[sflag:s13] =	ssyncadd.s32 $0xFFFFE000  }
0x390: {  	_ =	sfence.sel $0x180000  }
0x391: {  	[bflag:$0x0] =	sbarrier.arrive $0xFFFF  }
0x392: {  	_ =	strace $0x90000047  }
0x393: {  	s0 =	stileid.u32;
	[bflag:$0x2] =	sbarrier.arrive $0xFFFF  }
0x394: {  	p0 =	sne.s32 s0, $0x0;
	s0 =	rddreg [dreg:$0x1]  }
0x395: {  	s0 =	sadd.s32 @!p0 $0x100000, s0  }
0x396: {  	[sflag:s0] =	ssyncadd.tile.s32 @!p0 $0x1;
	_ =	shalt  }
.Lfunc_end2:
_tile_overlayer_lowered:
.L_overlay_start_2:
0x397: {  	(tag) =	ssettag $0x2  }
0x398: {  	s0 =	rddreg [dreg:$0x0];
	s2 =	stileid.u32  }
0x399: {  	s1 =	rddreg [dreg:$0x1];
	p0 =	sne.s32 s2, $0x0  }
0x39a: {  	s3 =	rddreg [dreg:$0x2];
	[bflag:$0x3] =	sbarrier.arrive $0xFFFF;
	s2 =	simm.s32 @!p0 $0x1C05  }
0x39b: {  	[timem:s3], [sflag:s2] =	dma.local @!p0 [hbm:s0], s1  }
0x39c: {  	s0 =	simm.s32 @!p0 $0x5  }
0x39d: {  	_ =	swait.ge @!p0 [sflag:s0], s1  }
0x39e: {  	s1 =	ssub.s32 @!p0 $0x0, s1;
	[sflag:s0] =	ssyncset.done @!p0 $0x0  }
0x39f: {  	[sflag:s0] =	ssyncadd.s32 @!p0 s1  }
0x3a0: {  	[bflag:$0x3] =	sbarrier.arrive $0xFFFF  }
0x3a1: {  	_ =	shalt  }

</sc_bundles>
